<compile_context>
chip_gen: v7x
topology: tpu7x:2x2x1
jax: 0.10.2.dev20260603
libtpu: 0.0.44.dev20260713+nightly
codegen_flags: <defaults>
</compile_context>

<pallas_src>
import functools

import jax
import jax.numpy as jnp
from jax import lax
from jax.experimental import pallas as pl
from jax.experimental.pallas import tpu as pltpu
from jax.experimental.pallas import tpu_sc as plsc

_N = 10000
_E = 320000
_G = 64
_NC = 2
_NS = 16
_NW = _NC * _NS
_C = 80
_CH = (_E // _NW) // _C
_NB = 25
_NP = 10240
_RS = _NP // _NS

_f32 = jnp.float32


def _zero_fill(ref, rows, width):
    lanes = width // 16

    def body(k, _):
        i = k // lanes
        j = (k % lanes) * 16
        ref[i, pl.ds(j, 16)] = jnp.zeros((16,), _f32)
        return _

    lax.fori_loop(0, rows * lanes, body, None)


def _deg_body(edge, out, acc, dst_idx, ones_v, zbuf, sem):
    cid = lax.axis_index("c")
    sid = lax.axis_index("s")
    w = cid * _NS + sid

    def fill_ones(i, _):
        ones_v[i, :] = jnp.ones((16,), _f32)
        return _

    lax.fori_loop(0, _C, fill_ones, None)
    _zero_fill(zbuf, _RS, 16)
    pltpu.sync_copy(zbuf, acc.at[pl.ds(sid * _RS, _RS)])
    plsc.subcore_barrier()

    pltpu.sync_copy(edge.at[1, pl.ds(w * (_CH * _C), _CH * _C)], dst_idx)

    def super_step(s, _):
        base = s * _NB
        descs = []
        for b in range(_NB):
            idx = dst_idx.at[pl.ds(pl.multiple_of((base + b) * _C, _C), _C)]
            descs.append(
                pltpu.async_copy(ones_v, acc.at[idx], sem, add=True))
        for d in descs:
            d.wait()
        return _

    lax.fori_loop(0, _CH // _NB, super_step, None)
    plsc.subcore_barrier()
    pltpu.sync_copy(acc.at[pl.ds(sid * _RS, _RS)],
                    out.at[cid, pl.ds(sid * _RS, _RS)])


def _deg_call(edge_index):
    mesh = plsc.VectorSubcoreMesh(core_axis_name="c", subcore_axis_name="s")
    return pl.kernel(
        _deg_body,
        out_type=jax.ShapeDtypeStruct((_NC, _NP, 16), _f32),
        mesh=mesh,
        compiler_params=pltpu.CompilerParams(use_tc_tiling_on_sc=False),
        scratch_types=[
            pltpu.VMEM_SHARED((_NP, 16), _f32),
            pltpu.VMEM((_CH * _C,), jnp.int32),
            pltpu.VMEM((_C, 16), _f32),
            pltpu.VMEM((_RS, 16), _f32),
            pltpu.SemaphoreType.DMA,
        ],
    )(edge_index)


def _seg_body(table, edge, out, acc, src_idx, dst_idx, rows,
              gsem, ssem, *, width, nb, cw, chunks):
    cid = lax.axis_index("c")
    sid = lax.axis_index("s")
    w = cid * _NS + sid
    ew = cw * chunks

    _zero_fill(rows[0], cw, width)
    zd = []
    for t in range(_RS // cw):
        zd.append(pltpu.async_copy(
            rows[0], acc.at[pl.ds(sid * _RS + t * cw, cw)], gsem[0]))
    for d in zd:
        d.wait()
    plsc.subcore_barrier()

    pltpu.sync_copy(edge.at[0, pl.ds(w * ew, ew)], src_idx)
    pltpu.sync_copy(edge.at[1, pl.ds(w * ew, ew)], dst_idx)

    def chunk(ref, j):
        return ref.at[pl.ds(pl.multiple_of(j * cw, cw), cw)]

    def gather(j, b):
        return pltpu.make_async_copy(table.at[chunk(src_idx, j)], rows[b],
                                     gsem[b])

    def scatter(j, b):
        return pltpu.make_async_copy(rows[b], acc.at[chunk(dst_idx, j)],
                                     ssem[b])

    supers = chunks // nb
    for b in range(nb):
        gather(b, b).start()

    def super_step(s, _):
        base = s * nb
        for b in range(nb):
            gather(base + b, b).wait()
            scatter(base + b, b).start(add=True)

        @pl.when(s < supers - 1)
        def _refill():
            for b in range(nb):
                scatter(base + b, b).wait()
                gather(base + nb + b, b).start()

        return _

    lax.fori_loop(0, supers, super_step, None)
    for b in range(nb):
        scatter((supers - 1) * nb + b, b).wait()
    for j in range(supers * nb, chunks):
        gather(j, 0).start()
        gather(j, 0).wait()
        scatter(j, 0).start(add=True)
        scatter(j, 0).wait()
    plsc.subcore_barrier()
    pltpu.sync_copy(acc.at[pl.ds(sid * _RS, _RS)],
                    out.at[cid, pl.ds(sid * _RS, _RS)])


def _seg_call(table, edge_index, width):
    nb = 5 if width == 128 else 8
    cw = 40
    chunks = (_E // _NW) // cw
    mesh = plsc.VectorSubcoreMesh(core_axis_name="c", subcore_axis_name="s")
    return pl.kernel(
        functools.partial(_seg_body, width=width, nb=nb, cw=cw,
                          chunks=chunks),
        out_type=jax.ShapeDtypeStruct((_NC, _NP, width), _f32),
        mesh=mesh,
        compiler_params=pltpu.CompilerParams(use_tc_tiling_on_sc=False),
        scratch_types=[
            pltpu.VMEM_SHARED((_NP, width), _f32),
            pltpu.VMEM((cw * chunks,), jnp.int32),
            pltpu.VMEM((cw * chunks,), jnp.int32),
            [pltpu.VMEM((cw, width), _f32) for _ in range(nb)],
            [pltpu.SemaphoreType.DMA for _ in range(nb)],
            [pltpu.SemaphoreType.DMA for _ in range(nb)],
        ],
    )(table, edge_index)


def _dinv_from(dego_ref):
    deg = dego_ref[0, :_N] + dego_ref[1, :_N]
    d = deg[:, :1] + 1.0
    return lax.rsqrt(jnp.maximum(d, 1.0))


def _tc1_body(x_ref, w1_ref, dego_ref, hw1p_ref, dinv_ref):
    dinv = _dinv_from(dego_ref)
    dinv_ref[...] = jnp.broadcast_to(dinv, (_N, 128))
    hw1p_ref[...] = jnp.dot(x_ref[...], w1_ref[...],
                            preferred_element_type=_f32) * dinv


def _tc2_body(s1_ref, hw1p_ref, dinv_ref, w2_ref, b1_ref, hw2p_ref):
    dinv = dinv_ref[...]
    h1 = (dinv * (s1_ref[0, :_N] + s1_ref[1, :_N] + hw1p_ref[...])
          + b1_ref[...][None, :])
    h1 = jnp.maximum(h1, 0.0)
    hw2p_ref[...] = jnp.dot(h1, w2_ref[...],
                            preferred_element_type=_f32) * dinv[:, :64]


def _pre_a_body(ann_ref, wt1a_ref, bt1_ref, pre_a_ref):
    pre_a_ref[...] = (jnp.dot(ann_ref[...], wt1a_ref[...],
                              preferred_element_type=_f32)
                      + bt1_ref[...][None, :])


def _tc3_body(s2_ref, hw2p_ref, dinv_ref, b2_ref, pre_a_ref, wt1c_ref,
              wt2_ref, bt2_ref, wout_ref, bout_ref,
              batch_ref, xout_ref, concepts_ref, theta_ref, concepts2_ref):
    dinv = dinv_ref[...][:, :64]
    h2 = (dinv * (s2_ref[0, :_N] + s2_ref[1, :_N] + hw2p_ref[...])
          + b2_ref[...][None, :])
    concepts = jax.nn.sigmoid(h2)
    pre = (jnp.dot(concepts, wt1c_ref[...], preferred_element_type=_f32)
           + pre_a_ref[...])
    theta = (jnp.dot(jnp.tanh(pre), wt2_ref[...], preferred_element_type=_f32)
             + bt2_ref[...][None, :])
    contrib = theta * concepts
    gids = lax.broadcasted_iota(jnp.int32, (_G, 1), 0)
    onehot_t = (jnp.reshape(batch_ref[...], (1, _N)) == gids).astype(_f32)
    pooled = jnp.dot(onehot_t, contrib,
                     preferred_element_type=_f32)
    logits = jnp.dot(pooled, wout_ref[...],
                     preferred_element_type=_f32) + bout_ref[...][None, :]
    m = jnp.max(logits, axis=-1, keepdims=True)
    lse = jnp.log(jnp.sum(jnp.exp(logits - m), axis=-1, keepdims=True))
    xout_ref[...] = logits - m - lse
    concepts_ref[...] = concepts
    theta_ref[...] = theta
    concepts2_ref[...] = concepts


def kernel(x, edge_index, batch, annotations, W1, b1, W2, b2, Wt1, bt1,
           Wt2, bt2, Wout, bout):
    dego = _deg_call(edge_index)

    hw1p, dinv = pl.pallas_call(
        _tc1_body,
        out_shape=(
            jax.ShapeDtypeStruct((_N, 128), _f32),
            jax.ShapeDtypeStruct((_N, 128), _f32),
        ),
    )(x, W1, dego)

    s1 = _seg_call(hw1p, edge_index, 128)

    hw2p = pl.pallas_call(
        _tc2_body,
        out_shape=jax.ShapeDtypeStruct((_N, 64), _f32),
    )(s1, hw1p, dinv, W2, b1)

    s2 = _seg_call(hw2p, edge_index, 64)

    pre_a = pl.pallas_call(
        _pre_a_body,
        out_shape=jax.ShapeDtypeStruct((_N, 64), _f32),
    )(annotations, Wt1[64:], bt1)

    x_out, concepts, theta, concepts2 = pl.pallas_call(
        _tc3_body,
        out_shape=(
            jax.ShapeDtypeStruct((_G, 10), _f32),
            jax.ShapeDtypeStruct((_N, 64), _f32),
            jax.ShapeDtypeStruct((_N, 64), _f32),
            jax.ShapeDtypeStruct((_N, 64), _f32),
        ),
    )(s2, hw2p, dinv, b2, pre_a, Wt1[:64], Wt2, bt2,
      Wout, bout, batch)

    return (x_out, concepts, theta, concepts2)

# --- scband reference (transcript-rebuilt; emitter-appended) ---
"""Pipeline reference for scband-graph-senn-80410377715713 (READ-ONLY COPY).

The authoritative reference and input builder live on the scoring server;
editing this copy changes nothing except your own understanding.
"""

import jax, jax.numpy as jnp
import numpy as np

N = 10000
E = 320000
D = 128
H1 = 128
H2 = 64
A_DIM = 16
G = 64
OUT = 10


def setup_inputs(seed: int = 0) -> dict:
    key = jax.random.key(seed)
    ks = jax.random.split(key, 16)
    x = jax.random.normal(ks[0], (N, D), dtype=jnp.float32)
    edge_index = jax.random.randint(ks[1], (2, E), 0, N, dtype=jnp.int32)
    batch = jnp.sort(jax.random.randint(ks[2], (N,), 0, G, dtype=jnp.int32))
    annotations = jax.random.normal(ks[3], (N, A_DIM), dtype=jnp.float32)
    W1 = jax.random.normal(ks[4], (D, H1), dtype=jnp.float32) / np.sqrt(D)
    b1 = jnp.zeros((H1,), dtype=jnp.float32)
    W2 = jax.random.normal(ks[5], (H1, H2), dtype=jnp.float32) / np.sqrt(H1)
    b2 = jnp.zeros((H2,), dtype=jnp.float32)
    Wt1 = jax.random.normal(ks[6], (H2 + A_DIM, H2), dtype=jnp.float32) / np.sqrt(H2 + A_DIM)
    bt1 = jnp.zeros((H2,), dtype=jnp.float32)
    Wt2 = jax.random.normal(ks[7], (H2, H2), dtype=jnp.float32) / np.sqrt(H2)
    bt2 = jnp.zeros((H2,), dtype=jnp.float32)
    Wout = jax.random.normal(ks[8], (H2, OUT), dtype=jnp.float32) / np.sqrt(H2)
    bout = jnp.zeros((OUT,), dtype=jnp.float32)
    return {"x": x, "edge_index": edge_index, "batch": batch, "annotations": annotations,
            "W1": W1, "b1": b1, "W2": W2, "b2": b2,
            "Wt1": Wt1, "bt1": bt1, "Wt2": Wt2, "bt2": bt2,
            "Wout": Wout, "bout": bout}


def _gcn_norm(edge_index):
    loops = jnp.arange(N, dtype=edge_index.dtype)
    src = jnp.concatenate([edge_index[0], loops])
    dst = jnp.concatenate([edge_index[1], loops])
    deg = jax.ops.segment_sum(jnp.ones_like(dst, dtype=jnp.float32), dst, num_segments=N)
    dinv = jax.lax.rsqrt(jnp.maximum(deg, 1.0))
    norm = dinv[src] * dinv[dst]
    return src, dst, norm


def _gcn_conv(h, W, b, src, dst, norm):
    hw = h @ W
    msgs = jnp.take(hw, src, axis=0) * norm[:, None]
    agg = jax.ops.segment_sum(msgs, dst, num_segments=N)
    return agg + b


def reference(x, edge_index, batch, annotations, W1, b1, W2, b2, Wt1, bt1, Wt2, bt2, Wout, bout):
    src, dst, norm = _gcn_norm(edge_index)
    # GNN part: GCNConv(128->128) -> ReLU -> GCNConv(128->64) -> Sigmoid (concept activation)
    h = _gcn_conv(x, W1, b1, src, dst, norm)
    h = jax.nn.relu(h)
    h = _gcn_conv(h, W2, b2, src, dst, norm)
    concepts = jax.nn.sigmoid(h)  # h: node-level concepts
    # SENN pooling: per-node relevance theta from (concepts, annotations), weighted sum pooling per graph
    t_in = jnp.concatenate([concepts, annotations], axis=-1)
    theta = jnp.tanh(t_in @ Wt1 + bt1) @ Wt2 + bt2
    pooled = jax.ops.segment_sum(theta * concepts, batch, num_segments=G)
    logits = pooled @ Wout + bout
    x_out = jax.nn.log_softmax(logits, axis=-1)
    return (x_out, concepts, theta, concepts)

if __name__ == "__main__":
    import jax
    _d = setup_inputs()
    print(jax.jit(kernel)(*tuple(_d.values())))

</pallas_src>

<mosaic_0001>
#map = affine_map<(d0, d1) -> (0, 0)>
#map1 = affine_map<(d0, d1) -> (0, 0, 0)>
module attributes {stable_mosaic.version = 14 : i64} {
  func.func @_deg_body(%arg0: i32, %arg1: i32, %arg2: memref<2x320000xi32, #tpu.memory_space<hbm>>, %arg3: memref<2x10240x16xf32, #tpu.memory_space<hbm>>, %arg4: memref<10240x16xf32, #tpu.memory_space<vmem_shared>>, %arg5: memref<10000xi32, #tpu.memory_space<vmem>>, %arg6: memref<80x16xf32, #tpu.memory_space<vmem>>, %arg7: memref<640x16xf32, #tpu.memory_space<vmem>>, %arg8: memref<!tpu.dma_semaphore, #tpu.memory_space<semaphore_mem>>) attributes {dimension_semantics = [#tpu.dimension_semantics<core_parallel>, #tpu.dimension_semantics<subcore_parallel>], iteration_bounds = array<i64: 2, 16>, scalar_prefetch = 0 : i64, scratch_operands = 5 : i64, tpu.core_type = #tpu.core_type<sc_vector_subcore>, window_params = [{transform_indices = #map}, {transform_indices = #map1}]} {
    %mul3A = arith.constant 16 : i32
    %mul3A_0 = arith.muli %arg0, %mul3A : i32
    %add3A = arith.addi %mul3A_0, %arg1 : i32
    %scan3A = arith.constant 0 : i32
    %scan3A_1 = arith.constant 80 : i32
    %scan3A_2 = arith.addi %scan3A, %scan3A_1 : i32
    %scan3A_3 = arith.constant 1 : i32
    scf.for %scan3A_24 = %scan3A to %scan3A_2 step %scan3A_3  : i32 {
      %broadcast_in_dim3A = arith.constant 1.000000e+00 : f32
      %broadcast_in_dim3A_25 = vector.broadcast %broadcast_in_dim3A : f32 to vector<16xf32>
      %swap3A = arith.index_cast %scan3A_24 : i32 to index
      %swap3A_26 = arith.constant 0 : index
      %swap3A_27 = tpu.vector_load %arg6[%swap3A, %swap3A_26] {strides = array<i32>} : memref<80x16xf32, #tpu.memory_space<vmem>>, vector<1x16xf32>,
      %swap3A_28 = vector.shape_cast %swap3A_27 : vector<1x16xf32> to vector<16xf32>
      %swap3A_29 = vector.shape_cast %broadcast_in_dim3A_25 : vector<16xf32> to vector<1x16xf32>
      tpu.vector_store %arg6[%swap3A, %swap3A_26], %swap3A_29 {strides = array<i32>} : memref<80x16xf32, #tpu.memory_space<vmem>>, vector<1x16xf32>,
    }
    %scan3A_4 = arith.constant 80 : i32
    %scan3A_5 = arith.constant 0 : i32
    %scan3A_6 = arith.constant 640 : i32
    %scan3A_7 = arith.addi %scan3A_5, %scan3A_6 : i32
    %scan3A_8 = arith.constant 1 : i32
    scf.for %scan3A_24 = %scan3A_5 to %scan3A_7 step %scan3A_8  : i32 {
      %jit3A = arith.constant 1 : i32
      %div3A = arith.divsi %scan3A_24, %jit3A : i32
      %sign3A = arith.constant 0 : i32
      %sign3A_25 = arith.cmpi sgt, %scan3A_24, %sign3A : i32
      %sign3A_26 = arith.extui %sign3A_25 : i1 to i32
      %sign3A_27 = arith.constant 0 : i32
      %sign3A_28 = arith.cmpi slt, %scan3A_24, %sign3A_27 : i32
      %sign3A_29 = arith.extui %sign3A_28 : i1 to i32
      %sign3A_30 = arith.subi %sign3A_26, %sign3A_29 : i32
      %sign3A_31 = arith.constant 0 : i32
      %sign3A_32 = arith.cmpi sgt, %jit3A, %sign3A_31 : i32
      %sign3A_33 = arith.extui %sign3A_32 : i1 to i32
      %sign3A_34 = arith.constant 0 : i32
      %sign3A_35 = arith.cmpi slt, %jit3A, %sign3A_34 : i32
      %sign3A_36 = arith.extui %sign3A_35 : i1 to i32
      %sign3A_37 = arith.subi %sign3A_33, %sign3A_36 : i32
      %ne3A = arith.cmpi ne, %sign3A_30, %sign3A_37 : i32
      %rem3A = arith.remsi %scan3A_24, %jit3A : i32
      %ne3A_38 = arith.constant 0 : i32
      %ne3A_39 = arith.cmpi ne, %rem3A, %ne3A_38 : i32
      %and3A = arith.andi %ne3A, %ne3A_39 : i1
      %sub3A = arith.constant 1 : i32
      %sub3A_40 = arith.subi %div3A, %sub3A : i32
      %select_n3A = arith.select %and3A, %sub3A_40, %div3A : i32
      %jit3A_41 = arith.constant 1 : i32
      %eq3A = arith.constant 0 : i32
      %eq3A_42 = arith.cmpi eq, %jit3A_41, %eq3A : i32
      %jit3A_43 = arith.constant 1 : i32
      %select_n3A_44 = arith.select %eq3A_42, %jit3A_43, %jit3A_41 : i32
      %rem3A_45 = arith.remsi %scan3A_24, %select_n3A_44 : i32
      %ne3A_46 = arith.constant 0 : i32
      %ne3A_47 = arith.cmpi ne, %rem3A_45, %ne3A_46 : i32
      %lt3A = arith.constant 0 : i32
      %lt3A_48 = arith.cmpi slt, %rem3A_45, %lt3A : i32
      %lt3A_49 = arith.constant 0 : i32
      %lt3A_50 = arith.cmpi slt, %select_n3A_44, %lt3A_49 : i32
      %ne3A_51 = arith.xori %lt3A_48, %lt3A_50 : i1
      %and3A_52 = arith.andi %ne3A_51, %ne3A_47 : i1
      %add3A_53 = arith.addi %rem3A_45, %select_n3A_44 : i32
      %select_n3A_54 = arith.select %and3A_52, %add3A_53, %rem3A_45 : i32
      %mul3A_55 = arith.constant 16 : i32
      %mul3A_56 = arith.muli %select_n3A_54, %mul3A_55 : i32
      %broadcast_in_dim3A = arith.constant 0.000000e+00 : f32
      %broadcast_in_dim3A_57 = vector.broadcast %broadcast_in_dim3A : f32 to vector<16xf32>
      %swap3A = arith.index_cast %select_n3A : i32 to index
      %swap3A_58 = arith.index_cast %mul3A_56 : i32 to index
      %swap3A_59 = tpu.vector_load %arg7[%swap3A, %swap3A_58] {strides = array<i32>} : memref<640x16xf32, #tpu.memory_space<vmem>>, vector<1x16xf32>,
      %swap3A_60 = vector.shape_cast %swap3A_59 : vector<1x16xf32> to vector<16xf32>
      %swap3A_61 = vector.shape_cast %broadcast_in_dim3A_57 : vector<16xf32> to vector<1x16xf32>
      tpu.vector_store %arg7[%swap3A, %swap3A_58], %swap3A_61 {strides = array<i32>} : memref<640x16xf32, #tpu.memory_space<vmem>>, vector<1x16xf32>,
    }
    %scan3A_9 = arith.constant 640 : i32
    %mul3A_10 = arith.constant 640 : i32
    %mul3A_11 = arith.muli %arg1, %mul3A_10 : i32
    "tpu.region"() ({
      %run_scoped3A_24 = tpu.sem_alloc : memref<!tpu.dma_semaphore, #tpu.memory_space<semaphore_mem>>
      %dma_start3A = arith.constant 0 : i32
      %dma_start3A_25 = tpu.memref_slice %arg4[%mul3A_11, %dma_start3A] : memref<10240x16xf32, #tpu.memory_space<vmem_shared>> -> memref<640x16xf32, #tpu.memory_space<vmem_shared>>
      %dma_start3A_26 = arith.constant 0 : i32
      %dma_start3A_27 = tpu.memref_slice %arg4[%mul3A_11, %dma_start3A_26] : memref<10240x16xf32, #tpu.memory_space<vmem_shared>> -> memref<640x16xf32, #tpu.memory_space<vmem_shared>>
      tpu.enqueue_dma source(%arg7 : memref<640x16xf32, #tpu.memory_space<vmem>>) target(%dma_start3A_27 : memref<640x16xf32, #tpu.memory_space<vmem_shared>>) target_semaphore(%run_scoped3A_24 : memref<!tpu.dma_semaphore, #tpu.memory_space<semaphore_mem>>)
      %dma_wait3A = arith.constant 0 : i32
      %dma_wait3A_28 = tpu.memref_slice %arg4[%mul3A_11, %dma_wait3A] : memref<10240x16xf32, #tpu.memory_space<vmem_shared>> -> memref<640x16xf32, #tpu.memory_space<vmem_shared>>
      %dma_wait3A_29 = arith.constant 0 : i32
      %dma_wait3A_30 = tpu.memref_slice %arg4[%mul3A_11, %dma_wait3A_29] : memref<10240x16xf32, #tpu.memory_space<vmem_shared>> -> memref<640x16xf32, #tpu.memory_space<vmem_shared>>
      tpu.wait_dma2 semaphore(%run_scoped3A_24 : memref<!tpu.dma_semaphore, #tpu.memory_space<semaphore_mem>>) src(%arg7 : memref<640x16xf32, #tpu.memory_space<vmem>>) dst(%dma_wait3A_30 : memref<640x16xf32, #tpu.memory_space<vmem_shared>>)
      tpu.yield
    }) : () -> ()
    %barrier3A = arith.constant 0 : index
    tpu.barrier barrier_id(%barrier3A)
    %mul3A_12 = arith.constant 10000 : i32
    %mul3A_13 = arith.muli %add3A, %mul3A_12 : i32
    %run_scoped3A = arith.constant 1 : i32
    "tpu.region"() ({
      %run_scoped3A_24 = tpu.sem_alloc : memref<!tpu.dma_semaphore, #tpu.memory_space<semaphore_mem>>
      %dma_start3A = tpu.memref_slice %arg2[%run_scoped3A, %mul3A_13] : memref<2x320000xi32, #tpu.memory_space<hbm>> -> memref<1x10000xi32, #tpu.memory_space<hbm>>
      %dma_start3A_25 = tpu.memref_squeeze %dma_start3A : memref<1x10000xi32, #tpu.memory_space<hbm>> -> memref<10000xi32, #tpu.memory_space<hbm>>
      %dma_start3A_26 = tpu.memref_slice %arg2[%run_scoped3A, %mul3A_13] : memref<2x320000xi32, #tpu.memory_space<hbm>> -> memref<1x10000xi32, #tpu.memory_space<hbm>>
      %dma_start3A_27 = tpu.memref_squeeze %dma_start3A_26 : memref<1x10000xi32, #tpu.memory_space<hbm>> -> memref<10000xi32, #tpu.memory_space<hbm>>
      tpu.enqueue_dma source(%dma_start3A_27 : memref<10000xi32, #tpu.memory_space<hbm>>) target(%arg5 : memref<10000xi32, #tpu.memory_space<vmem>>) target_semaphore(%run_scoped3A_24 : memref<!tpu.dma_semaphore, #tpu.memory_space<semaphore_mem>>)
      %dma_wait3A = tpu.memref_slice %arg2[%run_scoped3A, %mul3A_13] : memref<2x320000xi32, #tpu.memory_space<hbm>> -> memref<1x10000xi32, #tpu.memory_space<hbm>>
      %dma_wait3A_28 = tpu.memref_squeeze %dma_wait3A : memref<1x10000xi32, #tpu.memory_space<hbm>> -> memref<10000xi32, #tpu.memory_space<hbm>>
      %dma_wait3A_29 = tpu.memref_slice %arg2[%run_scoped3A, %mul3A_13] : memref<2x320000xi32, #tpu.memory_space<hbm>> -> memref<1x10000xi32, #tpu.memory_space<hbm>>
      %dma_wait3A_30 = tpu.memref_squeeze %dma_wait3A_29 : memref<1x10000xi32, #tpu.memory_space<hbm>> -> memref<10000xi32, #tpu.memory_space<hbm>>
      tpu.wait_dma2 semaphore(%run_scoped3A_24 : memref<!tpu.dma_semaphore, #tpu.memory_space<semaphore_mem>>) src(%dma_wait3A_30 : memref<10000xi32, #tpu.memory_space<hbm>>) dst(%arg5 : memref<10000xi32, #tpu.memory_space<vmem>>)
      tpu.yield
    }) : () -> ()
    %scan3A_14 = arith.constant 0 : i32
    %scan3A_15 = arith.constant 5 : i32
    %scan3A_16 = arith.addi %scan3A_14, %scan3A_15 : i32
    %scan3A_17 = arith.constant 1 : i32
    scf.for %scan3A_24 = %scan3A_14 to %scan3A_16 step %scan3A_17  : i32 {
      %mul3A_25 = arith.constant 25 : i32
      %mul3A_26 = arith.muli %scan3A_24, %mul3A_25 : i32
      %add3A_27 = arith.constant 0 : i32
      %add3A_28 = arith.addi %mul3A_26, %add3A_27 : i32
      %mul3A_29 = arith.constant 80 : i32
      %mul3A_30 = arith.muli %add3A_28, %mul3A_29 : i32
      %multiple_of3A = tpu.assume_multiple %mul3A_30, 80 : i32
      %dma_start3A = tpu.memref_slice %arg5[%multiple_of3A] : memref<10000xi32, #tpu.memory_space<vmem>> -> memref<80xi32, #tpu.memory_space<vmem>>
      %dma_start3A_31 = arith.constant 0 : i32
      %dma_start3A_32 = arith.constant 0 : i32
      %dma_start3A_33 = tpu.memref_slice %arg4[%dma_start3A_31, %dma_start3A_32] : memref<10240x16xf32, #tpu.memory_space<vmem_shared>> -> memref<10240x16xf32, #tpu.memory_space<vmem_shared>>
      tpu.enqueue_indirect_dma source(%arg6 : memref<80x16xf32, #tpu.memory_space<vmem>>) target(%dma_start3A_33 : memref<10240x16xf32, #tpu.memory_space<vmem_shared>>) offsets(%dma_start3A : memref<80xi32, #tpu.memory_space<vmem>>) semaphore(%arg8 : memref<!tpu.dma_semaphore, #tpu.memory_space<semaphore_mem>>) {add = true}
      %add3A_34 = arith.constant 1 : i32
      %add3A_35 = arith.addi %mul3A_26, %add3A_34 : i32
      %mul3A_36 = arith.constant 80 : i32
      %mul3A_37 = arith.muli %add3A_35, %mul3A_36 : i32
      %multiple_of3A_38 = tpu.assume_multiple %mul3A_37, 80 : i32
      %dma_start3A_39 = tpu.memref_slice %arg5[%multiple_of3A_38] : memref<10000xi32, #tpu.memory_space<vmem>> -> memref<80xi32, #tpu.memory_space<vmem>>
      %dma_start3A_40 = arith.constant 0 : i32
      %dma_start3A_41 = arith.constant 0 : i32
      %dma_start3A_42 = tpu.memref_slice %arg4[%dma_start3A_40, %dma_start3A_41] : memref<10240x16xf32, #tpu.memory_space<vmem_shared>> -> memref<10240x16xf32, #tpu.memory_space<vmem_shared>>
      tpu.enqueue_indirect_dma source(%arg6 : memref<80x16xf32, #tpu.memory_space<vmem>>) target(%dma_start3A_42 : memref<10240x16xf32, #tpu.memory_space<vmem_shared>>) offsets(%dma_start3A_39 : memref<80xi32, #tpu.memory_space<vmem>>) semaphore(%arg8 : memref<!tpu.dma_semaphore, #tpu.memory_space<semaphore_mem>>) {add = true}
      %add3A_43 = arith.constant 2 : i32
      %add3A_44 = arith.addi %mul3A_26, %add3A_43 : i32
      %mul3A_45 = arith.constant 80 : i32
      %mul3A_46 = arith.muli %add3A_44, %mul3A_45 : i32
      %multiple_of3A_47 = tpu.assume_multiple %mul3A_46, 80 : i32
      %dma_start3A_48 = tpu.memref_slice %arg5[%multiple_of3A_47] : memref<10000xi32, #tpu.memory_space<vmem>> -> memref<80xi32, #tpu.memory_space<vmem>>
      %dma_start3A_49 = arith.constant 0 : i32
      %dma_start3A_50 = arith.constant 0 : i32
      %dma_start3A_51 = tpu.memref_slice %arg4[%dma_start3A_49, %dma_start3A_50] : memref<10240x16xf32, #tpu.memory_space<vmem_shared>> -> memref<10240x16xf32, #tpu.memory_space<vmem_shared>>
      tpu.enqueue_indirect_dma source(%arg6 : memref<80x16xf32, #tpu.memory_space<vmem>>) target(%dma_start3A_51 : memref<10240x16xf32, #tpu.memory_space<vmem_shared>>) offsets(%dma_start3A_48 : memref<80xi32, #tpu.memory_space<vmem>>) semaphore(%arg8 : memref<!tpu.dma_semaphore, #tpu.memory_space<semaphore_mem>>) {add = true}
      %add3A_52 = arith.constant 3 : i32
      %add3A_53 = arith.addi %mul3A_26, %add3A_52 : i32
      %mul3A_54 = arith.constant 80 : i32
      %mul3A_55 = arith.muli %add3A_53, %mul3A_54 : i32
      %multiple_of3A_56 = tpu.assume_multiple %mul3A_55, 80 : i32
      %dma_start3A_57 = tpu.memref_slice %arg5[%multiple_of3A_56] : memref<10000xi32, #tpu.memory_space<vmem>> -> memref<80xi32, #tpu.memory_space<vmem>>
      %dma_start3A_58 = arith.constant 0 : i32
      %dma_start3A_59 = arith.constant 0 : i32
      %dma_start3A_60 = tpu.memref_slice %arg4[%dma_start3A_58, %dma_start3A_59] : memref<10240x16xf32, #tpu.memory_space<vmem_shared>> -> memref<10240x16xf32, #tpu.memory_space<vmem_shared>>
      tpu.enqueue_indirect_dma source(%arg6 : memref<80x16xf32, #tpu.memory_space<vmem>>) target(%dma_start3A_60 : memref<10240x16xf32, #tpu.memory_space<vmem_shared>>) offsets(%dma_start3A_57 : memref<80xi32, #tpu.memory_space<vmem>>) semaphore(%arg8 : memref<!tpu.dma_semaphore, #tpu.memory_space<semaphore_mem>>) {add = true}
      %add3A_61 = arith.constant 4 : i32
      %add3A_62 = arith.addi %mul3A_26, %add3A_61 : i32
      %mul3A_63 = arith.constant 80 : i32
      %mul3A_64 = arith.muli %add3A_62, %mul3A_63 : i32
      %multiple_of3A_65 = tpu.assume_multiple %mul3A_64, 80 : i32
      %dma_start3A_66 = tpu.memref_slice %arg5[%multiple_of3A_65] : memref<10000xi32, #tpu.memory_space<vmem>> -> memref<80xi32, #tpu.memory_space<vmem>>
      %dma_start3A_67 = arith.constant 0 : i32
      %dma_start3A_68 = arith.constant 0 : i32
      %dma_start3A_69 = tpu.memref_slice %arg4[%dma_start3A_67, %dma_start3A_68] : memref<10240x16xf32, #tpu.memory_space<vmem_shared>> -> memref<10240x16xf32, #tpu.memory_space<vmem_shared>>
      tpu.enqueue_indirect_dma source(%arg6 : memref<80x16xf32, #tpu.memory_space<vmem>>) target(%dma_start3A_69 : memref<10240x16xf32, #tpu.memory_space<vmem_shared>>) offsets(%dma_start3A_66 : memref<80xi32, #tpu.memory_space<vmem>>) semaphore(%arg8 : memref<!tpu.dma_semaphore, #tpu.memory_space<semaphore_mem>>) {add = true}
      %add3A_70 = arith.constant 5 : i32
      %add3A_71 = arith.addi %mul3A_26, %add3A_70 : i32
      %mul3A_72 = arith.constant 80 : i32
      %mul3A_73 = arith.muli %add3A_71, %mul3A_72 : i32
      %multiple_of3A_74 = tpu.assume_multiple %mul3A_73, 80 : i32
      %dma_start3A_75 = tpu.memref_slice %arg5[%multiple_of3A_74] : memref<10000xi32, #tpu.memory_space<vmem>> -> memref<80xi32, #tpu.memory_space<vmem>>
      %dma_start3A_76 = arith.constant 0 : i32
      %dma_start3A_77 = arith.constant 0 : i32
      %dma_start3A_78 = tpu.memref_slice %arg4[%dma_start3A_76, %dma_start3A_77] : memref<10240x16xf32, #tpu.memory_space<vmem_shared>> -> memref<10240x16xf32, #tpu.memory_space<vmem_shared>>
      tpu.enqueue_indirect_dma source(%arg6 : memref<80x16xf32, #tpu.memory_space<vmem>>) target(%dma_start3A_78 : memref<10240x16xf32, #tpu.memory_space<vmem_shared>>) offsets(%dma_start3A_75 : memref<80xi32, #tpu.memory_space<vmem>>) semaphore(%arg8 : memref<!tpu.dma_semaphore, #tpu.memory_space<semaphore_mem>>) {add = true}
      %add3A_79 = arith.constant 6 : i32
      %add3A_80 = arith.addi %mul3A_26, %add3A_79 : i32
      %mul3A_81 = arith.constant 80 : i32
      %mul3A_82 = arith.muli %add3A_80, %mul3A_81 : i32
      %multiple_of3A_83 = tpu.assume_multiple %mul3A_82, 80 : i32
      %dma_start3A_84 = tpu.memref_slice %arg5[%multiple_of3A_83] : memref<10000xi32, #tpu.memory_space<vmem>> -> memref<80xi32, #tpu.memory_space<vmem>>
      %dma_start3A_85 = arith.constant 0 : i32
      %dma_start3A_86 = arith.constant 0 : i32
      %dma_start3A_87 = tpu.memref_slice %arg4[%dma_start3A_85, %dma_start3A_86] : memref<10240x16xf32, #tpu.memory_space<vmem_shared>> -> memref<10240x16xf32, #tpu.memory_space<vmem_shared>>
      tpu.enqueue_indirect_dma source(%arg6 : memref<80x16xf32, #tpu.memory_space<vmem>>) target(%dma_start3A_87 : memref<10240x16xf32, #tpu.memory_space<vmem_shared>>) offsets(%dma_start3A_84 : memref<80xi32, #tpu.memory_space<vmem>>) semaphore(%arg8 : memref<!tpu.dma_semaphore, #tpu.memory_space<semaphore_mem>>) {add = true}
      %add3A_88 = arith.constant 7 : i32
      %add3A_89 = arith.addi %mul3A_26, %add3A_88 : i32
      %mul3A_90 = arith.constant 80 : i32
      %mul3A_91 = arith.muli %add3A_89, %mul3A_90 : i32
      %multiple_of3A_92 = tpu.assume_multiple %mul3A_91, 80 : i32
      %dma_start3A_93 = tpu.memref_slice %arg5[%multiple_of3A_92] : memref<10000xi32, #tpu.memory_space<vmem>> -> memref<80xi32, #tpu.memory_space<vmem>>
      %dma_start3A_94 = arith.constant 0 : i32
      %dma_start3A_95 = arith.constant 0 : i32
      %dma_start3A_96 = tpu.memref_slice %arg4[%dma_start3A_94, %dma_start3A_95] : memref<10240x16xf32, #tpu.memory_space<vmem_shared>> -> memref<10240x16xf32, #tpu.memory_space<vmem_shared>>
      tpu.enqueue_indirect_dma source(%arg6 : memref<80x16xf32, #tpu.memory_space<vmem>>) target(%dma_start3A_96 : memref<10240x16xf32, #tpu.memory_space<vmem_shared>>) offsets(%dma_start3A_93 : memref<80xi32, #tpu.memory_space<vmem>>) semaphore(%arg8 : memref<!tpu.dma_semaphore, #tpu.memory_space<semaphore_mem>>) {add = true}
      %add3A_97 = arith.constant 8 : i32
      %add3A_98 = arith.addi %mul3A_26, %add3A_97 : i32
      %mul3A_99 = arith.constant 80 : i32
      %mul3A_100 = arith.muli %add3A_98, %mul3A_99 : i32
      %multiple_of3A_101 = tpu.assume_multiple %mul3A_100, 80 : i32
      %dma_start3A_102 = tpu.memref_slice %arg5[%multiple_of3A_101] : memref<10000xi32, #tpu.memory_space<vmem>> -> memref<80xi32, #tpu.memory_space<vmem>>
      %dma_start3A_103 = arith.constant 0 : i32
      %dma_start3A_104 = arith.constant 0 : i32
      %dma_start3A_105 = tpu.memref_slice %arg4[%dma_start3A_103, %dma_start3A_104] : memref<10240x16xf32, #tpu.memory_space<vmem_shared>> -> memref<10240x16xf32, #tpu.memory_space<vmem_shared>>
      tpu.enqueue_indirect_dma source(%arg6 : memref<80x16xf32, #tpu.memory_space<vmem>>) target(%dma_start3A_105 : memref<10240x16xf32, #tpu.memory_space<vmem_shared>>) offsets(%dma_start3A_102 : memref<80xi32, #tpu.memory_space<vmem>>) semaphore(%arg8 : memref<!tpu.dma_semaphore, #tpu.memory_space<semaphore_mem>>) {add = true}
      %add3A_106 = arith.constant 9 : i32
      %add3A_107 = arith.addi %mul3A_26, %add3A_106 : i32
      %mul3A_108 = arith.constant 80 : i32
      %mul3A_109 = arith.muli %add3A_107, %mul3A_108 : i32
      %multiple_of3A_110 = tpu.assume_multiple %mul3A_109, 80 : i32
      %dma_start3A_111 = tpu.memref_slice %arg5[%multiple_of3A_110] : memref<10000xi32, #tpu.memory_space<vmem>> -> memref<80xi32, #tpu.memory_space<vmem>>
      %dma_start3A_112 = arith.constant 0 : i32
      %dma_start3A_113 = arith.constant 0 : i32
      %dma_start3A_114 = tpu.memref_slice %arg4[%dma_start3A_112, %dma_start3A_113] : memref<10240x16xf32, #tpu.memory_space<vmem_shared>> -> memref<10240x16xf32, #tpu.memory_space<vmem_shared>>
      tpu.enqueue_indirect_dma source(%arg6 : memref<80x16xf32, #tpu.memory_space<vmem>>) target(%dma_start3A_114 : memref<10240x16xf32, #tpu.memory_space<vmem_shared>>) offsets(%dma_start3A_111 : memref<80xi32, #tpu.memory_space<vmem>>) semaphore(%arg8 : memref<!tpu.dma_semaphore, #tpu.memory_space<semaphore_mem>>) {add = true}
      %add3A_115 = arith.constant 10 : i32
      %add3A_116 = arith.addi %mul3A_26, %add3A_115 : i32
      %mul3A_117 = arith.constant 80 : i32
      %mul3A_118 = arith.muli %add3A_116, %mul3A_117 : i32
      %multiple_of3A_119 = tpu.assume_multiple %mul3A_118, 80 : i32
      %dma_start3A_120 = tpu.memref_slice %arg5[%multiple_of3A_119] : memref<10000xi32, #tpu.memory_space<vmem>> -> memref<80xi32, #tpu.memory_space<vmem>>
      %dma_start3A_121 = arith.constant 0 : i32
      %dma_start3A_122 = arith.constant 0 : i32
      %dma_start3A_123 = tpu.memref_slice %arg4[%dma_start3A_121, %dma_start3A_122] : memref<10240x16xf32, #tpu.memory_space<vmem_shared>> -> memref<10240x16xf32, #tpu.memory_space<vmem_shared>>
      tpu.enqueue_indirect_dma source(%arg6 : memref<80x16xf32, #tpu.memory_space<vmem>>) target(%dma_start3A_123 : memref<10240x16xf32, #tpu.memory_space<vmem_shared>>) offsets(%dma_start3A_120 : memref<80xi32, #tpu.memory_space<vmem>>) semaphore(%arg8 : memref<!tpu.dma_semaphore, #tpu.memory_space<semaphore_mem>>) {add = true}
      %add3A_124 = arith.constant 11 : i32
      %add3A_125 = arith.addi %mul3A_26, %add3A_124 : i32
      %mul3A_126 = arith.constant 80 : i32
      %mul3A_127 = arith.muli %add3A_125, %mul3A_126 : i32
      %multiple_of3A_128 = tpu.assume_multiple %mul3A_127, 80 : i32
      %dma_start3A_129 = tpu.memref_slice %arg5[%multiple_of3A_128] : memref<10000xi32, #tpu.memory_space<vmem>> -> memref<80xi32, #tpu.memory_space<vmem>>
      %dma_start3A_130 = arith.constant 0 : i32
      %dma_start3A_131 = arith.constant 0 : i32
      %dma_start3A_132 = tpu.memref_slice %arg4[%dma_start3A_130, %dma_start3A_131] : memref<10240x16xf32, #tpu.memory_space<vmem_shared>> -> memref<10240x16xf32, #tpu.memory_space<vmem_shared>>
      tpu.enqueue_indirect_dma source(%arg6 : memref<80x16xf32, #tpu.memory_space<vmem>>) target(%dma_start3A_132 : memref<10240x16xf32, #tpu.memory_space<vmem_shared>>) offsets(%dma_start3A_129 : memref<80xi32, #tpu.memory_space<vmem>>) semaphore(%arg8 : memref<!tpu.dma_semaphore, #tpu.memory_space<semaphore_mem>>) {add = true}
      %add3A_133 = arith.constant 12 : i32
      %add3A_134 = arith.addi %mul3A_26, %add3A_133 : i32
      %mul3A_135 = arith.constant 80 : i32
      %mul3A_136 = arith.muli %add3A_134, %mul3A_135 : i32
      %multiple_of3A_137 = tpu.assume_multiple %mul3A_136, 80 : i32
      %dma_start3A_138 = tpu.memref_slice %arg5[%multiple_of3A_137] : memref<10000xi32, #tpu.memory_space<vmem>> -> memref<80xi32, #tpu.memory_space<vmem>>
      %dma_start3A_139 = arith.constant 0 : i32
      %dma_start3A_140 = arith.constant 0 : i32
      %dma_start3A_141 = tpu.memref_slice %arg4[%dma_start3A_139, %dma_start3A_140] : memref<10240x16xf32, #tpu.memory_space<vmem_shared>> -> memref<10240x16xf32, #tpu.memory_space<vmem_shared>>
      tpu.enqueue_indirect_dma source(%arg6 : memref<80x16xf32, #tpu.memory_space<vmem>>) target(%dma_start3A_141 : memref<10240x16xf32, #tpu.memory_space<vmem_shared>>) offsets(%dma_start3A_138 : memref<80xi32, #tpu.memory_space<vmem>>) semaphore(%arg8 : memref<!tpu.dma_semaphore, #tpu.memory_space<semaphore_mem>>) {add = true}
      %add3A_142 = arith.constant 13 : i32
      %add3A_143 = arith.addi %mul3A_26, %add3A_142 : i32
      %mul3A_144 = arith.constant 80 : i32
      %mul3A_145 = arith.muli %add3A_143, %mul3A_144 : i32
      %multiple_of3A_146 = tpu.assume_multiple %mul3A_145, 80 : i32
      %dma_start3A_147 = tpu.memref_slice %arg5[%multiple_of3A_146] : memref<10000xi32, #tpu.memory_space<vmem>> -> memref<80xi32, #tpu.memory_space<vmem>>
      %dma_start3A_148 = arith.constant 0 : i32
      %dma_start3A_149 = arith.constant 0 : i32
      %dma_start3A_150 = tpu.memref_slice %arg4[%dma_start3A_148, %dma_start3A_149] : memref<10240x16xf32, #tpu.memory_space<vmem_shared>> -> memref<10240x16xf32, #tpu.memory_space<vmem_shared>>
      tpu.enqueue_indirect_dma source(%arg6 : memref<80x16xf32, #tpu.memory_space<vmem>>) target(%dma_start3A_150 : memref<10240x16xf32, #tpu.memory_space<vmem_shared>>) offsets(%dma_start3A_147 : memref<80xi32, #tpu.memory_space<vmem>>) semaphore(%arg8 : memref<!tpu.dma_semaphore, #tpu.memory_space<semaphore_mem>>) {add = true}
      %add3A_151 = arith.constant 14 : i32
      %add3A_152 = arith.addi %mul3A_26, %add3A_151 : i32
      %mul3A_153 = arith.constant 80 : i32
      %mul3A_154 = arith.muli %add3A_152, %mul3A_153 : i32
      %multiple_of3A_155 = tpu.assume_multiple %mul3A_154, 80 : i32
      %dma_start3A_156 = tpu.memref_slice %arg5[%multiple_of3A_155] : memref<10000xi32, #tpu.memory_space<vmem>> -> memref<80xi32, #tpu.memory_space<vmem>>
      %dma_start3A_157 = arith.constant 0 : i32
      %dma_start3A_158 = arith.constant 0 : i32
      %dma_start3A_159 = tpu.memref_slice %arg4[%dma_start3A_157, %dma_start3A_158] : memref<10240x16xf32, #tpu.memory_space<vmem_shared>> -> memref<10240x16xf32, #tpu.memory_space<vmem_shared>>
      tpu.enqueue_indirect_dma source(%arg6 : memref<80x16xf32, #tpu.memory_space<vmem>>) target(%dma_start3A_159 : memref<10240x16xf32, #tpu.memory_space<vmem_shared>>) offsets(%dma_start3A_156 : memref<80xi32, #tpu.memory_space<vmem>>) semaphore(%arg8 : memref<!tpu.dma_semaphore, #tpu.memory_space<semaphore_mem>>) {add = true}
      %add3A_160 = arith.constant 15 : i32
      %add3A_161 = arith.addi %mul3A_26, %add3A_160 : i32
      %mul3A_162 = arith.constant 80 : i32
      %mul3A_163 = arith.muli %add3A_161, %mul3A_162 : i32
      %multiple_of3A_164 = tpu.assume_multiple %mul3A_163, 80 : i32
      %dma_start3A_165 = tpu.memref_slice %arg5[%multiple_of3A_164] : memref<10000xi32, #tpu.memory_space<vmem>> -> memref<80xi32, #tpu.memory_space<vmem>>
      %dma_start3A_166 = arith.constant 0 : i32
      %dma_start3A_167 = arith.constant 0 : i32
      %dma_start3A_168 = tpu.memref_slice %arg4[%dma_start3A_166, %dma_start3A_167] : memref<10240x16xf32, #tpu.memory_space<vmem_shared>> -> memref<10240x16xf32, #tpu.memory_space<vmem_shared>>
      tpu.enqueue_indirect_dma source(%arg6 : memref<80x16xf32, #tpu.memory_space<vmem>>) target(%dma_start3A_168 : memref<10240x16xf32, #tpu.memory_space<vmem_shared>>) offsets(%dma_start3A_165 : memref<80xi32, #tpu.memory_space<vmem>>) semaphore(%arg8 : memref<!tpu.dma_semaphore, #tpu.memory_space<semaphore_mem>>) {add = true}
      %add3A_169 = arith.constant 16 : i32
      %add3A_170 = arith.addi %mul3A_26, %add3A_169 : i32
      %mul3A_171 = arith.constant 80 : i32
      %mul3A_172 = arith.muli %add3A_170, %mul3A_171 : i32
      %multiple_of3A_173 = tpu.assume_multiple %mul3A_172, 80 : i32
      %dma_start3A_174 = tpu.memref_slice %arg5[%multiple_of3A_173] : memref<10000xi32, #tpu.memory_space<vmem>> -> memref<80xi32, #tpu.memory_space<vmem>>
      %dma_start3A_175 = arith.constant 0 : i32
      %dma_start3A_176 = arith.constant 0 : i32
      %dma_start3A_177 = tpu.memref_slice %arg4[%dma_start3A_175, %dma_start3A_176] : memref<10240x16xf32, #tpu.memory_space<vmem_shared>> -> memref<10240x16xf32, #tpu.memory_space<vmem_shared>>
      tpu.enqueue_indirect_dma source(%arg6 : memref<80x16xf32, #tpu.memory_space<vmem>>) target(%dma_start3A_177 : memref<10240x16xf32, #tpu.memory_space<vmem_shared>>) offsets(%dma_start3A_174 : memref<80xi32, #tpu.memory_space<vmem>>) semaphore(%arg8 : memref<!tpu.dma_semaphore, #tpu.memory_space<semaphore_mem>>) {add = true}
      %add3A_178 = arith.constant 17 : i32
      %add3A_179 = arith.addi %mul3A_26, %add3A_178 : i32
      %mul3A_180 = arith.constant 80 : i32
      %mul3A_181 = arith.muli %add3A_179, %mul3A_180 : i32
      %multiple_of3A_182 = tpu.assume_multiple %mul3A_181, 80 : i32
      %dma_start3A_183 = tpu.memref_slice %arg5[%multiple_of3A_182] : memref<10000xi32, #tpu.memory_space<vmem>> -> memref<80xi32, #tpu.memory_space<vmem>>
      %dma_start3A_184 = arith.constant 0 : i32
      %dma_start3A_185 = arith.constant 0 : i32
      %dma_start3A_186 = tpu.memref_slice %arg4[%dma_start3A_184, %dma_start3A_185] : memref<10240x16xf32, #tpu.memory_space<vmem_shared>> -> memref<10240x16xf32, #tpu.memory_space<vmem_shared>>
      tpu.enqueue_indirect_dma source(%arg6 : memref<80x16xf32, #tpu.memory_space<vmem>>) target(%dma_start3A_186 : memref<10240x16xf32, #tpu.memory_space<vmem_shared>>) offsets(%dma_start3A_183 : memref<80xi32, #tpu.memory_space<vmem>>) semaphore(%arg8 : memref<!tpu.dma_semaphore, #tpu.memory_space<semaphore_mem>>) {add = true}
      %add3A_187 = arith.constant 18 : i32
      %add3A_188 = arith.addi %mul3A_26, %add3A_187 : i32
      %mul3A_189 = arith.constant 80 : i32
      %mul3A_190 = arith.muli %add3A_188, %mul3A_189 : i32
      %multiple_of3A_191 = tpu.assume_multiple %mul3A_190, 80 : i32
      %dma_start3A_192 = tpu.memref_slice %arg5[%multiple_of3A_191] : memref<10000xi32, #tpu.memory_space<vmem>> -> memref<80xi32, #tpu.memory_space<vmem>>
      %dma_start3A_193 = arith.constant 0 : i32
      %dma_start3A_194 = arith.constant 0 : i32
      %dma_start3A_195 = tpu.memref_slice %arg4[%dma_start3A_193, %dma_start3A_194] : memref<10240x16xf32, #tpu.memory_space<vmem_shared>> -> memref<10240x16xf32, #tpu.memory_space<vmem_shared>>
      tpu.enqueue_indirect_dma source(%arg6 : memref<80x16xf32, #tpu.memory_space<vmem>>) target(%dma_start3A_195 : memref<10240x16xf32, #tpu.memory_space<vmem_shared>>) offsets(%dma_start3A_192 : memref<80xi32, #tpu.memory_space<vmem>>) semaphore(%arg8 : memref<!tpu.dma_semaphore, #tpu.memory_space<semaphore_mem>>) {add = true}
      %add3A_196 = arith.constant 19 : i32
      %add3A_197 = arith.addi %mul3A_26, %add3A_196 : i32
      %mul3A_198 = arith.constant 80 : i32
      %mul3A_199 = arith.muli %add3A_197, %mul3A_198 : i32
      %multiple_of3A_200 = tpu.assume_multiple %mul3A_199, 80 : i32
      %dma_start3A_201 = tpu.memref_slice %arg5[%multiple_of3A_200] : memref<10000xi32, #tpu.memory_space<vmem>> -> memref<80xi32, #tpu.memory_space<vmem>>
      %dma_start3A_202 = arith.constant 0 : i32
      %dma_start3A_203 = arith.constant 0 : i32
      %dma_start3A_204 = tpu.memref_slice %arg4[%dma_start3A_202, %dma_start3A_203] : memref<10240x16xf32, #tpu.memory_space<vmem_shared>> -> memref<10240x16xf32, #tpu.memory_space<vmem_shared>>
      tpu.enqueue_indirect_dma source(%arg6 : memref<80x16xf32, #tpu.memory_space<vmem>>) target(%dma_start3A_204 : memref<10240x16xf32, #tpu.memory_space<vmem_shared>>) offsets(%dma_start3A_201 : memref<80xi32, #tpu.memory_space<vmem>>) semaphore(%arg8 : memref<!tpu.dma_semaphore, #tpu.memory_space<semaphore_mem>>) {add = true}
      %add3A_205 = arith.constant 20 : i32
      %add3A_206 = arith.addi %mul3A_26, %add3A_205 : i32
      %mul3A_207 = arith.constant 80 : i32
      %mul3A_208 = arith.muli %add3A_206, %mul3A_207 : i32
      %multiple_of3A_209 = tpu.assume_multiple %mul3A_208, 80 : i32
      %dma_start3A_210 = tpu.memref_slice %arg5[%multiple_of3A_209] : memref<10000xi32, #tpu.memory_space<vmem>> -> memref<80xi32, #tpu.memory_space<vmem>>
      %dma_start3A_211 = arith.constant 0 : i32
      %dma_start3A_212 = arith.constant 0 : i32
      %dma_start3A_213 = tpu.memref_slice %arg4[%dma_start3A_211, %dma_start3A_212] : memref<10240x16xf32, #tpu.memory_space<vmem_shared>> -> memref<10240x16xf32, #tpu.memory_space<vmem_shared>>
      tpu.enqueue_indirect_dma source(%arg6 : memref<80x16xf32, #tpu.memory_space<vmem>>) target(%dma_start3A_213 : memref<10240x16xf32, #tpu.memory_space<vmem_shared>>) offsets(%dma_start3A_210 : memref<80xi32, #tpu.memory_space<vmem>>) semaphore(%arg8 : memref<!tpu.dma_semaphore, #tpu.memory_space<semaphore_mem>>) {add = true}
      %add3A_214 = arith.constant 21 : i32
      %add3A_215 = arith.addi %mul3A_26, %add3A_214 : i32
      %mul3A_216 = arith.constant 80 : i32
      %mul3A_217 = arith.muli %add3A_215, %mul3A_216 : i32
      %multiple_of3A_218 = tpu.assume_multiple %mul3A_217, 80 : i32
      %dma_start3A_219 = tpu.memref_slice %arg5[%multiple_of3A_218] : memref<10000xi32, #tpu.memory_space<vmem>> -> memref<80xi32, #tpu.memory_space<vmem>>
      %dma_start3A_220 = arith.constant 0 : i32
      %dma_start3A_221 = arith.constant 0 : i32
      %dma_start3A_222 = tpu.memref_slice %arg4[%dma_start3A_220, %dma_start3A_221] : memref<10240x16xf32, #tpu.memory_space<vmem_shared>> -> memref<10240x16xf32, #tpu.memory_space<vmem_shared>>
      tpu.enqueue_indirect_dma source(%arg6 : memref<80x16xf32, #tpu.memory_space<vmem>>) target(%dma_start3A_222 : memref<10240x16xf32, #tpu.memory_space<vmem_shared>>) offsets(%dma_start3A_219 : memref<80xi32, #tpu.memory_space<vmem>>) semaphore(%arg8 : memref<!tpu.dma_semaphore, #tpu.memory_space<semaphore_mem>>) {add = true}
      %add3A_223 = arith.constant 22 : i32
      %add3A_224 = arith.addi %mul3A_26, %add3A_223 : i32
      %mul3A_225 = arith.constant 80 : i32
      %mul3A_226 = arith.muli %add3A_224, %mul3A_225 : i32
      %multiple_of3A_227 = tpu.assume_multiple %mul3A_226, 80 : i32
      %dma_start3A_228 = tpu.memref_slice %arg5[%multiple_of3A_227] : memref<10000xi32, #tpu.memory_space<vmem>> -> memref<80xi32, #tpu.memory_space<vmem>>
      %dma_start3A_229 = arith.constant 0 : i32
      %dma_start3A_230 = arith.constant 0 : i32
      %dma_start3A_231 = tpu.memref_slice %arg4[%dma_start3A_229, %dma_start3A_230] : memref<10240x16xf32, #tpu.memory_space<vmem_shared>> -> memref<10240x16xf32, #tpu.memory_space<vmem_shared>>
      tpu.enqueue_indirect_dma source(%arg6 : memref<80x16xf32, #tpu.memory_space<vmem>>) target(%dma_start3A_231 : memref<10240x16xf32, #tpu.memory_space<vmem_shared>>) offsets(%dma_start3A_228 : memref<80xi32, #tpu.memory_space<vmem>>) semaphore(%arg8 : memref<!tpu.dma_semaphore, #tpu.memory_space<semaphore_mem>>) {add = true}
      %add3A_232 = arith.constant 23 : i32
      %add3A_233 = arith.addi %mul3A_26, %add3A_232 : i32
      %mul3A_234 = arith.constant 80 : i32
      %mul3A_235 = arith.muli %add3A_233, %mul3A_234 : i32
      %multiple_of3A_236 = tpu.assume_multiple %mul3A_235, 80 : i32
      %dma_start3A_237 = tpu.memref_slice %arg5[%multiple_of3A_236] : memref<10000xi32, #tpu.memory_space<vmem>> -> memref<80xi32, #tpu.memory_space<vmem>>
      %dma_start3A_238 = arith.constant 0 : i32
      %dma_start3A_239 = arith.constant 0 : i32
      %dma_start3A_240 = tpu.memref_slice %arg4[%dma_start3A_238, %dma_start3A_239] : memref<10240x16xf32, #tpu.memory_space<vmem_shared>> -> memref<10240x16xf32, #tpu.memory_space<vmem_shared>>
      tpu.enqueue_indirect_dma source(%arg6 : memref<80x16xf32, #tpu.memory_space<vmem>>) target(%dma_start3A_240 : memref<10240x16xf32, #tpu.memory_space<vmem_shared>>) offsets(%dma_start3A_237 : memref<80xi32, #tpu.memory_space<vmem>>) semaphore(%arg8 : memref<!tpu.dma_semaphore, #tpu.memory_space<semaphore_mem>>) {add = true}
      %add3A_241 = arith.constant 24 : i32
      %add3A_242 = arith.addi %mul3A_26, %add3A_241 : i32
      %mul3A_243 = arith.constant 80 : i32
      %mul3A_244 = arith.muli %add3A_242, %mul3A_243 : i32
      %multiple_of3A_245 = tpu.assume_multiple %mul3A_244, 80 : i32
      %dma_start3A_246 = tpu.memref_slice %arg5[%multiple_of3A_245] : memref<10000xi32, #tpu.memory_space<vmem>> -> memref<80xi32, #tpu.memory_space<vmem>>
      %dma_start3A_247 = arith.constant 0 : i32
      %dma_start3A_248 = arith.constant 0 : i32
      %dma_start3A_249 = tpu.memref_slice %arg4[%dma_start3A_247, %dma_start3A_248] : memref<10240x16xf32, #tpu.memory_space<vmem_shared>> -> memref<10240x16xf32, #tpu.memory_space<vmem_shared>>
      tpu.enqueue_indirect_dma source(%arg6 : memref<80x16xf32, #tpu.memory_space<vmem>>) target(%dma_start3A_249 : memref<10240x16xf32, #tpu.memory_space<vmem_shared>>) offsets(%dma_start3A_246 : memref<80xi32, #tpu.memory_space<vmem>>) semaphore(%arg8 : memref<!tpu.dma_semaphore, #tpu.memory_space<semaphore_mem>>) {add = true}
      %dma_wait3A = tpu.memref_slice %arg5[%multiple_of3A] : memref<10000xi32, #tpu.memory_space<vmem>> -> memref<80xi32, #tpu.memory_space<vmem>>
      %dma_wait3A_250 = arith.constant 0 : i32
      %dma_wait3A_251 = arith.constant 0 : i32
      %dma_wait3A_252 = tpu.memref_slice %arg4[%dma_wait3A_250, %dma_wait3A_251] : memref<10240x16xf32, #tpu.memory_space<vmem_shared>> -> memref<10240x16xf32, #tpu.memory_space<vmem_shared>>
      tpu.wait_indirect_dma semaphore(%arg8 : memref<!tpu.dma_semaphore, #tpu.memory_space<semaphore_mem>>) src(%arg6 : memref<80x16xf32, #tpu.memory_space<vmem>>) dst(%dma_wait3A_252 : memref<10240x16xf32, #tpu.memory_space<vmem_shared>>)
      %dma_wait3A_253 = tpu.memref_slice %arg5[%multiple_of3A_38] : memref<10000xi32, #tpu.memory_space<vmem>> -> memref<80xi32, #tpu.memory_space<vmem>>
      %dma_wait3A_254 = arith.constant 0 : i32
      %dma_wait3A_255 = arith.constant 0 : i32
      %dma_wait3A_256 = tpu.memref_slice %arg4[%dma_wait3A_254, %dma_wait3A_255] : memref<10240x16xf32, #tpu.memory_space<vmem_shared>> -> memref<10240x16xf32, #tpu.memory_space<vmem_shared>>
      tpu.wait_indirect_dma semaphore(%arg8 : memref<!tpu.dma_semaphore, #tpu.memory_space<semaphore_mem>>) src(%arg6 : memref<80x16xf32, #tpu.memory_space<vmem>>) dst(%dma_wait3A_256 : memref<10240x16xf32, #tpu.memory_space<vmem_shared>>)
      %dma_wait3A_257 = tpu.memref_slice %arg5[%multiple_of3A_47] : memref<10000xi32, #tpu.memory_space<vmem>> -> memref<80xi32, #tpu.memory_space<vmem>>
      %dma_wait3A_258 = arith.constant 0 : i32
      %dma_wait3A_259 = arith.constant 0 : i32
      %dma_wait3A_260 = tpu.memref_slice %arg4[%dma_wait3A_258, %dma_wait3A_259] : memref<10240x16xf32, #tpu.memory_space<vmem_shared>> -> memref<10240x16xf32, #tpu.memory_space<vmem_shared>>
      tpu.wait_indirect_dma semaphore(%arg8 : memref<!tpu.dma_semaphore, #tpu.memory_space<semaphore_mem>>) src(%arg6 : memref<80x16xf32, #tpu.memory_space<vmem>>) dst(%dma_wait3A_260 : memref<10240x16xf32, #tpu.memory_space<vmem_shared>>)
      %dma_wait3A_261 = tpu.memref_slice %arg5[%multiple_of3A_56] : memref<10000xi32, #tpu.memory_space<vmem>> -> memref<80xi32, #tpu.memory_space<vmem>>
      %dma_wait3A_262 = arith.constant 0 : i32
      %dma_wait3A_263 = arith.constant 0 : i32
      %dma_wait3A_264 = tpu.memref_slice %arg4[%dma_wait3A_262, %dma_wait3A_263] : memref<10240x16xf32, #tpu.memory_space<vmem_shared>> -> memref<10240x16xf32, #tpu.memory_space<vmem_shared>>
      tpu.wait_indirect_dma semaphore(%arg8 : memref<!tpu.dma_semaphore, #tpu.memory_space<semaphore_mem>>) src(%arg6 : memref<80x16xf32, #tpu.memory_space<vmem>>) dst(%dma_wait3A_264 : memref<10240x16xf32, #tpu.memory_space<vmem_shared>>)
      %dma_wait3A_265 = tpu.memref_slice %arg5[%multiple_of3A_65] : memref<10000xi32, #tpu.memory_space<vmem>> -> memref<80xi32, #tpu.memory_space<vmem>>
      %dma_wait3A_266 = arith.constant 0 : i32
      %dma_wait3A_267 = arith.constant 0 : i32
      %dma_wait3A_268 = tpu.memref_slice %arg4[%dma_wait3A_266, %dma_wait3A_267] : memref<10240x16xf32, #tpu.memory_space<vmem_shared>> -> memref<10240x16xf32, #tpu.memory_space<vmem_shared>>
      tpu.wait_indirect_dma semaphore(%arg8 : memref<!tpu.dma_semaphore, #tpu.memory_space<semaphore_mem>>) src(%arg6 : memref<80x16xf32, #tpu.memory_space<vmem>>) dst(%dma_wait3A_268 : memref<10240x16xf32, #tpu.memory_space<vmem_shared>>)
      %dma_wait3A_269 = tpu.memref_slice %arg5[%multiple_of3A_74] : memref<10000xi32, #tpu.memory_space<vmem>> -> memref<80xi32, #tpu.memory_space<vmem>>
      %dma_wait3A_270 = arith.constant 0 : i32
      %dma_wait3A_271 = arith.constant 0 : i32
      %dma_wait3A_272 = tpu.memref_slice %arg4[%dma_wait3A_270, %dma_wait3A_271] : memref<10240x16xf32, #tpu.memory_space<vmem_shared>> -> memref<10240x16xf32, #tpu.memory_space<vmem_shared>>
      tpu.wait_indirect_dma semaphore(%arg8 : memref<!tpu.dma_semaphore, #tpu.memory_space<semaphore_mem>>) src(%arg6 : memref<80x16xf32, #tpu.memory_space<vmem>>) dst(%dma_wait3A_272 : memref<10240x16xf32, #tpu.memory_space<vmem_shared>>)
      %dma_wait3A_273 = tpu.memref_slice %arg5[%multiple_of3A_83] : memref<10000xi32, #tpu.memory_space<vmem>> -> memref<80xi32, #tpu.memory_space<vmem>>
      %dma_wait3A_274 = arith.constant 0 : i32
      %dma_wait3A_275 = arith.constant 0 : i32
      %dma_wait3A_276 = tpu.memref_slice %arg4[%dma_wait3A_274, %dma_wait3A_275] : memref<10240x16xf32, #tpu.memory_space<vmem_shared>> -> memref<10240x16xf32, #tpu.memory_space<vmem_shared>>
      tpu.wait_indirect_dma semaphore(%arg8 : memref<!tpu.dma_semaphore, #tpu.memory_space<semaphore_mem>>) src(%arg6 : memref<80x16xf32, #tpu.memory_space<vmem>>) dst(%dma_wait3A_276 : memref<10240x16xf32, #tpu.memory_space<vmem_shared>>)
      %dma_wait3A_277 = tpu.memref_slice %arg5[%multiple_of3A_92] : memref<10000xi32, #tpu.memory_space<vmem>> -> memref<80xi32, #tpu.memory_space<vmem>>
      %dma_wait3A_278 = arith.constant 0 : i32
      %dma_wait3A_279 = arith.constant 0 : i32
      %dma_wait3A_280 = tpu.memref_slice %arg4[%dma_wait3A_278, %dma_wait3A_279] : memref<10240x16xf32, #tpu.memory_space<vmem_shared>> -> memref<10240x16xf32, #tpu.memory_space<vmem_shared>>
      tpu.wait_indirect_dma semaphore(%arg8 : memref<!tpu.dma_semaphore, #tpu.memory_space<semaphore_mem>>) src(%arg6 : memref<80x16xf32, #tpu.memory_space<vmem>>) dst(%dma_wait3A_280 : memref<10240x16xf32, #tpu.memory_space<vmem_shared>>)
      %dma_wait3A_281 = tpu.memref_slice %arg5[%multiple_of3A_101] : memref<10000xi32, #tpu.memory_space<vmem>> -> memref<80xi32, #tpu.memory_space<vmem>>
      %dma_wait3A_282 = arith.constant 0 : i32
      %dma_wait3A_283 = arith.constant 0 : i32
      %dma_wait3A_284 = tpu.memref_slice %arg4[%dma_wait3A_282, %dma_wait3A_283] : memref<10240x16xf32, #tpu.memory_space<vmem_shared>> -> memref<10240x16xf32, #tpu.memory_space<vmem_shared>>
      tpu.wait_indirect_dma semaphore(%arg8 : memref<!tpu.dma_semaphore, #tpu.memory_space<semaphore_mem>>) src(%arg6 : memref<80x16xf32, #tpu.memory_space<vmem>>) dst(%dma_wait3A_284 : memref<10240x16xf32, #tpu.memory_space<vmem_shared>>)
      %dma_wait3A_285 = tpu.memref_slice %arg5[%multiple_of3A_110] : memref<10000xi32, #tpu.memory_space<vmem>> -> memref<80xi32, #tpu.memory_space<vmem>>
      %dma_wait3A_286 = arith.constant 0 : i32
      %dma_wait3A_287 = arith.constant 0 : i32
      %dma_wait3A_288 = tpu.memref_slice %arg4[%dma_wait3A_286, %dma_wait3A_287] : memref<10240x16xf32, #tpu.memory_space<vmem_shared>> -> memref<10240x16xf32, #tpu.memory_space<vmem_shared>>
      tpu.wait_indirect_dma semaphore(%arg8 : memref<!tpu.dma_semaphore, #tpu.memory_space<semaphore_mem>>) src(%arg6 : memref<80x16xf32, #tpu.memory_space<vmem>>) dst(%dma_wait3A_288 : memref<10240x16xf32, #tpu.memory_space<vmem_shared>>)
      %dma_wait3A_289 = tpu.memref_slice %arg5[%multiple_of3A_119] : memref<10000xi32, #tpu.memory_space<vmem>> -> memref<80xi32, #tpu.memory_space<vmem>>
      %dma_wait3A_290 = arith.constant 0 : i32
      %dma_wait3A_291 = arith.constant 0 : i32
      %dma_wait3A_292 = tpu.memref_slice %arg4[%dma_wait3A_290, %dma_wait3A_291] : memref<10240x16xf32, #tpu.memory_space<vmem_shared>> -> memref<10240x16xf32, #tpu.memory_space<vmem_shared>>
      tpu.wait_indirect_dma semaphore(%arg8 : memref<!tpu.dma_semaphore, #tpu.memory_space<semaphore_mem>>) src(%arg6 : memref<80x16xf32, #tpu.memory_space<vmem>>) dst(%dma_wait3A_292 : memref<10240x16xf32, #tpu.memory_space<vmem_shared>>)
      %dma_wait3A_293 = tpu.memref_slice %arg5[%multiple_of3A_128] : memref<10000xi32, #tpu.memory_space<vmem>> -> memref<80xi32, #tpu.memory_space<vmem>>
      %dma_wait3A_294 = arith.constant 0 : i32
      %dma_wait3A_295 = arith.constant 0 : i32
      %dma_wait3A_296 = tpu.memref_slice %arg4[%dma_wait3A_294, %dma_wait3A_295] : memref<10240x16xf32, #tpu.memory_space<vmem_shared>> -> memref<10240x16xf32, #tpu.memory_space<vmem_shared>>
      tpu.wait_indirect_dma semaphore(%arg8 : memref<!tpu.dma_semaphore, #tpu.memory_space<semaphore_mem>>) src(%arg6 : memref<80x16xf32, #tpu.memory_space<vmem>>) dst(%dma_wait3A_296 : memref<10240x16xf32, #tpu.memory_space<vmem_shared>>)
      %dma_wait3A_297 = tpu.memref_slice %arg5[%multiple_of3A_137] : memref<10000xi32, #tpu.memory_space<vmem>> -> memref<80xi32, #tpu.memory_space<vmem>>
      %dma_wait3A_298 = arith.constant 0 : i32
      %dma_wait3A_299 = arith.constant 0 : i32
      %dma_wait3A_300 = tpu.memref_slice %arg4[%dma_wait3A_298, %dma_wait3A_299] : memref<10240x16xf32, #tpu.memory_space<vmem_shared>> -> memref<10240x16xf32, #tpu.memory_space<vmem_shared>>
      tpu.wait_indirect_dma semaphore(%arg8 : memref<!tpu.dma_semaphore, #tpu.memory_space<semaphore_mem>>) src(%arg6 : memref<80x16xf32, #tpu.memory_space<vmem>>) dst(%dma_wait3A_300 : memref<10240x16xf32, #tpu.memory_space<vmem_shared>>)
      %dma_wait3A_301 = tpu.memref_slice %arg5[%multiple_of3A_146] : memref<10000xi32, #tpu.memory_space<vmem>> -> memref<80xi32, #tpu.memory_space<vmem>>
      %dma_wait3A_302 = arith.constant 0 : i32
      %dma_wait3A_303 = arith.constant 0 : i32
      %dma_wait3A_304 = tpu.memref_slice %arg4[%dma_wait3A_302, %dma_wait3A_303] : memref<10240x16xf32, #tpu.memory_space<vmem_shared>> -> memref<10240x16xf32, #tpu.memory_space<vmem_shared>>
      tpu.wait_indirect_dma semaphore(%arg8 : memref<!tpu.dma_semaphore, #tpu.memory_space<semaphore_mem>>) src(%arg6 : memref<80x16xf32, #tpu.memory_space<vmem>>) dst(%dma_wait3A_304 : memref<10240x16xf32, #tpu.memory_space<vmem_shared>>)
      %dma_wait3A_305 = tpu.memref_slice %arg5[%multiple_of3A_155] : memref<10000xi32, #tpu.memory_space<vmem>> -> memref<80xi32, #tpu.memory_space<vmem>>
      %dma_wait3A_306 = arith.constant 0 : i32
      %dma_wait3A_307 = arith.constant 0 : i32
      %dma_wait3A_308 = tpu.memref_slice %arg4[%dma_wait3A_306, %dma_wait3A_307] : memref<10240x16xf32, #tpu.memory_space<vmem_shared>> -> memref<10240x16xf32, #tpu.memory_space<vmem_shared>>
      tpu.wait_indirect_dma semaphore(%arg8 : memref<!tpu.dma_semaphore, #tpu.memory_space<semaphore_mem>>) src(%arg6 : memref<80x16xf32, #tpu.memory_space<vmem>>) dst(%dma_wait3A_308 : memref<10240x16xf32, #tpu.memory_space<vmem_shared>>)
      %dma_wait3A_309 = tpu.memref_slice %arg5[%multiple_of3A_164] : memref<10000xi32, #tpu.memory_space<vmem>> -> memref<80xi32, #tpu.memory_space<vmem>>
      %dma_wait3A_310 = arith.constant 0 : i32
      %dma_wait3A_311 = arith.constant 0 : i32
      %dma_wait3A_312 = tpu.memref_slice %arg4[%dma_wait3A_310, %dma_wait3A_311] : memref<10240x16xf32, #tpu.memory_space<vmem_shared>> -> memref<10240x16xf32, #tpu.memory_space<vmem_shared>>
      tpu.wait_indirect_dma semaphore(%arg8 : memref<!tpu.dma_semaphore, #tpu.memory_space<semaphore_mem>>) src(%arg6 : memref<80x16xf32, #tpu.memory_space<vmem>>) dst(%dma_wait3A_312 : memref<10240x16xf32, #tpu.memory_space<vmem_shared>>)
      %dma_wait3A_313 = tpu.memref_slice %arg5[%multiple_of3A_173] : memref<10000xi32, #tpu.memory_space<vmem>> -> memref<80xi32, #tpu.memory_space<vmem>>
      %dma_wait3A_314 = arith.constant 0 : i32
      %dma_wait3A_315 = arith.constant 0 : i32
      %dma_wait3A_316 = tpu.memref_slice %arg4[%dma_wait3A_314, %dma_wait3A_315] : memref<10240x16xf32, #tpu.memory_space<vmem_shared>> -> memref<10240x16xf32, #tpu.memory_space<vmem_shared>>
      tpu.wait_indirect_dma semaphore(%arg8 : memref<!tpu.dma_semaphore, #tpu.memory_space<semaphore_mem>>) src(%arg6 : memref<80x16xf32, #tpu.memory_space<vmem>>) dst(%dma_wait3A_316 : memref<10240x16xf32, #tpu.memory_space<vmem_shared>>)
      %dma_wait3A_317 = tpu.memref_slice %arg5[%multiple_of3A_182] : memref<10000xi32, #tpu.memory_space<vmem>> -> memref<80xi32, #tpu.memory_space<vmem>>
      %dma_wait3A_318 = arith.constant 0 : i32
      %dma_wait3A_319 = arith.constant 0 : i32
      %dma_wait3A_320 = tpu.memref_slice %arg4[%dma_wait3A_318, %dma_wait3A_319] : memref<10240x16xf32, #tpu.memory_space<vmem_shared>> -> memref<10240x16xf32, #tpu.memory_space<vmem_shared>>
      tpu.wait_indirect_dma semaphore(%arg8 : memref<!tpu.dma_semaphore, #tpu.memory_space<semaphore_mem>>) src(%arg6 : memref<80x16xf32, #tpu.memory_space<vmem>>) dst(%dma_wait3A_320 : memref<10240x16xf32, #tpu.memory_space<vmem_shared>>)
      %dma_wait3A_321 = tpu.memref_slice %arg5[%multiple_of3A_191] : memref<10000xi32, #tpu.memory_space<vmem>> -> memref<80xi32, #tpu.memory_space<vmem>>
      %dma_wait3A_322 = arith.constant 0 : i32
      %dma_wait3A_323 = arith.constant 0 : i32
      %dma_wait3A_324 = tpu.memref_slice %arg4[%dma_wait3A_322, %dma_wait3A_323] : memref<10240x16xf32, #tpu.memory_space<vmem_shared>> -> memref<10240x16xf32, #tpu.memory_space<vmem_shared>>
      tpu.wait_indirect_dma semaphore(%arg8 : memref<!tpu.dma_semaphore, #tpu.memory_space<semaphore_mem>>) src(%arg6 : memref<80x16xf32, #tpu.memory_space<vmem>>) dst(%dma_wait3A_324 : memref<10240x16xf32, #tpu.memory_space<vmem_shared>>)
      %dma_wait3A_325 = tpu.memref_slice %arg5[%multiple_of3A_200] : memref<10000xi32, #tpu.memory_space<vmem>> -> memref<80xi32, #tpu.memory_space<vmem>>
      %dma_wait3A_326 = arith.constant 0 : i32
      %dma_wait3A_327 = arith.constant 0 : i32
      %dma_wait3A_328 = tpu.memref_slice %arg4[%dma_wait3A_326, %dma_wait3A_327] : memref<10240x16xf32, #tpu.memory_space<vmem_shared>> -> memref<10240x16xf32, #tpu.memory_space<vmem_shared>>
      tpu.wait_indirect_dma semaphore(%arg8 : memref<!tpu.dma_semaphore, #tpu.memory_space<semaphore_mem>>) src(%arg6 : memref<80x16xf32, #tpu.memory_space<vmem>>) dst(%dma_wait3A_328 : memref<10240x16xf32, #tpu.memory_space<vmem_shared>>)
      %dma_wait3A_329 = tpu.memref_slice %arg5[%multiple_of3A_209] : memref<10000xi32, #tpu.memory_space<vmem>> -> memref<80xi32, #tpu.memory_space<vmem>>
      %dma_wait3A_330 = arith.constant 0 : i32
      %dma_wait3A_331 = arith.constant 0 : i32
      %dma_wait3A_332 = tpu.memref_slice %arg4[%dma_wait3A_330, %dma_wait3A_331] : memref<10240x16xf32, #tpu.memory_space<vmem_shared>> -> memref<10240x16xf32, #tpu.memory_space<vmem_shared>>
      tpu.wait_indirect_dma semaphore(%arg8 : memref<!tpu.dma_semaphore, #tpu.memory_space<semaphore_mem>>) src(%arg6 : memref<80x16xf32, #tpu.memory_space<vmem>>) dst(%dma_wait3A_332 : memref<10240x16xf32, #tpu.memory_space<vmem_shared>>)
      %dma_wait3A_333 = tpu.memref_slice %arg5[%multiple_of3A_218] : memref<10000xi32, #tpu.memory_space<vmem>> -> memref<80xi32, #tpu.memory_space<vmem>>
      %dma_wait3A_334 = arith.constant 0 : i32
      %dma_wait3A_335 = arith.constant 0 : i32
      %dma_wait3A_336 = tpu.memref_slice %arg4[%dma_wait3A_334, %dma_wait3A_335] : memref<10240x16xf32, #tpu.memory_space<vmem_shared>> -> memref<10240x16xf32, #tpu.memory_space<vmem_shared>>
      tpu.wait_indirect_dma semaphore(%arg8 : memref<!tpu.dma_semaphore, #tpu.memory_space<semaphore_mem>>) src(%arg6 : memref<80x16xf32, #tpu.memory_space<vmem>>) dst(%dma_wait3A_336 : memref<10240x16xf32, #tpu.memory_space<vmem_shared>>)
      %dma_wait3A_337 = tpu.memref_slice %arg5[%multiple_of3A_227] : memref<10000xi32, #tpu.memory_space<vmem>> -> memref<80xi32, #tpu.memory_space<vmem>>
      %dma_wait3A_338 = arith.constant 0 : i32
      %dma_wait3A_339 = arith.constant 0 : i32
      %dma_wait3A_340 = tpu.memref_slice %arg4[%dma_wait3A_338, %dma_wait3A_339] : memref<10240x16xf32, #tpu.memory_space<vmem_shared>> -> memref<10240x16xf32, #tpu.memory_space<vmem_shared>>
      tpu.wait_indirect_dma semaphore(%arg8 : memref<!tpu.dma_semaphore, #tpu.memory_space<semaphore_mem>>) src(%arg6 : memref<80x16xf32, #tpu.memory_space<vmem>>) dst(%dma_wait3A_340 : memref<10240x16xf32, #tpu.memory_space<vmem_shared>>)
      %dma_wait3A_341 = tpu.memref_slice %arg5[%multiple_of3A_236] : memref<10000xi32, #tpu.memory_space<vmem>> -> memref<80xi32, #tpu.memory_space<vmem>>
      %dma_wait3A_342 = arith.constant 0 : i32
      %dma_wait3A_343 = arith.constant 0 : i32
      %dma_wait3A_344 = tpu.memref_slice %arg4[%dma_wait3A_342, %dma_wait3A_343] : memref<10240x16xf32, #tpu.memory_space<vmem_shared>> -> memref<10240x16xf32, #tpu.memory_space<vmem_shared>>
      tpu.wait_indirect_dma semaphore(%arg8 : memref<!tpu.dma_semaphore, #tpu.memory_space<semaphore_mem>>) src(%arg6 : memref<80x16xf32, #tpu.memory_space<vmem>>) dst(%dma_wait3A_344 : memref<10240x16xf32, #tpu.memory_space<vmem_shared>>)
      %dma_wait3A_345 = tpu.memref_slice %arg5[%multiple_of3A_245] : memref<10000xi32, #tpu.memory_space<vmem>> -> memref<80xi32, #tpu.memory_space<vmem>>
      %dma_wait3A_346 = arith.constant 0 : i32
      %dma_wait3A_347 = arith.constant 0 : i32
      %dma_wait3A_348 = tpu.memref_slice %arg4[%dma_wait3A_346, %dma_wait3A_347] : memref<10240x16xf32, #tpu.memory_space<vmem_shared>> -> memref<10240x16xf32, #tpu.memory_space<vmem_shared>>
      tpu.wait_indirect_dma semaphore(%arg8 : memref<!tpu.dma_semaphore, #tpu.memory_space<semaphore_mem>>) src(%arg6 : memref<80x16xf32, #tpu.memory_space<vmem>>) dst(%dma_wait3A_348 : memref<10240x16xf32, #tpu.memory_space<vmem_shared>>)
    }
    %scan3A_18 = arith.constant 5 : i32
    %barrier3A_19 = arith.constant 0 : index
    tpu.barrier barrier_id(%barrier3A_19)
    %mul3A_20 = arith.constant 640 : i32
    %mul3A_21 = arith.muli %arg1, %mul3A_20 : i32
    %mul3A_22 = arith.constant 640 : i32
    %mul3A_23 = arith.muli %arg1, %mul3A_22 : i32
    "tpu.region"() ({
      %run_scoped3A_24 = tpu.sem_alloc : memref<!tpu.dma_semaphore, #tpu.memory_space<semaphore_mem>>
      %dma_start3A = arith.constant 0 : i32
      %dma_start3A_25 = tpu.memref_slice %arg3[%arg0, %mul3A_23, %dma_start3A] : memref<2x10240x16xf32, #tpu.memory_space<hbm>> -> memref<1x640x16xf32, #tpu.memory_space<hbm>>
      %dma_start3A_26 = tpu.memref_squeeze %dma_start3A_25 : memref<1x640x16xf32, #tpu.memory_space<hbm>> -> memref<640x16xf32, #tpu.memory_space<hbm>>
      %dma_start3A_27 = arith.constant 0 : i32
      %dma_start3A_28 = tpu.memref_slice %arg4[%mul3A_21, %dma_start3A_27] : memref<10240x16xf32, #tpu.memory_space<vmem_shared>> -> memref<640x16xf32, #tpu.memory_space<vmem_shared>>
      tpu.enqueue_dma source(%dma_start3A_28 : memref<640x16xf32, #tpu.memory_space<vmem_shared>>) target(%dma_start3A_26 : memref<640x16xf32, #tpu.memory_space<hbm>>) target_semaphore(%run_scoped3A_24 : memref<!tpu.dma_semaphore, #tpu.memory_space<semaphore_mem>>)
      %dma_wait3A = arith.constant 0 : i32
      %dma_wait3A_29 = tpu.memref_slice %arg3[%arg0, %mul3A_23, %dma_wait3A] : memref<2x10240x16xf32, #tpu.memory_space<hbm>> -> memref<1x640x16xf32, #tpu.memory_space<hbm>>
      %dma_wait3A_30 = tpu.memref_squeeze %dma_wait3A_29 : memref<1x640x16xf32, #tpu.memory_space<hbm>> -> memref<640x16xf32, #tpu.memory_space<hbm>>
      %dma_wait3A_31 = arith.constant 0 : i32
      %dma_wait3A_32 = tpu.memref_slice %arg4[%mul3A_21, %dma_wait3A_31] : memref<10240x16xf32, #tpu.memory_space<vmem_shared>> -> memref<640x16xf32, #tpu.memory_space<vmem_shared>>
      tpu.wait_dma2 semaphore(%run_scoped3A_24 : memref<!tpu.dma_semaphore, #tpu.memory_space<semaphore_mem>>) src(%dma_wait3A_32 : memref<640x16xf32, #tpu.memory_space<vmem_shared>>) dst(%dma_wait3A_30 : memref<640x16xf32, #tpu.memory_space<hbm>>)
      tpu.yield
    }) : () -> ()
    return
  }
}

#map = affine_map<(d0, d1) -> (0, 0)>
#map1 = affine_map<(d0, d1) -> (0, 0, 0)>
module attributes {stable_mosaic.version = 14 : i64} {
  func.func @_seg_body(%arg0: i32, %arg1: i32, %arg2: memref<10000x64xf32, #tpu.memory_space<hbm>>, %arg3: memref<2x320000xi32, #tpu.memory_space<hbm>>, %arg4: memref<2x10240x64xf32, #tpu.memory_space<hbm>>, %arg5: memref<10240x64xf32, #tpu.memory_space<vmem_shared>>, %arg6: memref<10000xi32, #tpu.memory_space<vmem>>, %arg7: memref<10000xi32, #tpu.memory_space<vmem>>, %arg8: memref<40x64xf32, #tpu.memory_space<vmem>>, %arg9: memref<40x64xf32, #tpu.memory_space<vmem>>, %arg10: memref<40x64xf32, #tpu.memory_space<vmem>>, %arg11: memref<40x64xf32, #tpu.memory_space<vmem>>, %arg12: memref<40x64xf32, #tpu.memory_space<vmem>>, %arg13: memref<40x64xf32, #tpu.memory_space<vmem>>, %arg14: memref<40x64xf32, #tpu.memory_space<vmem>>, %arg15: memref<40x64xf32, #tpu.memory_space<vmem>>, %arg16: memref<!tpu.dma_semaphore, #tpu.memory_space<semaphore_mem>>, %arg17: memref<!tpu.dma_semaphore, #tpu.memory_space<semaphore_mem>>, %arg18: memref<!tpu.dma_semaphore, #tpu.memory_space<semaphore_mem>>, %arg19: memref<!tpu.dma_semaphore, #tpu.memory_space<semaphore_mem>>, %arg20: memref<!tpu.dma_semaphore, #tpu.memory_space<semaphore_mem>>, %arg21: memref<!tpu.dma_semaphore, #tpu.memory_space<semaphore_mem>>, %arg22: memref<!tpu.dma_semaphore, #tpu.memory_space<semaphore_mem>>, %arg23: memref<!tpu.dma_semaphore, #tpu.memory_space<semaphore_mem>>, %arg24: memref<!tpu.dma_semaphore, #tpu.memory_space<semaphore_mem>>, %arg25: memref<!tpu.dma_semaphore, #tpu.memory_space<semaphore_mem>>, %arg26: memref<!tpu.dma_semaphore, #tpu.memory_space<semaphore_mem>>, %arg27: memref<!tpu.dma_semaphore, #tpu.memory_space<semaphore_mem>>, %arg28: memref<!tpu.dma_semaphore, #tpu.memory_space<semaphore_mem>>, %arg29: memref<!tpu.dma_semaphore, #tpu.memory_space<semaphore_mem>>, %arg30: memref<!tpu.dma_semaphore, #tpu.memory_space<semaphore_mem>>, %arg31: memref<!tpu.dma_semaphore, #tpu.memory_space<semaphore_mem>>) attributes {dimension_semantics = [#tpu.dimension_semantics<core_parallel>, #tpu.dimension_semantics<subcore_parallel>], iteration_bounds = array<i64: 2, 16>, scalar_prefetch = 0 : i64, scratch_operands = 27 : i64, tpu.core_type = #tpu.core_type<sc_vector_subcore>, window_params = [{transform_indices = #map}, {transform_indices = #map}, {transform_indices = #map1}]} {
    %mul3A = arith.constant 16 : i32
    %mul3A_0 = arith.muli %arg0, %mul3A : i32
    %add3A = arith.addi %mul3A_0, %arg1 : i32
    %scan3A = arith.constant 0 : i32
    %scan3A_1 = arith.constant 160 : i32
    %scan3A_2 = arith.addi %scan3A, %scan3A_1 : i32
    %scan3A_3 = arith.constant 1 : i32
    scf.for %scan3A_353 = %scan3A to %scan3A_2 step %scan3A_3  : i32 {
      %jit3A = arith.constant 4 : i32
      %div3A = arith.divsi %scan3A_353, %jit3A : i32
      %sign3A = arith.constant 0 : i32
      %sign3A_354 = arith.cmpi sgt, %scan3A_353, %sign3A : i32
      %sign3A_355 = arith.extui %sign3A_354 : i1 to i32
      %sign3A_356 = arith.constant 0 : i32
      %sign3A_357 = arith.cmpi slt, %scan3A_353, %sign3A_356 : i32
      %sign3A_358 = arith.extui %sign3A_357 : i1 to i32
      %sign3A_359 = arith.subi %sign3A_355, %sign3A_358 : i32
      %sign3A_360 = arith.constant 0 : i32
      %sign3A_361 = arith.cmpi sgt, %jit3A, %sign3A_360 : i32
      %sign3A_362 = arith.extui %sign3A_361 : i1 to i32
      %sign3A_363 = arith.constant 0 : i32
      %sign3A_364 = arith.cmpi slt, %jit3A, %sign3A_363 : i32
      %sign3A_365 = arith.extui %sign3A_364 : i1 to i32
      %sign3A_366 = arith.subi %sign3A_362, %sign3A_365 : i32
      %ne3A = arith.cmpi ne, %sign3A_359, %sign3A_366 : i32
      %rem3A = arith.remsi %scan3A_353, %jit3A : i32
      %ne3A_367 = arith.constant 0 : i32
      %ne3A_368 = arith.cmpi ne, %rem3A, %ne3A_367 : i32
      %and3A = arith.andi %ne3A, %ne3A_368 : i1
      %sub3A = arith.constant 1 : i32
      %sub3A_369 = arith.subi %div3A, %sub3A : i32
      %select_n3A = arith.select %and3A, %sub3A_369, %div3A : i32
      %jit3A_370 = arith.constant 4 : i32
      %eq3A = arith.constant 0 : i32
      %eq3A_371 = arith.cmpi eq, %jit3A_370, %eq3A : i32
      %jit3A_372 = arith.constant 1 : i32
      %select_n3A_373 = arith.select %eq3A_371, %jit3A_372, %jit3A_370 : i32
      %rem3A_374 = arith.remsi %scan3A_353, %select_n3A_373 : i32
      %ne3A_375 = arith.constant 0 : i32
      %ne3A_376 = arith.cmpi ne, %rem3A_374, %ne3A_375 : i32
      %lt3A = arith.constant 0 : i32
      %lt3A_377 = arith.cmpi slt, %rem3A_374, %lt3A : i32
      %lt3A_378 = arith.constant 0 : i32
      %lt3A_379 = arith.cmpi slt, %select_n3A_373, %lt3A_378 : i32
      %ne3A_380 = arith.xori %lt3A_377, %lt3A_379 : i1
      %and3A_381 = arith.andi %ne3A_380, %ne3A_376 : i1
      %add3A_382 = arith.addi %rem3A_374, %select_n3A_373 : i32
      %select_n3A_383 = arith.select %and3A_381, %add3A_382, %rem3A_374 : i32
      %mul3A_384 = arith.constant 16 : i32
      %mul3A_385 = arith.muli %select_n3A_383, %mul3A_384 : i32
      %broadcast_in_dim3A = arith.constant 0.000000e+00 : f32
      %broadcast_in_dim3A_386 = vector.broadcast %broadcast_in_dim3A : f32 to vector<16xf32>
      %swap3A = arith.index_cast %select_n3A : i32 to index
      %swap3A_387 = arith.index_cast %mul3A_385 : i32 to index
      %swap3A_388 = tpu.vector_load %arg8[%swap3A, %swap3A_387] {strides = array<i32>} : memref<40x64xf32, #tpu.memory_space<vmem>>, vector<1x16xf32>,
      %swap3A_389 = vector.shape_cast %swap3A_388 : vector<1x16xf32> to vector<16xf32>
      %swap3A_390 = vector.shape_cast %broadcast_in_dim3A_386 : vector<16xf32> to vector<1x16xf32>
      tpu.vector_store %arg8[%swap3A, %swap3A_387], %swap3A_390 {strides = array<i32>} : memref<40x64xf32, #tpu.memory_space<vmem>>, vector<1x16xf32>,
    }
    %scan3A_4 = arith.constant 160 : i32
    %mul3A_5 = arith.constant 640 : i32
    %mul3A_6 = arith.muli %arg1, %mul3A_5 : i32
    %add3A_7 = arith.constant 0 : i32
    %add3A_8 = arith.addi %mul3A_6, %add3A_7 : i32
    %dma_start3A = arith.constant 0 : i32
    %dma_start3A_9 = tpu.memref_slice %arg5[%add3A_8, %dma_start3A] : memref<10240x64xf32, #tpu.memory_space<vmem_shared>> -> memref<40x64xf32, #tpu.memory_space<vmem_shared>>
    %dma_start3A_10 = arith.constant 0 : i32
    %dma_start3A_11 = tpu.memref_slice %arg5[%add3A_8, %dma_start3A_10] : memref<10240x64xf32, #tpu.memory_space<vmem_shared>> -> memref<40x64xf32, #tpu.memory_space<vmem_shared>>
    tpu.enqueue_dma source(%arg8 : memref<40x64xf32, #tpu.memory_space<vmem>>) target(%dma_start3A_11 : memref<40x64xf32, #tpu.memory_space<vmem_shared>>) target_semaphore(%arg16 : memref<!tpu.dma_semaphore, #tpu.memory_space<semaphore_mem>>)
    %mul3A_12 = arith.constant 640 : i32
    %mul3A_13 = arith.muli %arg1, %mul3A_12 : i32
    %add3A_14 = arith.constant 40 : i32
    %add3A_15 = arith.addi %mul3A_13, %add3A_14 : i32
    %dma_start3A_16 = arith.constant 0 : i32
    %dma_start3A_17 = tpu.memref_slice %arg5[%add3A_15, %dma_start3A_16] : memref<10240x64xf32, #tpu.memory_space<vmem_shared>> -> memref<40x64xf32, #tpu.memory_space<vmem_shared>>
    %dma_start3A_18 = arith.constant 0 : i32
    %dma_start3A_19 = tpu.memref_slice %arg5[%add3A_15, %dma_start3A_18] : memref<10240x64xf32, #tpu.memory_space<vmem_shared>> -> memref<40x64xf32, #tpu.memory_space<vmem_shared>>
    tpu.enqueue_dma source(%arg8 : memref<40x64xf32, #tpu.memory_space<vmem>>) target(%dma_start3A_19 : memref<40x64xf32, #tpu.memory_space<vmem_shared>>) target_semaphore(%arg16 : memref<!tpu.dma_semaphore, #tpu.memory_space<semaphore_mem>>)
    %mul3A_20 = arith.constant 640 : i32
    %mul3A_21 = arith.muli %arg1, %mul3A_20 : i32
    %add3A_22 = arith.constant 80 : i32
    %add3A_23 = arith.addi %mul3A_21, %add3A_22 : i32
    %dma_start3A_24 = arith.constant 0 : i32
    %dma_start3A_25 = tpu.memref_slice %arg5[%add3A_23, %dma_start3A_24] : memref<10240x64xf32, #tpu.memory_space<vmem_shared>> -> memref<40x64xf32, #tpu.memory_space<vmem_shared>>
    %dma_start3A_26 = arith.constant 0 : i32
    %dma_start3A_27 = tpu.memref_slice %arg5[%add3A_23, %dma_start3A_26] : memref<10240x64xf32, #tpu.memory_space<vmem_shared>> -> memref<40x64xf32, #tpu.memory_space<vmem_shared>>
    tpu.enqueue_dma source(%arg8 : memref<40x64xf32, #tpu.memory_space<vmem>>) target(%dma_start3A_27 : memref<40x64xf32, #tpu.memory_space<vmem_shared>>) target_semaphore(%arg16 : memref<!tpu.dma_semaphore, #tpu.memory_space<semaphore_mem>>)
    %mul3A_28 = arith.constant 640 : i32
    %mul3A_29 = arith.muli %arg1, %mul3A_28 : i32
    %add3A_30 = arith.constant 120 : i32
    %add3A_31 = arith.addi %mul3A_29, %add3A_30 : i32
    %dma_start3A_32 = arith.constant 0 : i32
    %dma_start3A_33 = tpu.memref_slice %arg5[%add3A_31, %dma_start3A_32] : memref<10240x64xf32, #tpu.memory_space<vmem_shared>> -> memref<40x64xf32, #tpu.memory_space<vmem_shared>>
    %dma_start3A_34 = arith.constant 0 : i32
    %dma_start3A_35 = tpu.memref_slice %arg5[%add3A_31, %dma_start3A_34] : memref<10240x64xf32, #tpu.memory_space<vmem_shared>> -> memref<40x64xf32, #tpu.memory_space<vmem_shared>>
    tpu.enqueue_dma source(%arg8 : memref<40x64xf32, #tpu.memory_space<vmem>>) target(%dma_start3A_35 : memref<40x64xf32, #tpu.memory_space<vmem_shared>>) target_semaphore(%arg16 : memref<!tpu.dma_semaphore, #tpu.memory_space<semaphore_mem>>)
    %mul3A_36 = arith.constant 640 : i32
    %mul3A_37 = arith.muli %arg1, %mul3A_36 : i32
    %add3A_38 = arith.constant 160 : i32
    %add3A_39 = arith.addi %mul3A_37, %add3A_38 : i32
    %dma_start3A_40 = arith.constant 0 : i32
    %dma_start3A_41 = tpu.memref_slice %arg5[%add3A_39, %dma_start3A_40] : memref<10240x64xf32, #tpu.memory_space<vmem_shared>> -> memref<40x64xf32, #tpu.memory_space<vmem_shared>>
    %dma_start3A_42 = arith.constant 0 : i32
    %dma_start3A_43 = tpu.memref_slice %arg5[%add3A_39, %dma_start3A_42] : memref<10240x64xf32, #tpu.memory_space<vmem_shared>> -> memref<40x64xf32, #tpu.memory_space<vmem_shared>>
    tpu.enqueue_dma source(%arg8 : memref<40x64xf32, #tpu.memory_space<vmem>>) target(%dma_start3A_43 : memref<40x64xf32, #tpu.memory_space<vmem_shared>>) target_semaphore(%arg16 : memref<!tpu.dma_semaphore, #tpu.memory_space<semaphore_mem>>)
    %mul3A_44 = arith.constant 640 : i32
    %mul3A_45 = arith.muli %arg1, %mul3A_44 : i32
    %add3A_46 = arith.constant 200 : i32
    %add3A_47 = arith.addi %mul3A_45, %add3A_46 : i32
    %dma_start3A_48 = arith.constant 0 : i32
    %dma_start3A_49 = tpu.memref_slice %arg5[%add3A_47, %dma_start3A_48] : memref<10240x64xf32, #tpu.memory_space<vmem_shared>> -> memref<40x64xf32, #tpu.memory_space<vmem_shared>>
    %dma_start3A_50 = arith.constant 0 : i32
    %dma_start3A_51 = tpu.memref_slice %arg5[%add3A_47, %dma_start3A_50] : memref<10240x64xf32, #tpu.memory_space<vmem_shared>> -> memref<40x64xf32, #tpu.memory_space<vmem_shared>>
    tpu.enqueue_dma source(%arg8 : memref<40x64xf32, #tpu.memory_space<vmem>>) target(%dma_start3A_51 : memref<40x64xf32, #tpu.memory_space<vmem_shared>>) target_semaphore(%arg16 : memref<!tpu.dma_semaphore, #tpu.memory_space<semaphore_mem>>)
    %mul3A_52 = arith.constant 640 : i32
    %mul3A_53 = arith.muli %arg1, %mul3A_52 : i32
    %add3A_54 = arith.constant 240 : i32
    %add3A_55 = arith.addi %mul3A_53, %add3A_54 : i32
    %dma_start3A_56 = arith.constant 0 : i32
    %dma_start3A_57 = tpu.memref_slice %arg5[%add3A_55, %dma_start3A_56] : memref<10240x64xf32, #tpu.memory_space<vmem_shared>> -> memref<40x64xf32, #tpu.memory_space<vmem_shared>>
    %dma_start3A_58 = arith.constant 0 : i32
    %dma_start3A_59 = tpu.memref_slice %arg5[%add3A_55, %dma_start3A_58] : memref<10240x64xf32, #tpu.memory_space<vmem_shared>> -> memref<40x64xf32, #tpu.memory_space<vmem_shared>>
    tpu.enqueue_dma source(%arg8 : memref<40x64xf32, #tpu.memory_space<vmem>>) target(%dma_start3A_59 : memref<40x64xf32, #tpu.memory_space<vmem_shared>>) target_semaphore(%arg16 : memref<!tpu.dma_semaphore, #tpu.memory_space<semaphore_mem>>)
    %mul3A_60 = arith.constant 640 : i32
    %mul3A_61 = arith.muli %arg1, %mul3A_60 : i32
    %add3A_62 = arith.constant 280 : i32
    %add3A_63 = arith.addi %mul3A_61, %add3A_62 : i32
    %dma_start3A_64 = arith.constant 0 : i32
    %dma_start3A_65 = tpu.memref_slice %arg5[%add3A_63, %dma_start3A_64] : memref<10240x64xf32, #tpu.memory_space<vmem_shared>> -> memref<40x64xf32, #tpu.memory_space<vmem_shared>>
    %dma_start3A_66 = arith.constant 0 : i32
    %dma_start3A_67 = tpu.memref_slice %arg5[%add3A_63, %dma_start3A_66] : memref<10240x64xf32, #tpu.memory_space<vmem_shared>> -> memref<40x64xf32, #tpu.memory_space<vmem_shared>>
    tpu.enqueue_dma source(%arg8 : memref<40x64xf32, #tpu.memory_space<vmem>>) target(%dma_start3A_67 : memref<40x64xf32, #tpu.memory_space<vmem_shared>>) target_semaphore(%arg16 : memref<!tpu.dma_semaphore, #tpu.memory_space<semaphore_mem>>)
    %mul3A_68 = arith.constant 640 : i32
    %mul3A_69 = arith.muli %arg1, %mul3A_68 : i32
    %add3A_70 = arith.constant 320 : i32
    %add3A_71 = arith.addi %mul3A_69, %add3A_70 : i32
    %dma_start3A_72 = arith.constant 0 : i32
    %dma_start3A_73 = tpu.memref_slice %arg5[%add3A_71, %dma_start3A_72] : memref<10240x64xf32, #tpu.memory_space<vmem_shared>> -> memref<40x64xf32, #tpu.memory_space<vmem_shared>>
    %dma_start3A_74 = arith.constant 0 : i32
    %dma_start3A_75 = tpu.memref_slice %arg5[%add3A_71, %dma_start3A_74] : memref<10240x64xf32, #tpu.memory_space<vmem_shared>> -> memref<40x64xf32, #tpu.memory_space<vmem_shared>>
    tpu.enqueue_dma source(%arg8 : memref<40x64xf32, #tpu.memory_space<vmem>>) target(%dma_start3A_75 : memref<40x64xf32, #tpu.memory_space<vmem_shared>>) target_semaphore(%arg16 : memref<!tpu.dma_semaphore, #tpu.memory_space<semaphore_mem>>)
    %mul3A_76 = arith.constant 640 : i32
    %mul3A_77 = arith.muli %arg1, %mul3A_76 : i32
    %add3A_78 = arith.constant 360 : i32
    %add3A_79 = arith.addi %mul3A_77, %add3A_78 : i32
    %dma_start3A_80 = arith.constant 0 : i32
    %dma_start3A_81 = tpu.memref_slice %arg5[%add3A_79, %dma_start3A_80] : memref<10240x64xf32, #tpu.memory_space<vmem_shared>> -> memref<40x64xf32, #tpu.memory_space<vmem_shared>>
    %dma_start3A_82 = arith.constant 0 : i32
    %dma_start3A_83 = tpu.memref_slice %arg5[%add3A_79, %dma_start3A_82] : memref<10240x64xf32, #tpu.memory_space<vmem_shared>> -> memref<40x64xf32, #tpu.memory_space<vmem_shared>>
    tpu.enqueue_dma source(%arg8 : memref<40x64xf32, #tpu.memory_space<vmem>>) target(%dma_start3A_83 : memref<40x64xf32, #tpu.memory_space<vmem_shared>>) target_semaphore(%arg16 : memref<!tpu.dma_semaphore, #tpu.memory_space<semaphore_mem>>)
    %mul3A_84 = arith.constant 640 : i32
    %mul3A_85 = arith.muli %arg1, %mul3A_84 : i32
    %add3A_86 = arith.constant 400 : i32
    %add3A_87 = arith.addi %mul3A_85, %add3A_86 : i32
    %dma_start3A_88 = arith.constant 0 : i32
    %dma_start3A_89 = tpu.memref_slice %arg5[%add3A_87, %dma_start3A_88] : memref<10240x64xf32, #tpu.memory_space<vmem_shared>> -> memref<40x64xf32, #tpu.memory_space<vmem_shared>>
    %dma_start3A_90 = arith.constant 0 : i32
    %dma_start3A_91 = tpu.memref_slice %arg5[%add3A_87, %dma_start3A_90] : memref<10240x64xf32, #tpu.memory_space<vmem_shared>> -> memref<40x64xf32, #tpu.memory_space<vmem_shared>>
    tpu.enqueue_dma source(%arg8 : memref<40x64xf32, #tpu.memory_space<vmem>>) target(%dma_start3A_91 : memref<40x64xf32, #tpu.memory_space<vmem_shared>>) target_semaphore(%arg16 : memref<!tpu.dma_semaphore, #tpu.memory_space<semaphore_mem>>)
    %mul3A_92 = arith.constant 640 : i32
    %mul3A_93 = arith.muli %arg1, %mul3A_92 : i32
    %add3A_94 = arith.constant 440 : i32
    %add3A_95 = arith.addi %mul3A_93, %add3A_94 : i32
    %dma_start3A_96 = arith.constant 0 : i32
    %dma_start3A_97 = tpu.memref_slice %arg5[%add3A_95, %dma_start3A_96] : memref<10240x64xf32, #tpu.memory_space<vmem_shared>> -> memref<40x64xf32, #tpu.memory_space<vmem_shared>>
    %dma_start3A_98 = arith.constant 0 : i32
    %dma_start3A_99 = tpu.memref_slice %arg5[%add3A_95, %dma_start3A_98] : memref<10240x64xf32, #tpu.memory_space<vmem_shared>> -> memref<40x64xf32, #tpu.memory_space<vmem_shared>>
    tpu.enqueue_dma source(%arg8 : memref<40x64xf32, #tpu.memory_space<vmem>>) target(%dma_start3A_99 : memref<40x64xf32, #tpu.memory_space<vmem_shared>>) target_semaphore(%arg16 : memref<!tpu.dma_semaphore, #tpu.memory_space<semaphore_mem>>)
    %mul3A_100 = arith.constant 640 : i32
    %mul3A_101 = arith.muli %arg1, %mul3A_100 : i32
    %add3A_102 = arith.constant 480 : i32
    %add3A_103 = arith.addi %mul3A_101, %add3A_102 : i32
    %dma_start3A_104 = arith.constant 0 : i32
    %dma_start3A_105 = tpu.memref_slice %arg5[%add3A_103, %dma_start3A_104] : memref<10240x64xf32, #tpu.memory_space<vmem_shared>> -> memref<40x64xf32, #tpu.memory_space<vmem_shared>>
    %dma_start3A_106 = arith.constant 0 : i32
    %dma_start3A_107 = tpu.memref_slice %arg5[%add3A_103, %dma_start3A_106] : memref<10240x64xf32, #tpu.memory_space<vmem_shared>> -> memref<40x64xf32, #tpu.memory_space<vmem_shared>>
    tpu.enqueue_dma source(%arg8 : memref<40x64xf32, #tpu.memory_space<vmem>>) target(%dma_start3A_107 : memref<40x64xf32, #tpu.memory_space<vmem_shared>>) target_semaphore(%arg16 : memref<!tpu.dma_semaphore, #tpu.memory_space<semaphore_mem>>)
    %mul3A_108 = arith.constant 640 : i32
    %mul3A_109 = arith.muli %arg1, %mul3A_108 : i32
    %add3A_110 = arith.constant 520 : i32
    %add3A_111 = arith.addi %mul3A_109, %add3A_110 : i32
    %dma_start3A_112 = arith.constant 0 : i32
    %dma_start3A_113 = tpu.memref_slice %arg5[%add3A_111, %dma_start3A_112] : memref<10240x64xf32, #tpu.memory_space<vmem_shared>> -> memref<40x64xf32, #tpu.memory_space<vmem_shared>>
    %dma_start3A_114 = arith.constant 0 : i32
    %dma_start3A_115 = tpu.memref_slice %arg5[%add3A_111, %dma_start3A_114] : memref<10240x64xf32, #tpu.memory_space<vmem_shared>> -> memref<40x64xf32, #tpu.memory_space<vmem_shared>>
    tpu.enqueue_dma source(%arg8 : memref<40x64xf32, #tpu.memory_space<vmem>>) target(%dma_start3A_115 : memref<40x64xf32, #tpu.memory_space<vmem_shared>>) target_semaphore(%arg16 : memref<!tpu.dma_semaphore, #tpu.memory_space<semaphore_mem>>)
    %mul3A_116 = arith.constant 640 : i32
    %mul3A_117 = arith.muli %arg1, %mul3A_116 : i32
    %add3A_118 = arith.constant 560 : i32
    %add3A_119 = arith.addi %mul3A_117, %add3A_118 : i32
    %dma_start3A_120 = arith.constant 0 : i32
    %dma_start3A_121 = tpu.memref_slice %arg5[%add3A_119, %dma_start3A_120] : memref<10240x64xf32, #tpu.memory_space<vmem_shared>> -> memref<40x64xf32, #tpu.memory_space<vmem_shared>>
    %dma_start3A_122 = arith.constant 0 : i32
    %dma_start3A_123 = tpu.memref_slice %arg5[%add3A_119, %dma_start3A_122] : memref<10240x64xf32, #tpu.memory_space<vmem_shared>> -> memref<40x64xf32, #tpu.memory_space<vmem_shared>>
    tpu.enqueue_dma source(%arg8 : memref<40x64xf32, #tpu.memory_space<vmem>>) target(%dma_start3A_123 : memref<40x64xf32, #tpu.memory_space<vmem_shared>>) target_semaphore(%arg16 : memref<!tpu.dma_semaphore, #tpu.memory_space<semaphore_mem>>)
    %mul3A_124 = arith.constant 640 : i32
    %mul3A_125 = arith.muli %arg1, %mul3A_124 : i32
    %add3A_126 = arith.constant 600 : i32
    %add3A_127 = arith.addi %mul3A_125, %add3A_126 : i32
    %dma_start3A_128 = arith.constant 0 : i32
    %dma_start3A_129 = tpu.memref_slice %arg5[%add3A_127, %dma_start3A_128] : memref<10240x64xf32, #tpu.memory_space<vmem_shared>> -> memref<40x64xf32, #tpu.memory_space<vmem_shared>>
    %dma_start3A_130 = arith.constant 0 : i32
    %dma_start3A_131 = tpu.memref_slice %arg5[%add3A_127, %dma_start3A_130] : memref<10240x64xf32, #tpu.memory_space<vmem_shared>> -> memref<40x64xf32, #tpu.memory_space<vmem_shared>>
    tpu.enqueue_dma source(%arg8 : memref<40x64xf32, #tpu.memory_space<vmem>>) target(%dma_start3A_131 : memref<40x64xf32, #tpu.memory_space<vmem_shared>>) target_semaphore(%arg16 : memref<!tpu.dma_semaphore, #tpu.memory_space<semaphore_mem>>)
    %dma_wait3A = arith.constant 0 : i32
    %dma_wait3A_132 = tpu.memref_slice %arg5[%add3A_8, %dma_wait3A] : memref<10240x64xf32, #tpu.memory_space<vmem_shared>> -> memref<40x64xf32, #tpu.memory_space<vmem_shared>>
    %dma_wait3A_133 = arith.constant 0 : i32
    %dma_wait3A_134 = tpu.memref_slice %arg5[%add3A_8, %dma_wait3A_133] : memref<10240x64xf32, #tpu.memory_space<vmem_shared>> -> memref<40x64xf32, #tpu.memory_space<vmem_shared>>
    tpu.wait_dma2 semaphore(%arg16 : memref<!tpu.dma_semaphore, #tpu.memory_space<semaphore_mem>>) src(%arg8 : memref<40x64xf32, #tpu.memory_space<vmem>>) dst(%dma_wait3A_134 : memref<40x64xf32, #tpu.memory_space<vmem_shared>>)
    %dma_wait3A_135 = arith.constant 0 : i32
    %dma_wait3A_136 = tpu.memref_slice %arg5[%add3A_15, %dma_wait3A_135] : memref<10240x64xf32, #tpu.memory_space<vmem_shared>> -> memref<40x64xf32, #tpu.memory_space<vmem_shared>>
    %dma_wait3A_137 = arith.constant 0 : i32
    %dma_wait3A_138 = tpu.memref_slice %arg5[%add3A_15, %dma_wait3A_137] : memref<10240x64xf32, #tpu.memory_space<vmem_shared>> -> memref<40x64xf32, #tpu.memory_space<vmem_shared>>
    tpu.wait_dma2 semaphore(%arg16 : memref<!tpu.dma_semaphore, #tpu.memory_space<semaphore_mem>>) src(%arg8 : memref<40x64xf32, #tpu.memory_space<vmem>>) dst(%dma_wait3A_138 : memref<40x64xf32, #tpu.memory_space<vmem_shared>>)
    %dma_wait3A_139 = arith.constant 0 : i32
    %dma_wait3A_140 = tpu.memref_slice %arg5[%add3A_23, %dma_wait3A_139] : memref<10240x64xf32, #tpu.memory_space<vmem_shared>> -> memref<40x64xf32, #tpu.memory_space<vmem_shared>>
    %dma_wait3A_141 = arith.constant 0 : i32
    %dma_wait3A_142 = tpu.memref_slice %arg5[%add3A_23, %dma_wait3A_141] : memref<10240x64xf32, #tpu.memory_space<vmem_shared>> -> memref<40x64xf32, #tpu.memory_space<vmem_shared>>
    tpu.wait_dma2 semaphore(%arg16 : memref<!tpu.dma_semaphore, #tpu.memory_space<semaphore_mem>>) src(%arg8 : memref<40x64xf32, #tpu.memory_space<vmem>>) dst(%dma_wait3A_142 : memref<40x64xf32, #tpu.memory_space<vmem_shared>>)
    %dma_wait3A_143 = arith.constant 0 : i32
    %dma_wait3A_144 = tpu.memref_slice %arg5[%add3A_31, %dma_wait3A_143] : memref<10240x64xf32, #tpu.memory_space<vmem_shared>> -> memref<40x64xf32, #tpu.memory_space<vmem_shared>>
    %dma_wait3A_145 = arith.constant 0 : i32
    %dma_wait3A_146 = tpu.memref_slice %arg5[%add3A_31, %dma_wait3A_145] : memref<10240x64xf32, #tpu.memory_space<vmem_shared>> -> memref<40x64xf32, #tpu.memory_space<vmem_shared>>
    tpu.wait_dma2 semaphore(%arg16 : memref<!tpu.dma_semaphore, #tpu.memory_space<semaphore_mem>>) src(%arg8 : memref<40x64xf32, #tpu.memory_space<vmem>>) dst(%dma_wait3A_146 : memref<40x64xf32, #tpu.memory_space<vmem_shared>>)
    %dma_wait3A_147 = arith.constant 0 : i32
    %dma_wait3A_148 = tpu.memref_slice %arg5[%add3A_39, %dma_wait3A_147] : memref<10240x64xf32, #tpu.memory_space<vmem_shared>> -> memref<40x64xf32, #tpu.memory_space<vmem_shared>>
    %dma_wait3A_149 = arith.constant 0 : i32
    %dma_wait3A_150 = tpu.memref_slice %arg5[%add3A_39, %dma_wait3A_149] : memref<10240x64xf32, #tpu.memory_space<vmem_shared>> -> memref<40x64xf32, #tpu.memory_space<vmem_shared>>
    tpu.wait_dma2 semaphore(%arg16 : memref<!tpu.dma_semaphore, #tpu.memory_space<semaphore_mem>>) src(%arg8 : memref<40x64xf32, #tpu.memory_space<vmem>>) dst(%dma_wait3A_150 : memref<40x64xf32, #tpu.memory_space<vmem_shared>>)
    %dma_wait3A_151 = arith.constant 0 : i32
    %dma_wait3A_152 = tpu.memref_slice %arg5[%add3A_47, %dma_wait3A_151] : memref<10240x64xf32, #tpu.memory_space<vmem_shared>> -> memref<40x64xf32, #tpu.memory_space<vmem_shared>>
    %dma_wait3A_153 = arith.constant 0 : i32
    %dma_wait3A_154 = tpu.memref_slice %arg5[%add3A_47, %dma_wait3A_153] : memref<10240x64xf32, #tpu.memory_space<vmem_shared>> -> memref<40x64xf32, #tpu.memory_space<vmem_shared>>
    tpu.wait_dma2 semaphore(%arg16 : memref<!tpu.dma_semaphore, #tpu.memory_space<semaphore_mem>>) src(%arg8 : memref<40x64xf32, #tpu.memory_space<vmem>>) dst(%dma_wait3A_154 : memref<40x64xf32, #tpu.memory_space<vmem_shared>>)
    %dma_wait3A_155 = arith.constant 0 : i32
    %dma_wait3A_156 = tpu.memref_slice %arg5[%add3A_55, %dma_wait3A_155] : memref<10240x64xf32, #tpu.memory_space<vmem_shared>> -> memref<40x64xf32, #tpu.memory_space<vmem_shared>>
    %dma_wait3A_157 = arith.constant 0 : i32
    %dma_wait3A_158 = tpu.memref_slice %arg5[%add3A_55, %dma_wait3A_157] : memref<10240x64xf32, #tpu.memory_space<vmem_shared>> -> memref<40x64xf32, #tpu.memory_space<vmem_shared>>
    tpu.wait_dma2 semaphore(%arg16 : memref<!tpu.dma_semaphore, #tpu.memory_space<semaphore_mem>>) src(%arg8 : memref<40x64xf32, #tpu.memory_space<vmem>>) dst(%dma_wait3A_158 : memref<40x64xf32, #tpu.memory_space<vmem_shared>>)
    %dma_wait3A_159 = arith.constant 0 : i32
    %dma_wait3A_160 = tpu.memref_slice %arg5[%add3A_63, %dma_wait3A_159] : memref<10240x64xf32, #tpu.memory_space<vmem_shared>> -> memref<40x64xf32, #tpu.memory_space<vmem_shared>>
    %dma_wait3A_161 = arith.constant 0 : i32
    %dma_wait3A_162 = tpu.memref_slice %arg5[%add3A_63, %dma_wait3A_161] : memref<10240x64xf32, #tpu.memory_space<vmem_shared>> -> memref<40x64xf32, #tpu.memory_space<vmem_shared>>
    tpu.wait_dma2 semaphore(%arg16 : memref<!tpu.dma_semaphore, #tpu.memory_space<semaphore_mem>>) src(%arg8 : memref<40x64xf32, #tpu.memory_space<vmem>>) dst(%dma_wait3A_162 : memref<40x64xf32, #tpu.memory_space<vmem_shared>>)
    %dma_wait3A_163 = arith.constant 0 : i32
    %dma_wait3A_164 = tpu.memref_slice %arg5[%add3A_71, %dma_wait3A_163] : memref<10240x64xf32, #tpu.memory_space<vmem_shared>> -> memref<40x64xf32, #tpu.memory_space<vmem_shared>>
    %dma_wait3A_165 = arith.constant 0 : i32
    %dma_wait3A_166 = tpu.memref_slice %arg5[%add3A_71, %dma_wait3A_165] : memref<10240x64xf32, #tpu.memory_space<vmem_shared>> -> memref<40x64xf32, #tpu.memory_space<vmem_shared>>
    tpu.wait_dma2 semaphore(%arg16 : memref<!tpu.dma_semaphore, #tpu.memory_space<semaphore_mem>>) src(%arg8 : memref<40x64xf32, #tpu.memory_space<vmem>>) dst(%dma_wait3A_166 : memref<40x64xf32, #tpu.memory_space<vmem_shared>>)
    %dma_wait3A_167 = arith.constant 0 : i32
    %dma_wait3A_168 = tpu.memref_slice %arg5[%add3A_79, %dma_wait3A_167] : memref<10240x64xf32, #tpu.memory_space<vmem_shared>> -> memref<40x64xf32, #tpu.memory_space<vmem_shared>>
    %dma_wait3A_169 = arith.constant 0 : i32
    %dma_wait3A_170 = tpu.memref_slice %arg5[%add3A_79, %dma_wait3A_169] : memref<10240x64xf32, #tpu.memory_space<vmem_shared>> -> memref<40x64xf32, #tpu.memory_space<vmem_shared>>
    tpu.wait_dma2 semaphore(%arg16 : memref<!tpu.dma_semaphore, #tpu.memory_space<semaphore_mem>>) src(%arg8 : memref<40x64xf32, #tpu.memory_space<vmem>>) dst(%dma_wait3A_170 : memref<40x64xf32, #tpu.memory_space<vmem_shared>>)
    %dma_wait3A_171 = arith.constant 0 : i32
    %dma_wait3A_172 = tpu.memref_slice %arg5[%add3A_87, %dma_wait3A_171] : memref<10240x64xf32, #tpu.memory_space<vmem_shared>> -> memref<40x64xf32, #tpu.memory_space<vmem_shared>>
    %dma_wait3A_173 = arith.constant 0 : i32
    %dma_wait3A_174 = tpu.memref_slice %arg5[%add3A_87, %dma_wait3A_173] : memref<10240x64xf32, #tpu.memory_space<vmem_shared>> -> memref<40x64xf32, #tpu.memory_space<vmem_shared>>
    tpu.wait_dma2 semaphore(%arg16 : memref<!tpu.dma_semaphore, #tpu.memory_space<semaphore_mem>>) src(%arg8 : memref<40x64xf32, #tpu.memory_space<vmem>>) dst(%dma_wait3A_174 : memref<40x64xf32, #tpu.memory_space<vmem_shared>>)
    %dma_wait3A_175 = arith.constant 0 : i32
    %dma_wait3A_176 = tpu.memref_slice %arg5[%add3A_95, %dma_wait3A_175] : memref<10240x64xf32, #tpu.memory_space<vmem_shared>> -> memref<40x64xf32, #tpu.memory_space<vmem_shared>>
    %dma_wait3A_177 = arith.constant 0 : i32
    %dma_wait3A_178 = tpu.memref_slice %arg5[%add3A_95, %dma_wait3A_177] : memref<10240x64xf32, #tpu.memory_space<vmem_shared>> -> memref<40x64xf32, #tpu.memory_space<vmem_shared>>
    tpu.wait_dma2 semaphore(%arg16 : memref<!tpu.dma_semaphore, #tpu.memory_space<semaphore_mem>>) src(%arg8 : memref<40x64xf32, #tpu.memory_space<vmem>>) dst(%dma_wait3A_178 : memref<40x64xf32, #tpu.memory_space<vmem_shared>>)
    %dma_wait3A_179 = arith.constant 0 : i32
    %dma_wait3A_180 = tpu.memref_slice %arg5[%add3A_103, %dma_wait3A_179] : memref<10240x64xf32, #tpu.memory_space<vmem_shared>> -> memref<40x64xf32, #tpu.memory_space<vmem_shared>>
    %dma_wait3A_181 = arith.constant 0 : i32
    %dma_wait3A_182 = tpu.memref_slice %arg5[%add3A_103, %dma_wait3A_181] : memref<10240x64xf32, #tpu.memory_space<vmem_shared>> -> memref<40x64xf32, #tpu.memory_space<vmem_shared>>
    tpu.wait_dma2 semaphore(%arg16 : memref<!tpu.dma_semaphore, #tpu.memory_space<semaphore_mem>>) src(%arg8 : memref<40x64xf32, #tpu.memory_space<vmem>>) dst(%dma_wait3A_182 : memref<40x64xf32, #tpu.memory_space<vmem_shared>>)
    %dma_wait3A_183 = arith.constant 0 : i32
    %dma_wait3A_184 = tpu.memref_slice %arg5[%add3A_111, %dma_wait3A_183] : memref<10240x64xf32, #tpu.memory_space<vmem_shared>> -> memref<40x64xf32, #tpu.memory_space<vmem_shared>>
    %dma_wait3A_185 = arith.constant 0 : i32
    %dma_wait3A_186 = tpu.memref_slice %arg5[%add3A_111, %dma_wait3A_185] : memref<10240x64xf32, #tpu.memory_space<vmem_shared>> -> memref<40x64xf32, #tpu.memory_space<vmem_shared>>
    tpu.wait_dma2 semaphore(%arg16 : memref<!tpu.dma_semaphore, #tpu.memory_space<semaphore_mem>>) src(%arg8 : memref<40x64xf32, #tpu.memory_space<vmem>>) dst(%dma_wait3A_186 : memref<40x64xf32, #tpu.memory_space<vmem_shared>>)
    %dma_wait3A_187 = arith.constant 0 : i32
    %dma_wait3A_188 = tpu.memref_slice %arg5[%add3A_119, %dma_wait3A_187] : memref<10240x64xf32, #tpu.memory_space<vmem_shared>> -> memref<40x64xf32, #tpu.memory_space<vmem_shared>>
    %dma_wait3A_189 = arith.constant 0 : i32
    %dma_wait3A_190 = tpu.memref_slice %arg5[%add3A_119, %dma_wait3A_189] : memref<10240x64xf32, #tpu.memory_space<vmem_shared>> -> memref<40x64xf32, #tpu.memory_space<vmem_shared>>
    tpu.wait_dma2 semaphore(%arg16 : memref<!tpu.dma_semaphore, #tpu.memory_space<semaphore_mem>>) src(%arg8 : memref<40x64xf32, #tpu.memory_space<vmem>>) dst(%dma_wait3A_190 : memref<40x64xf32, #tpu.memory_space<vmem_shared>>)
    %dma_wait3A_191 = arith.constant 0 : i32
    %dma_wait3A_192 = tpu.memref_slice %arg5[%add3A_127, %dma_wait3A_191] : memref<10240x64xf32, #tpu.memory_space<vmem_shared>> -> memref<40x64xf32, #tpu.memory_space<vmem_shared>>
    %dma_wait3A_193 = arith.constant 0 : i32
    %dma_wait3A_194 = tpu.memref_slice %arg5[%add3A_127, %dma_wait3A_193] : memref<10240x64xf32, #tpu.memory_space<vmem_shared>> -> memref<40x64xf32, #tpu.memory_space<vmem_shared>>
    tpu.wait_dma2 semaphore(%arg16 : memref<!tpu.dma_semaphore, #tpu.memory_space<semaphore_mem>>) src(%arg8 : memref<40x64xf32, #tpu.memory_space<vmem>>) dst(%dma_wait3A_194 : memref<40x64xf32, #tpu.memory_space<vmem_shared>>)
    %barrier3A = arith.constant 0 : index
    tpu.barrier barrier_id(%barrier3A)
    %mul3A_195 = arith.constant 10000 : i32
    %mul3A_196 = arith.muli %add3A, %mul3A_195 : i32
    %run_scoped3A = arith.constant 0 : i32
    "tpu.region"() ({
      %run_scoped3A_353 = tpu.sem_alloc : memref<!tpu.dma_semaphore, #tpu.memory_space<semaphore_mem>>
      %dma_start3A_354 = tpu.memref_slice %arg3[%run_scoped3A, %mul3A_196] : memref<2x320000xi32, #tpu.memory_space<hbm>> -> memref<1x10000xi32, #tpu.memory_space<hbm>>
      %dma_start3A_355 = tpu.memref_squeeze %dma_start3A_354 : memref<1x10000xi32, #tpu.memory_space<hbm>> -> memref<10000xi32, #tpu.memory_space<hbm>>
      %dma_start3A_356 = tpu.memref_slice %arg3[%run_scoped3A, %mul3A_196] : memref<2x320000xi32, #tpu.memory_space<hbm>> -> memref<1x10000xi32, #tpu.memory_space<hbm>>
      %dma_start3A_357 = tpu.memref_squeeze %dma_start3A_356 : memref<1x10000xi32, #tpu.memory_space<hbm>> -> memref<10000xi32, #tpu.memory_space<hbm>>
      tpu.enqueue_dma source(%dma_start3A_357 : memref<10000xi32, #tpu.memory_space<hbm>>) target(%arg6 : memref<10000xi32, #tpu.memory_space<vmem>>) target_semaphore(%run_scoped3A_353 : memref<!tpu.dma_semaphore, #tpu.memory_space<semaphore_mem>>)
      %dma_wait3A_358 = tpu.memref_slice %arg3[%run_scoped3A, %mul3A_196] : memref<2x320000xi32, #tpu.memory_space<hbm>> -> memref<1x10000xi32, #tpu.memory_space<hbm>>
      %dma_wait3A_359 = tpu.memref_squeeze %dma_wait3A_358 : memref<1x10000xi32, #tpu.memory_space<hbm>> -> memref<10000xi32, #tpu.memory_space<hbm>>
      %dma_wait3A_360 = tpu.memref_slice %arg3[%run_scoped3A, %mul3A_196] : memref<2x320000xi32, #tpu.memory_space<hbm>> -> memref<1x10000xi32, #tpu.memory_space<hbm>>
      %dma_wait3A_361 = tpu.memref_squeeze %dma_wait3A_360 : memref<1x10000xi32, #tpu.memory_space<hbm>> -> memref<10000xi32, #tpu.memory_space<hbm>>
      tpu.wait_dma2 semaphore(%run_scoped3A_353 : memref<!tpu.dma_semaphore, #tpu.memory_space<semaphore_mem>>) src(%dma_wait3A_361 : memref<10000xi32, #tpu.memory_space<hbm>>) dst(%arg6 : memref<10000xi32, #tpu.memory_space<vmem>>)
      tpu.yield
    }) : () -> ()
    %mul3A_197 = arith.constant 10000 : i32
    %mul3A_198 = arith.muli %add3A, %mul3A_197 : i32
    %run_scoped3A_199 = arith.constant 1 : i32
    "tpu.region"() ({
      %run_scoped3A_353 = tpu.sem_alloc : memref<!tpu.dma_semaphore, #tpu.memory_space<semaphore_mem>>
      %dma_start3A_354 = tpu.memref_slice %arg3[%run_scoped3A_199, %mul3A_198] : memref<2x320000xi32, #tpu.memory_space<hbm>> -> memref<1x10000xi32, #tpu.memory_space<hbm>>
      %dma_start3A_355 = tpu.memref_squeeze %dma_start3A_354 : memref<1x10000xi32, #tpu.memory_space<hbm>> -> memref<10000xi32, #tpu.memory_space<hbm>>
      %dma_start3A_356 = tpu.memref_slice %arg3[%run_scoped3A_199, %mul3A_198] : memref<2x320000xi32, #tpu.memory_space<hbm>> -> memref<1x10000xi32, #tpu.memory_space<hbm>>
      %dma_start3A_357 = tpu.memref_squeeze %dma_start3A_356 : memref<1x10000xi32, #tpu.memory_space<hbm>> -> memref<10000xi32, #tpu.memory_space<hbm>>
      tpu.enqueue_dma source(%dma_start3A_357 : memref<10000xi32, #tpu.memory_space<hbm>>) target(%arg7 : memref<10000xi32, #tpu.memory_space<vmem>>) target_semaphore(%run_scoped3A_353 : memref<!tpu.dma_semaphore, #tpu.memory_space<semaphore_mem>>)
      %dma_wait3A_358 = tpu.memref_slice %arg3[%run_scoped3A_199, %mul3A_198] : memref<2x320000xi32, #tpu.memory_space<hbm>> -> memref<1x10000xi32, #tpu.memory_space<hbm>>
      %dma_wait3A_359 = tpu.memref_squeeze %dma_wait3A_358 : memref<1x10000xi32, #tpu.memory_space<hbm>> -> memref<10000xi32, #tpu.memory_space<hbm>>
      %dma_wait3A_360 = tpu.memref_slice %arg3[%run_scoped3A_199, %mul3A_198] : memref<2x320000xi32, #tpu.memory_space<hbm>> -> memref<1x10000xi32, #tpu.memory_space<hbm>>
      %dma_wait3A_361 = tpu.memref_squeeze %dma_wait3A_360 : memref<1x10000xi32, #tpu.memory_space<hbm>> -> memref<10000xi32, #tpu.memory_space<hbm>>
      tpu.wait_dma2 semaphore(%run_scoped3A_353 : memref<!tpu.dma_semaphore, #tpu.memory_space<semaphore_mem>>) src(%dma_wait3A_361 : memref<10000xi32, #tpu.memory_space<hbm>>) dst(%arg7 : memref<10000xi32, #tpu.memory_space<vmem>>)
      tpu.yield
    }) : () -> ()
    %multiple_of3A = arith.constant 0 : i32
    %multiple_of3A_200 = tpu.assume_multiple %multiple_of3A, 40 : i32
    %dma_start3A_201 = tpu.memref_slice %arg6[%multiple_of3A_200] : memref<10000xi32, #tpu.memory_space<vmem>> -> memref<40xi32, #tpu.memory_space<vmem>>
    %dma_start3A_202 = arith.constant 0 : i32
    %dma_start3A_203 = arith.constant 0 : i32
    %dma_start3A_204 = tpu.memref_slice %arg2[%dma_start3A_202, %dma_start3A_203] : memref<10000x64xf32, #tpu.memory_space<hbm>> -> memref<10000x64xf32, #tpu.memory_space<hbm>>
    tpu.enqueue_indirect_dma source(%dma_start3A_204 : memref<10000x64xf32, #tpu.memory_space<hbm>>) target(%arg8 : memref<40x64xf32, #tpu.memory_space<vmem>>) offsets(%dma_start3A_201 : memref<40xi32, #tpu.memory_space<vmem>>) semaphore(%arg16 : memref<!tpu.dma_semaphore, #tpu.memory_space<semaphore_mem>>)
    %multiple_of3A_205 = arith.constant 40 : i32
    %multiple_of3A_206 = tpu.assume_multiple %multiple_of3A_205, 40 : i32
    %dma_start3A_207 = tpu.memref_slice %arg6[%multiple_of3A_206] : memref<10000xi32, #tpu.memory_space<vmem>> -> memref<40xi32, #tpu.memory_space<vmem>>
    %dma_start3A_208 = arith.constant 0 : i32
    %dma_start3A_209 = arith.constant 0 : i32
    %dma_start3A_210 = tpu.memref_slice %arg2[%dma_start3A_208, %dma_start3A_209] : memref<10000x64xf32, #tpu.memory_space<hbm>> -> memref<10000x64xf32, #tpu.memory_space<hbm>>
    tpu.enqueue_indirect_dma source(%dma_start3A_210 : memref<10000x64xf32, #tpu.memory_space<hbm>>) target(%arg9 : memref<40x64xf32, #tpu.memory_space<vmem>>) offsets(%dma_start3A_207 : memref<40xi32, #tpu.memory_space<vmem>>) semaphore(%arg17 : memref<!tpu.dma_semaphore, #tpu.memory_space<semaphore_mem>>)
    %multiple_of3A_211 = arith.constant 80 : i32
    %multiple_of3A_212 = tpu.assume_multiple %multiple_of3A_211, 40 : i32
    %dma_start3A_213 = tpu.memref_slice %arg6[%multiple_of3A_212] : memref<10000xi32, #tpu.memory_space<vmem>> -> memref<40xi32, #tpu.memory_space<vmem>>
    %dma_start3A_214 = arith.constant 0 : i32
    %dma_start3A_215 = arith.constant 0 : i32
    %dma_start3A_216 = tpu.memref_slice %arg2[%dma_start3A_214, %dma_start3A_215] : memref<10000x64xf32, #tpu.memory_space<hbm>> -> memref<10000x64xf32, #tpu.memory_space<hbm>>
    tpu.enqueue_indirect_dma source(%dma_start3A_216 : memref<10000x64xf32, #tpu.memory_space<hbm>>) target(%arg10 : memref<40x64xf32, #tpu.memory_space<vmem>>) offsets(%dma_start3A_213 : memref<40xi32, #tpu.memory_space<vmem>>) semaphore(%arg18 : memref<!tpu.dma_semaphore, #tpu.memory_space<semaphore_mem>>)
    %multiple_of3A_217 = arith.constant 120 : i32
    %multiple_of3A_218 = tpu.assume_multiple %multiple_of3A_217, 40 : i32
    %dma_start3A_219 = tpu.memref_slice %arg6[%multiple_of3A_218] : memref<10000xi32, #tpu.memory_space<vmem>> -> memref<40xi32, #tpu.memory_space<vmem>>
    %dma_start3A_220 = arith.constant 0 : i32
    %dma_start3A_221 = arith.constant 0 : i32
    %dma_start3A_222 = tpu.memref_slice %arg2[%dma_start3A_220, %dma_start3A_221] : memref<10000x64xf32, #tpu.memory_space<hbm>> -> memref<10000x64xf32, #tpu.memory_space<hbm>>
    tpu.enqueue_indirect_dma source(%dma_start3A_222 : memref<10000x64xf32, #tpu.memory_space<hbm>>) target(%arg11 : memref<40x64xf32, #tpu.memory_space<vmem>>) offsets(%dma_start3A_219 : memref<40xi32, #tpu.memory_space<vmem>>) semaphore(%arg19 : memref<!tpu.dma_semaphore, #tpu.memory_space<semaphore_mem>>)
    %multiple_of3A_223 = arith.constant 160 : i32
    %multiple_of3A_224 = tpu.assume_multiple %multiple_of3A_223, 40 : i32
    %dma_start3A_225 = tpu.memref_slice %arg6[%multiple_of3A_224] : memref<10000xi32, #tpu.memory_space<vmem>> -> memref<40xi32, #tpu.memory_space<vmem>>
    %dma_start3A_226 = arith.constant 0 : i32
    %dma_start3A_227 = arith.constant 0 : i32
    %dma_start3A_228 = tpu.memref_slice %arg2[%dma_start3A_226, %dma_start3A_227] : memref<10000x64xf32, #tpu.memory_space<hbm>> -> memref<10000x64xf32, #tpu.memory_space<hbm>>
    tpu.enqueue_indirect_dma source(%dma_start3A_228 : memref<10000x64xf32, #tpu.memory_space<hbm>>) target(%arg12 : memref<40x64xf32, #tpu.memory_space<vmem>>) offsets(%dma_start3A_225 : memref<40xi32, #tpu.memory_space<vmem>>) semaphore(%arg20 : memref<!tpu.dma_semaphore, #tpu.memory_space<semaphore_mem>>)
    %multiple_of3A_229 = arith.constant 200 : i32
    %multiple_of3A_230 = tpu.assume_multiple %multiple_of3A_229, 40 : i32
    %dma_start3A_231 = tpu.memref_slice %arg6[%multiple_of3A_230] : memref<10000xi32, #tpu.memory_space<vmem>> -> memref<40xi32, #tpu.memory_space<vmem>>
    %dma_start3A_232 = arith.constant 0 : i32
    %dma_start3A_233 = arith.constant 0 : i32
    %dma_start3A_234 = tpu.memref_slice %arg2[%dma_start3A_232, %dma_start3A_233] : memref<10000x64xf32, #tpu.memory_space<hbm>> -> memref<10000x64xf32, #tpu.memory_space<hbm>>
    tpu.enqueue_indirect_dma source(%dma_start3A_234 : memref<10000x64xf32, #tpu.memory_space<hbm>>) target(%arg13 : memref<40x64xf32, #tpu.memory_space<vmem>>) offsets(%dma_start3A_231 : memref<40xi32, #tpu.memory_space<vmem>>) semaphore(%arg21 : memref<!tpu.dma_semaphore, #tpu.memory_space<semaphore_mem>>)
    %multiple_of3A_235 = arith.constant 240 : i32
    %multiple_of3A_236 = tpu.assume_multiple %multiple_of3A_235, 40 : i32
    %dma_start3A_237 = tpu.memref_slice %arg6[%multiple_of3A_236] : memref<10000xi32, #tpu.memory_space<vmem>> -> memref<40xi32, #tpu.memory_space<vmem>>
    %dma_start3A_238 = arith.constant 0 : i32
    %dma_start3A_239 = arith.constant 0 : i32
    %dma_start3A_240 = tpu.memref_slice %arg2[%dma_start3A_238, %dma_start3A_239] : memref<10000x64xf32, #tpu.memory_space<hbm>> -> memref<10000x64xf32, #tpu.memory_space<hbm>>
    tpu.enqueue_indirect_dma source(%dma_start3A_240 : memref<10000x64xf32, #tpu.memory_space<hbm>>) target(%arg14 : memref<40x64xf32, #tpu.memory_space<vmem>>) offsets(%dma_start3A_237 : memref<40xi32, #tpu.memory_space<vmem>>) semaphore(%arg22 : memref<!tpu.dma_semaphore, #tpu.memory_space<semaphore_mem>>)
    %multiple_of3A_241 = arith.constant 280 : i32
    %multiple_of3A_242 = tpu.assume_multiple %multiple_of3A_241, 40 : i32
    %dma_start3A_243 = tpu.memref_slice %arg6[%multiple_of3A_242] : memref<10000xi32, #tpu.memory_space<vmem>> -> memref<40xi32, #tpu.memory_space<vmem>>
    %dma_start3A_244 = arith.constant 0 : i32
    %dma_start3A_245 = arith.constant 0 : i32
    %dma_start3A_246 = tpu.memref_slice %arg2[%dma_start3A_244, %dma_start3A_245] : memref<10000x64xf32, #tpu.memory_space<hbm>> -> memref<10000x64xf32, #tpu.memory_space<hbm>>
    tpu.enqueue_indirect_dma source(%dma_start3A_246 : memref<10000x64xf32, #tpu.memory_space<hbm>>) target(%arg15 : memref<40x64xf32, #tpu.memory_space<vmem>>) offsets(%dma_start3A_243 : memref<40xi32, #tpu.memory_space<vmem>>) semaphore(%arg23 : memref<!tpu.dma_semaphore, #tpu.memory_space<semaphore_mem>>)
    %scan3A_247 = arith.constant 0 : i32
    %scan3A_248 = arith.constant 31 : i32
    %scan3A_249 = arith.addi %scan3A_247, %scan3A_248 : i32
    %scan3A_250 = arith.constant 1 : i32
    scf.for %scan3A_353 = %scan3A_247 to %scan3A_249 step %scan3A_250  : i32 {
      %mul3A_354 = arith.constant 8 : i32
      %mul3A_355 = arith.muli %scan3A_353, %mul3A_354 : i32
      %add3A_356 = arith.constant 0 : i32
      %add3A_357 = arith.addi %mul3A_355, %add3A_356 : i32
      %mul3A_358 = arith.constant 40 : i32
      %mul3A_359 = arith.muli %add3A_357, %mul3A_358 : i32
      %multiple_of3A_360 = tpu.assume_multiple %mul3A_359, 40 : i32
      %dma_wait3A_361 = tpu.memref_slice %arg6[%multiple_of3A_360] : memref<10000xi32, #tpu.memory_space<vmem>> -> memref<40xi32, #tpu.memory_space<vmem>>
      %dma_wait3A_362 = arith.constant 0 : i32
      %dma_wait3A_363 = arith.constant 0 : i32
      %dma_wait3A_364 = tpu.memref_slice %arg2[%dma_wait3A_362, %dma_wait3A_363] : memref<10000x64xf32, #tpu.memory_space<hbm>> -> memref<10000x64xf32, #tpu.memory_space<hbm>>
      tpu.wait_indirect_dma semaphore(%arg16 : memref<!tpu.dma_semaphore, #tpu.memory_space<semaphore_mem>>) src(%dma_wait3A_364 : memref<10000x64xf32, #tpu.memory_space<hbm>>) dst(%arg8 : memref<40x64xf32, #tpu.memory_space<vmem>>)
      %add3A_365 = arith.constant 0 : i32
      %add3A_366 = arith.addi %mul3A_355, %add3A_365 : i32
      %mul3A_367 = arith.constant 40 : i32
      %mul3A_368 = arith.muli %add3A_366, %mul3A_367 : i32
      %multiple_of3A_369 = tpu.assume_multiple %mul3A_368, 40 : i32
      %dma_start3A_370 = tpu.memref_slice %arg7[%multiple_of3A_369] : memref<10000xi32, #tpu.memory_space<vmem>> -> memref<40xi32, #tpu.memory_space<vmem>>
      %dma_start3A_371 = arith.constant 0 : i32
      %dma_start3A_372 = arith.constant 0 : i32
      %dma_start3A_373 = tpu.memref_slice %arg5[%dma_start3A_371, %dma_start3A_372] : memref<10240x64xf32, #tpu.memory_space<vmem_shared>> -> memref<10240x64xf32, #tpu.memory_space<vmem_shared>>
      tpu.enqueue_indirect_dma source(%arg8 : memref<40x64xf32, #tpu.memory_space<vmem>>) target(%dma_start3A_373 : memref<10240x64xf32, #tpu.memory_space<vmem_shared>>) offsets(%dma_start3A_370 : memref<40xi32, #tpu.memory_space<vmem>>) semaphore(%arg24 : memref<!tpu.dma_semaphore, #tpu.memory_space<semaphore_mem>>) {add = true}
      %add3A_374 = arith.constant 1 : i32
      %add3A_375 = arith.addi %mul3A_355, %add3A_374 : i32
      %mul3A_376 = arith.constant 40 : i32
      %mul3A_377 = arith.muli %add3A_375, %mul3A_376 : i32
      %multiple_of3A_378 = tpu.assume_multiple %mul3A_377, 40 : i32
      %dma_wait3A_379 = tpu.memref_slice %arg6[%multiple_of3A_378] : memref<10000xi32, #tpu.memory_space<vmem>> -> memref<40xi32, #tpu.memory_space<vmem>>
      %dma_wait3A_380 = arith.constant 0 : i32
      %dma_wait3A_381 = arith.constant 0 : i32
      %dma_wait3A_382 = tpu.memref_slice %arg2[%dma_wait3A_380, %dma_wait3A_381] : memref<10000x64xf32, #tpu.memory_space<hbm>> -> memref<10000x64xf32, #tpu.memory_space<hbm>>
      tpu.wait_indirect_dma semaphore(%arg17 : memref<!tpu.dma_semaphore, #tpu.memory_space<semaphore_mem>>) src(%dma_wait3A_382 : memref<10000x64xf32, #tpu.memory_space<hbm>>) dst(%arg9 : memref<40x64xf32, #tpu.memory_space<vmem>>)
      %add3A_383 = arith.constant 1 : i32
      %add3A_384 = arith.addi %mul3A_355, %add3A_383 : i32
      %mul3A_385 = arith.constant 40 : i32
      %mul3A_386 = arith.muli %add3A_384, %mul3A_385 : i32
      %multiple_of3A_387 = tpu.assume_multiple %mul3A_386, 40 : i32
      %dma_start3A_388 = tpu.memref_slice %arg7[%multiple_of3A_387] : memref<10000xi32, #tpu.memory_space<vmem>> -> memref<40xi32, #tpu.memory_space<vmem>>
      %dma_start3A_389 = arith.constant 0 : i32
      %dma_start3A_390 = arith.constant 0 : i32
      %dma_start3A_391 = tpu.memref_slice %arg5[%dma_start3A_389, %dma_start3A_390] : memref<10240x64xf32, #tpu.memory_space<vmem_shared>> -> memref<10240x64xf32, #tpu.memory_space<vmem_shared>>
      tpu.enqueue_indirect_dma source(%arg9 : memref<40x64xf32, #tpu.memory_space<vmem>>) target(%dma_start3A_391 : memref<10240x64xf32, #tpu.memory_space<vmem_shared>>) offsets(%dma_start3A_388 : memref<40xi32, #tpu.memory_space<vmem>>) semaphore(%arg25 : memref<!tpu.dma_semaphore, #tpu.memory_space<semaphore_mem>>) {add = true}
      %add3A_392 = arith.constant 2 : i32
      %add3A_393 = arith.addi %mul3A_355, %add3A_392 : i32
      %mul3A_394 = arith.constant 40 : i32
      %mul3A_395 = arith.muli %add3A_393, %mul3A_394 : i32
      %multiple_of3A_396 = tpu.assume_multiple %mul3A_395, 40 : i32
      %dma_wait3A_397 = tpu.memref_slice %arg6[%multiple_of3A_396] : memref<10000xi32, #tpu.memory_space<vmem>> -> memref<40xi32, #tpu.memory_space<vmem>>
      %dma_wait3A_398 = arith.constant 0 : i32
      %dma_wait3A_399 = arith.constant 0 : i32
      %dma_wait3A_400 = tpu.memref_slice %arg2[%dma_wait3A_398, %dma_wait3A_399] : memref<10000x64xf32, #tpu.memory_space<hbm>> -> memref<10000x64xf32, #tpu.memory_space<hbm>>
      tpu.wait_indirect_dma semaphore(%arg18 : memref<!tpu.dma_semaphore, #tpu.memory_space<semaphore_mem>>) src(%dma_wait3A_400 : memref<10000x64xf32, #tpu.memory_space<hbm>>) dst(%arg10 : memref<40x64xf32, #tpu.memory_space<vmem>>)
      %add3A_401 = arith.constant 2 : i32
      %add3A_402 = arith.addi %mul3A_355, %add3A_401 : i32
      %mul3A_403 = arith.constant 40 : i32
      %mul3A_404 = arith.muli %add3A_402, %mul3A_403 : i32
      %multiple_of3A_405 = tpu.assume_multiple %mul3A_404, 40 : i32
      %dma_start3A_406 = tpu.memref_slice %arg7[%multiple_of3A_405] : memref<10000xi32, #tpu.memory_space<vmem>> -> memref<40xi32, #tpu.memory_space<vmem>>
      %dma_start3A_407 = arith.constant 0 : i32
      %dma_start3A_408 = arith.constant 0 : i32
      %dma_start3A_409 = tpu.memref_slice %arg5[%dma_start3A_407, %dma_start3A_408] : memref<10240x64xf32, #tpu.memory_space<vmem_shared>> -> memref<10240x64xf32, #tpu.memory_space<vmem_shared>>
      tpu.enqueue_indirect_dma source(%arg10 : memref<40x64xf32, #tpu.memory_space<vmem>>) target(%dma_start3A_409 : memref<10240x64xf32, #tpu.memory_space<vmem_shared>>) offsets(%dma_start3A_406 : memref<40xi32, #tpu.memory_space<vmem>>) semaphore(%arg26 : memref<!tpu.dma_semaphore, #tpu.memory_space<semaphore_mem>>) {add = true}
      %add3A_410 = arith.constant 3 : i32
      %add3A_411 = arith.addi %mul3A_355, %add3A_410 : i32
      %mul3A_412 = arith.constant 40 : i32
      %mul3A_413 = arith.muli %add3A_411, %mul3A_412 : i32
      %multiple_of3A_414 = tpu.assume_multiple %mul3A_413, 40 : i32
      %dma_wait3A_415 = tpu.memref_slice %arg6[%multiple_of3A_414] : memref<10000xi32, #tpu.memory_space<vmem>> -> memref<40xi32, #tpu.memory_space<vmem>>
      %dma_wait3A_416 = arith.constant 0 : i32
      %dma_wait3A_417 = arith.constant 0 : i32
      %dma_wait3A_418 = tpu.memref_slice %arg2[%dma_wait3A_416, %dma_wait3A_417] : memref<10000x64xf32, #tpu.memory_space<hbm>> -> memref<10000x64xf32, #tpu.memory_space<hbm>>
      tpu.wait_indirect_dma semaphore(%arg19 : memref<!tpu.dma_semaphore, #tpu.memory_space<semaphore_mem>>) src(%dma_wait3A_418 : memref<10000x64xf32, #tpu.memory_space<hbm>>) dst(%arg11 : memref<40x64xf32, #tpu.memory_space<vmem>>)
      %add3A_419 = arith.constant 3 : i32
      %add3A_420 = arith.addi %mul3A_355, %add3A_419 : i32
      %mul3A_421 = arith.constant 40 : i32
      %mul3A_422 = arith.muli %add3A_420, %mul3A_421 : i32
      %multiple_of3A_423 = tpu.assume_multiple %mul3A_422, 40 : i32
      %dma_start3A_424 = tpu.memref_slice %arg7[%multiple_of3A_423] : memref<10000xi32, #tpu.memory_space<vmem>> -> memref<40xi32, #tpu.memory_space<vmem>>
      %dma_start3A_425 = arith.constant 0 : i32
      %dma_start3A_426 = arith.constant 0 : i32
      %dma_start3A_427 = tpu.memref_slice %arg5[%dma_start3A_425, %dma_start3A_426] : memref<10240x64xf32, #tpu.memory_space<vmem_shared>> -> memref<10240x64xf32, #tpu.memory_space<vmem_shared>>
      tpu.enqueue_indirect_dma source(%arg11 : memref<40x64xf32, #tpu.memory_space<vmem>>) target(%dma_start3A_427 : memref<10240x64xf32, #tpu.memory_space<vmem_shared>>) offsets(%dma_start3A_424 : memref<40xi32, #tpu.memory_space<vmem>>) semaphore(%arg27 : memref<!tpu.dma_semaphore, #tpu.memory_space<semaphore_mem>>) {add = true}
      %add3A_428 = arith.constant 4 : i32
      %add3A_429 = arith.addi %mul3A_355, %add3A_428 : i32
      %mul3A_430 = arith.constant 40 : i32
      %mul3A_431 = arith.muli %add3A_429, %mul3A_430 : i32
      %multiple_of3A_432 = tpu.assume_multiple %mul3A_431, 40 : i32
      %dma_wait3A_433 = tpu.memref_slice %arg6[%multiple_of3A_432] : memref<10000xi32, #tpu.memory_space<vmem>> -> memref<40xi32, #tpu.memory_space<vmem>>
      %dma_wait3A_434 = arith.constant 0 : i32
      %dma_wait3A_435 = arith.constant 0 : i32
      %dma_wait3A_436 = tpu.memref_slice %arg2[%dma_wait3A_434, %dma_wait3A_435] : memref<10000x64xf32, #tpu.memory_space<hbm>> -> memref<10000x64xf32, #tpu.memory_space<hbm>>
      tpu.wait_indirect_dma semaphore(%arg20 : memref<!tpu.dma_semaphore, #tpu.memory_space<semaphore_mem>>) src(%dma_wait3A_436 : memref<10000x64xf32, #tpu.memory_space<hbm>>) dst(%arg12 : memref<40x64xf32, #tpu.memory_space<vmem>>)
      %add3A_437 = arith.constant 4 : i32
      %add3A_438 = arith.addi %mul3A_355, %add3A_437 : i32
      %mul3A_439 = arith.constant 40 : i32
      %mul3A_440 = arith.muli %add3A_438, %mul3A_439 : i32
      %multiple_of3A_441 = tpu.assume_multiple %mul3A_440, 40 : i32
      %dma_start3A_442 = tpu.memref_slice %arg7[%multiple_of3A_441] : memref<10000xi32, #tpu.memory_space<vmem>> -> memref<40xi32, #tpu.memory_space<vmem>>
      %dma_start3A_443 = arith.constant 0 : i32
      %dma_start3A_444 = arith.constant 0 : i32
      %dma_start3A_445 = tpu.memref_slice %arg5[%dma_start3A_443, %dma_start3A_444] : memref<10240x64xf32, #tpu.memory_space<vmem_shared>> -> memref<10240x64xf32, #tpu.memory_space<vmem_shared>>
      tpu.enqueue_indirect_dma source(%arg12 : memref<40x64xf32, #tpu.memory_space<vmem>>) target(%dma_start3A_445 : memref<10240x64xf32, #tpu.memory_space<vmem_shared>>) offsets(%dma_start3A_442 : memref<40xi32, #tpu.memory_space<vmem>>) semaphore(%arg28 : memref<!tpu.dma_semaphore, #tpu.memory_space<semaphore_mem>>) {add = true}
      %add3A_446 = arith.constant 5 : i32
      %add3A_447 = arith.addi %mul3A_355, %add3A_446 : i32
      %mul3A_448 = arith.constant 40 : i32
      %mul3A_449 = arith.muli %add3A_447, %mul3A_448 : i32
      %multiple_of3A_450 = tpu.assume_multiple %mul3A_449, 40 : i32
      %dma_wait3A_451 = tpu.memref_slice %arg6[%multiple_of3A_450] : memref<10000xi32, #tpu.memory_space<vmem>> -> memref<40xi32, #tpu.memory_space<vmem>>
      %dma_wait3A_452 = arith.constant 0 : i32
      %dma_wait3A_453 = arith.constant 0 : i32
      %dma_wait3A_454 = tpu.memref_slice %arg2[%dma_wait3A_452, %dma_wait3A_453] : memref<10000x64xf32, #tpu.memory_space<hbm>> -> memref<10000x64xf32, #tpu.memory_space<hbm>>
      tpu.wait_indirect_dma semaphore(%arg21 : memref<!tpu.dma_semaphore, #tpu.memory_space<semaphore_mem>>) src(%dma_wait3A_454 : memref<10000x64xf32, #tpu.memory_space<hbm>>) dst(%arg13 : memref<40x64xf32, #tpu.memory_space<vmem>>)
      %add3A_455 = arith.constant 5 : i32
      %add3A_456 = arith.addi %mul3A_355, %add3A_455 : i32
      %mul3A_457 = arith.constant 40 : i32
      %mul3A_458 = arith.muli %add3A_456, %mul3A_457 : i32
      %multiple_of3A_459 = tpu.assume_multiple %mul3A_458, 40 : i32
      %dma_start3A_460 = tpu.memref_slice %arg7[%multiple_of3A_459] : memref<10000xi32, #tpu.memory_space<vmem>> -> memref<40xi32, #tpu.memory_space<vmem>>
      %dma_start3A_461 = arith.constant 0 : i32
      %dma_start3A_462 = arith.constant 0 : i32
      %dma_start3A_463 = tpu.memref_slice %arg5[%dma_start3A_461, %dma_start3A_462] : memref<10240x64xf32, #tpu.memory_space<vmem_shared>> -> memref<10240x64xf32, #tpu.memory_space<vmem_shared>>
      tpu.enqueue_indirect_dma source(%arg13 : memref<40x64xf32, #tpu.memory_space<vmem>>) target(%dma_start3A_463 : memref<10240x64xf32, #tpu.memory_space<vmem_shared>>) offsets(%dma_start3A_460 : memref<40xi32, #tpu.memory_space<vmem>>) semaphore(%arg29 : memref<!tpu.dma_semaphore, #tpu.memory_space<semaphore_mem>>) {add = true}
      %add3A_464 = arith.constant 6 : i32
      %add3A_465 = arith.addi %mul3A_355, %add3A_464 : i32
      %mul3A_466 = arith.constant 40 : i32
      %mul3A_467 = arith.muli %add3A_465, %mul3A_466 : i32
      %multiple_of3A_468 = tpu.assume_multiple %mul3A_467, 40 : i32
      %dma_wait3A_469 = tpu.memref_slice %arg6[%multiple_of3A_468] : memref<10000xi32, #tpu.memory_space<vmem>> -> memref<40xi32, #tpu.memory_space<vmem>>
      %dma_wait3A_470 = arith.constant 0 : i32
      %dma_wait3A_471 = arith.constant 0 : i32
      %dma_wait3A_472 = tpu.memref_slice %arg2[%dma_wait3A_470, %dma_wait3A_471] : memref<10000x64xf32, #tpu.memory_space<hbm>> -> memref<10000x64xf32, #tpu.memory_space<hbm>>
      tpu.wait_indirect_dma semaphore(%arg22 : memref<!tpu.dma_semaphore, #tpu.memory_space<semaphore_mem>>) src(%dma_wait3A_472 : memref<10000x64xf32, #tpu.memory_space<hbm>>) dst(%arg14 : memref<40x64xf32, #tpu.memory_space<vmem>>)
      %add3A_473 = arith.constant 6 : i32
      %add3A_474 = arith.addi %mul3A_355, %add3A_473 : i32
      %mul3A_475 = arith.constant 40 : i32
      %mul3A_476 = arith.muli %add3A_474, %mul3A_475 : i32
      %multiple_of3A_477 = tpu.assume_multiple %mul3A_476, 40 : i32
      %dma_start3A_478 = tpu.memref_slice %arg7[%multiple_of3A_477] : memref<10000xi32, #tpu.memory_space<vmem>> -> memref<40xi32, #tpu.memory_space<vmem>>
      %dma_start3A_479 = arith.constant 0 : i32
      %dma_start3A_480 = arith.constant 0 : i32
      %dma_start3A_481 = tpu.memref_slice %arg5[%dma_start3A_479, %dma_start3A_480] : memref<10240x64xf32, #tpu.memory_space<vmem_shared>> -> memref<10240x64xf32, #tpu.memory_space<vmem_shared>>
      tpu.enqueue_indirect_dma source(%arg14 : memref<40x64xf32, #tpu.memory_space<vmem>>) target(%dma_start3A_481 : memref<10240x64xf32, #tpu.memory_space<vmem_shared>>) offsets(%dma_start3A_478 : memref<40xi32, #tpu.memory_space<vmem>>) semaphore(%arg30 : memref<!tpu.dma_semaphore, #tpu.memory_space<semaphore_mem>>) {add = true}
      %add3A_482 = arith.constant 7 : i32
      %add3A_483 = arith.addi %mul3A_355, %add3A_482 : i32
      %mul3A_484 = arith.constant 40 : i32
      %mul3A_485 = arith.muli %add3A_483, %mul3A_484 : i32
      %multiple_of3A_486 = tpu.assume_multiple %mul3A_485, 40 : i32
      %dma_wait3A_487 = tpu.memref_slice %arg6[%multiple_of3A_486] : memref<10000xi32, #tpu.memory_space<vmem>> -> memref<40xi32, #tpu.memory_space<vmem>>
      %dma_wait3A_488 = arith.constant 0 : i32
      %dma_wait3A_489 = arith.constant 0 : i32
      %dma_wait3A_490 = tpu.memref_slice %arg2[%dma_wait3A_488, %dma_wait3A_489] : memref<10000x64xf32, #tpu.memory_space<hbm>> -> memref<10000x64xf32, #tpu.memory_space<hbm>>
      tpu.wait_indirect_dma semaphore(%arg23 : memref<!tpu.dma_semaphore, #tpu.memory_space<semaphore_mem>>) src(%dma_wait3A_490 : memref<10000x64xf32, #tpu.memory_space<hbm>>) dst(%arg15 : memref<40x64xf32, #tpu.memory_space<vmem>>)
      %add3A_491 = arith.constant 7 : i32
      %add3A_492 = arith.addi %mul3A_355, %add3A_491 : i32
      %mul3A_493 = arith.constant 40 : i32
      %mul3A_494 = arith.muli %add3A_492, %mul3A_493 : i32
      %multiple_of3A_495 = tpu.assume_multiple %mul3A_494, 40 : i32
      %dma_start3A_496 = tpu.memref_slice %arg7[%multiple_of3A_495] : memref<10000xi32, #tpu.memory_space<vmem>> -> memref<40xi32, #tpu.memory_space<vmem>>
      %dma_start3A_497 = arith.constant 0 : i32
      %dma_start3A_498 = arith.constant 0 : i32
      %dma_start3A_499 = tpu.memref_slice %arg5[%dma_start3A_497, %dma_start3A_498] : memref<10240x64xf32, #tpu.memory_space<vmem_shared>> -> memref<10240x64xf32, #tpu.memory_space<vmem_shared>>
      tpu.enqueue_indirect_dma source(%arg15 : memref<40x64xf32, #tpu.memory_space<vmem>>) target(%dma_start3A_499 : memref<10240x64xf32, #tpu.memory_space<vmem_shared>>) offsets(%dma_start3A_496 : memref<40xi32, #tpu.memory_space<vmem>>) semaphore(%arg31 : memref<!tpu.dma_semaphore, #tpu.memory_space<semaphore_mem>>) {add = true}
      %lt3A = arith.constant 30 : i32
      %lt3A_500 = arith.cmpi slt, %scan3A_353, %lt3A : i32
      %convert_element_type3A = arith.extui %lt3A_500 : i1 to i32
      %cond3A = arith.constant 0 : i32
      %cond3A_501 = arith.cmpi ne, %convert_element_type3A, %cond3A : i32
      scf.if %cond3A_501 {
        %add3A_502 = arith.constant 0 : i32
        %add3A_503 = arith.addi %mul3A_355, %add3A_502 : i32
        %mul3A_504 = arith.constant 40 : i32
        %mul3A_505 = arith.muli %add3A_503, %mul3A_504 : i32
        %multiple_of3A_506 = tpu.assume_multiple %mul3A_505, 40 : i32
        %dma_wait3A_507 = tpu.memref_slice %arg7[%multiple_of3A_506] : memref<10000xi32, #tpu.memory_space<vmem>> -> memref<40xi32, #tpu.memory_space<vmem>>
        %dma_wait3A_508 = arith.constant 0 : i32
        %dma_wait3A_509 = arith.constant 0 : i32
        %dma_wait3A_510 = tpu.memref_slice %arg5[%dma_wait3A_508, %dma_wait3A_509] : memref<10240x64xf32, #tpu.memory_space<vmem_shared>> -> memref<10240x64xf32, #tpu.memory_space<vmem_shared>>
        tpu.wait_indirect_dma semaphore(%arg24 : memref<!tpu.dma_semaphore, #tpu.memory_space<semaphore_mem>>) src(%arg8 : memref<40x64xf32, #tpu.memory_space<vmem>>) dst(%dma_wait3A_510 : memref<10240x64xf32, #tpu.memory_space<vmem_shared>>)
        %add3A_511 = arith.constant 8 : i32
        %add3A_512 = arith.addi %mul3A_355, %add3A_511 : i32
        %add3A_513 = arith.constant 0 : i32
        %add3A_514 = arith.addi %add3A_512, %add3A_513 : i32
        %mul3A_515 = arith.constant 40 : i32
        %mul3A_516 = arith.muli %add3A_514, %mul3A_515 : i32
        %multiple_of3A_517 = tpu.assume_multiple %mul3A_516, 40 : i32
        %dma_start3A_518 = tpu.memref_slice %arg6[%multiple_of3A_517] : memref<10000xi32, #tpu.memory_space<vmem>> -> memref<40xi32, #tpu.memory_space<vmem>>
        %dma_start3A_519 = arith.constant 0 : i32
        %dma_start3A_520 = arith.constant 0 : i32
        %dma_start3A_521 = tpu.memref_slice %arg2[%dma_start3A_519, %dma_start3A_520] : memref<10000x64xf32, #tpu.memory_space<hbm>> -> memref<10000x64xf32, #tpu.memory_space<hbm>>
        tpu.enqueue_indirect_dma source(%dma_start3A_521 : memref<10000x64xf32, #tpu.memory_space<hbm>>) target(%arg8 : memref<40x64xf32, #tpu.memory_space<vmem>>) offsets(%dma_start3A_518 : memref<40xi32, #tpu.memory_space<vmem>>) semaphore(%arg16 : memref<!tpu.dma_semaphore, #tpu.memory_space<semaphore_mem>>)
        %add3A_522 = arith.constant 1 : i32
        %add3A_523 = arith.addi %mul3A_355, %add3A_522 : i32
        %mul3A_524 = arith.constant 40 : i32
        %mul3A_525 = arith.muli %add3A_523, %mul3A_524 : i32
        %multiple_of3A_526 = tpu.assume_multiple %mul3A_525, 40 : i32
        %dma_wait3A_527 = tpu.memref_slice %arg7[%multiple_of3A_526] : memref<10000xi32, #tpu.memory_space<vmem>> -> memref<40xi32, #tpu.memory_space<vmem>>
        %dma_wait3A_528 = arith.constant 0 : i32
        %dma_wait3A_529 = arith.constant 0 : i32
        %dma_wait3A_530 = tpu.memref_slice %arg5[%dma_wait3A_528, %dma_wait3A_529] : memref<10240x64xf32, #tpu.memory_space<vmem_shared>> -> memref<10240x64xf32, #tpu.memory_space<vmem_shared>>
        tpu.wait_indirect_dma semaphore(%arg25 : memref<!tpu.dma_semaphore, #tpu.memory_space<semaphore_mem>>) src(%arg9 : memref<40x64xf32, #tpu.memory_space<vmem>>) dst(%dma_wait3A_530 : memref<10240x64xf32, #tpu.memory_space<vmem_shared>>)
        %add3A_531 = arith.constant 8 : i32
        %add3A_532 = arith.addi %mul3A_355, %add3A_531 : i32
        %add3A_533 = arith.constant 1 : i32
        %add3A_534 = arith.addi %add3A_532, %add3A_533 : i32
        %mul3A_535 = arith.constant 40 : i32
        %mul3A_536 = arith.muli %add3A_534, %mul3A_535 : i32
        %multiple_of3A_537 = tpu.assume_multiple %mul3A_536, 40 : i32
        %dma_start3A_538 = tpu.memref_slice %arg6[%multiple_of3A_537] : memref<10000xi32, #tpu.memory_space<vmem>> -> memref<40xi32, #tpu.memory_space<vmem>>
        %dma_start3A_539 = arith.constant 0 : i32
        %dma_start3A_540 = arith.constant 0 : i32
        %dma_start3A_541 = tpu.memref_slice %arg2[%dma_start3A_539, %dma_start3A_540] : memref<10000x64xf32, #tpu.memory_space<hbm>> -> memref<10000x64xf32, #tpu.memory_space<hbm>>
        tpu.enqueue_indirect_dma source(%dma_start3A_541 : memref<10000x64xf32, #tpu.memory_space<hbm>>) target(%arg9 : memref<40x64xf32, #tpu.memory_space<vmem>>) offsets(%dma_start3A_538 : memref<40xi32, #tpu.memory_space<vmem>>) semaphore(%arg17 : memref<!tpu.dma_semaphore, #tpu.memory_space<semaphore_mem>>)
        %add3A_542 = arith.constant 2 : i32
        %add3A_543 = arith.addi %mul3A_355, %add3A_542 : i32
        %mul3A_544 = arith.constant 40 : i32
        %mul3A_545 = arith.muli %add3A_543, %mul3A_544 : i32
        %multiple_of3A_546 = tpu.assume_multiple %mul3A_545, 40 : i32
        %dma_wait3A_547 = tpu.memref_slice %arg7[%multiple_of3A_546] : memref<10000xi32, #tpu.memory_space<vmem>> -> memref<40xi32, #tpu.memory_space<vmem>>
        %dma_wait3A_548 = arith.constant 0 : i32
        %dma_wait3A_549 = arith.constant 0 : i32
        %dma_wait3A_550 = tpu.memref_slice %arg5[%dma_wait3A_548, %dma_wait3A_549] : memref<10240x64xf32, #tpu.memory_space<vmem_shared>> -> memref<10240x64xf32, #tpu.memory_space<vmem_shared>>
        tpu.wait_indirect_dma semaphore(%arg26 : memref<!tpu.dma_semaphore, #tpu.memory_space<semaphore_mem>>) src(%arg10 : memref<40x64xf32, #tpu.memory_space<vmem>>) dst(%dma_wait3A_550 : memref<10240x64xf32, #tpu.memory_space<vmem_shared>>)
        %add3A_551 = arith.constant 8 : i32
        %add3A_552 = arith.addi %mul3A_355, %add3A_551 : i32
        %add3A_553 = arith.constant 2 : i32
        %add3A_554 = arith.addi %add3A_552, %add3A_553 : i32
        %mul3A_555 = arith.constant 40 : i32
        %mul3A_556 = arith.muli %add3A_554, %mul3A_555 : i32
        %multiple_of3A_557 = tpu.assume_multiple %mul3A_556, 40 : i32
        %dma_start3A_558 = tpu.memref_slice %arg6[%multiple_of3A_557] : memref<10000xi32, #tpu.memory_space<vmem>> -> memref<40xi32, #tpu.memory_space<vmem>>
        %dma_start3A_559 = arith.constant 0 : i32
        %dma_start3A_560 = arith.constant 0 : i32
        %dma_start3A_561 = tpu.memref_slice %arg2[%dma_start3A_559, %dma_start3A_560] : memref<10000x64xf32, #tpu.memory_space<hbm>> -> memref<10000x64xf32, #tpu.memory_space<hbm>>
        tpu.enqueue_indirect_dma source(%dma_start3A_561 : memref<10000x64xf32, #tpu.memory_space<hbm>>) target(%arg10 : memref<40x64xf32, #tpu.memory_space<vmem>>) offsets(%dma_start3A_558 : memref<40xi32, #tpu.memory_space<vmem>>) semaphore(%arg18 : memref<!tpu.dma_semaphore, #tpu.memory_space<semaphore_mem>>)
        %add3A_562 = arith.constant 3 : i32
        %add3A_563 = arith.addi %mul3A_355, %add3A_562 : i32
        %mul3A_564 = arith.constant 40 : i32
        %mul3A_565 = arith.muli %add3A_563, %mul3A_564 : i32
        %multiple_of3A_566 = tpu.assume_multiple %mul3A_565, 40 : i32
        %dma_wait3A_567 = tpu.memref_slice %arg7[%multiple_of3A_566] : memref<10000xi32, #tpu.memory_space<vmem>> -> memref<40xi32, #tpu.memory_space<vmem>>
        %dma_wait3A_568 = arith.constant 0 : i32
        %dma_wait3A_569 = arith.constant 0 : i32
        %dma_wait3A_570 = tpu.memref_slice %arg5[%dma_wait3A_568, %dma_wait3A_569] : memref<10240x64xf32, #tpu.memory_space<vmem_shared>> -> memref<10240x64xf32, #tpu.memory_space<vmem_shared>>
        tpu.wait_indirect_dma semaphore(%arg27 : memref<!tpu.dma_semaphore, #tpu.memory_space<semaphore_mem>>) src(%arg11 : memref<40x64xf32, #tpu.memory_space<vmem>>) dst(%dma_wait3A_570 : memref<10240x64xf32, #tpu.memory_space<vmem_shared>>)
        %add3A_571 = arith.constant 8 : i32
        %add3A_572 = arith.addi %mul3A_355, %add3A_571 : i32
        %add3A_573 = arith.constant 3 : i32
        %add3A_574 = arith.addi %add3A_572, %add3A_573 : i32
        %mul3A_575 = arith.constant 40 : i32
        %mul3A_576 = arith.muli %add3A_574, %mul3A_575 : i32
        %multiple_of3A_577 = tpu.assume_multiple %mul3A_576, 40 : i32
        %dma_start3A_578 = tpu.memref_slice %arg6[%multiple_of3A_577] : memref<10000xi32, #tpu.memory_space<vmem>> -> memref<40xi32, #tpu.memory_space<vmem>>
        %dma_start3A_579 = arith.constant 0 : i32
        %dma_start3A_580 = arith.constant 0 : i32
        %dma_start3A_581 = tpu.memref_slice %arg2[%dma_start3A_579, %dma_start3A_580] : memref<10000x64xf32, #tpu.memory_space<hbm>> -> memref<10000x64xf32, #tpu.memory_space<hbm>>
        tpu.enqueue_indirect_dma source(%dma_start3A_581 : memref<10000x64xf32, #tpu.memory_space<hbm>>) target(%arg11 : memref<40x64xf32, #tpu.memory_space<vmem>>) offsets(%dma_start3A_578 : memref<40xi32, #tpu.memory_space<vmem>>) semaphore(%arg19 : memref<!tpu.dma_semaphore, #tpu.memory_space<semaphore_mem>>)
        %add3A_582 = arith.constant 4 : i32
        %add3A_583 = arith.addi %mul3A_355, %add3A_582 : i32
        %mul3A_584 = arith.constant 40 : i32
        %mul3A_585 = arith.muli %add3A_583, %mul3A_584 : i32
        %multiple_of3A_586 = tpu.assume_multiple %mul3A_585, 40 : i32
        %dma_wait3A_587 = tpu.memref_slice %arg7[%multiple_of3A_586] : memref<10000xi32, #tpu.memory_space<vmem>> -> memref<40xi32, #tpu.memory_space<vmem>>
        %dma_wait3A_588 = arith.constant 0 : i32
        %dma_wait3A_589 = arith.constant 0 : i32
        %dma_wait3A_590 = tpu.memref_slice %arg5[%dma_wait3A_588, %dma_wait3A_589] : memref<10240x64xf32, #tpu.memory_space<vmem_shared>> -> memref<10240x64xf32, #tpu.memory_space<vmem_shared>>
        tpu.wait_indirect_dma semaphore(%arg28 : memref<!tpu.dma_semaphore, #tpu.memory_space<semaphore_mem>>) src(%arg12 : memref<40x64xf32, #tpu.memory_space<vmem>>) dst(%dma_wait3A_590 : memref<10240x64xf32, #tpu.memory_space<vmem_shared>>)
        %add3A_591 = arith.constant 8 : i32
        %add3A_592 = arith.addi %mul3A_355, %add3A_591 : i32
        %add3A_593 = arith.constant 4 : i32
        %add3A_594 = arith.addi %add3A_592, %add3A_593 : i32
        %mul3A_595 = arith.constant 40 : i32
        %mul3A_596 = arith.muli %add3A_594, %mul3A_595 : i32
        %multiple_of3A_597 = tpu.assume_multiple %mul3A_596, 40 : i32
        %dma_start3A_598 = tpu.memref_slice %arg6[%multiple_of3A_597] : memref<10000xi32, #tpu.memory_space<vmem>> -> memref<40xi32, #tpu.memory_space<vmem>>
        %dma_start3A_599 = arith.constant 0 : i32
        %dma_start3A_600 = arith.constant 0 : i32
        %dma_start3A_601 = tpu.memref_slice %arg2[%dma_start3A_599, %dma_start3A_600] : memref<10000x64xf32, #tpu.memory_space<hbm>> -> memref<10000x64xf32, #tpu.memory_space<hbm>>
        tpu.enqueue_indirect_dma source(%dma_start3A_601 : memref<10000x64xf32, #tpu.memory_space<hbm>>) target(%arg12 : memref<40x64xf32, #tpu.memory_space<vmem>>) offsets(%dma_start3A_598 : memref<40xi32, #tpu.memory_space<vmem>>) semaphore(%arg20 : memref<!tpu.dma_semaphore, #tpu.memory_space<semaphore_mem>>)
        %add3A_602 = arith.constant 5 : i32
        %add3A_603 = arith.addi %mul3A_355, %add3A_602 : i32
        %mul3A_604 = arith.constant 40 : i32
        %mul3A_605 = arith.muli %add3A_603, %mul3A_604 : i32
        %multiple_of3A_606 = tpu.assume_multiple %mul3A_605, 40 : i32
        %dma_wait3A_607 = tpu.memref_slice %arg7[%multiple_of3A_606] : memref<10000xi32, #tpu.memory_space<vmem>> -> memref<40xi32, #tpu.memory_space<vmem>>
        %dma_wait3A_608 = arith.constant 0 : i32
        %dma_wait3A_609 = arith.constant 0 : i32
        %dma_wait3A_610 = tpu.memref_slice %arg5[%dma_wait3A_608, %dma_wait3A_609] : memref<10240x64xf32, #tpu.memory_space<vmem_shared>> -> memref<10240x64xf32, #tpu.memory_space<vmem_shared>>
        tpu.wait_indirect_dma semaphore(%arg29 : memref<!tpu.dma_semaphore, #tpu.memory_space<semaphore_mem>>) src(%arg13 : memref<40x64xf32, #tpu.memory_space<vmem>>) dst(%dma_wait3A_610 : memref<10240x64xf32, #tpu.memory_space<vmem_shared>>)
        %add3A_611 = arith.constant 8 : i32
        %add3A_612 = arith.addi %mul3A_355, %add3A_611 : i32
        %add3A_613 = arith.constant 5 : i32
        %add3A_614 = arith.addi %add3A_612, %add3A_613 : i32
        %mul3A_615 = arith.constant 40 : i32
        %mul3A_616 = arith.muli %add3A_614, %mul3A_615 : i32
        %multiple_of3A_617 = tpu.assume_multiple %mul3A_616, 40 : i32
        %dma_start3A_618 = tpu.memref_slice %arg6[%multiple_of3A_617] : memref<10000xi32, #tpu.memory_space<vmem>> -> memref<40xi32, #tpu.memory_space<vmem>>
        %dma_start3A_619 = arith.constant 0 : i32
        %dma_start3A_620 = arith.constant 0 : i32
        %dma_start3A_621 = tpu.memref_slice %arg2[%dma_start3A_619, %dma_start3A_620] : memref<10000x64xf32, #tpu.memory_space<hbm>> -> memref<10000x64xf32, #tpu.memory_space<hbm>>
        tpu.enqueue_indirect_dma source(%dma_start3A_621 : memref<10000x64xf32, #tpu.memory_space<hbm>>) target(%arg13 : memref<40x64xf32, #tpu.memory_space<vmem>>) offsets(%dma_start3A_618 : memref<40xi32, #tpu.memory_space<vmem>>) semaphore(%arg21 : memref<!tpu.dma_semaphore, #tpu.memory_space<semaphore_mem>>)
        %add3A_622 = arith.constant 6 : i32
        %add3A_623 = arith.addi %mul3A_355, %add3A_622 : i32
        %mul3A_624 = arith.constant 40 : i32
        %mul3A_625 = arith.muli %add3A_623, %mul3A_624 : i32
        %multiple_of3A_626 = tpu.assume_multiple %mul3A_625, 40 : i32
        %dma_wait3A_627 = tpu.memref_slice %arg7[%multiple_of3A_626] : memref<10000xi32, #tpu.memory_space<vmem>> -> memref<40xi32, #tpu.memory_space<vmem>>
        %dma_wait3A_628 = arith.constant 0 : i32
        %dma_wait3A_629 = arith.constant 0 : i32
        %dma_wait3A_630 = tpu.memref_slice %arg5[%dma_wait3A_628, %dma_wait3A_629] : memref<10240x64xf32, #tpu.memory_space<vmem_shared>> -> memref<10240x64xf32, #tpu.memory_space<vmem_shared>>
        tpu.wait_indirect_dma semaphore(%arg30 : memref<!tpu.dma_semaphore, #tpu.memory_space<semaphore_mem>>) src(%arg14 : memref<40x64xf32, #tpu.memory_space<vmem>>) dst(%dma_wait3A_630 : memref<10240x64xf32, #tpu.memory_space<vmem_shared>>)
        %add3A_631 = arith.constant 8 : i32
        %add3A_632 = arith.addi %mul3A_355, %add3A_631 : i32
        %add3A_633 = arith.constant 6 : i32
        %add3A_634 = arith.addi %add3A_632, %add3A_633 : i32
        %mul3A_635 = arith.constant 40 : i32
        %mul3A_636 = arith.muli %add3A_634, %mul3A_635 : i32
        %multiple_of3A_637 = tpu.assume_multiple %mul3A_636, 40 : i32
        %dma_start3A_638 = tpu.memref_slice %arg6[%multiple_of3A_637] : memref<10000xi32, #tpu.memory_space<vmem>> -> memref<40xi32, #tpu.memory_space<vmem>>
        %dma_start3A_639 = arith.constant 0 : i32
        %dma_start3A_640 = arith.constant 0 : i32
        %dma_start3A_641 = tpu.memref_slice %arg2[%dma_start3A_639, %dma_start3A_640] : memref<10000x64xf32, #tpu.memory_space<hbm>> -> memref<10000x64xf32, #tpu.memory_space<hbm>>
        tpu.enqueue_indirect_dma source(%dma_start3A_641 : memref<10000x64xf32, #tpu.memory_space<hbm>>) target(%arg14 : memref<40x64xf32, #tpu.memory_space<vmem>>) offsets(%dma_start3A_638 : memref<40xi32, #tpu.memory_space<vmem>>) semaphore(%arg22 : memref<!tpu.dma_semaphore, #tpu.memory_space<semaphore_mem>>)
        %add3A_642 = arith.constant 7 : i32
        %add3A_643 = arith.addi %mul3A_355, %add3A_642 : i32
        %mul3A_644 = arith.constant 40 : i32
        %mul3A_645 = arith.muli %add3A_643, %mul3A_644 : i32
        %multiple_of3A_646 = tpu.assume_multiple %mul3A_645, 40 : i32
        %dma_wait3A_647 = tpu.memref_slice %arg7[%multiple_of3A_646] : memref<10000xi32, #tpu.memory_space<vmem>> -> memref<40xi32, #tpu.memory_space<vmem>>
        %dma_wait3A_648 = arith.constant 0 : i32
        %dma_wait3A_649 = arith.constant 0 : i32
        %dma_wait3A_650 = tpu.memref_slice %arg5[%dma_wait3A_648, %dma_wait3A_649] : memref<10240x64xf32, #tpu.memory_space<vmem_shared>> -> memref<10240x64xf32, #tpu.memory_space<vmem_shared>>
        tpu.wait_indirect_dma semaphore(%arg31 : memref<!tpu.dma_semaphore, #tpu.memory_space<semaphore_mem>>) src(%arg15 : memref<40x64xf32, #tpu.memory_space<vmem>>) dst(%dma_wait3A_650 : memref<10240x64xf32, #tpu.memory_space<vmem_shared>>)
        %add3A_651 = arith.constant 8 : i32
        %add3A_652 = arith.addi %mul3A_355, %add3A_651 : i32
        %add3A_653 = arith.constant 7 : i32
        %add3A_654 = arith.addi %add3A_652, %add3A_653 : i32
        %mul3A_655 = arith.constant 40 : i32
        %mul3A_656 = arith.muli %add3A_654, %mul3A_655 : i32
        %multiple_of3A_657 = tpu.assume_multiple %mul3A_656, 40 : i32
        %dma_start3A_658 = tpu.memref_slice %arg6[%multiple_of3A_657] : memref<10000xi32, #tpu.memory_space<vmem>> -> memref<40xi32, #tpu.memory_space<vmem>>
        %dma_start3A_659 = arith.constant 0 : i32
        %dma_start3A_660 = arith.constant 0 : i32
        %dma_start3A_661 = tpu.memref_slice %arg2[%dma_start3A_659, %dma_start3A_660] : memref<10000x64xf32, #tpu.memory_space<hbm>> -> memref<10000x64xf32, #tpu.memory_space<hbm>>
        tpu.enqueue_indirect_dma source(%dma_start3A_661 : memref<10000x64xf32, #tpu.memory_space<hbm>>) target(%arg15 : memref<40x64xf32, #tpu.memory_space<vmem>>) offsets(%dma_start3A_658 : memref<40xi32, #tpu.memory_space<vmem>>) semaphore(%arg23 : memref<!tpu.dma_semaphore, #tpu.memory_space<semaphore_mem>>)
      } else {
      }
    }
    %scan3A_251 = arith.constant 31 : i32
    %multiple_of3A_252 = arith.constant 9600 : i32
    %multiple_of3A_253 = tpu.assume_multiple %multiple_of3A_252, 40 : i32
    %dma_wait3A_254 = tpu.memref_slice %arg7[%multiple_of3A_253] : memref<10000xi32, #tpu.memory_space<vmem>> -> memref<40xi32, #tpu.memory_space<vmem>>
    %dma_wait3A_255 = arith.constant 0 : i32
    %dma_wait3A_256 = arith.constant 0 : i32
    %dma_wait3A_257 = tpu.memref_slice %arg5[%dma_wait3A_255, %dma_wait3A_256] : memref<10240x64xf32, #tpu.memory_space<vmem_shared>> -> memref<10240x64xf32, #tpu.memory_space<vmem_shared>>
    tpu.wait_indirect_dma semaphore(%arg24 : memref<!tpu.dma_semaphore, #tpu.memory_space<semaphore_mem>>) src(%arg8 : memref<40x64xf32, #tpu.memory_space<vmem>>) dst(%dma_wait3A_257 : memref<10240x64xf32, #tpu.memory_space<vmem_shared>>)
    %multiple_of3A_258 = arith.constant 9640 : i32
    %multiple_of3A_259 = tpu.assume_multiple %multiple_of3A_258, 40 : i32
    %dma_wait3A_260 = tpu.memref_slice %arg7[%multiple_of3A_259] : memref<10000xi32, #tpu.memory_space<vmem>> -> memref<40xi32, #tpu.memory_space<vmem>>
    %dma_wait3A_261 = arith.constant 0 : i32
    %dma_wait3A_262 = arith.constant 0 : i32
    %dma_wait3A_263 = tpu.memref_slice %arg5[%dma_wait3A_261, %dma_wait3A_262] : memref<10240x64xf32, #tpu.memory_space<vmem_shared>> -> memref<10240x64xf32, #tpu.memory_space<vmem_shared>>
    tpu.wait_indirect_dma semaphore(%arg25 : memref<!tpu.dma_semaphore, #tpu.memory_space<semaphore_mem>>) src(%arg9 : memref<40x64xf32, #tpu.memory_space<vmem>>) dst(%dma_wait3A_263 : memref<10240x64xf32, #tpu.memory_space<vmem_shared>>)
    %multiple_of3A_264 = arith.constant 9680 : i32
    %multiple_of3A_265 = tpu.assume_multiple %multiple_of3A_264, 40 : i32
    %dma_wait3A_266 = tpu.memref_slice %arg7[%multiple_of3A_265] : memref<10000xi32, #tpu.memory_space<vmem>> -> memref<40xi32, #tpu.memory_space<vmem>>
    %dma_wait3A_267 = arith.constant 0 : i32
    %dma_wait3A_268 = arith.constant 0 : i32
    %dma_wait3A_269 = tpu.memref_slice %arg5[%dma_wait3A_267, %dma_wait3A_268] : memref<10240x64xf32, #tpu.memory_space<vmem_shared>> -> memref<10240x64xf32, #tpu.memory_space<vmem_shared>>
    tpu.wait_indirect_dma semaphore(%arg26 : memref<!tpu.dma_semaphore, #tpu.memory_space<semaphore_mem>>) src(%arg10 : memref<40x64xf32, #tpu.memory_space<vmem>>) dst(%dma_wait3A_269 : memref<10240x64xf32, #tpu.memory_space<vmem_shared>>)
    %multiple_of3A_270 = arith.constant 9720 : i32
    %multiple_of3A_271 = tpu.assume_multiple %multiple_of3A_270, 40 : i32
    %dma_wait3A_272 = tpu.memref_slice %arg7[%multiple_of3A_271] : memref<10000xi32, #tpu.memory_space<vmem>> -> memref<40xi32, #tpu.memory_space<vmem>>
    %dma_wait3A_273 = arith.constant 0 : i32
    %dma_wait3A_274 = arith.constant 0 : i32
    %dma_wait3A_275 = tpu.memref_slice %arg5[%dma_wait3A_273, %dma_wait3A_274] : memref<10240x64xf32, #tpu.memory_space<vmem_shared>> -> memref<10240x64xf32, #tpu.memory_space<vmem_shared>>
    tpu.wait_indirect_dma semaphore(%arg27 : memref<!tpu.dma_semaphore, #tpu.memory_space<semaphore_mem>>) src(%arg11 : memref<40x64xf32, #tpu.memory_space<vmem>>) dst(%dma_wait3A_275 : memref<10240x64xf32, #tpu.memory_space<vmem_shared>>)
    %multiple_of3A_276 = arith.constant 9760 : i32
    %multiple_of3A_277 = tpu.assume_multiple %multiple_of3A_276, 40 : i32
    %dma_wait3A_278 = tpu.memref_slice %arg7[%multiple_of3A_277] : memref<10000xi32, #tpu.memory_space<vmem>> -> memref<40xi32, #tpu.memory_space<vmem>>
    %dma_wait3A_279 = arith.constant 0 : i32
    %dma_wait3A_280 = arith.constant 0 : i32
    %dma_wait3A_281 = tpu.memref_slice %arg5[%dma_wait3A_279, %dma_wait3A_280] : memref<10240x64xf32, #tpu.memory_space<vmem_shared>> -> memref<10240x64xf32, #tpu.memory_space<vmem_shared>>
    tpu.wait_indirect_dma semaphore(%arg28 : memref<!tpu.dma_semaphore, #tpu.memory_space<semaphore_mem>>) src(%arg12 : memref<40x64xf32, #tpu.memory_space<vmem>>) dst(%dma_wait3A_281 : memref<10240x64xf32, #tpu.memory_space<vmem_shared>>)
    %multiple_of3A_282 = arith.constant 9800 : i32
    %multiple_of3A_283 = tpu.assume_multiple %multiple_of3A_282, 40 : i32
    %dma_wait3A_284 = tpu.memref_slice %arg7[%multiple_of3A_283] : memref<10000xi32, #tpu.memory_space<vmem>> -> memref<40xi32, #tpu.memory_space<vmem>>
    %dma_wait3A_285 = arith.constant 0 : i32
    %dma_wait3A_286 = arith.constant 0 : i32
    %dma_wait3A_287 = tpu.memref_slice %arg5[%dma_wait3A_285, %dma_wait3A_286] : memref<10240x64xf32, #tpu.memory_space<vmem_shared>> -> memref<10240x64xf32, #tpu.memory_space<vmem_shared>>
    tpu.wait_indirect_dma semaphore(%arg29 : memref<!tpu.dma_semaphore, #tpu.memory_space<semaphore_mem>>) src(%arg13 : memref<40x64xf32, #tpu.memory_space<vmem>>) dst(%dma_wait3A_287 : memref<10240x64xf32, #tpu.memory_space<vmem_shared>>)
    %multiple_of3A_288 = arith.constant 9840 : i32
    %multiple_of3A_289 = tpu.assume_multiple %multiple_of3A_288, 40 : i32
    %dma_wait3A_290 = tpu.memref_slice %arg7[%multiple_of3A_289] : memref<10000xi32, #tpu.memory_space<vmem>> -> memref<40xi32, #tpu.memory_space<vmem>>
    %dma_wait3A_291 = arith.constant 0 : i32
    %dma_wait3A_292 = arith.constant 0 : i32
    %dma_wait3A_293 = tpu.memref_slice %arg5[%dma_wait3A_291, %dma_wait3A_292] : memref<10240x64xf32, #tpu.memory_space<vmem_shared>> -> memref<10240x64xf32, #tpu.memory_space<vmem_shared>>
    tpu.wait_indirect_dma semaphore(%arg30 : memref<!tpu.dma_semaphore, #tpu.memory_space<semaphore_mem>>) src(%arg14 : memref<40x64xf32, #tpu.memory_space<vmem>>) dst(%dma_wait3A_293 : memref<10240x64xf32, #tpu.memory_space<vmem_shared>>)
    %multiple_of3A_294 = arith.constant 9880 : i32
    %multiple_of3A_295 = tpu.assume_multiple %multiple_of3A_294, 40 : i32
    %dma_wait3A_296 = tpu.memref_slice %arg7[%multiple_of3A_295] : memref<10000xi32, #tpu.memory_space<vmem>> -> memref<40xi32, #tpu.memory_space<vmem>>
    %dma_wait3A_297 = arith.constant 0 : i32
    %dma_wait3A_298 = arith.constant 0 : i32
    %dma_wait3A_299 = tpu.memref_slice %arg5[%dma_wait3A_297, %dma_wait3A_298] : memref<10240x64xf32, #tpu.memory_space<vmem_shared>> -> memref<10240x64xf32, #tpu.memory_space<vmem_shared>>
    tpu.wait_indirect_dma semaphore(%arg31 : memref<!tpu.dma_semaphore, #tpu.memory_space<semaphore_mem>>) src(%arg15 : memref<40x64xf32, #tpu.memory_space<vmem>>) dst(%dma_wait3A_299 : memref<10240x64xf32, #tpu.memory_space<vmem_shared>>)
    %multiple_of3A_300 = arith.constant 9920 : i32
    %multiple_of3A_301 = tpu.assume_multiple %multiple_of3A_300, 40 : i32
    %dma_start3A_302 = tpu.memref_slice %arg6[%multiple_of3A_301] : memref<10000xi32, #tpu.memory_space<vmem>> -> memref<40xi32, #tpu.memory_space<vmem>>
    %dma_start3A_303 = arith.constant 0 : i32
    %dma_start3A_304 = arith.constant 0 : i32
    %dma_start3A_305 = tpu.memref_slice %arg2[%dma_start3A_303, %dma_start3A_304] : memref<10000x64xf32, #tpu.memory_space<hbm>> -> memref<10000x64xf32, #tpu.memory_space<hbm>>
    tpu.enqueue_indirect_dma source(%dma_start3A_305 : memref<10000x64xf32, #tpu.memory_space<hbm>>) target(%arg8 : memref<40x64xf32, #tpu.memory_space<vmem>>) offsets(%dma_start3A_302 : memref<40xi32, #tpu.memory_space<vmem>>) semaphore(%arg16 : memref<!tpu.dma_semaphore, #tpu.memory_space<semaphore_mem>>)
    %multiple_of3A_306 = arith.constant 9920 : i32
    %multiple_of3A_307 = tpu.assume_multiple %multiple_of3A_306, 40 : i32
    %dma_wait3A_308 = tpu.memref_slice %arg6[%multiple_of3A_307] : memref<10000xi32, #tpu.memory_space<vmem>> -> memref<40xi32, #tpu.memory_space<vmem>>
    %dma_wait3A_309 = arith.constant 0 : i32
    %dma_wait3A_310 = arith.constant 0 : i32
    %dma_wait3A_311 = tpu.memref_slice %arg2[%dma_wait3A_309, %dma_wait3A_310] : memref<10000x64xf32, #tpu.memory_space<hbm>> -> memref<10000x64xf32, #tpu.memory_space<hbm>>
    tpu.wait_indirect_dma semaphore(%arg16 : memref<!tpu.dma_semaphore, #tpu.memory_space<semaphore_mem>>) src(%dma_wait3A_311 : memref<10000x64xf32, #tpu.memory_space<hbm>>) dst(%arg8 : memref<40x64xf32, #tpu.memory_space<vmem>>)
    %multiple_of3A_312 = arith.constant 9920 : i32
    %multiple_of3A_313 = tpu.assume_multiple %multiple_of3A_312, 40 : i32
    %dma_start3A_314 = tpu.memref_slice %arg7[%multiple_of3A_313] : memref<10000xi32, #tpu.memory_space<vmem>> -> memref<40xi32, #tpu.memory_space<vmem>>
    %dma_start3A_315 = arith.constant 0 : i32
    %dma_start3A_316 = arith.constant 0 : i32
    %dma_start3A_317 = tpu.memref_slice %arg5[%dma_start3A_315, %dma_start3A_316] : memref<10240x64xf32, #tpu.memory_space<vmem_shared>> -> memref<10240x64xf32, #tpu.memory_space<vmem_shared>>
    tpu.enqueue_indirect_dma source(%arg8 : memref<40x64xf32, #tpu.memory_space<vmem>>) target(%dma_start3A_317 : memref<10240x64xf32, #tpu.memory_space<vmem_shared>>) offsets(%dma_start3A_314 : memref<40xi32, #tpu.memory_space<vmem>>) semaphore(%arg24 : memref<!tpu.dma_semaphore, #tpu.memory_space<semaphore_mem>>) {add = true}
    %multiple_of3A_318 = arith.constant 9920 : i32
    %multiple_of3A_319 = tpu.assume_multiple %multiple_of3A_318, 40 : i32
    %dma_wait3A_320 = tpu.memref_slice %arg7[%multiple_of3A_319] : memref<10000xi32, #tpu.memory_space<vmem>> -> memref<40xi32, #tpu.memory_space<vmem>>
    %dma_wait3A_321 = arith.constant 0 : i32
    %dma_wait3A_322 = arith.constant 0 : i32
    %dma_wait3A_323 = tpu.memref_slice %arg5[%dma_wait3A_321, %dma_wait3A_322] : memref<10240x64xf32, #tpu.memory_space<vmem_shared>> -> memref<10240x64xf32, #tpu.memory_space<vmem_shared>>
    tpu.wait_indirect_dma semaphore(%arg24 : memref<!tpu.dma_semaphore, #tpu.memory_space<semaphore_mem>>) src(%arg8 : memref<40x64xf32, #tpu.memory_space<vmem>>) dst(%dma_wait3A_323 : memref<10240x64xf32, #tpu.memory_space<vmem_shared>>)
    %multiple_of3A_324 = arith.constant 9960 : i32
    %multiple_of3A_325 = tpu.assume_multiple %multiple_of3A_324, 40 : i32
    %dma_start3A_326 = tpu.memref_slice %arg6[%multiple_of3A_325] : memref<10000xi32, #tpu.memory_space<vmem>> -> memref<40xi32, #tpu.memory_space<vmem>>
    %dma_start3A_327 = arith.constant 0 : i32
    %dma_start3A_328 = arith.constant 0 : i32
    %dma_start3A_329 = tpu.memref_slice %arg2[%dma_start3A_327, %dma_start3A_328] : memref<10000x64xf32, #tpu.memory_space<hbm>> -> memref<10000x64xf32, #tpu.memory_space<hbm>>
    tpu.enqueue_indirect_dma source(%dma_start3A_329 : memref<10000x64xf32, #tpu.memory_space<hbm>>) target(%arg8 : memref<40x64xf32, #tpu.memory_space<vmem>>) offsets(%dma_start3A_326 : memref<40xi32, #tpu.memory_space<vmem>>) semaphore(%arg16 : memref<!tpu.dma_semaphore, #tpu.memory_space<semaphore_mem>>)
    %multiple_of3A_330 = arith.constant 9960 : i32
    %multiple_of3A_331 = tpu.assume_multiple %multiple_of3A_330, 40 : i32
    %dma_wait3A_332 = tpu.memref_slice %arg6[%multiple_of3A_331] : memref<10000xi32, #tpu.memory_space<vmem>> -> memref<40xi32, #tpu.memory_space<vmem>>
    %dma_wait3A_333 = arith.constant 0 : i32
    %dma_wait3A_334 = arith.constant 0 : i32
    %dma_wait3A_335 = tpu.memref_slice %arg2[%dma_wait3A_333, %dma_wait3A_334] : memref<10000x64xf32, #tpu.memory_space<hbm>> -> memref<10000x64xf32, #tpu.memory_space<hbm>>
    tpu.wait_indirect_dma semaphore(%arg16 : memref<!tpu.dma_semaphore, #tpu.memory_space<semaphore_mem>>) src(%dma_wait3A_335 : memref<10000x64xf32, #tpu.memory_space<hbm>>) dst(%arg8 : memref<40x64xf32, #tpu.memory_space<vmem>>)
    %multiple_of3A_336 = arith.constant 9960 : i32
    %multiple_of3A_337 = tpu.assume_multiple %multiple_of3A_336, 40 : i32
    %dma_start3A_338 = tpu.memref_slice %arg7[%multiple_of3A_337] : memref<10000xi32, #tpu.memory_space<vmem>> -> memref<40xi32, #tpu.memory_space<vmem>>
    %dma_start3A_339 = arith.constant 0 : i32
    %dma_start3A_340 = arith.constant 0 : i32
    %dma_start3A_341 = tpu.memref_slice %arg5[%dma_start3A_339, %dma_start3A_340] : memref<10240x64xf32, #tpu.memory_space<vmem_shared>> -> memref<10240x64xf32, #tpu.memory_space<vmem_shared>>
    tpu.enqueue_indirect_dma source(%arg8 : memref<40x64xf32, #tpu.memory_space<vmem>>) target(%dma_start3A_341 : memref<10240x64xf32, #tpu.memory_space<vmem_shared>>) offsets(%dma_start3A_338 : memref<40xi32, #tpu.memory_space<vmem>>) semaphore(%arg24 : memref<!tpu.dma_semaphore, #tpu.memory_space<semaphore_mem>>) {add = true}
    %multiple_of3A_342 = arith.constant 9960 : i32
    %multiple_of3A_343 = tpu.assume_multiple %multiple_of3A_342, 40 : i32
    %dma_wait3A_344 = tpu.memref_slice %arg7[%multiple_of3A_343] : memref<10000xi32, #tpu.memory_space<vmem>> -> memref<40xi32, #tpu.memory_space<vmem>>
    %dma_wait3A_345 = arith.constant 0 : i32
    %dma_wait3A_346 = arith.constant 0 : i32
    %dma_wait3A_347 = tpu.memref_slice %arg5[%dma_wait3A_345, %dma_wait3A_346] : memref<10240x64xf32, #tpu.memory_space<vmem_shared>> -> memref<10240x64xf32, #tpu.memory_space<vmem_shared>>
    tpu.wait_indirect_dma semaphore(%arg24 : memref<!tpu.dma_semaphore, #tpu.memory_space<semaphore_mem>>) src(%arg8 : memref<40x64xf32, #tpu.memory_space<vmem>>) dst(%dma_wait3A_347 : memref<10240x64xf32, #tpu.memory_space<vmem_shared>>)
    %barrier3A_348 = arith.constant 0 : index
    tpu.barrier barrier_id(%barrier3A_348)
    %mul3A_349 = arith.constant 640 : i32
    %mul3A_350 = arith.muli %arg1, %mul3A_349 : i32
    %mul3A_351 = arith.constant 640 : i32
    %mul3A_352 = arith.muli %arg1, %mul3A_351 : i32
    "tpu.region"() ({
      %run_scoped3A_353 = tpu.sem_alloc : memref<!tpu.dma_semaphore, #tpu.memory_space<semaphore_mem>>
      %dma_start3A_354 = arith.constant 0 : i32
      %dma_start3A_355 = tpu.memref_slice %arg4[%arg0, %mul3A_352, %dma_start3A_354] : memref<2x10240x64xf32, #tpu.memory_space<hbm>> -> memref<1x640x64xf32, #tpu.memory_space<hbm>>
      %dma_start3A_356 = tpu.memref_squeeze %dma_start3A_355 : memref<1x640x64xf32, #tpu.memory_space<hbm>> -> memref<640x64xf32, #tpu.memory_space<hbm>>
      %dma_start3A_357 = arith.constant 0 : i32
      %dma_start3A_358 = tpu.memref_slice %arg5[%mul3A_350, %dma_start3A_357] : memref<10240x64xf32, #tpu.memory_space<vmem_shared>> -> memref<640x64xf32, #tpu.memory_space<vmem_shared>>
      tpu.enqueue_dma source(%dma_start3A_358 : memref<640x64xf32, #tpu.memory_space<vmem_shared>>) target(%dma_start3A_356 : memref<640x64xf32, #tpu.memory_space<hbm>>) target_semaphore(%run_scoped3A_353 : memref<!tpu.dma_semaphore, #tpu.memory_space<semaphore_mem>>)
      %dma_wait3A_359 = arith.constant 0 : i32
      %dma_wait3A_360 = tpu.memref_slice %arg4[%arg0, %mul3A_352, %dma_wait3A_359] : memref<2x10240x64xf32, #tpu.memory_space<hbm>> -> memref<1x640x64xf32, #tpu.memory_space<hbm>>
      %dma_wait3A_361 = tpu.memref_squeeze %dma_wait3A_360 : memref<1x640x64xf32, #tpu.memory_space<hbm>> -> memref<640x64xf32, #tpu.memory_space<hbm>>
      %dma_wait3A_362 = arith.constant 0 : i32
      %dma_wait3A_363 = tpu.memref_slice %arg5[%mul3A_350, %dma_wait3A_362] : memref<10240x64xf32, #tpu.memory_space<vmem_shared>> -> memref<640x64xf32, #tpu.memory_space<vmem_shared>>
      tpu.wait_dma2 semaphore(%run_scoped3A_353 : memref<!tpu.dma_semaphore, #tpu.memory_space<semaphore_mem>>) src(%dma_wait3A_363 : memref<640x64xf32, #tpu.memory_space<vmem_shared>>) dst(%dma_wait3A_361 : memref<640x64xf32, #tpu.memory_space<hbm>>)
      tpu.yield
    }) : () -> ()
    return
  }
}

#map = affine_map<(d0, d1) -> (0, 0)>
#map1 = affine_map<(d0, d1) -> (0, 0, 0)>
module attributes {stable_mosaic.version = 14 : i64} {
  func.func @_seg_body(%arg0: i32, %arg1: i32, %arg2: memref<10000x128xf32, #tpu.memory_space<hbm>>, %arg3: memref<2x320000xi32, #tpu.memory_space<hbm>>, %arg4: memref<2x10240x128xf32, #tpu.memory_space<hbm>>, %arg5: memref<10240x128xf32, #tpu.memory_space<vmem_shared>>, %arg6: memref<10000xi32, #tpu.memory_space<vmem>>, %arg7: memref<10000xi32, #tpu.memory_space<vmem>>, %arg8: memref<40x128xf32, #tpu.memory_space<vmem>>, %arg9: memref<40x128xf32, #tpu.memory_space<vmem>>, %arg10: memref<40x128xf32, #tpu.memory_space<vmem>>, %arg11: memref<40x128xf32, #tpu.memory_space<vmem>>, %arg12: memref<40x128xf32, #tpu.memory_space<vmem>>, %arg13: memref<!tpu.dma_semaphore, #tpu.memory_space<semaphore_mem>>, %arg14: memref<!tpu.dma_semaphore, #tpu.memory_space<semaphore_mem>>, %arg15: memref<!tpu.dma_semaphore, #tpu.memory_space<semaphore_mem>>, %arg16: memref<!tpu.dma_semaphore, #tpu.memory_space<semaphore_mem>>, %arg17: memref<!tpu.dma_semaphore, #tpu.memory_space<semaphore_mem>>, %arg18: memref<!tpu.dma_semaphore, #tpu.memory_space<semaphore_mem>>, %arg19: memref<!tpu.dma_semaphore, #tpu.memory_space<semaphore_mem>>, %arg20: memref<!tpu.dma_semaphore, #tpu.memory_space<semaphore_mem>>, %arg21: memref<!tpu.dma_semaphore, #tpu.memory_space<semaphore_mem>>, %arg22: memref<!tpu.dma_semaphore, #tpu.memory_space<semaphore_mem>>) attributes {dimension_semantics = [#tpu.dimension_semantics<core_parallel>, #tpu.dimension_semantics<subcore_parallel>], iteration_bounds = array<i64: 2, 16>, scalar_prefetch = 0 : i64, scratch_operands = 18 : i64, tpu.core_type = #tpu.core_type<sc_vector_subcore>, window_params = [{transform_indices = #map}, {transform_indices = #map}, {transform_indices = #map1}]} {
    %mul3A = arith.constant 16 : i32
    %mul3A_0 = arith.muli %arg0, %mul3A : i32
    %add3A = arith.addi %mul3A_0, %arg1 : i32
    %scan3A = arith.constant 0 : i32
    %scan3A_1 = arith.constant 320 : i32
    %scan3A_2 = arith.addi %scan3A, %scan3A_1 : i32
    %scan3A_3 = arith.constant 1 : i32
    scf.for %scan3A_269 = %scan3A to %scan3A_2 step %scan3A_3  : i32 {
      %jit3A = arith.constant 8 : i32
      %div3A = arith.divsi %scan3A_269, %jit3A : i32
      %sign3A = arith.constant 0 : i32
      %sign3A_270 = arith.cmpi sgt, %scan3A_269, %sign3A : i32
      %sign3A_271 = arith.extui %sign3A_270 : i1 to i32
      %sign3A_272 = arith.constant 0 : i32
      %sign3A_273 = arith.cmpi slt, %scan3A_269, %sign3A_272 : i32
      %sign3A_274 = arith.extui %sign3A_273 : i1 to i32
      %sign3A_275 = arith.subi %sign3A_271, %sign3A_274 : i32
      %sign3A_276 = arith.constant 0 : i32
      %sign3A_277 = arith.cmpi sgt, %jit3A, %sign3A_276 : i32
      %sign3A_278 = arith.extui %sign3A_277 : i1 to i32
      %sign3A_279 = arith.constant 0 : i32
      %sign3A_280 = arith.cmpi slt, %jit3A, %sign3A_279 : i32
      %sign3A_281 = arith.extui %sign3A_280 : i1 to i32
      %sign3A_282 = arith.subi %sign3A_278, %sign3A_281 : i32
      %ne3A = arith.cmpi ne, %sign3A_275, %sign3A_282 : i32
      %rem3A = arith.remsi %scan3A_269, %jit3A : i32
      %ne3A_283 = arith.constant 0 : i32
      %ne3A_284 = arith.cmpi ne, %rem3A, %ne3A_283 : i32
      %and3A = arith.andi %ne3A, %ne3A_284 : i1
      %sub3A = arith.constant 1 : i32
      %sub3A_285 = arith.subi %div3A, %sub3A : i32
      %select_n3A = arith.select %and3A, %sub3A_285, %div3A : i32
      %jit3A_286 = arith.constant 8 : i32
      %eq3A = arith.constant 0 : i32
      %eq3A_287 = arith.cmpi eq, %jit3A_286, %eq3A : i32
      %jit3A_288 = arith.constant 1 : i32
      %select_n3A_289 = arith.select %eq3A_287, %jit3A_288, %jit3A_286 : i32
      %rem3A_290 = arith.remsi %scan3A_269, %select_n3A_289 : i32
      %ne3A_291 = arith.constant 0 : i32
      %ne3A_292 = arith.cmpi ne, %rem3A_290, %ne3A_291 : i32
      %lt3A = arith.constant 0 : i32
      %lt3A_293 = arith.cmpi slt, %rem3A_290, %lt3A : i32
      %lt3A_294 = arith.constant 0 : i32
      %lt3A_295 = arith.cmpi slt, %select_n3A_289, %lt3A_294 : i32
      %ne3A_296 = arith.xori %lt3A_293, %lt3A_295 : i1
      %and3A_297 = arith.andi %ne3A_296, %ne3A_292 : i1
      %add3A_298 = arith.addi %rem3A_290, %select_n3A_289 : i32
      %select_n3A_299 = arith.select %and3A_297, %add3A_298, %rem3A_290 : i32
      %mul3A_300 = arith.constant 16 : i32
      %mul3A_301 = arith.muli %select_n3A_299, %mul3A_300 : i32
      %broadcast_in_dim3A = arith.constant 0.000000e+00 : f32
      %broadcast_in_dim3A_302 = vector.broadcast %broadcast_in_dim3A : f32 to vector<16xf32>
      %swap3A = arith.index_cast %select_n3A : i32 to index
      %swap3A_303 = arith.index_cast %mul3A_301 : i32 to index
      %swap3A_304 = tpu.vector_load %arg8[%swap3A, %swap3A_303] {strides = array<i32>} : memref<40x128xf32, #tpu.memory_space<vmem>>, vector<1x16xf32>,
      %swap3A_305 = vector.shape_cast %swap3A_304 : vector<1x16xf32> to vector<16xf32>
      %swap3A_306 = vector.shape_cast %broadcast_in_dim3A_302 : vector<16xf32> to vector<1x16xf32>
      tpu.vector_store %arg8[%swap3A, %swap3A_303], %swap3A_306 {strides = array<i32>} : memref<40x128xf32, #tpu.memory_space<vmem>>, vector<1x16xf32>,
    }
    %scan3A_4 = arith.constant 320 : i32
    %mul3A_5 = arith.constant 640 : i32
    %mul3A_6 = arith.muli %arg1, %mul3A_5 : i32
    %add3A_7 = arith.constant 0 : i32
    %add3A_8 = arith.addi %mul3A_6, %add3A_7 : i32
    %dma_start3A = arith.constant 0 : i32
    %dma_start3A_9 = tpu.memref_slice %arg5[%add3A_8, %dma_start3A] : memref<10240x128xf32, #tpu.memory_space<vmem_shared>> -> memref<40x128xf32, #tpu.memory_space<vmem_shared>>
    %dma_start3A_10 = arith.constant 0 : i32
    %dma_start3A_11 = tpu.memref_slice %arg5[%add3A_8, %dma_start3A_10] : memref<10240x128xf32, #tpu.memory_space<vmem_shared>> -> memref<40x128xf32, #tpu.memory_space<vmem_shared>>
    tpu.enqueue_dma source(%arg8 : memref<40x128xf32, #tpu.memory_space<vmem>>) target(%dma_start3A_11 : memref<40x128xf32, #tpu.memory_space<vmem_shared>>) target_semaphore(%arg13 : memref<!tpu.dma_semaphore, #tpu.memory_space<semaphore_mem>>)
    %mul3A_12 = arith.constant 640 : i32
    %mul3A_13 = arith.muli %arg1, %mul3A_12 : i32
    %add3A_14 = arith.constant 40 : i32
    %add3A_15 = arith.addi %mul3A_13, %add3A_14 : i32
    %dma_start3A_16 = arith.constant 0 : i32
    %dma_start3A_17 = tpu.memref_slice %arg5[%add3A_15, %dma_start3A_16] : memref<10240x128xf32, #tpu.memory_space<vmem_shared>> -> memref<40x128xf32, #tpu.memory_space<vmem_shared>>
    %dma_start3A_18 = arith.constant 0 : i32
    %dma_start3A_19 = tpu.memref_slice %arg5[%add3A_15, %dma_start3A_18] : memref<10240x128xf32, #tpu.memory_space<vmem_shared>> -> memref<40x128xf32, #tpu.memory_space<vmem_shared>>
    tpu.enqueue_dma source(%arg8 : memref<40x128xf32, #tpu.memory_space<vmem>>) target(%dma_start3A_19 : memref<40x128xf32, #tpu.memory_space<vmem_shared>>) target_semaphore(%arg13 : memref<!tpu.dma_semaphore, #tpu.memory_space<semaphore_mem>>)
    %mul3A_20 = arith.constant 640 : i32
    %mul3A_21 = arith.muli %arg1, %mul3A_20 : i32
    %add3A_22 = arith.constant 80 : i32
    %add3A_23 = arith.addi %mul3A_21, %add3A_22 : i32
    %dma_start3A_24 = arith.constant 0 : i32
    %dma_start3A_25 = tpu.memref_slice %arg5[%add3A_23, %dma_start3A_24] : memref<10240x128xf32, #tpu.memory_space<vmem_shared>> -> memref<40x128xf32, #tpu.memory_space<vmem_shared>>
    %dma_start3A_26 = arith.constant 0 : i32
    %dma_start3A_27 = tpu.memref_slice %arg5[%add3A_23, %dma_start3A_26] : memref<10240x128xf32, #tpu.memory_space<vmem_shared>> -> memref<40x128xf32, #tpu.memory_space<vmem_shared>>
    tpu.enqueue_dma source(%arg8 : memref<40x128xf32, #tpu.memory_space<vmem>>) target(%dma_start3A_27 : memref<40x128xf32, #tpu.memory_space<vmem_shared>>) target_semaphore(%arg13 : memref<!tpu.dma_semaphore, #tpu.memory_space<semaphore_mem>>)
    %mul3A_28 = arith.constant 640 : i32
    %mul3A_29 = arith.muli %arg1, %mul3A_28 : i32
    %add3A_30 = arith.constant 120 : i32
    %add3A_31 = arith.addi %mul3A_29, %add3A_30 : i32
    %dma_start3A_32 = arith.constant 0 : i32
    %dma_start3A_33 = tpu.memref_slice %arg5[%add3A_31, %dma_start3A_32] : memref<10240x128xf32, #tpu.memory_space<vmem_shared>> -> memref<40x128xf32, #tpu.memory_space<vmem_shared>>
    %dma_start3A_34 = arith.constant 0 : i32
    %dma_start3A_35 = tpu.memref_slice %arg5[%add3A_31, %dma_start3A_34] : memref<10240x128xf32, #tpu.memory_space<vmem_shared>> -> memref<40x128xf32, #tpu.memory_space<vmem_shared>>
    tpu.enqueue_dma source(%arg8 : memref<40x128xf32, #tpu.memory_space<vmem>>) target(%dma_start3A_35 : memref<40x128xf32, #tpu.memory_space<vmem_shared>>) target_semaphore(%arg13 : memref<!tpu.dma_semaphore, #tpu.memory_space<semaphore_mem>>)
    %mul3A_36 = arith.constant 640 : i32
    %mul3A_37 = arith.muli %arg1, %mul3A_36 : i32
    %add3A_38 = arith.constant 160 : i32
    %add3A_39 = arith.addi %mul3A_37, %add3A_38 : i32
    %dma_start3A_40 = arith.constant 0 : i32
    %dma_start3A_41 = tpu.memref_slice %arg5[%add3A_39, %dma_start3A_40] : memref<10240x128xf32, #tpu.memory_space<vmem_shared>> -> memref<40x128xf32, #tpu.memory_space<vmem_shared>>
    %dma_start3A_42 = arith.constant 0 : i32
    %dma_start3A_43 = tpu.memref_slice %arg5[%add3A_39, %dma_start3A_42] : memref<10240x128xf32, #tpu.memory_space<vmem_shared>> -> memref<40x128xf32, #tpu.memory_space<vmem_shared>>
    tpu.enqueue_dma source(%arg8 : memref<40x128xf32, #tpu.memory_space<vmem>>) target(%dma_start3A_43 : memref<40x128xf32, #tpu.memory_space<vmem_shared>>) target_semaphore(%arg13 : memref<!tpu.dma_semaphore, #tpu.memory_space<semaphore_mem>>)
    %mul3A_44 = arith.constant 640 : i32
    %mul3A_45 = arith.muli %arg1, %mul3A_44 : i32
    %add3A_46 = arith.constant 200 : i32
    %add3A_47 = arith.addi %mul3A_45, %add3A_46 : i32
    %dma_start3A_48 = arith.constant 0 : i32
    %dma_start3A_49 = tpu.memref_slice %arg5[%add3A_47, %dma_start3A_48] : memref<10240x128xf32, #tpu.memory_space<vmem_shared>> -> memref<40x128xf32, #tpu.memory_space<vmem_shared>>
    %dma_start3A_50 = arith.constant 0 : i32
    %dma_start3A_51 = tpu.memref_slice %arg5[%add3A_47, %dma_start3A_50] : memref<10240x128xf32, #tpu.memory_space<vmem_shared>> -> memref<40x128xf32, #tpu.memory_space<vmem_shared>>
    tpu.enqueue_dma source(%arg8 : memref<40x128xf32, #tpu.memory_space<vmem>>) target(%dma_start3A_51 : memref<40x128xf32, #tpu.memory_space<vmem_shared>>) target_semaphore(%arg13 : memref<!tpu.dma_semaphore, #tpu.memory_space<semaphore_mem>>)
    %mul3A_52 = arith.constant 640 : i32
    %mul3A_53 = arith.muli %arg1, %mul3A_52 : i32
    %add3A_54 = arith.constant 240 : i32
    %add3A_55 = arith.addi %mul3A_53, %add3A_54 : i32
    %dma_start3A_56 = arith.constant 0 : i32
    %dma_start3A_57 = tpu.memref_slice %arg5[%add3A_55, %dma_start3A_56] : memref<10240x128xf32, #tpu.memory_space<vmem_shared>> -> memref<40x128xf32, #tpu.memory_space<vmem_shared>>
    %dma_start3A_58 = arith.constant 0 : i32
    %dma_start3A_59 = tpu.memref_slice %arg5[%add3A_55, %dma_start3A_58] : memref<10240x128xf32, #tpu.memory_space<vmem_shared>> -> memref<40x128xf32, #tpu.memory_space<vmem_shared>>
    tpu.enqueue_dma source(%arg8 : memref<40x128xf32, #tpu.memory_space<vmem>>) target(%dma_start3A_59 : memref<40x128xf32, #tpu.memory_space<vmem_shared>>) target_semaphore(%arg13 : memref<!tpu.dma_semaphore, #tpu.memory_space<semaphore_mem>>)
    %mul3A_60 = arith.constant 640 : i32
    %mul3A_61 = arith.muli %arg1, %mul3A_60 : i32
    %add3A_62 = arith.constant 280 : i32
    %add3A_63 = arith.addi %mul3A_61, %add3A_62 : i32
    %dma_start3A_64 = arith.constant 0 : i32
    %dma_start3A_65 = tpu.memref_slice %arg5[%add3A_63, %dma_start3A_64] : memref<10240x128xf32, #tpu.memory_space<vmem_shared>> -> memref<40x128xf32, #tpu.memory_space<vmem_shared>>
    %dma_start3A_66 = arith.constant 0 : i32
    %dma_start3A_67 = tpu.memref_slice %arg5[%add3A_63, %dma_start3A_66] : memref<10240x128xf32, #tpu.memory_space<vmem_shared>> -> memref<40x128xf32, #tpu.memory_space<vmem_shared>>
    tpu.enqueue_dma source(%arg8 : memref<40x128xf32, #tpu.memory_space<vmem>>) target(%dma_start3A_67 : memref<40x128xf32, #tpu.memory_space<vmem_shared>>) target_semaphore(%arg13 : memref<!tpu.dma_semaphore, #tpu.memory_space<semaphore_mem>>)
    %mul3A_68 = arith.constant 640 : i32
    %mul3A_69 = arith.muli %arg1, %mul3A_68 : i32
    %add3A_70 = arith.constant 320 : i32
    %add3A_71 = arith.addi %mul3A_69, %add3A_70 : i32
    %dma_start3A_72 = arith.constant 0 : i32
    %dma_start3A_73 = tpu.memref_slice %arg5[%add3A_71, %dma_start3A_72] : memref<10240x128xf32, #tpu.memory_space<vmem_shared>> -> memref<40x128xf32, #tpu.memory_space<vmem_shared>>
    %dma_start3A_74 = arith.constant 0 : i32
    %dma_start3A_75 = tpu.memref_slice %arg5[%add3A_71, %dma_start3A_74] : memref<10240x128xf32, #tpu.memory_space<vmem_shared>> -> memref<40x128xf32, #tpu.memory_space<vmem_shared>>
    tpu.enqueue_dma source(%arg8 : memref<40x128xf32, #tpu.memory_space<vmem>>) target(%dma_start3A_75 : memref<40x128xf32, #tpu.memory_space<vmem_shared>>) target_semaphore(%arg13 : memref<!tpu.dma_semaphore, #tpu.memory_space<semaphore_mem>>)
    %mul3A_76 = arith.constant 640 : i32
    %mul3A_77 = arith.muli %arg1, %mul3A_76 : i32
    %add3A_78 = arith.constant 360 : i32
    %add3A_79 = arith.addi %mul3A_77, %add3A_78 : i32
    %dma_start3A_80 = arith.constant 0 : i32
    %dma_start3A_81 = tpu.memref_slice %arg5[%add3A_79, %dma_start3A_80] : memref<10240x128xf32, #tpu.memory_space<vmem_shared>> -> memref<40x128xf32, #tpu.memory_space<vmem_shared>>
    %dma_start3A_82 = arith.constant 0 : i32
    %dma_start3A_83 = tpu.memref_slice %arg5[%add3A_79, %dma_start3A_82] : memref<10240x128xf32, #tpu.memory_space<vmem_shared>> -> memref<40x128xf32, #tpu.memory_space<vmem_shared>>
    tpu.enqueue_dma source(%arg8 : memref<40x128xf32, #tpu.memory_space<vmem>>) target(%dma_start3A_83 : memref<40x128xf32, #tpu.memory_space<vmem_shared>>) target_semaphore(%arg13 : memref<!tpu.dma_semaphore, #tpu.memory_space<semaphore_mem>>)
    %mul3A_84 = arith.constant 640 : i32
    %mul3A_85 = arith.muli %arg1, %mul3A_84 : i32
    %add3A_86 = arith.constant 400 : i32
    %add3A_87 = arith.addi %mul3A_85, %add3A_86 : i32
    %dma_start3A_88 = arith.constant 0 : i32
    %dma_start3A_89 = tpu.memref_slice %arg5[%add3A_87, %dma_start3A_88] : memref<10240x128xf32, #tpu.memory_space<vmem_shared>> -> memref<40x128xf32, #tpu.memory_space<vmem_shared>>
    %dma_start3A_90 = arith.constant 0 : i32
    %dma_start3A_91 = tpu.memref_slice %arg5[%add3A_87, %dma_start3A_90] : memref<10240x128xf32, #tpu.memory_space<vmem_shared>> -> memref<40x128xf32, #tpu.memory_space<vmem_shared>>
    tpu.enqueue_dma source(%arg8 : memref<40x128xf32, #tpu.memory_space<vmem>>) target(%dma_start3A_91 : memref<40x128xf32, #tpu.memory_space<vmem_shared>>) target_semaphore(%arg13 : memref<!tpu.dma_semaphore, #tpu.memory_space<semaphore_mem>>)
    %mul3A_92 = arith.constant 640 : i32
    %mul3A_93 = arith.muli %arg1, %mul3A_92 : i32
    %add3A_94 = arith.constant 440 : i32
    %add3A_95 = arith.addi %mul3A_93, %add3A_94 : i32
    %dma_start3A_96 = arith.constant 0 : i32
    %dma_start3A_97 = tpu.memref_slice %arg5[%add3A_95, %dma_start3A_96] : memref<10240x128xf32, #tpu.memory_space<vmem_shared>> -> memref<40x128xf32, #tpu.memory_space<vmem_shared>>
    %dma_start3A_98 = arith.constant 0 : i32
    %dma_start3A_99 = tpu.memref_slice %arg5[%add3A_95, %dma_start3A_98] : memref<10240x128xf32, #tpu.memory_space<vmem_shared>> -> memref<40x128xf32, #tpu.memory_space<vmem_shared>>
    tpu.enqueue_dma source(%arg8 : memref<40x128xf32, #tpu.memory_space<vmem>>) target(%dma_start3A_99 : memref<40x128xf32, #tpu.memory_space<vmem_shared>>) target_semaphore(%arg13 : memref<!tpu.dma_semaphore, #tpu.memory_space<semaphore_mem>>)
    %mul3A_100 = arith.constant 640 : i32
    %mul3A_101 = arith.muli %arg1, %mul3A_100 : i32
    %add3A_102 = arith.constant 480 : i32
    %add3A_103 = arith.addi %mul3A_101, %add3A_102 : i32
    %dma_start3A_104 = arith.constant 0 : i32
    %dma_start3A_105 = tpu.memref_slice %arg5[%add3A_103, %dma_start3A_104] : memref<10240x128xf32, #tpu.memory_space<vmem_shared>> -> memref<40x128xf32, #tpu.memory_space<vmem_shared>>
    %dma_start3A_106 = arith.constant 0 : i32
    %dma_start3A_107 = tpu.memref_slice %arg5[%add3A_103, %dma_start3A_106] : memref<10240x128xf32, #tpu.memory_space<vmem_shared>> -> memref<40x128xf32, #tpu.memory_space<vmem_shared>>
    tpu.enqueue_dma source(%arg8 : memref<40x128xf32, #tpu.memory_space<vmem>>) target(%dma_start3A_107 : memref<40x128xf32, #tpu.memory_space<vmem_shared>>) target_semaphore(%arg13 : memref<!tpu.dma_semaphore, #tpu.memory_space<semaphore_mem>>)
    %mul3A_108 = arith.constant 640 : i32
    %mul3A_109 = arith.muli %arg1, %mul3A_108 : i32
    %add3A_110 = arith.constant 520 : i32
    %add3A_111 = arith.addi %mul3A_109, %add3A_110 : i32
    %dma_start3A_112 = arith.constant 0 : i32
    %dma_start3A_113 = tpu.memref_slice %arg5[%add3A_111, %dma_start3A_112] : memref<10240x128xf32, #tpu.memory_space<vmem_shared>> -> memref<40x128xf32, #tpu.memory_space<vmem_shared>>
    %dma_start3A_114 = arith.constant 0 : i32
    %dma_start3A_115 = tpu.memref_slice %arg5[%add3A_111, %dma_start3A_114] : memref<10240x128xf32, #tpu.memory_space<vmem_shared>> -> memref<40x128xf32, #tpu.memory_space<vmem_shared>>
    tpu.enqueue_dma source(%arg8 : memref<40x128xf32, #tpu.memory_space<vmem>>) target(%dma_start3A_115 : memref<40x128xf32, #tpu.memory_space<vmem_shared>>) target_semaphore(%arg13 : memref<!tpu.dma_semaphore, #tpu.memory_space<semaphore_mem>>)
    %mul3A_116 = arith.constant 640 : i32
    %mul3A_117 = arith.muli %arg1, %mul3A_116 : i32
    %add3A_118 = arith.constant 560 : i32
    %add3A_119 = arith.addi %mul3A_117, %add3A_118 : i32
    %dma_start3A_120 = arith.constant 0 : i32
    %dma_start3A_121 = tpu.memref_slice %arg5[%add3A_119, %dma_start3A_120] : memref<10240x128xf32, #tpu.memory_space<vmem_shared>> -> memref<40x128xf32, #tpu.memory_space<vmem_shared>>
    %dma_start3A_122 = arith.constant 0 : i32
    %dma_start3A_123 = tpu.memref_slice %arg5[%add3A_119, %dma_start3A_122] : memref<10240x128xf32, #tpu.memory_space<vmem_shared>> -> memref<40x128xf32, #tpu.memory_space<vmem_shared>>
    tpu.enqueue_dma source(%arg8 : memref<40x128xf32, #tpu.memory_space<vmem>>) target(%dma_start3A_123 : memref<40x128xf32, #tpu.memory_space<vmem_shared>>) target_semaphore(%arg13 : memref<!tpu.dma_semaphore, #tpu.memory_space<semaphore_mem>>)
    %mul3A_124 = arith.constant 640 : i32
    %mul3A_125 = arith.muli %arg1, %mul3A_124 : i32
    %add3A_126 = arith.constant 600 : i32
    %add3A_127 = arith.addi %mul3A_125, %add3A_126 : i32
    %dma_start3A_128 = arith.constant 0 : i32
    %dma_start3A_129 = tpu.memref_slice %arg5[%add3A_127, %dma_start3A_128] : memref<10240x128xf32, #tpu.memory_space<vmem_shared>> -> memref<40x128xf32, #tpu.memory_space<vmem_shared>>
    %dma_start3A_130 = arith.constant 0 : i32
    %dma_start3A_131 = tpu.memref_slice %arg5[%add3A_127, %dma_start3A_130] : memref<10240x128xf32, #tpu.memory_space<vmem_shared>> -> memref<40x128xf32, #tpu.memory_space<vmem_shared>>
    tpu.enqueue_dma source(%arg8 : memref<40x128xf32, #tpu.memory_space<vmem>>) target(%dma_start3A_131 : memref<40x128xf32, #tpu.memory_space<vmem_shared>>) target_semaphore(%arg13 : memref<!tpu.dma_semaphore, #tpu.memory_space<semaphore_mem>>)
    %dma_wait3A = arith.constant 0 : i32
    %dma_wait3A_132 = tpu.memref_slice %arg5[%add3A_8, %dma_wait3A] : memref<10240x128xf32, #tpu.memory_space<vmem_shared>> -> memref<40x128xf32, #tpu.memory_space<vmem_shared>>
    %dma_wait3A_133 = arith.constant 0 : i32
    %dma_wait3A_134 = tpu.memref_slice %arg5[%add3A_8, %dma_wait3A_133] : memref<10240x128xf32, #tpu.memory_space<vmem_shared>> -> memref<40x128xf32, #tpu.memory_space<vmem_shared>>
    tpu.wait_dma2 semaphore(%arg13 : memref<!tpu.dma_semaphore, #tpu.memory_space<semaphore_mem>>) src(%arg8 : memref<40x128xf32, #tpu.memory_space<vmem>>) dst(%dma_wait3A_134 : memref<40x128xf32, #tpu.memory_space<vmem_shared>>)
    %dma_wait3A_135 = arith.constant 0 : i32
    %dma_wait3A_136 = tpu.memref_slice %arg5[%add3A_15, %dma_wait3A_135] : memref<10240x128xf32, #tpu.memory_space<vmem_shared>> -> memref<40x128xf32, #tpu.memory_space<vmem_shared>>
    %dma_wait3A_137 = arith.constant 0 : i32
    %dma_wait3A_138 = tpu.memref_slice %arg5[%add3A_15, %dma_wait3A_137] : memref<10240x128xf32, #tpu.memory_space<vmem_shared>> -> memref<40x128xf32, #tpu.memory_space<vmem_shared>>
    tpu.wait_dma2 semaphore(%arg13 : memref<!tpu.dma_semaphore, #tpu.memory_space<semaphore_mem>>) src(%arg8 : memref<40x128xf32, #tpu.memory_space<vmem>>) dst(%dma_wait3A_138 : memref<40x128xf32, #tpu.memory_space<vmem_shared>>)
    %dma_wait3A_139 = arith.constant 0 : i32
    %dma_wait3A_140 = tpu.memref_slice %arg5[%add3A_23, %dma_wait3A_139] : memref<10240x128xf32, #tpu.memory_space<vmem_shared>> -> memref<40x128xf32, #tpu.memory_space<vmem_shared>>
    %dma_wait3A_141 = arith.constant 0 : i32
    %dma_wait3A_142 = tpu.memref_slice %arg5[%add3A_23, %dma_wait3A_141] : memref<10240x128xf32, #tpu.memory_space<vmem_shared>> -> memref<40x128xf32, #tpu.memory_space<vmem_shared>>
    tpu.wait_dma2 semaphore(%arg13 : memref<!tpu.dma_semaphore, #tpu.memory_space<semaphore_mem>>) src(%arg8 : memref<40x128xf32, #tpu.memory_space<vmem>>) dst(%dma_wait3A_142 : memref<40x128xf32, #tpu.memory_space<vmem_shared>>)
    %dma_wait3A_143 = arith.constant 0 : i32
    %dma_wait3A_144 = tpu.memref_slice %arg5[%add3A_31, %dma_wait3A_143] : memref<10240x128xf32, #tpu.memory_space<vmem_shared>> -> memref<40x128xf32, #tpu.memory_space<vmem_shared>>
    %dma_wait3A_145 = arith.constant 0 : i32
    %dma_wait3A_146 = tpu.memref_slice %arg5[%add3A_31, %dma_wait3A_145] : memref<10240x128xf32, #tpu.memory_space<vmem_shared>> -> memref<40x128xf32, #tpu.memory_space<vmem_shared>>
    tpu.wait_dma2 semaphore(%arg13 : memref<!tpu.dma_semaphore, #tpu.memory_space<semaphore_mem>>) src(%arg8 : memref<40x128xf32, #tpu.memory_space<vmem>>) dst(%dma_wait3A_146 : memref<40x128xf32, #tpu.memory_space<vmem_shared>>)
    %dma_wait3A_147 = arith.constant 0 : i32
    %dma_wait3A_148 = tpu.memref_slice %arg5[%add3A_39, %dma_wait3A_147] : memref<10240x128xf32, #tpu.memory_space<vmem_shared>> -> memref<40x128xf32, #tpu.memory_space<vmem_shared>>
    %dma_wait3A_149 = arith.constant 0 : i32
    %dma_wait3A_150 = tpu.memref_slice %arg5[%add3A_39, %dma_wait3A_149] : memref<10240x128xf32, #tpu.memory_space<vmem_shared>> -> memref<40x128xf32, #tpu.memory_space<vmem_shared>>
    tpu.wait_dma2 semaphore(%arg13 : memref<!tpu.dma_semaphore, #tpu.memory_space<semaphore_mem>>) src(%arg8 : memref<40x128xf32, #tpu.memory_space<vmem>>) dst(%dma_wait3A_150 : memref<40x128xf32, #tpu.memory_space<vmem_shared>>)
    %dma_wait3A_151 = arith.constant 0 : i32
    %dma_wait3A_152 = tpu.memref_slice %arg5[%add3A_47, %dma_wait3A_151] : memref<10240x128xf32, #tpu.memory_space<vmem_shared>> -> memref<40x128xf32, #tpu.memory_space<vmem_shared>>
    %dma_wait3A_153 = arith.constant 0 : i32
    %dma_wait3A_154 = tpu.memref_slice %arg5[%add3A_47, %dma_wait3A_153] : memref<10240x128xf32, #tpu.memory_space<vmem_shared>> -> memref<40x128xf32, #tpu.memory_space<vmem_shared>>
    tpu.wait_dma2 semaphore(%arg13 : memref<!tpu.dma_semaphore, #tpu.memory_space<semaphore_mem>>) src(%arg8 : memref<40x128xf32, #tpu.memory_space<vmem>>) dst(%dma_wait3A_154 : memref<40x128xf32, #tpu.memory_space<vmem_shared>>)
    %dma_wait3A_155 = arith.constant 0 : i32
    %dma_wait3A_156 = tpu.memref_slice %arg5[%add3A_55, %dma_wait3A_155] : memref<10240x128xf32, #tpu.memory_space<vmem_shared>> -> memref<40x128xf32, #tpu.memory_space<vmem_shared>>
    %dma_wait3A_157 = arith.constant 0 : i32
    %dma_wait3A_158 = tpu.memref_slice %arg5[%add3A_55, %dma_wait3A_157] : memref<10240x128xf32, #tpu.memory_space<vmem_shared>> -> memref<40x128xf32, #tpu.memory_space<vmem_shared>>
    tpu.wait_dma2 semaphore(%arg13 : memref<!tpu.dma_semaphore, #tpu.memory_space<semaphore_mem>>) src(%arg8 : memref<40x128xf32, #tpu.memory_space<vmem>>) dst(%dma_wait3A_158 : memref<40x128xf32, #tpu.memory_space<vmem_shared>>)
    %dma_wait3A_159 = arith.constant 0 : i32
    %dma_wait3A_160 = tpu.memref_slice %arg5[%add3A_63, %dma_wait3A_159] : memref<10240x128xf32, #tpu.memory_space<vmem_shared>> -> memref<40x128xf32, #tpu.memory_space<vmem_shared>>
    %dma_wait3A_161 = arith.constant 0 : i32
    %dma_wait3A_162 = tpu.memref_slice %arg5[%add3A_63, %dma_wait3A_161] : memref<10240x128xf32, #tpu.memory_space<vmem_shared>> -> memref<40x128xf32, #tpu.memory_space<vmem_shared>>
    tpu.wait_dma2 semaphore(%arg13 : memref<!tpu.dma_semaphore, #tpu.memory_space<semaphore_mem>>) src(%arg8 : memref<40x128xf32, #tpu.memory_space<vmem>>) dst(%dma_wait3A_162 : memref<40x128xf32, #tpu.memory_space<vmem_shared>>)
    %dma_wait3A_163 = arith.constant 0 : i32
    %dma_wait3A_164 = tpu.memref_slice %arg5[%add3A_71, %dma_wait3A_163] : memref<10240x128xf32, #tpu.memory_space<vmem_shared>> -> memref<40x128xf32, #tpu.memory_space<vmem_shared>>
    %dma_wait3A_165 = arith.constant 0 : i32
    %dma_wait3A_166 = tpu.memref_slice %arg5[%add3A_71, %dma_wait3A_165] : memref<10240x128xf32, #tpu.memory_space<vmem_shared>> -> memref<40x128xf32, #tpu.memory_space<vmem_shared>>
    tpu.wait_dma2 semaphore(%arg13 : memref<!tpu.dma_semaphore, #tpu.memory_space<semaphore_mem>>) src(%arg8 : memref<40x128xf32, #tpu.memory_space<vmem>>) dst(%dma_wait3A_166 : memref<40x128xf32, #tpu.memory_space<vmem_shared>>)
    %dma_wait3A_167 = arith.constant 0 : i32
    %dma_wait3A_168 = tpu.memref_slice %arg5[%add3A_79, %dma_wait3A_167] : memref<10240x128xf32, #tpu.memory_space<vmem_shared>> -> memref<40x128xf32, #tpu.memory_space<vmem_shared>>
    %dma_wait3A_169 = arith.constant 0 : i32
    %dma_wait3A_170 = tpu.memref_slice %arg5[%add3A_79, %dma_wait3A_169] : memref<10240x128xf32, #tpu.memory_space<vmem_shared>> -> memref<40x128xf32, #tpu.memory_space<vmem_shared>>
    tpu.wait_dma2 semaphore(%arg13 : memref<!tpu.dma_semaphore, #tpu.memory_space<semaphore_mem>>) src(%arg8 : memref<40x128xf32, #tpu.memory_space<vmem>>) dst(%dma_wait3A_170 : memref<40x128xf32, #tpu.memory_space<vmem_shared>>)
    %dma_wait3A_171 = arith.constant 0 : i32
    %dma_wait3A_172 = tpu.memref_slice %arg5[%add3A_87, %dma_wait3A_171] : memref<10240x128xf32, #tpu.memory_space<vmem_shared>> -> memref<40x128xf32, #tpu.memory_space<vmem_shared>>
    %dma_wait3A_173 = arith.constant 0 : i32
    %dma_wait3A_174 = tpu.memref_slice %arg5[%add3A_87, %dma_wait3A_173] : memref<10240x128xf32, #tpu.memory_space<vmem_shared>> -> memref<40x128xf32, #tpu.memory_space<vmem_shared>>
    tpu.wait_dma2 semaphore(%arg13 : memref<!tpu.dma_semaphore, #tpu.memory_space<semaphore_mem>>) src(%arg8 : memref<40x128xf32, #tpu.memory_space<vmem>>) dst(%dma_wait3A_174 : memref<40x128xf32, #tpu.memory_space<vmem_shared>>)
    %dma_wait3A_175 = arith.constant 0 : i32
    %dma_wait3A_176 = tpu.memref_slice %arg5[%add3A_95, %dma_wait3A_175] : memref<10240x128xf32, #tpu.memory_space<vmem_shared>> -> memref<40x128xf32, #tpu.memory_space<vmem_shared>>
    %dma_wait3A_177 = arith.constant 0 : i32
    %dma_wait3A_178 = tpu.memref_slice %arg5[%add3A_95, %dma_wait3A_177] : memref<10240x128xf32, #tpu.memory_space<vmem_shared>> -> memref<40x128xf32, #tpu.memory_space<vmem_shared>>
    tpu.wait_dma2 semaphore(%arg13 : memref<!tpu.dma_semaphore, #tpu.memory_space<semaphore_mem>>) src(%arg8 : memref<40x128xf32, #tpu.memory_space<vmem>>) dst(%dma_wait3A_178 : memref<40x128xf32, #tpu.memory_space<vmem_shared>>)
    %dma_wait3A_179 = arith.constant 0 : i32
    %dma_wait3A_180 = tpu.memref_slice %arg5[%add3A_103, %dma_wait3A_179] : memref<10240x128xf32, #tpu.memory_space<vmem_shared>> -> memref<40x128xf32, #tpu.memory_space<vmem_shared>>
    %dma_wait3A_181 = arith.constant 0 : i32
    %dma_wait3A_182 = tpu.memref_slice %arg5[%add3A_103, %dma_wait3A_181] : memref<10240x128xf32, #tpu.memory_space<vmem_shared>> -> memref<40x128xf32, #tpu.memory_space<vmem_shared>>
    tpu.wait_dma2 semaphore(%arg13 : memref<!tpu.dma_semaphore, #tpu.memory_space<semaphore_mem>>) src(%arg8 : memref<40x128xf32, #tpu.memory_space<vmem>>) dst(%dma_wait3A_182 : memref<40x128xf32, #tpu.memory_space<vmem_shared>>)
    %dma_wait3A_183 = arith.constant 0 : i32
    %dma_wait3A_184 = tpu.memref_slice %arg5[%add3A_111, %dma_wait3A_183] : memref<10240x128xf32, #tpu.memory_space<vmem_shared>> -> memref<40x128xf32, #tpu.memory_space<vmem_shared>>
    %dma_wait3A_185 = arith.constant 0 : i32
    %dma_wait3A_186 = tpu.memref_slice %arg5[%add3A_111, %dma_wait3A_185] : memref<10240x128xf32, #tpu.memory_space<vmem_shared>> -> memref<40x128xf32, #tpu.memory_space<vmem_shared>>
    tpu.wait_dma2 semaphore(%arg13 : memref<!tpu.dma_semaphore, #tpu.memory_space<semaphore_mem>>) src(%arg8 : memref<40x128xf32, #tpu.memory_space<vmem>>) dst(%dma_wait3A_186 : memref<40x128xf32, #tpu.memory_space<vmem_shared>>)
    %dma_wait3A_187 = arith.constant 0 : i32
    %dma_wait3A_188 = tpu.memref_slice %arg5[%add3A_119, %dma_wait3A_187] : memref<10240x128xf32, #tpu.memory_space<vmem_shared>> -> memref<40x128xf32, #tpu.memory_space<vmem_shared>>
    %dma_wait3A_189 = arith.constant 0 : i32
    %dma_wait3A_190 = tpu.memref_slice %arg5[%add3A_119, %dma_wait3A_189] : memref<10240x128xf32, #tpu.memory_space<vmem_shared>> -> memref<40x128xf32, #tpu.memory_space<vmem_shared>>
    tpu.wait_dma2 semaphore(%arg13 : memref<!tpu.dma_semaphore, #tpu.memory_space<semaphore_mem>>) src(%arg8 : memref<40x128xf32, #tpu.memory_space<vmem>>) dst(%dma_wait3A_190 : memref<40x128xf32, #tpu.memory_space<vmem_shared>>)
    %dma_wait3A_191 = arith.constant 0 : i32
    %dma_wait3A_192 = tpu.memref_slice %arg5[%add3A_127, %dma_wait3A_191] : memref<10240x128xf32, #tpu.memory_space<vmem_shared>> -> memref<40x128xf32, #tpu.memory_space<vmem_shared>>
    %dma_wait3A_193 = arith.constant 0 : i32
    %dma_wait3A_194 = tpu.memref_slice %arg5[%add3A_127, %dma_wait3A_193] : memref<10240x128xf32, #tpu.memory_space<vmem_shared>> -> memref<40x128xf32, #tpu.memory_space<vmem_shared>>
    tpu.wait_dma2 semaphore(%arg13 : memref<!tpu.dma_semaphore, #tpu.memory_space<semaphore_mem>>) src(%arg8 : memref<40x128xf32, #tpu.memory_space<vmem>>) dst(%dma_wait3A_194 : memref<40x128xf32, #tpu.memory_space<vmem_shared>>)
    %barrier3A = arith.constant 0 : index
    tpu.barrier barrier_id(%barrier3A)
    %mul3A_195 = arith.constant 10000 : i32
    %mul3A_196 = arith.muli %add3A, %mul3A_195 : i32
    %run_scoped3A = arith.constant 0 : i32
    "tpu.region"() ({
      %run_scoped3A_269 = tpu.sem_alloc : memref<!tpu.dma_semaphore, #tpu.memory_space<semaphore_mem>>
      %dma_start3A_270 = tpu.memref_slice %arg3[%run_scoped3A, %mul3A_196] : memref<2x320000xi32, #tpu.memory_space<hbm>> -> memref<1x10000xi32, #tpu.memory_space<hbm>>
      %dma_start3A_271 = tpu.memref_squeeze %dma_start3A_270 : memref<1x10000xi32, #tpu.memory_space<hbm>> -> memref<10000xi32, #tpu.memory_space<hbm>>
      %dma_start3A_272 = tpu.memref_slice %arg3[%run_scoped3A, %mul3A_196] : memref<2x320000xi32, #tpu.memory_space<hbm>> -> memref<1x10000xi32, #tpu.memory_space<hbm>>
      %dma_start3A_273 = tpu.memref_squeeze %dma_start3A_272 : memref<1x10000xi32, #tpu.memory_space<hbm>> -> memref<10000xi32, #tpu.memory_space<hbm>>
      tpu.enqueue_dma source(%dma_start3A_273 : memref<10000xi32, #tpu.memory_space<hbm>>) target(%arg6 : memref<10000xi32, #tpu.memory_space<vmem>>) target_semaphore(%run_scoped3A_269 : memref<!tpu.dma_semaphore, #tpu.memory_space<semaphore_mem>>)
      %dma_wait3A_274 = tpu.memref_slice %arg3[%run_scoped3A, %mul3A_196] : memref<2x320000xi32, #tpu.memory_space<hbm>> -> memref<1x10000xi32, #tpu.memory_space<hbm>>
      %dma_wait3A_275 = tpu.memref_squeeze %dma_wait3A_274 : memref<1x10000xi32, #tpu.memory_space<hbm>> -> memref<10000xi32, #tpu.memory_space<hbm>>
      %dma_wait3A_276 = tpu.memref_slice %arg3[%run_scoped3A, %mul3A_196] : memref<2x320000xi32, #tpu.memory_space<hbm>> -> memref<1x10000xi32, #tpu.memory_space<hbm>>
      %dma_wait3A_277 = tpu.memref_squeeze %dma_wait3A_276 : memref<1x10000xi32, #tpu.memory_space<hbm>> -> memref<10000xi32, #tpu.memory_space<hbm>>
      tpu.wait_dma2 semaphore(%run_scoped3A_269 : memref<!tpu.dma_semaphore, #tpu.memory_space<semaphore_mem>>) src(%dma_wait3A_277 : memref<10000xi32, #tpu.memory_space<hbm>>) dst(%arg6 : memref<10000xi32, #tpu.memory_space<vmem>>)
      tpu.yield
    }) : () -> ()
    %mul3A_197 = arith.constant 10000 : i32
    %mul3A_198 = arith.muli %add3A, %mul3A_197 : i32
    %run_scoped3A_199 = arith.constant 1 : i32
    "tpu.region"() ({
      %run_scoped3A_269 = tpu.sem_alloc : memref<!tpu.dma_semaphore, #tpu.memory_space<semaphore_mem>>
      %dma_start3A_270 = tpu.memref_slice %arg3[%run_scoped3A_199, %mul3A_198] : memref<2x320000xi32, #tpu.memory_space<hbm>> -> memref<1x10000xi32, #tpu.memory_space<hbm>>
      %dma_start3A_271 = tpu.memref_squeeze %dma_start3A_270 : memref<1x10000xi32, #tpu.memory_space<hbm>> -> memref<10000xi32, #tpu.memory_space<hbm>>
      %dma_start3A_272 = tpu.memref_slice %arg3[%run_scoped3A_199, %mul3A_198] : memref<2x320000xi32, #tpu.memory_space<hbm>> -> memref<1x10000xi32, #tpu.memory_space<hbm>>
      %dma_start3A_273 = tpu.memref_squeeze %dma_start3A_272 : memref<1x10000xi32, #tpu.memory_space<hbm>> -> memref<10000xi32, #tpu.memory_space<hbm>>
      tpu.enqueue_dma source(%dma_start3A_273 : memref<10000xi32, #tpu.memory_space<hbm>>) target(%arg7 : memref<10000xi32, #tpu.memory_space<vmem>>) target_semaphore(%run_scoped3A_269 : memref<!tpu.dma_semaphore, #tpu.memory_space<semaphore_mem>>)
      %dma_wait3A_274 = tpu.memref_slice %arg3[%run_scoped3A_199, %mul3A_198] : memref<2x320000xi32, #tpu.memory_space<hbm>> -> memref<1x10000xi32, #tpu.memory_space<hbm>>
      %dma_wait3A_275 = tpu.memref_squeeze %dma_wait3A_274 : memref<1x10000xi32, #tpu.memory_space<hbm>> -> memref<10000xi32, #tpu.memory_space<hbm>>
      %dma_wait3A_276 = tpu.memref_slice %arg3[%run_scoped3A_199, %mul3A_198] : memref<2x320000xi32, #tpu.memory_space<hbm>> -> memref<1x10000xi32, #tpu.memory_space<hbm>>
      %dma_wait3A_277 = tpu.memref_squeeze %dma_wait3A_276 : memref<1x10000xi32, #tpu.memory_space<hbm>> -> memref<10000xi32, #tpu.memory_space<hbm>>
      tpu.wait_dma2 semaphore(%run_scoped3A_269 : memref<!tpu.dma_semaphore, #tpu.memory_space<semaphore_mem>>) src(%dma_wait3A_277 : memref<10000xi32, #tpu.memory_space<hbm>>) dst(%arg7 : memref<10000xi32, #tpu.memory_space<vmem>>)
      tpu.yield
    }) : () -> ()
    %multiple_of3A = arith.constant 0 : i32
    %multiple_of3A_200 = tpu.assume_multiple %multiple_of3A, 40 : i32
    %dma_start3A_201 = tpu.memref_slice %arg6[%multiple_of3A_200] : memref<10000xi32, #tpu.memory_space<vmem>> -> memref<40xi32, #tpu.memory_space<vmem>>
    %dma_start3A_202 = arith.constant 0 : i32
    %dma_start3A_203 = arith.constant 0 : i32
    %dma_start3A_204 = tpu.memref_slice %arg2[%dma_start3A_202, %dma_start3A_203] : memref<10000x128xf32, #tpu.memory_space<hbm>> -> memref<10000x128xf32, #tpu.memory_space<hbm>>
    tpu.enqueue_indirect_dma source(%dma_start3A_204 : memref<10000x128xf32, #tpu.memory_space<hbm>>) target(%arg8 : memref<40x128xf32, #tpu.memory_space<vmem>>) offsets(%dma_start3A_201 : memref<40xi32, #tpu.memory_space<vmem>>) semaphore(%arg13 : memref<!tpu.dma_semaphore, #tpu.memory_space<semaphore_mem>>)
    %multiple_of3A_205 = arith.constant 40 : i32
    %multiple_of3A_206 = tpu.assume_multiple %multiple_of3A_205, 40 : i32
    %dma_start3A_207 = tpu.memref_slice %arg6[%multiple_of3A_206] : memref<10000xi32, #tpu.memory_space<vmem>> -> memref<40xi32, #tpu.memory_space<vmem>>
    %dma_start3A_208 = arith.constant 0 : i32
    %dma_start3A_209 = arith.constant 0 : i32
    %dma_start3A_210 = tpu.memref_slice %arg2[%dma_start3A_208, %dma_start3A_209] : memref<10000x128xf32, #tpu.memory_space<hbm>> -> memref<10000x128xf32, #tpu.memory_space<hbm>>
    tpu.enqueue_indirect_dma source(%dma_start3A_210 : memref<10000x128xf32, #tpu.memory_space<hbm>>) target(%arg9 : memref<40x128xf32, #tpu.memory_space<vmem>>) offsets(%dma_start3A_207 : memref<40xi32, #tpu.memory_space<vmem>>) semaphore(%arg14 : memref<!tpu.dma_semaphore, #tpu.memory_space<semaphore_mem>>)
    %multiple_of3A_211 = arith.constant 80 : i32
    %multiple_of3A_212 = tpu.assume_multiple %multiple_of3A_211, 40 : i32
    %dma_start3A_213 = tpu.memref_slice %arg6[%multiple_of3A_212] : memref<10000xi32, #tpu.memory_space<vmem>> -> memref<40xi32, #tpu.memory_space<vmem>>
    %dma_start3A_214 = arith.constant 0 : i32
    %dma_start3A_215 = arith.constant 0 : i32
    %dma_start3A_216 = tpu.memref_slice %arg2[%dma_start3A_214, %dma_start3A_215] : memref<10000x128xf32, #tpu.memory_space<hbm>> -> memref<10000x128xf32, #tpu.memory_space<hbm>>
    tpu.enqueue_indirect_dma source(%dma_start3A_216 : memref<10000x128xf32, #tpu.memory_space<hbm>>) target(%arg10 : memref<40x128xf32, #tpu.memory_space<vmem>>) offsets(%dma_start3A_213 : memref<40xi32, #tpu.memory_space<vmem>>) semaphore(%arg15 : memref<!tpu.dma_semaphore, #tpu.memory_space<semaphore_mem>>)
    %multiple_of3A_217 = arith.constant 120 : i32
    %multiple_of3A_218 = tpu.assume_multiple %multiple_of3A_217, 40 : i32
    %dma_start3A_219 = tpu.memref_slice %arg6[%multiple_of3A_218] : memref<10000xi32, #tpu.memory_space<vmem>> -> memref<40xi32, #tpu.memory_space<vmem>>
    %dma_start3A_220 = arith.constant 0 : i32
    %dma_start3A_221 = arith.constant 0 : i32
    %dma_start3A_222 = tpu.memref_slice %arg2[%dma_start3A_220, %dma_start3A_221] : memref<10000x128xf32, #tpu.memory_space<hbm>> -> memref<10000x128xf32, #tpu.memory_space<hbm>>
    tpu.enqueue_indirect_dma source(%dma_start3A_222 : memref<10000x128xf32, #tpu.memory_space<hbm>>) target(%arg11 : memref<40x128xf32, #tpu.memory_space<vmem>>) offsets(%dma_start3A_219 : memref<40xi32, #tpu.memory_space<vmem>>) semaphore(%arg16 : memref<!tpu.dma_semaphore, #tpu.memory_space<semaphore_mem>>)
    %multiple_of3A_223 = arith.constant 160 : i32
    %multiple_of3A_224 = tpu.assume_multiple %multiple_of3A_223, 40 : i32
    %dma_start3A_225 = tpu.memref_slice %arg6[%multiple_of3A_224] : memref<10000xi32, #tpu.memory_space<vmem>> -> memref<40xi32, #tpu.memory_space<vmem>>
    %dma_start3A_226 = arith.constant 0 : i32
    %dma_start3A_227 = arith.constant 0 : i32
    %dma_start3A_228 = tpu.memref_slice %arg2[%dma_start3A_226, %dma_start3A_227] : memref<10000x128xf32, #tpu.memory_space<hbm>> -> memref<10000x128xf32, #tpu.memory_space<hbm>>
    tpu.enqueue_indirect_dma source(%dma_start3A_228 : memref<10000x128xf32, #tpu.memory_space<hbm>>) target(%arg12 : memref<40x128xf32, #tpu.memory_space<vmem>>) offsets(%dma_start3A_225 : memref<40xi32, #tpu.memory_space<vmem>>) semaphore(%arg17 : memref<!tpu.dma_semaphore, #tpu.memory_space<semaphore_mem>>)
    %scan3A_229 = arith.constant 0 : i32
    %scan3A_230 = arith.constant 50 : i32
    %scan3A_231 = arith.addi %scan3A_229, %scan3A_230 : i32
    %scan3A_232 = arith.constant 1 : i32
    scf.for %scan3A_269 = %scan3A_229 to %scan3A_231 step %scan3A_232  : i32 {
      %mul3A_270 = arith.constant 5 : i32
      %mul3A_271 = arith.muli %scan3A_269, %mul3A_270 : i32
      %add3A_272 = arith.constant 0 : i32
      %add3A_273 = arith.addi %mul3A_271, %add3A_272 : i32
      %mul3A_274 = arith.constant 40 : i32
      %mul3A_275 = arith.muli %add3A_273, %mul3A_274 : i32
      %multiple_of3A_276 = tpu.assume_multiple %mul3A_275, 40 : i32
      %dma_wait3A_277 = tpu.memref_slice %arg6[%multiple_of3A_276] : memref<10000xi32, #tpu.memory_space<vmem>> -> memref<40xi32, #tpu.memory_space<vmem>>
      %dma_wait3A_278 = arith.constant 0 : i32
      %dma_wait3A_279 = arith.constant 0 : i32
      %dma_wait3A_280 = tpu.memref_slice %arg2[%dma_wait3A_278, %dma_wait3A_279] : memref<10000x128xf32, #tpu.memory_space<hbm>> -> memref<10000x128xf32, #tpu.memory_space<hbm>>
      tpu.wait_indirect_dma semaphore(%arg13 : memref<!tpu.dma_semaphore, #tpu.memory_space<semaphore_mem>>) src(%dma_wait3A_280 : memref<10000x128xf32, #tpu.memory_space<hbm>>) dst(%arg8 : memref<40x128xf32, #tpu.memory_space<vmem>>)
      %add3A_281 = arith.constant 0 : i32
      %add3A_282 = arith.addi %mul3A_271, %add3A_281 : i32
      %mul3A_283 = arith.constant 40 : i32
      %mul3A_284 = arith.muli %add3A_282, %mul3A_283 : i32
      %multiple_of3A_285 = tpu.assume_multiple %mul3A_284, 40 : i32
      %dma_start3A_286 = tpu.memref_slice %arg7[%multiple_of3A_285] : memref<10000xi32, #tpu.memory_space<vmem>> -> memref<40xi32, #tpu.memory_space<vmem>>
      %dma_start3A_287 = arith.constant 0 : i32
      %dma_start3A_288 = arith.constant 0 : i32
      %dma_start3A_289 = tpu.memref_slice %arg5[%dma_start3A_287, %dma_start3A_288] : memref<10240x128xf32, #tpu.memory_space<vmem_shared>> -> memref<10240x128xf32, #tpu.memory_space<vmem_shared>>
      tpu.enqueue_indirect_dma source(%arg8 : memref<40x128xf32, #tpu.memory_space<vmem>>) target(%dma_start3A_289 : memref<10240x128xf32, #tpu.memory_space<vmem_shared>>) offsets(%dma_start3A_286 : memref<40xi32, #tpu.memory_space<vmem>>) semaphore(%arg18 : memref<!tpu.dma_semaphore, #tpu.memory_space<semaphore_mem>>) {add = true}
      %add3A_290 = arith.constant 1 : i32
      %add3A_291 = arith.addi %mul3A_271, %add3A_290 : i32
      %mul3A_292 = arith.constant 40 : i32
      %mul3A_293 = arith.muli %add3A_291, %mul3A_292 : i32
      %multiple_of3A_294 = tpu.assume_multiple %mul3A_293, 40 : i32
      %dma_wait3A_295 = tpu.memref_slice %arg6[%multiple_of3A_294] : memref<10000xi32, #tpu.memory_space<vmem>> -> memref<40xi32, #tpu.memory_space<vmem>>
      %dma_wait3A_296 = arith.constant 0 : i32
      %dma_wait3A_297 = arith.constant 0 : i32
      %dma_wait3A_298 = tpu.memref_slice %arg2[%dma_wait3A_296, %dma_wait3A_297] : memref<10000x128xf32, #tpu.memory_space<hbm>> -> memref<10000x128xf32, #tpu.memory_space<hbm>>
      tpu.wait_indirect_dma semaphore(%arg14 : memref<!tpu.dma_semaphore, #tpu.memory_space<semaphore_mem>>) src(%dma_wait3A_298 : memref<10000x128xf32, #tpu.memory_space<hbm>>) dst(%arg9 : memref<40x128xf32, #tpu.memory_space<vmem>>)
      %add3A_299 = arith.constant 1 : i32
      %add3A_300 = arith.addi %mul3A_271, %add3A_299 : i32
      %mul3A_301 = arith.constant 40 : i32
      %mul3A_302 = arith.muli %add3A_300, %mul3A_301 : i32
      %multiple_of3A_303 = tpu.assume_multiple %mul3A_302, 40 : i32
      %dma_start3A_304 = tpu.memref_slice %arg7[%multiple_of3A_303] : memref<10000xi32, #tpu.memory_space<vmem>> -> memref<40xi32, #tpu.memory_space<vmem>>
      %dma_start3A_305 = arith.constant 0 : i32
      %dma_start3A_306 = arith.constant 0 : i32
      %dma_start3A_307 = tpu.memref_slice %arg5[%dma_start3A_305, %dma_start3A_306] : memref<10240x128xf32, #tpu.memory_space<vmem_shared>> -> memref<10240x128xf32, #tpu.memory_space<vmem_shared>>
      tpu.enqueue_indirect_dma source(%arg9 : memref<40x128xf32, #tpu.memory_space<vmem>>) target(%dma_start3A_307 : memref<10240x128xf32, #tpu.memory_space<vmem_shared>>) offsets(%dma_start3A_304 : memref<40xi32, #tpu.memory_space<vmem>>) semaphore(%arg19 : memref<!tpu.dma_semaphore, #tpu.memory_space<semaphore_mem>>) {add = true}
      %add3A_308 = arith.constant 2 : i32
      %add3A_309 = arith.addi %mul3A_271, %add3A_308 : i32
      %mul3A_310 = arith.constant 40 : i32
      %mul3A_311 = arith.muli %add3A_309, %mul3A_310 : i32
      %multiple_of3A_312 = tpu.assume_multiple %mul3A_311, 40 : i32
      %dma_wait3A_313 = tpu.memref_slice %arg6[%multiple_of3A_312] : memref<10000xi32, #tpu.memory_space<vmem>> -> memref<40xi32, #tpu.memory_space<vmem>>
      %dma_wait3A_314 = arith.constant 0 : i32
      %dma_wait3A_315 = arith.constant 0 : i32
      %dma_wait3A_316 = tpu.memref_slice %arg2[%dma_wait3A_314, %dma_wait3A_315] : memref<10000x128xf32, #tpu.memory_space<hbm>> -> memref<10000x128xf32, #tpu.memory_space<hbm>>
      tpu.wait_indirect_dma semaphore(%arg15 : memref<!tpu.dma_semaphore, #tpu.memory_space<semaphore_mem>>) src(%dma_wait3A_316 : memref<10000x128xf32, #tpu.memory_space<hbm>>) dst(%arg10 : memref<40x128xf32, #tpu.memory_space<vmem>>)
      %add3A_317 = arith.constant 2 : i32
      %add3A_318 = arith.addi %mul3A_271, %add3A_317 : i32
      %mul3A_319 = arith.constant 40 : i32
      %mul3A_320 = arith.muli %add3A_318, %mul3A_319 : i32
      %multiple_of3A_321 = tpu.assume_multiple %mul3A_320, 40 : i32
      %dma_start3A_322 = tpu.memref_slice %arg7[%multiple_of3A_321] : memref<10000xi32, #tpu.memory_space<vmem>> -> memref<40xi32, #tpu.memory_space<vmem>>
      %dma_start3A_323 = arith.constant 0 : i32
      %dma_start3A_324 = arith.constant 0 : i32
      %dma_start3A_325 = tpu.memref_slice %arg5[%dma_start3A_323, %dma_start3A_324] : memref<10240x128xf32, #tpu.memory_space<vmem_shared>> -> memref<10240x128xf32, #tpu.memory_space<vmem_shared>>
      tpu.enqueue_indirect_dma source(%arg10 : memref<40x128xf32, #tpu.memory_space<vmem>>) target(%dma_start3A_325 : memref<10240x128xf32, #tpu.memory_space<vmem_shared>>) offsets(%dma_start3A_322 : memref<40xi32, #tpu.memory_space<vmem>>) semaphore(%arg20 : memref<!tpu.dma_semaphore, #tpu.memory_space<semaphore_mem>>) {add = true}
      %add3A_326 = arith.constant 3 : i32
      %add3A_327 = arith.addi %mul3A_271, %add3A_326 : i32
      %mul3A_328 = arith.constant 40 : i32
      %mul3A_329 = arith.muli %add3A_327, %mul3A_328 : i32
      %multiple_of3A_330 = tpu.assume_multiple %mul3A_329, 40 : i32
      %dma_wait3A_331 = tpu.memref_slice %arg6[%multiple_of3A_330] : memref<10000xi32, #tpu.memory_space<vmem>> -> memref<40xi32, #tpu.memory_space<vmem>>
      %dma_wait3A_332 = arith.constant 0 : i32
      %dma_wait3A_333 = arith.constant 0 : i32
      %dma_wait3A_334 = tpu.memref_slice %arg2[%dma_wait3A_332, %dma_wait3A_333] : memref<10000x128xf32, #tpu.memory_space<hbm>> -> memref<10000x128xf32, #tpu.memory_space<hbm>>
      tpu.wait_indirect_dma semaphore(%arg16 : memref<!tpu.dma_semaphore, #tpu.memory_space<semaphore_mem>>) src(%dma_wait3A_334 : memref<10000x128xf32, #tpu.memory_space<hbm>>) dst(%arg11 : memref<40x128xf32, #tpu.memory_space<vmem>>)
      %add3A_335 = arith.constant 3 : i32
      %add3A_336 = arith.addi %mul3A_271, %add3A_335 : i32
      %mul3A_337 = arith.constant 40 : i32
      %mul3A_338 = arith.muli %add3A_336, %mul3A_337 : i32
      %multiple_of3A_339 = tpu.assume_multiple %mul3A_338, 40 : i32
      %dma_start3A_340 = tpu.memref_slice %arg7[%multiple_of3A_339] : memref<10000xi32, #tpu.memory_space<vmem>> -> memref<40xi32, #tpu.memory_space<vmem>>
      %dma_start3A_341 = arith.constant 0 : i32
      %dma_start3A_342 = arith.constant 0 : i32
      %dma_start3A_343 = tpu.memref_slice %arg5[%dma_start3A_341, %dma_start3A_342] : memref<10240x128xf32, #tpu.memory_space<vmem_shared>> -> memref<10240x128xf32, #tpu.memory_space<vmem_shared>>
      tpu.enqueue_indirect_dma source(%arg11 : memref<40x128xf32, #tpu.memory_space<vmem>>) target(%dma_start3A_343 : memref<10240x128xf32, #tpu.memory_space<vmem_shared>>) offsets(%dma_start3A_340 : memref<40xi32, #tpu.memory_space<vmem>>) semaphore(%arg21 : memref<!tpu.dma_semaphore, #tpu.memory_space<semaphore_mem>>) {add = true}
      %add3A_344 = arith.constant 4 : i32
      %add3A_345 = arith.addi %mul3A_271, %add3A_344 : i32
      %mul3A_346 = arith.constant 40 : i32
      %mul3A_347 = arith.muli %add3A_345, %mul3A_346 : i32
      %multiple_of3A_348 = tpu.assume_multiple %mul3A_347, 40 : i32
      %dma_wait3A_349 = tpu.memref_slice %arg6[%multiple_of3A_348] : memref<10000xi32, #tpu.memory_space<vmem>> -> memref<40xi32, #tpu.memory_space<vmem>>
      %dma_wait3A_350 = arith.constant 0 : i32
      %dma_wait3A_351 = arith.constant 0 : i32
      %dma_wait3A_352 = tpu.memref_slice %arg2[%dma_wait3A_350, %dma_wait3A_351] : memref<10000x128xf32, #tpu.memory_space<hbm>> -> memref<10000x128xf32, #tpu.memory_space<hbm>>
      tpu.wait_indirect_dma semaphore(%arg17 : memref<!tpu.dma_semaphore, #tpu.memory_space<semaphore_mem>>) src(%dma_wait3A_352 : memref<10000x128xf32, #tpu.memory_space<hbm>>) dst(%arg12 : memref<40x128xf32, #tpu.memory_space<vmem>>)
      %add3A_353 = arith.constant 4 : i32
      %add3A_354 = arith.addi %mul3A_271, %add3A_353 : i32
      %mul3A_355 = arith.constant 40 : i32
      %mul3A_356 = arith.muli %add3A_354, %mul3A_355 : i32
      %multiple_of3A_357 = tpu.assume_multiple %mul3A_356, 40 : i32
      %dma_start3A_358 = tpu.memref_slice %arg7[%multiple_of3A_357] : memref<10000xi32, #tpu.memory_space<vmem>> -> memref<40xi32, #tpu.memory_space<vmem>>
      %dma_start3A_359 = arith.constant 0 : i32
      %dma_start3A_360 = arith.constant 0 : i32
      %dma_start3A_361 = tpu.memref_slice %arg5[%dma_start3A_359, %dma_start3A_360] : memref<10240x128xf32, #tpu.memory_space<vmem_shared>> -> memref<10240x128xf32, #tpu.memory_space<vmem_shared>>
      tpu.enqueue_indirect_dma source(%arg12 : memref<40x128xf32, #tpu.memory_space<vmem>>) target(%dma_start3A_361 : memref<10240x128xf32, #tpu.memory_space<vmem_shared>>) offsets(%dma_start3A_358 : memref<40xi32, #tpu.memory_space<vmem>>) semaphore(%arg22 : memref<!tpu.dma_semaphore, #tpu.memory_space<semaphore_mem>>) {add = true}
      %lt3A = arith.constant 49 : i32
      %lt3A_362 = arith.cmpi slt, %scan3A_269, %lt3A : i32
      %convert_element_type3A = arith.extui %lt3A_362 : i1 to i32
      %cond3A = arith.constant 0 : i32
      %cond3A_363 = arith.cmpi ne, %convert_element_type3A, %cond3A : i32
      scf.if %cond3A_363 {
        %add3A_364 = arith.constant 0 : i32
        %add3A_365 = arith.addi %mul3A_271, %add3A_364 : i32
        %mul3A_366 = arith.constant 40 : i32
        %mul3A_367 = arith.muli %add3A_365, %mul3A_366 : i32
        %multiple_of3A_368 = tpu.assume_multiple %mul3A_367, 40 : i32
        %dma_wait3A_369 = tpu.memref_slice %arg7[%multiple_of3A_368] : memref<10000xi32, #tpu.memory_space<vmem>> -> memref<40xi32, #tpu.memory_space<vmem>>
        %dma_wait3A_370 = arith.constant 0 : i32
        %dma_wait3A_371 = arith.constant 0 : i32
        %dma_wait3A_372 = tpu.memref_slice %arg5[%dma_wait3A_370, %dma_wait3A_371] : memref<10240x128xf32, #tpu.memory_space<vmem_shared>> -> memref<10240x128xf32, #tpu.memory_space<vmem_shared>>
        tpu.wait_indirect_dma semaphore(%arg18 : memref<!tpu.dma_semaphore, #tpu.memory_space<semaphore_mem>>) src(%arg8 : memref<40x128xf32, #tpu.memory_space<vmem>>) dst(%dma_wait3A_372 : memref<10240x128xf32, #tpu.memory_space<vmem_shared>>)
        %add3A_373 = arith.constant 5 : i32
        %add3A_374 = arith.addi %mul3A_271, %add3A_373 : i32
        %add3A_375 = arith.constant 0 : i32
        %add3A_376 = arith.addi %add3A_374, %add3A_375 : i32
        %mul3A_377 = arith.constant 40 : i32
        %mul3A_378 = arith.muli %add3A_376, %mul3A_377 : i32
        %multiple_of3A_379 = tpu.assume_multiple %mul3A_378, 40 : i32
        %dma_start3A_380 = tpu.memref_slice %arg6[%multiple_of3A_379] : memref<10000xi32, #tpu.memory_space<vmem>> -> memref<40xi32, #tpu.memory_space<vmem>>
        %dma_start3A_381 = arith.constant 0 : i32
        %dma_start3A_382 = arith.constant 0 : i32
        %dma_start3A_383 = tpu.memref_slice %arg2[%dma_start3A_381, %dma_start3A_382] : memref<10000x128xf32, #tpu.memory_space<hbm>> -> memref<10000x128xf32, #tpu.memory_space<hbm>>
        tpu.enqueue_indirect_dma source(%dma_start3A_383 : memref<10000x128xf32, #tpu.memory_space<hbm>>) target(%arg8 : memref<40x128xf32, #tpu.memory_space<vmem>>) offsets(%dma_start3A_380 : memref<40xi32, #tpu.memory_space<vmem>>) semaphore(%arg13 : memref<!tpu.dma_semaphore, #tpu.memory_space<semaphore_mem>>)
        %add3A_384 = arith.constant 1 : i32
        %add3A_385 = arith.addi %mul3A_271, %add3A_384 : i32
        %mul3A_386 = arith.constant 40 : i32
        %mul3A_387 = arith.muli %add3A_385, %mul3A_386 : i32
        %multiple_of3A_388 = tpu.assume_multiple %mul3A_387, 40 : i32
        %dma_wait3A_389 = tpu.memref_slice %arg7[%multiple_of3A_388] : memref<10000xi32, #tpu.memory_space<vmem>> -> memref<40xi32, #tpu.memory_space<vmem>>
        %dma_wait3A_390 = arith.constant 0 : i32
        %dma_wait3A_391 = arith.constant 0 : i32
        %dma_wait3A_392 = tpu.memref_slice %arg5[%dma_wait3A_390, %dma_wait3A_391] : memref<10240x128xf32, #tpu.memory_space<vmem_shared>> -> memref<10240x128xf32, #tpu.memory_space<vmem_shared>>
        tpu.wait_indirect_dma semaphore(%arg19 : memref<!tpu.dma_semaphore, #tpu.memory_space<semaphore_mem>>) src(%arg9 : memref<40x128xf32, #tpu.memory_space<vmem>>) dst(%dma_wait3A_392 : memref<10240x128xf32, #tpu.memory_space<vmem_shared>>)
        %add3A_393 = arith.constant 5 : i32
        %add3A_394 = arith.addi %mul3A_271, %add3A_393 : i32
        %add3A_395 = arith.constant 1 : i32
        %add3A_396 = arith.addi %add3A_394, %add3A_395 : i32
        %mul3A_397 = arith.constant 40 : i32
        %mul3A_398 = arith.muli %add3A_396, %mul3A_397 : i32
        %multiple_of3A_399 = tpu.assume_multiple %mul3A_398, 40 : i32
        %dma_start3A_400 = tpu.memref_slice %arg6[%multiple_of3A_399] : memref<10000xi32, #tpu.memory_space<vmem>> -> memref<40xi32, #tpu.memory_space<vmem>>
        %dma_start3A_401 = arith.constant 0 : i32
        %dma_start3A_402 = arith.constant 0 : i32
        %dma_start3A_403 = tpu.memref_slice %arg2[%dma_start3A_401, %dma_start3A_402] : memref<10000x128xf32, #tpu.memory_space<hbm>> -> memref<10000x128xf32, #tpu.memory_space<hbm>>
        tpu.enqueue_indirect_dma source(%dma_start3A_403 : memref<10000x128xf32, #tpu.memory_space<hbm>>) target(%arg9 : memref<40x128xf32, #tpu.memory_space<vmem>>) offsets(%dma_start3A_400 : memref<40xi32, #tpu.memory_space<vmem>>) semaphore(%arg14 : memref<!tpu.dma_semaphore, #tpu.memory_space<semaphore_mem>>)
        %add3A_404 = arith.constant 2 : i32
        %add3A_405 = arith.addi %mul3A_271, %add3A_404 : i32
        %mul3A_406 = arith.constant 40 : i32
        %mul3A_407 = arith.muli %add3A_405, %mul3A_406 : i32
        %multiple_of3A_408 = tpu.assume_multiple %mul3A_407, 40 : i32
        %dma_wait3A_409 = tpu.memref_slice %arg7[%multiple_of3A_408] : memref<10000xi32, #tpu.memory_space<vmem>> -> memref<40xi32, #tpu.memory_space<vmem>>
        %dma_wait3A_410 = arith.constant 0 : i32
        %dma_wait3A_411 = arith.constant 0 : i32
        %dma_wait3A_412 = tpu.memref_slice %arg5[%dma_wait3A_410, %dma_wait3A_411] : memref<10240x128xf32, #tpu.memory_space<vmem_shared>> -> memref<10240x128xf32, #tpu.memory_space<vmem_shared>>
        tpu.wait_indirect_dma semaphore(%arg20 : memref<!tpu.dma_semaphore, #tpu.memory_space<semaphore_mem>>) src(%arg10 : memref<40x128xf32, #tpu.memory_space<vmem>>) dst(%dma_wait3A_412 : memref<10240x128xf32, #tpu.memory_space<vmem_shared>>)
        %add3A_413 = arith.constant 5 : i32
        %add3A_414 = arith.addi %mul3A_271, %add3A_413 : i32
        %add3A_415 = arith.constant 2 : i32
        %add3A_416 = arith.addi %add3A_414, %add3A_415 : i32
        %mul3A_417 = arith.constant 40 : i32
        %mul3A_418 = arith.muli %add3A_416, %mul3A_417 : i32
        %multiple_of3A_419 = tpu.assume_multiple %mul3A_418, 40 : i32
        %dma_start3A_420 = tpu.memref_slice %arg6[%multiple_of3A_419] : memref<10000xi32, #tpu.memory_space<vmem>> -> memref<40xi32, #tpu.memory_space<vmem>>
        %dma_start3A_421 = arith.constant 0 : i32
        %dma_start3A_422 = arith.constant 0 : i32
        %dma_start3A_423 = tpu.memref_slice %arg2[%dma_start3A_421, %dma_start3A_422] : memref<10000x128xf32, #tpu.memory_space<hbm>> -> memref<10000x128xf32, #tpu.memory_space<hbm>>
        tpu.enqueue_indirect_dma source(%dma_start3A_423 : memref<10000x128xf32, #tpu.memory_space<hbm>>) target(%arg10 : memref<40x128xf32, #tpu.memory_space<vmem>>) offsets(%dma_start3A_420 : memref<40xi32, #tpu.memory_space<vmem>>) semaphore(%arg15 : memref<!tpu.dma_semaphore, #tpu.memory_space<semaphore_mem>>)
        %add3A_424 = arith.constant 3 : i32
        %add3A_425 = arith.addi %mul3A_271, %add3A_424 : i32
        %mul3A_426 = arith.constant 40 : i32
        %mul3A_427 = arith.muli %add3A_425, %mul3A_426 : i32
        %multiple_of3A_428 = tpu.assume_multiple %mul3A_427, 40 : i32
        %dma_wait3A_429 = tpu.memref_slice %arg7[%multiple_of3A_428] : memref<10000xi32, #tpu.memory_space<vmem>> -> memref<40xi32, #tpu.memory_space<vmem>>
        %dma_wait3A_430 = arith.constant 0 : i32
        %dma_wait3A_431 = arith.constant 0 : i32
        %dma_wait3A_432 = tpu.memref_slice %arg5[%dma_wait3A_430, %dma_wait3A_431] : memref<10240x128xf32, #tpu.memory_space<vmem_shared>> -> memref<10240x128xf32, #tpu.memory_space<vmem_shared>>
        tpu.wait_indirect_dma semaphore(%arg21 : memref<!tpu.dma_semaphore, #tpu.memory_space<semaphore_mem>>) src(%arg11 : memref<40x128xf32, #tpu.memory_space<vmem>>) dst(%dma_wait3A_432 : memref<10240x128xf32, #tpu.memory_space<vmem_shared>>)
        %add3A_433 = arith.constant 5 : i32
        %add3A_434 = arith.addi %mul3A_271, %add3A_433 : i32
        %add3A_435 = arith.constant 3 : i32
        %add3A_436 = arith.addi %add3A_434, %add3A_435 : i32
        %mul3A_437 = arith.constant 40 : i32
        %mul3A_438 = arith.muli %add3A_436, %mul3A_437 : i32
        %multiple_of3A_439 = tpu.assume_multiple %mul3A_438, 40 : i32
        %dma_start3A_440 = tpu.memref_slice %arg6[%multiple_of3A_439] : memref<10000xi32, #tpu.memory_space<vmem>> -> memref<40xi32, #tpu.memory_space<vmem>>
        %dma_start3A_441 = arith.constant 0 : i32
        %dma_start3A_442 = arith.constant 0 : i32
        %dma_start3A_443 = tpu.memref_slice %arg2[%dma_start3A_441, %dma_start3A_442] : memref<10000x128xf32, #tpu.memory_space<hbm>> -> memref<10000x128xf32, #tpu.memory_space<hbm>>
        tpu.enqueue_indirect_dma source(%dma_start3A_443 : memref<10000x128xf32, #tpu.memory_space<hbm>>) target(%arg11 : memref<40x128xf32, #tpu.memory_space<vmem>>) offsets(%dma_start3A_440 : memref<40xi32, #tpu.memory_space<vmem>>) semaphore(%arg16 : memref<!tpu.dma_semaphore, #tpu.memory_space<semaphore_mem>>)
        %add3A_444 = arith.constant 4 : i32
        %add3A_445 = arith.addi %mul3A_271, %add3A_444 : i32
        %mul3A_446 = arith.constant 40 : i32
        %mul3A_447 = arith.muli %add3A_445, %mul3A_446 : i32
        %multiple_of3A_448 = tpu.assume_multiple %mul3A_447, 40 : i32
        %dma_wait3A_449 = tpu.memref_slice %arg7[%multiple_of3A_448] : memref<10000xi32, #tpu.memory_space<vmem>> -> memref<40xi32, #tpu.memory_space<vmem>>
        %dma_wait3A_450 = arith.constant 0 : i32
        %dma_wait3A_451 = arith.constant 0 : i32
        %dma_wait3A_452 = tpu.memref_slice %arg5[%dma_wait3A_450, %dma_wait3A_451] : memref<10240x128xf32, #tpu.memory_space<vmem_shared>> -> memref<10240x128xf32, #tpu.memory_space<vmem_shared>>
        tpu.wait_indirect_dma semaphore(%arg22 : memref<!tpu.dma_semaphore, #tpu.memory_space<semaphore_mem>>) src(%arg12 : memref<40x128xf32, #tpu.memory_space<vmem>>) dst(%dma_wait3A_452 : memref<10240x128xf32, #tpu.memory_space<vmem_shared>>)
        %add3A_453 = arith.constant 5 : i32
        %add3A_454 = arith.addi %mul3A_271, %add3A_453 : i32
        %add3A_455 = arith.constant 4 : i32
        %add3A_456 = arith.addi %add3A_454, %add3A_455 : i32
        %mul3A_457 = arith.constant 40 : i32
        %mul3A_458 = arith.muli %add3A_456, %mul3A_457 : i32
        %multiple_of3A_459 = tpu.assume_multiple %mul3A_458, 40 : i32
        %dma_start3A_460 = tpu.memref_slice %arg6[%multiple_of3A_459] : memref<10000xi32, #tpu.memory_space<vmem>> -> memref<40xi32, #tpu.memory_space<vmem>>
        %dma_start3A_461 = arith.constant 0 : i32
        %dma_start3A_462 = arith.constant 0 : i32
        %dma_start3A_463 = tpu.memref_slice %arg2[%dma_start3A_461, %dma_start3A_462] : memref<10000x128xf32, #tpu.memory_space<hbm>> -> memref<10000x128xf32, #tpu.memory_space<hbm>>
        tpu.enqueue_indirect_dma source(%dma_start3A_463 : memref<10000x128xf32, #tpu.memory_space<hbm>>) target(%arg12 : memref<40x128xf32, #tpu.memory_space<vmem>>) offsets(%dma_start3A_460 : memref<40xi32, #tpu.memory_space<vmem>>) semaphore(%arg17 : memref<!tpu.dma_semaphore, #tpu.memory_space<semaphore_mem>>)
      } else {
      }
    }
    %scan3A_233 = arith.constant 50 : i32
    %multiple_of3A_234 = arith.constant 9800 : i32
    %multiple_of3A_235 = tpu.assume_multiple %multiple_of3A_234, 40 : i32
    %dma_wait3A_236 = tpu.memref_slice %arg7[%multiple_of3A_235] : memref<10000xi32, #tpu.memory_space<vmem>> -> memref<40xi32, #tpu.memory_space<vmem>>
    %dma_wait3A_237 = arith.constant 0 : i32
    %dma_wait3A_238 = arith.constant 0 : i32
    %dma_wait3A_239 = tpu.memref_slice %arg5[%dma_wait3A_237, %dma_wait3A_238] : memref<10240x128xf32, #tpu.memory_space<vmem_shared>> -> memref<10240x128xf32, #tpu.memory_space<vmem_shared>>
    tpu.wait_indirect_dma semaphore(%arg18 : memref<!tpu.dma_semaphore, #tpu.memory_space<semaphore_mem>>) src(%arg8 : memref<40x128xf32, #tpu.memory_space<vmem>>) dst(%dma_wait3A_239 : memref<10240x128xf32, #tpu.memory_space<vmem_shared>>)
    %multiple_of3A_240 = arith.constant 9840 : i32
    %multiple_of3A_241 = tpu.assume_multiple %multiple_of3A_240, 40 : i32
    %dma_wait3A_242 = tpu.memref_slice %arg7[%multiple_of3A_241] : memref<10000xi32, #tpu.memory_space<vmem>> -> memref<40xi32, #tpu.memory_space<vmem>>
    %dma_wait3A_243 = arith.constant 0 : i32
    %dma_wait3A_244 = arith.constant 0 : i32
    %dma_wait3A_245 = tpu.memref_slice %arg5[%dma_wait3A_243, %dma_wait3A_244] : memref<10240x128xf32, #tpu.memory_space<vmem_shared>> -> memref<10240x128xf32, #tpu.memory_space<vmem_shared>>
    tpu.wait_indirect_dma semaphore(%arg19 : memref<!tpu.dma_semaphore, #tpu.memory_space<semaphore_mem>>) src(%arg9 : memref<40x128xf32, #tpu.memory_space<vmem>>) dst(%dma_wait3A_245 : memref<10240x128xf32, #tpu.memory_space<vmem_shared>>)
    %multiple_of3A_246 = arith.constant 9880 : i32
    %multiple_of3A_247 = tpu.assume_multiple %multiple_of3A_246, 40 : i32
    %dma_wait3A_248 = tpu.memref_slice %arg7[%multiple_of3A_247] : memref<10000xi32, #tpu.memory_space<vmem>> -> memref<40xi32, #tpu.memory_space<vmem>>
    %dma_wait3A_249 = arith.constant 0 : i32
    %dma_wait3A_250 = arith.constant 0 : i32
    %dma_wait3A_251 = tpu.memref_slice %arg5[%dma_wait3A_249, %dma_wait3A_250] : memref<10240x128xf32, #tpu.memory_space<vmem_shared>> -> memref<10240x128xf32, #tpu.memory_space<vmem_shared>>
    tpu.wait_indirect_dma semaphore(%arg20 : memref<!tpu.dma_semaphore, #tpu.memory_space<semaphore_mem>>) src(%arg10 : memref<40x128xf32, #tpu.memory_space<vmem>>) dst(%dma_wait3A_251 : memref<10240x128xf32, #tpu.memory_space<vmem_shared>>)
    %multiple_of3A_252 = arith.constant 9920 : i32
    %multiple_of3A_253 = tpu.assume_multiple %multiple_of3A_252, 40 : i32
    %dma_wait3A_254 = tpu.memref_slice %arg7[%multiple_of3A_253] : memref<10000xi32, #tpu.memory_space<vmem>> -> memref<40xi32, #tpu.memory_space<vmem>>
    %dma_wait3A_255 = arith.constant 0 : i32
    %dma_wait3A_256 = arith.constant 0 : i32
    %dma_wait3A_257 = tpu.memref_slice %arg5[%dma_wait3A_255, %dma_wait3A_256] : memref<10240x128xf32, #tpu.memory_space<vmem_shared>> -> memref<10240x128xf32, #tpu.memory_space<vmem_shared>>
    tpu.wait_indirect_dma semaphore(%arg21 : memref<!tpu.dma_semaphore, #tpu.memory_space<semaphore_mem>>) src(%arg11 : memref<40x128xf32, #tpu.memory_space<vmem>>) dst(%dma_wait3A_257 : memref<10240x128xf32, #tpu.memory_space<vmem_shared>>)
    %multiple_of3A_258 = arith.constant 9960 : i32
    %multiple_of3A_259 = tpu.assume_multiple %multiple_of3A_258, 40 : i32
    %dma_wait3A_260 = tpu.memref_slice %arg7[%multiple_of3A_259] : memref<10000xi32, #tpu.memory_space<vmem>> -> memref<40xi32, #tpu.memory_space<vmem>>
    %dma_wait3A_261 = arith.constant 0 : i32
    %dma_wait3A_262 = arith.constant 0 : i32
    %dma_wait3A_263 = tpu.memref_slice %arg5[%dma_wait3A_261, %dma_wait3A_262] : memref<10240x128xf32, #tpu.memory_space<vmem_shared>> -> memref<10240x128xf32, #tpu.memory_space<vmem_shared>>
    tpu.wait_indirect_dma semaphore(%arg22 : memref<!tpu.dma_semaphore, #tpu.memory_space<semaphore_mem>>) src(%arg12 : memref<40x128xf32, #tpu.memory_space<vmem>>) dst(%dma_wait3A_263 : memref<10240x128xf32, #tpu.memory_space<vmem_shared>>)
    %barrier3A_264 = arith.constant 0 : index
    tpu.barrier barrier_id(%barrier3A_264)
    %mul3A_265 = arith.constant 640 : i32
    %mul3A_266 = arith.muli %arg1, %mul3A_265 : i32
    %mul3A_267 = arith.constant 640 : i32
    %mul3A_268 = arith.muli %arg1, %mul3A_267 : i32
    "tpu.region"() ({
      %run_scoped3A_269 = tpu.sem_alloc : memref<!tpu.dma_semaphore, #tpu.memory_space<semaphore_mem>>
      %dma_start3A_270 = arith.constant 0 : i32
      %dma_start3A_271 = tpu.memref_slice %arg4[%arg0, %mul3A_268, %dma_start3A_270] : memref<2x10240x128xf32, #tpu.memory_space<hbm>> -> memref<1x640x128xf32, #tpu.memory_space<hbm>>
      %dma_start3A_272 = tpu.memref_squeeze %dma_start3A_271 : memref<1x640x128xf32, #tpu.memory_space<hbm>> -> memref<640x128xf32, #tpu.memory_space<hbm>>
      %dma_start3A_273 = arith.constant 0 : i32
      %dma_start3A_274 = tpu.memref_slice %arg5[%mul3A_266, %dma_start3A_273] : memref<10240x128xf32, #tpu.memory_space<vmem_shared>> -> memref<640x128xf32, #tpu.memory_space<vmem_shared>>
      tpu.enqueue_dma source(%dma_start3A_274 : memref<640x128xf32, #tpu.memory_space<vmem_shared>>) target(%dma_start3A_272 : memref<640x128xf32, #tpu.memory_space<hbm>>) target_semaphore(%run_scoped3A_269 : memref<!tpu.dma_semaphore, #tpu.memory_space<semaphore_mem>>)
      %dma_wait3A_275 = arith.constant 0 : i32
      %dma_wait3A_276 = tpu.memref_slice %arg4[%arg0, %mul3A_268, %dma_wait3A_275] : memref<2x10240x128xf32, #tpu.memory_space<hbm>> -> memref<1x640x128xf32, #tpu.memory_space<hbm>>
      %dma_wait3A_277 = tpu.memref_squeeze %dma_wait3A_276 : memref<1x640x128xf32, #tpu.memory_space<hbm>> -> memref<640x128xf32, #tpu.memory_space<hbm>>
      %dma_wait3A_278 = arith.constant 0 : i32
      %dma_wait3A_279 = tpu.memref_slice %arg5[%mul3A_266, %dma_wait3A_278] : memref<10240x128xf32, #tpu.memory_space<vmem_shared>> -> memref<640x128xf32, #tpu.memory_space<vmem_shared>>
      tpu.wait_dma2 semaphore(%run_scoped3A_269 : memref<!tpu.dma_semaphore, #tpu.memory_space<semaphore_mem>>) src(%dma_wait3A_279 : memref<640x128xf32, #tpu.memory_space<vmem_shared>>) dst(%dma_wait3A_277 : memref<640x128xf32, #tpu.memory_space<hbm>>)
      tpu.yield
    }) : () -> ()
    return
  }
}

module attributes {stable_mosaic.version = 14 : i64} {
  func.func @_tc1_body(%arg0: memref<10000x128xf32, #tpu.memory_space<vmem>>, %arg1: memref<128x128xf32, #tpu.memory_space<vmem>>, %arg2: memref<2x10240x16xf32, #tpu.memory_space<vmem>>, %arg3: memref<10000x128xf32, #tpu.memory_space<vmem>>, %arg4: memref<10000x128xf32, #tpu.memory_space<vmem>>) attributes {dimension_semantics = [], scalar_prefetch = 0 : i64, scratch_operands = 0 : i64, tpu.core_type = #tpu.core_type<tc>} {
    %get3A = arith.constant 0 : index
    %get3A_0 = arith.constant 0 : index
    %get3A_1 = arith.constant 0 : index
    %get3A_2 = vector.load %arg2[%get3A, %get3A_0, %get3A_1] : memref<2x10240x16xf32, #tpu.memory_space<vmem>>, vector<1x10000x16xf32>
    %get3A_3 = vector.shape_cast %get3A_2 : vector<1x10000x16xf32> to vector<10000x16xf32>
    %get3A_4 = arith.constant 1 : index
    %get3A_5 = arith.constant 0 : index
    %get3A_6 = arith.constant 0 : index
    %get3A_7 = vector.load %arg2[%get3A_4, %get3A_5, %get3A_6] : memref<2x10240x16xf32, #tpu.memory_space<vmem>>, vector<1x10000x16xf32>
    %get3A_8 = vector.shape_cast %get3A_7 : vector<1x10000x16xf32> to vector<10000x16xf32>
    %add3A = arith.addf %get3A_3, %get3A_8 : vector<10000x16xf32>
    %slice3A = vector.extract_strided_slice %add3A {offsets = [0, 0], sizes = [10000, 1], strides = [1, 1]} : vector<10000x16xf32> to vector<10000x1xf32>
    %add3A_9 = arith.constant 1.000000e+00 : f32
    %add3A_10 = vector.broadcast %add3A_9 : f32 to vector<10000x1xf32>
    %add3A_11 = arith.addf %slice3A, %add3A_10 : vector<10000x1xf32>
    %max3A = arith.constant 1.000000e+00 : f32
    %max3A_12 = vector.broadcast %max3A : f32 to vector<10000x1xf32>
    %max3A_13 = arith.maximumf %add3A_11, %max3A_12 : vector<10000x1xf32>
    %rsqrt3A = math.rsqrt %max3A_13 : vector<10000x1xf32>
    %broadcast_in_dim3A = vector.shape_cast %rsqrt3A : vector<10000x1xf32> to vector<10000x1xf32>
    %broadcast_in_dim3A_14 = vector.broadcast %broadcast_in_dim3A : vector<10000x1xf32> to vector<10000x128xf32>
    %swap3A = arith.constant 0 : index
    %swap3A_15 = arith.constant 0 : index
    %swap3A_16 = vector.load %arg4[%swap3A, %swap3A_15] : memref<10000x128xf32, #tpu.memory_space<vmem>>, vector<10000x128xf32>
    tpu.vector_store %arg4[%swap3A, %swap3A_15], %broadcast_in_dim3A_14 {strides = array<i32>} : memref<10000x128xf32, #tpu.memory_space<vmem>>, vector<10000x128xf32>,
    %get3A_17 = arith.constant 0 : index
    %get3A_18 = arith.constant 0 : index
    %get3A_19 = vector.load %arg0[%get3A_17, %get3A_18] : memref<10000x128xf32, #tpu.memory_space<vmem>>, vector<10000x128xf32>
    %get3A_20 = arith.constant 0 : index
    %get3A_21 = arith.constant 0 : index
    %get3A_22 = vector.load %arg1[%get3A_20, %get3A_21] : memref<128x128xf32, #tpu.memory_space<vmem>>, vector<128x128xf32>
    %dot_general3A = arith.constant dense<0.000000e+00> : vector<10000x128xf32>
    %dot_general3A_23 = tpu.matmul %get3A_19, %get3A_22, %dot_general3A {dimension_numbers = #tpu.dot_dimension_numbers<[1], [0], [0], [1], [0, 0, 1, 1], [], []>, transpose_lhs_hint = false} : vector<10000x128xf32>, vector<128x128xf32>, vector<10000x128xf32> -> vector<10000x128xf32>
    %mul3A = vector.broadcast %rsqrt3A : vector<10000x1xf32> to vector<10000x128xf32>
    %mul3A_24 = arith.mulf %dot_general3A_23, %mul3A : vector<10000x128xf32>
    %swap3A_25 = arith.constant 0 : index
    %swap3A_26 = arith.constant 0 : index
    %swap3A_27 = vector.load %arg3[%swap3A_25, %swap3A_26] : memref<10000x128xf32, #tpu.memory_space<vmem>>, vector<10000x128xf32>
    tpu.vector_store %arg3[%swap3A_25, %swap3A_26], %mul3A_24 {strides = array<i32>} : memref<10000x128xf32, #tpu.memory_space<vmem>>, vector<10000x128xf32>,
    return
  }
}

module attributes {stable_mosaic.version = 14 : i64} {
  func.func @_tc2_body(%arg0: memref<2x10240x128xf32, #tpu.memory_space<vmem>>, %arg1: memref<10000x128xf32, #tpu.memory_space<vmem>>, %arg2: memref<10000x128xf32, #tpu.memory_space<vmem>>, %arg3: memref<128x64xf32, #tpu.memory_space<vmem>>, %arg4: memref<128xf32, #tpu.memory_space<vmem>>, %arg5: memref<10000x64xf32, #tpu.memory_space<vmem>>) attributes {dimension_semantics = [], scalar_prefetch = 0 : i64, scratch_operands = 0 : i64, tpu.core_type = #tpu.core_type<tc>} {
    %get3A = arith.constant 0 : index
    %get3A_0 = arith.constant 0 : index
    %get3A_1 = vector.load %arg2[%get3A, %get3A_0] : memref<10000x128xf32, #tpu.memory_space<vmem>>, vector<10000x128xf32>
    %get3A_2 = arith.constant 0 : index
    %get3A_3 = arith.constant 0 : index
    %get3A_4 = arith.constant 0 : index
    %get3A_5 = vector.load %arg0[%get3A_2, %get3A_3, %get3A_4] : memref<2x10240x128xf32, #tpu.memory_space<vmem>>, vector<1x10000x128xf32>
    %get3A_6 = vector.shape_cast %get3A_5 : vector<1x10000x128xf32> to vector<10000x128xf32>
    %get3A_7 = arith.constant 1 : index
    %get3A_8 = arith.constant 0 : index
    %get3A_9 = arith.constant 0 : index
    %get3A_10 = vector.load %arg0[%get3A_7, %get3A_8, %get3A_9] : memref<2x10240x128xf32, #tpu.memory_space<vmem>>, vector<1x10000x128xf32>
    %get3A_11 = vector.shape_cast %get3A_10 : vector<1x10000x128xf32> to vector<10000x128xf32>
    %add3A = arith.addf %get3A_6, %get3A_11 : vector<10000x128xf32>
    %get3A_12 = arith.constant 0 : index
    %get3A_13 = arith.constant 0 : index
    %get3A_14 = vector.load %arg1[%get3A_12, %get3A_13] : memref<10000x128xf32, #tpu.memory_space<vmem>>, vector<10000x128xf32>
    %add3A_15 = arith.addf %add3A, %get3A_14 : vector<10000x128xf32>
    %mul3A = arith.mulf %get3A_1, %add3A_15 : vector<10000x128xf32>
    %get3A_16 = arith.constant 0 : index
    %get3A_17 = vector.load %arg4[%get3A_16] : memref<128xf32, #tpu.memory_space<vmem>>, vector<128xf32>
    %broadcast_in_dim3A = vector.shape_cast %get3A_17 : vector<128xf32> to vector<1x128xf32>
    %add3A_18 = vector.broadcast %broadcast_in_dim3A : vector<1x128xf32> to vector<10000x128xf32>
    %add3A_19 = arith.addf %mul3A, %add3A_18 : vector<10000x128xf32>
    %max3A = arith.constant 0.000000e+00 : f32
    %max3A_20 = vector.broadcast %max3A : f32 to vector<10000x128xf32>
    %max3A_21 = arith.maximumf %add3A_19, %max3A_20 : vector<10000x128xf32>
    %get3A_22 = arith.constant 0 : index
    %get3A_23 = arith.constant 0 : index
    %get3A_24 = vector.load %arg3[%get3A_22, %get3A_23] : memref<128x64xf32, #tpu.memory_space<vmem>>, vector<128x64xf32>
    %dot_general3A = arith.constant dense<0.000000e+00> : vector<10000x64xf32>
    %dot_general3A_25 = tpu.matmul %max3A_21, %get3A_24, %dot_general3A {dimension_numbers = #tpu.dot_dimension_numbers<[1], [0], [0], [1], [0, 0, 1, 1], [], []>, transpose_lhs_hint = false} : vector<10000x128xf32>, vector<128x64xf32>, vector<10000x64xf32> -> vector<10000x64xf32>
    %slice3A = vector.extract_strided_slice %get3A_1 {offsets = [0, 0], sizes = [10000, 64], strides = [1, 1]} : vector<10000x128xf32> to vector<10000x64xf32>
    %mul3A_26 = arith.mulf %dot_general3A_25, %slice3A : vector<10000x64xf32>
    %swap3A = arith.constant 0 : index
    %swap3A_27 = arith.constant 0 : index
    %swap3A_28 = vector.load %arg5[%swap3A, %swap3A_27] : memref<10000x64xf32, #tpu.memory_space<vmem>>, vector<10000x64xf32>
    tpu.vector_store %arg5[%swap3A, %swap3A_27], %mul3A_26 {strides = array<i32>} : memref<10000x64xf32, #tpu.memory_space<vmem>>, vector<10000x64xf32>,
    return
  }
}

module attributes {stable_mosaic.version = 14 : i64} {
  func.func @_pre_a_body(%arg0: memref<10000x16xf32, #tpu.memory_space<vmem>>, %arg1: memref<16x64xf32, #tpu.memory_space<vmem>>, %arg2: memref<64xf32, #tpu.memory_space<vmem>>, %arg3: memref<10000x64xf32, #tpu.memory_space<vmem>>) attributes {dimension_semantics = [], scalar_prefetch = 0 : i64, scratch_operands = 0 : i64, tpu.core_type = #tpu.core_type<tc>} {
    %get3A = arith.constant 0 : index
    %get3A_0 = arith.constant 0 : index
    %get3A_1 = vector.load %arg0[%get3A, %get3A_0] : memref<10000x16xf32, #tpu.memory_space<vmem>>, vector<10000x16xf32>
    %get3A_2 = arith.constant 0 : index
    %get3A_3 = arith.constant 0 : index
    %get3A_4 = vector.load %arg1[%get3A_2, %get3A_3] : memref<16x64xf32, #tpu.memory_space<vmem>>, vector<16x64xf32>
    %dot_general3A = arith.constant dense<0.000000e+00> : vector<10000x64xf32>
    %dot_general3A_5 = tpu.matmul %get3A_1, %get3A_4, %dot_general3A {dimension_numbers = #tpu.dot_dimension_numbers<[1], [0], [0], [1], [0, 0, 1, 1], [], []>, transpose_lhs_hint = false} : vector<10000x16xf32>, vector<16x64xf32>, vector<10000x64xf32> -> vector<10000x64xf32>
    %get3A_6 = arith.constant 0 : index
    %get3A_7 = vector.load %arg2[%get3A_6] : memref<64xf32, #tpu.memory_space<vmem>>, vector<64xf32>
    %broadcast_in_dim3A = vector.shape_cast %get3A_7 : vector<64xf32> to vector<1x64xf32>
    %add3A = vector.broadcast %broadcast_in_dim3A : vector<1x64xf32> to vector<10000x64xf32>
    %add3A_8 = arith.addf %dot_general3A_5, %add3A : vector<10000x64xf32>
    %swap3A = arith.constant 0 : index
    %swap3A_9 = arith.constant 0 : index
    %swap3A_10 = vector.load %arg3[%swap3A, %swap3A_9] : memref<10000x64xf32, #tpu.memory_space<vmem>>, vector<10000x64xf32>
    tpu.vector_store %arg3[%swap3A, %swap3A_9], %add3A_8 {strides = array<i32>} : memref<10000x64xf32, #tpu.memory_space<vmem>>, vector<10000x64xf32>,
    return
  }
}

module attributes {stable_mosaic.version = 14 : i64} {
  func.func @_tc3_body(%arg0: memref<2x10240x64xf32, #tpu.memory_space<vmem>>, %arg1: memref<10000x64xf32, #tpu.memory_space<vmem>>, %arg2: memref<10000x128xf32, #tpu.memory_space<vmem>>, %arg3: memref<64xf32, #tpu.memory_space<vmem>>, %arg4: memref<10000x64xf32, #tpu.memory_space<vmem>>, %arg5: memref<64x64xf32, #tpu.memory_space<vmem>>, %arg6: memref<64x64xf32, #tpu.memory_space<vmem>>, %arg7: memref<64xf32, #tpu.memory_space<vmem>>, %arg8: memref<64x10xf32, #tpu.memory_space<vmem>>, %arg9: memref<10xf32, #tpu.memory_space<vmem>>, %arg10: memref<10000xi32, #tpu.memory_space<vmem>>, %arg11: memref<64x10xf32, #tpu.memory_space<vmem>>, %arg12: memref<10000x64xf32, #tpu.memory_space<vmem>>, %arg13: memref<10000x64xf32, #tpu.memory_space<vmem>>, %arg14: memref<10000x64xf32, #tpu.memory_space<vmem>>) attributes {dimension_semantics = [], scalar_prefetch = 0 : i64, scratch_operands = 0 : i64, tpu.core_type = #tpu.core_type<tc>} {
    %get3A = arith.constant 0 : index
    %get3A_0 = arith.constant 0 : index
    %get3A_1 = vector.load %arg2[%get3A, %get3A_0] : memref<10000x128xf32, #tpu.memory_space<vmem>>, vector<10000x128xf32>
    %slice3A = vector.extract_strided_slice %get3A_1 {offsets = [0, 0], sizes = [10000, 64], strides = [1, 1]} : vector<10000x128xf32> to vector<10000x64xf32>
    %get3A_2 = arith.constant 0 : index
    %get3A_3 = arith.constant 0 : index
    %get3A_4 = arith.constant 0 : index
    %get3A_5 = vector.load %arg0[%get3A_2, %get3A_3, %get3A_4] : memref<2x10240x64xf32, #tpu.memory_space<vmem>>, vector<1x10000x64xf32>
    %get3A_6 = vector.shape_cast %get3A_5 : vector<1x10000x64xf32> to vector<10000x64xf32>
    %get3A_7 = arith.constant 1 : index
    %get3A_8 = arith.constant 0 : index
    %get3A_9 = arith.constant 0 : index
    %get3A_10 = vector.load %arg0[%get3A_7, %get3A_8, %get3A_9] : memref<2x10240x64xf32, #tpu.memory_space<vmem>>, vector<1x10000x64xf32>
    %get3A_11 = vector.shape_cast %get3A_10 : vector<1x10000x64xf32> to vector<10000x64xf32>
    %add3A = arith.addf %get3A_6, %get3A_11 : vector<10000x64xf32>
    %get3A_12 = arith.constant 0 : index
    %get3A_13 = arith.constant 0 : index
    %get3A_14 = vector.load %arg1[%get3A_12, %get3A_13] : memref<10000x64xf32, #tpu.memory_space<vmem>>, vector<10000x64xf32>
    %add3A_15 = arith.addf %add3A, %get3A_14 : vector<10000x64xf32>
    %mul3A = arith.mulf %slice3A, %add3A_15 : vector<10000x64xf32>
    %get3A_16 = arith.constant 0 : index
    %get3A_17 = vector.load %arg3[%get3A_16] : memref<64xf32, #tpu.memory_space<vmem>>, vector<64xf32>
    %broadcast_in_dim3A = vector.shape_cast %get3A_17 : vector<64xf32> to vector<1x64xf32>
    %add3A_18 = vector.broadcast %broadcast_in_dim3A : vector<1x64xf32> to vector<10000x64xf32>
    %add3A_19 = arith.addf %mul3A, %add3A_18 : vector<10000x64xf32>
    %logistic3A = arith.negf %add3A_19 : vector<10000x64xf32>
    %logistic3A_20 = math.exp %logistic3A : vector<10000x64xf32>
    %logistic3A_21 = arith.constant 1.000000e+00 : f32
    %logistic3A_22 = vector.broadcast %logistic3A_21 : f32 to vector<10000x64xf32>
    %logistic3A_23 = arith.addf %logistic3A_22, %logistic3A_20 : vector<10000x64xf32>
    %logistic3A_24 = arith.divf %logistic3A_22, %logistic3A_23 : vector<10000x64xf32>
    %get3A_25 = arith.constant 0 : index
    %get3A_26 = arith.constant 0 : index
    %get3A_27 = vector.load %arg5[%get3A_25, %get3A_26] : memref<64x64xf32, #tpu.memory_space<vmem>>, vector<64x64xf32>
    %dot_general3A = arith.constant dense<0.000000e+00> : vector<10000x64xf32>
    %dot_general3A_28 = tpu.matmul %logistic3A_24, %get3A_27, %dot_general3A {dimension_numbers = #tpu.dot_dimension_numbers<[1], [0], [0], [1], [0, 0, 1, 1], [], []>, transpose_lhs_hint = false} : vector<10000x64xf32>, vector<64x64xf32>, vector<10000x64xf32> -> vector<10000x64xf32>
    %get3A_29 = arith.constant 0 : index
    %get3A_30 = arith.constant 0 : index
    %get3A_31 = vector.load %arg4[%get3A_29, %get3A_30] : memref<10000x64xf32, #tpu.memory_space<vmem>>, vector<10000x64xf32>
    %add3A_32 = arith.addf %dot_general3A_28, %get3A_31 : vector<10000x64xf32>
    %tanh3A = math.tanh %add3A_32 : vector<10000x64xf32>
    %get3A_33 = arith.constant 0 : index
    %get3A_34 = arith.constant 0 : index
    %get3A_35 = vector.load %arg6[%get3A_33, %get3A_34] : memref<64x64xf32, #tpu.memory_space<vmem>>, vector<64x64xf32>
    %dot_general3A_36 = arith.constant dense<0.000000e+00> : vector<10000x64xf32>
    %dot_general3A_37 = tpu.matmul %tanh3A, %get3A_35, %dot_general3A_36 {dimension_numbers = #tpu.dot_dimension_numbers<[1], [0], [0], [1], [0, 0, 1, 1], [], []>, transpose_lhs_hint = false} : vector<10000x64xf32>, vector<64x64xf32>, vector<10000x64xf32> -> vector<10000x64xf32>
    %get3A_38 = arith.constant 0 : index
    %get3A_39 = vector.load %arg7[%get3A_38] : memref<64xf32, #tpu.memory_space<vmem>>, vector<64xf32>
    %broadcast_in_dim3A_40 = vector.shape_cast %get3A_39 : vector<64xf32> to vector<1x64xf32>
    %add3A_41 = vector.broadcast %broadcast_in_dim3A_40 : vector<1x64xf32> to vector<10000x64xf32>
    %add3A_42 = arith.addf %dot_general3A_37, %add3A_41 : vector<10000x64xf32>
    %mul3A_43 = arith.mulf %add3A_42, %logistic3A_24 : vector<10000x64xf32>
    %iota3A = tpu.iota {dimensions = array<i32: 0>} : vector<64x1xi32>
    %get3A_44 = arith.constant 0 : index
    %get3A_45 = vector.load %arg10[%get3A_44] : memref<10000xi32, #tpu.memory_space<vmem>>, vector<10000xi32>
    %reshape3A = vector.shape_cast %get3A_45 : vector<10000xi32> to vector<1x10000xi32>
    %eq3A = vector.broadcast %reshape3A : vector<1x10000xi32> to vector<64x10000xi32>
    %eq3A_46 = vector.broadcast %iota3A : vector<64x1xi32> to vector<64x10000xi32>
    %eq3A_47 = arith.cmpi eq, %eq3A, %eq3A_46 : vector<64x10000xi32>
    %convert_element_type3A = arith.extui %eq3A_47 : vector<64x10000xi1> to vector<64x10000xi32>
    %convert_element_type3A_48 = arith.sitofp %convert_element_type3A : vector<64x10000xi32> to vector<64x10000xf32>
    %dot_general3A_49 = arith.constant dense<0.000000e+00> : vector<64x64xf32>
    %dot_general3A_50 = tpu.matmul %convert_element_type3A_48, %mul3A_43, %dot_general3A_49 {dimension_numbers = #tpu.dot_dimension_numbers<[1], [0], [0], [1], [0, 0, 1, 1], [], []>, transpose_lhs_hint = false} : vector<64x10000xf32>, vector<10000x64xf32>, vector<64x64xf32> -> vector<64x64xf32>
    %get3A_51 = arith.constant 0 : index
    %get3A_52 = arith.constant 0 : index
    %get3A_53 = vector.load %arg8[%get3A_51, %get3A_52] : memref<64x10xf32, #tpu.memory_space<vmem>>, vector<64x10xf32>
    %dot_general3A_54 = arith.constant dense<0.000000e+00> : vector<64x10xf32>
    %dot_general3A_55 = tpu.matmul %dot_general3A_50, %get3A_53, %dot_general3A_54 {dimension_numbers = #tpu.dot_dimension_numbers<[1], [0], [0], [1], [0, 0, 1, 1], [], []>, transpose_lhs_hint = false} : vector<64x64xf32>, vector<64x10xf32>, vector<64x10xf32> -> vector<64x10xf32>
    %get3A_56 = arith.constant 0 : index
    %get3A_57 = vector.load %arg9[%get3A_56] : memref<10xf32, #tpu.memory_space<vmem>>, vector<10xf32>
    %broadcast_in_dim3A_58 = vector.shape_cast %get3A_57 : vector<10xf32> to vector<1x10xf32>
    %add3A_59 = vector.broadcast %broadcast_in_dim3A_58 : vector<1x10xf32> to vector<64x10xf32>
    %add3A_60 = arith.addf %dot_general3A_55, %add3A_59 : vector<64x10xf32>
    %reduce_max3A = arith.constant dense<0xFF800000> : vector<64xf32>
    %reduce_max3A_61 = vector.multi_reduction <maximumf>, %add3A_60, %reduce_max3A [1] : vector<64x10xf32> to vector<64xf32>
    %broadcast_in_dim3A_62 = vector.shape_cast %reduce_max3A_61 : vector<64xf32> to vector<64x1xf32>
    %sub3A = vector.broadcast %broadcast_in_dim3A_62 : vector<64x1xf32> to vector<64x10xf32>
    %sub3A_63 = arith.subf %add3A_60, %sub3A : vector<64x10xf32>
    %exp3A = math.exp %sub3A_63 : vector<64x10xf32>
    %reduce_sum3A = arith.constant dense<0.000000e+00> : vector<64xf32>
    %reduce_sum3A_64 = vector.multi_reduction <add>, %exp3A, %reduce_sum3A [1] : vector<64x10xf32> to vector<64xf32>
    %broadcast_in_dim3A_65 = vector.shape_cast %reduce_sum3A_64 : vector<64xf32> to vector<64x1xf32>
    %log3A = math.log %broadcast_in_dim3A_65 : vector<64x1xf32>
    %sub3A_66 = vector.broadcast %broadcast_in_dim3A_62 : vector<64x1xf32> to vector<64x10xf32>
    %sub3A_67 = arith.subf %add3A_60, %sub3A_66 : vector<64x10xf32>
    %sub3A_68 = vector.broadcast %log3A : vector<64x1xf32> to vector<64x10xf32>
    %sub3A_69 = arith.subf %sub3A_67, %sub3A_68 : vector<64x10xf32>
    %swap3A = arith.constant 0 : index
    %swap3A_70 = arith.constant 0 : index
    %swap3A_71 = vector.load %arg11[%swap3A, %swap3A_70] : memref<64x10xf32, #tpu.memory_space<vmem>>, vector<64x10xf32>
    tpu.vector_store %arg11[%swap3A, %swap3A_70], %sub3A_69 {strides = array<i32>} : memref<64x10xf32, #tpu.memory_space<vmem>>, vector<64x10xf32>,
    %swap3A_72 = arith.constant 0 : index
    %swap3A_73 = arith.constant 0 : index
    %swap3A_74 = vector.load %arg12[%swap3A_72, %swap3A_73] : memref<10000x64xf32, #tpu.memory_space<vmem>>, vector<10000x64xf32>
    tpu.vector_store %arg12[%swap3A_72, %swap3A_73], %logistic3A_24 {strides = array<i32>} : memref<10000x64xf32, #tpu.memory_space<vmem>>, vector<10000x64xf32>,
    %swap3A_75 = arith.constant 0 : index
    %swap3A_76 = arith.constant 0 : index
    %swap3A_77 = vector.load %arg13[%swap3A_75, %swap3A_76] : memref<10000x64xf32, #tpu.memory_space<vmem>>, vector<10000x64xf32>
    tpu.vector_store %arg13[%swap3A_75, %swap3A_76], %add3A_42 {strides = array<i32>} : memref<10000x64xf32, #tpu.memory_space<vmem>>, vector<10000x64xf32>,
    %swap3A_78 = arith.constant 0 : index
    %swap3A_79 = arith.constant 0 : index
    %swap3A_80 = vector.load %arg14[%swap3A_78, %swap3A_79] : memref<10000x64xf32, #tpu.memory_space<vmem>>, vector<10000x64xf32>
    tpu.vector_store %arg14[%swap3A_78, %swap3A_79], %logistic3A_24 {strides = array<i32>} : memref<10000x64xf32, #tpu.memory_space<vmem>>, vector<10000x64xf32>,
    return
  }
}

</mosaic_0001>

<sc_bundles>
// kernel: kernel.12.cloned.1.call-start
scs
__scs_entry_jumppad:
0x0: {  	(pc) =	sbr.rel $0x88, $3  }
0x1: {  	(tag) =	ssettag $0x0;
	lr =	simm.s32 $0x1  }
0x2: {  	[smem:$0x3F93] =	sst lr;
	_ =	strace $0xD0000000  }
0x3: {  	_ = 	snop  }
0x4: {  	_ = 	snop  }
0x5: {  	_ = 	snop  }
0x6: {  	_ = 	snop  }
0x7: {  	_ = 	snop  }
__scs_overlays_trampoline_lowered:
0x8: {  	[smem:$0x3FA2] =	sst s0  }
0x9: {  	[smem:$0x3FA3] =	sst s1  }
0xa: {  	[smem:$0x3FA4] =	sst s2  }
0xb: {  	[smem:$0x3FA5] =	sst s3  }
0xc: {  	[smem:$0x3FA6] =	sst s4  }
0xd: {  	[smem:$0x3FA7] =	sst s5  }
0xe: {  	[smem:$0x3FA8] =	sst s6  }
0xf: {  	[smem:$0x3FA9] =	sst s7  }
0x10: {  	[smem:$0x3FAA] =	sst s8  }
0x11: {  	[smem:$0x3FAB] =	sst s9;
	s0 =	simm.s32 @!p0 $0x0  }
0x12: {  	s1 =	sld [smem:$0x3F91];
	s0 =	simm.s32 @p0 $0x1  }
0x13: {  	[smem:$0x3FAC] =	sst s0;
	s0 =	simm.s32 @!p1 $0x0  }
0x14: {  	s2 =	sld [smem:$0x3F90];
	s0 =	simm.s32 @p1 $0x1  }
0x15: {  	[smem:$0x3FAD] =	sst s0;
	s0 =	simm.s32 @!p2 $0x0  }
0x16: {  	s3 =	sld [smem:$0x3FDB];
	s0 =	simm.s32 @p2 $0x1  }
0x17: {  	s4 =	simm.s32 $0x1BF5;
	[smem:$0x3FAF] =	sst s0  }
0x18: {  	s0 =	sld [smem:$0x3F92];
	_ =	swait.ge [sflag:s4], $0x0  }
0x19: {  	s7 =	sld [smem:$0x3F93]  }
0x1a: {  	s8 =	sadd.s32 $0xFFFFE003, lr  }
0x1b: {  	s9 =	sadd.s32 $0xFFFFFEF7, lr;
	s5 =	simm.s32 $0xFFFFFFFF;
	p2 =	slt.u32 s8, $0xFFFFF086  }
0x1c: {  	p1 =	slt.u32 s9, $0xF7A;
	s5 =	simm.s32 @!p2 $0x0  }
0x1d: {  	s5 =	simm.s32 @p1 $0x1;
	p0 =	seq.s32 s7, s2  }
0x1e: {  	s7 =	smul.u32 @!p0 $0xF7A, s2;
	p2 =	seq.s32 @!p0 s5, $0x0  }
0x1f: {  	s9 =	smul.u32 $0xF7A, s1;
	s8 =	simm.s32 @!p0 $0x1BF5;
	p2 =	por !p2, p0  }
0x20: {  	[sflag:s8] =	ssyncset.s32 @!p0 $0xFFFFF086;
	s6 =	sadd.s32 @!p0 s3, s7;
	s7 =	simm.s32 @!p0 $0x108  }
0x21: {  	s3 =	sadd.s32 s3, s9;
	s6 =	sadd.s32 @!p0 $0x88, s6;
	s7 =	simm.s32 @p2 $0x1082  }
0x22: {  	[simem:s7], [sflag:s8] =	dma.local @!p0 [hbm:s6], $0xF7A  }
0x23: {  	s9 =	sor.u32 $0xD0000000, s2;
	s6 =	simm.s32 $0x108;
	_ =	swait.ge @!p0 [sflag:s8], $0x0  }
0x24: {  	s3 =	sadd.s32 $0x88, s3;
	s6 =	simm.s32 @!p1 $0x1082;
	[sflag:s4] =	ssyncset.s32 $0xFFFFF086  }
0x25: {  	[simem:s6], [sflag:s4] =	dma.local [hbm:s3], $0xF7A  }
0x26: {  	[smem:$0x3F93] =	sst s1;
	(tag) =	ssettag s2;
	_ =	strace s9  }
0x27: {  	s1 =	sld [smem:$0x3FA3]  }
0x28: {  	s2 =	sld [smem:$0x3FA4]  }
0x29: {  	s4 =	sld [smem:$0x3FA6]  }
0x2a: {  	p0 =	seq.s32 s5, $0x0;
	s5 =	sld [smem:$0x3FA7]  }
0x2b: {  	s6 =	sld [smem:$0x3FA8]  }
0x2c: {  	s7 =	sld [smem:$0x3FA9]  }
0x2d: {  	s3 =	simm.s32 $0x108;
	s8 =	sld [smem:$0x3FAA]  }
0x2e: {  	s3 =	simm.s32 @!p0 $0x1082;
	s9 =	sld [smem:$0x3FAB]  }
0x2f: {  	lr =	sadd.s32 s0, s3;
	s0 =	sld [smem:$0x3FA2]  }
0x30: {  	s3 =	sld [smem:$0x3FA5]  }
0x31: {  	[smem:$0x3FAE] =	sst s10  }
0x32: {  	s10 =	sld [smem:$0x3FAC];
	_ =	sdelay $0x3  }
0x33: {  	p0 =	seq.s32 s10, $0x1;
	s10 =	sld [smem:$0x3FAE];
	_ =	sdelay $0x3  }
0x34: {  	[smem:$0x3FAE] =	sst s10  }
0x35: {  	s10 =	sld [smem:$0x3FAD];
	_ =	sdelay $0x3  }
0x36: {  	p1 =	seq.s32 s10, $0x1;
	s10 =	sld [smem:$0x3FAE];
	_ =	sdelay $0x3  }
0x37: {  	[smem:$0x3FAE] =	sst s10  }
0x38: {  	s10 =	sld [smem:$0x3FAF]  }
0x39: {  	_ = 	snop;
	(pc) =	sbr.ind lr, $3  }
0x3a: {  	_ = 	snop  }
0x3b: {  	_ = 	snop  }
0x3c: {  	p2 =	seq.s32 s10, $0x1;
	s10 =	sld [smem:$0x3FAE]  }
0x3d: {  	_ =	shalt  }
0x3e: {  	_ =	shalt  }
0x3f: {  	_ =	shalt  }
0x40: {  	_ =	shalt  }
0x41: {  	_ =	shalt  }
0x42: {  	_ =	shalt  }
0x43: {  	_ =	shalt  }
0x44: {  	_ =	shalt  }
0x45: {  	_ =	shalt  }
0x46: {  	_ =	shalt  }
0x47: {  	_ =	shalt  }
0x48: {  	_ =	shalt  }
0x49: {  	_ =	shalt  }
0x4a: {  	_ =	shalt  }
0x4b: {  	_ =	shalt  }
0x4c: {  	_ =	shalt  }
0x4d: {  	_ =	shalt  }
0x4e: {  	_ =	shalt  }
0x4f: {  	_ =	shalt  }
0x50: {  	_ =	shalt  }
0x51: {  	_ =	shalt  }
0x52: {  	_ =	shalt  }
0x53: {  	_ =	shalt  }
0x54: {  	_ =	shalt  }
0x55: {  	_ =	shalt  }
0x56: {  	_ =	shalt  }
0x57: {  	_ =	shalt  }
0x58: {  	_ =	shalt  }
0x59: {  	_ =	shalt  }
0x5a: {  	_ =	shalt  }
0x5b: {  	_ =	shalt  }
0x5c: {  	_ =	shalt  }
0x5d: {  	_ =	shalt  }
0x5e: {  	_ =	shalt  }
0x5f: {  	_ =	shalt  }
0x60: {  	_ =	shalt  }
0x61: {  	_ =	shalt  }
0x62: {  	_ =	shalt  }
0x63: {  	_ =	shalt  }
0x64: {  	_ =	shalt  }
0x65: {  	_ =	shalt  }
0x66: {  	_ =	shalt  }
0x67: {  	_ =	shalt  }
0x68: {  	_ =	shalt  }
0x69: {  	_ =	shalt  }
0x6a: {  	_ =	shalt  }
0x6b: {  	_ =	shalt  }
0x6c: {  	_ =	shalt  }
0x6d: {  	_ =	shalt  }
0x6e: {  	_ =	shalt  }
0x6f: {  	_ =	shalt  }
0x70: {  	_ =	shalt  }
0x71: {  	_ =	shalt  }
0x72: {  	_ =	shalt  }
0x73: {  	_ =	shalt  }
0x74: {  	_ =	shalt  }
0x75: {  	_ =	shalt  }
0x76: {  	_ =	shalt  }
0x77: {  	_ =	shalt  }
0x78: {  	_ =	shalt  }
0x79: {  	_ =	shalt  }
0x7a: {  	_ =	shalt  }
0x7b: {  	_ =	shalt  }
0x7c: {  	_ =	shalt  }
0x7d: {  	_ =	shalt  }
0x7e: {  	_ =	shalt  }
0x7f: {  	_ =	shalt  }
0x80: {  	_ =	shalt  }
0x81: {  	_ =	shalt  }
0x82: {  	_ =	shalt  }
0x83: {  	_ =	shalt  }
0x84: {  	_ =	shalt  }
0x85: {  	_ =	shalt  }
0x86: {  	_ =	shalt  }
0x87: {  	_ =	shalt  }
.Lfunc_end0:
.L_simem_size_0:
called_computation.1_lowered:
.L_overlay_start_0:
0x88: {  	s2 =	sld [smem:$0x3FD9]  }
0x89: {  	s3 =	sld [smem:$0x3FFE];
	_ =	sdelay $0x1  }
0x8a: {  	s1 =	srdreg.scid  }
0x8b: {  	s0 =	sand.u32 $0x1, s1  }
0x8c: {  	s14 =	sshll.u32 s0, $0xA;
	s2 =	sadd.s32 s3, s2  }
0x8d: {  	s2 =	sadd.s32 s2, s14  }
0x8e: {  	[smem:$0x3FBA] =	sst s2  }
0x8f: {  	_ = 	snop  }
0x90: {  	s2 =	sld [smem:$0x3FD0];
	_ =	sdelay $0x2  }
0x91: {  	s15 =	simm.s32 $0xA;
	s4 =	simm.s32 $0x10  }
0x92: {  	[smem:s4], [sflag:s15] =	dma.local [hbm:s2], $0x1  }
0x93: {  	_ =	swait.eq [sflag:s15], $0x1  }
0x94: {  	[sflag:s15] =	ssyncset.done $0x0  }
0x95: {  	[sflag:s15] =	ssyncadd.s32 $0xFFFFFFFF  }
0x96: {  	s16 =	sld [smem:$0x13];
	(tm) =	ssettm $0x1  }
0x97: {  	s17 =	sld [smem:$0x3FFB];
	_ =	sdelay $0x3  }
0x98: {  	_ =	strace s17  }
0x99: {  	s3 =	sld [smem:$0x3FFC];
	_ =	sdelay $0x3  }
0x9a: {  	_ =	strace s3  }
0x9b: {  	s3 =	sld [smem:$0x3FFD];
	_ =	sdelay $0x3  }
0x9c: {  	_ =	strace s3  }
0x9d: {  	_ =	strace $0x8FFFFFFF  }
0x9e: {  	s18 =	sld [smem:$0x3FDB];
	_ =	sdelay $0x1  }
0x9f: {  	s19 =	simm.s32 $_scs_section_size  }
0xa0: {  	s5 =	simm.s32 $_size__tile_overlayer_lowered;
	s6 =	simm.s32 $_tile_overlayer_lowered  }
0xa1: {  	s22 =	simm.s32 $0x1BFF;
	s21 =	sshll.u32 s6, $0x1;
	s3 =	sadd.s32 s19, s18  }
0xa2: {  	s7 =	simm.s32 $0x0;
	s20 =	sshll.u32 s5, $0x1;
	s5 =	sadd.s32 s21, s3  }
0xa3: {  	[timem:s7], [sflag:s22] =	dma.local [hbm:s5], s20  }
0xa4: {  	_ =	swait.ge [sflag:s22], s20  }
0xa5: {  	s4 =	ssub.s32 $0x0, s20;
	[sflag:s22] =	ssyncset.done $0x0  }
0xa6: {  	[sflag:s22] =	ssyncadd.s32 s4;
	_ =	sdelay $0x1  }
0xa7: {  	s23 =	simm.s32 $0x1B8B  }
0xa8: {  	_ =	swait.ge [sflag:s23], $0x1  }
0xa9: {  	[sflag:s23] =	ssyncset.done $0x0  }
0xaa: {  	s25 =	simm.s32 $0x1B8E;
	s24 =	sld [smem:$0x3FFE];
	[sflag:s23] =	ssyncadd.s32 $0xFFFFFFFF  }
0xab: {  	s26 =	simm.s32 $execute0_lowered;
	[smem:$0x3FD2] =	sst s25  }
0xac: {  	s5 =	sshll.u32 s26, $0x1;
	_ =	strace $0x80000049;
	[dreg:$0x1] =	wrdreg $0xFFFFFFFF  }
0xad: {  	s28 =	simm.s32 $_size_execute0_lowered;
	s3 =	sadd.s32 s3, s5;
	[dreg:$0x0] =	wrdreg $0x0  }
0xae: {  	s5 =	sshll.u32 s28, $0x1;
	[dreg:$0x2] =	wrdreg s3  }
0xaf: {  	[dreg:$0x3] =	wrdreg s5  }
0xb0: {  	[dreg:$0x4] =	wrdreg $0xC0  }
0xb1: {  	_ =	task [dreg:s7], $0x5FFFF  }
0xb2: {  	[dreg:$0x1] =	wrdreg $0xFFFFFFFF  }
0xb3: {  	[dreg:$0x0] =	wrdreg $0x60  }
0xb4: {  	[dreg:$0x2] =	wrdreg s24  }
0xb5: {  	[dreg:$0x3] =	wrdreg s16  }
0xb6: {  	[dreg:$0x4] =	wrdreg $0x0  }
0xb7: {  	[dreg:$0x5] =	wrdreg $0x9  }
0xb8: {  	_ =	task.clear_ibuf [dreg:s7], $0x6FFFF;
	_ =	strace $0x90000049  }
0xb9: {  	s29 =	simm.s32 $0x9;
	_ =	strace $0x8000004B  }
0xba: {  	_ =	swait.ge [sflag:s29], $0x1  }
0xbb: {  	[sflag:s29] =	ssyncadd.s32 $0xFFFFFFFF  }
0xbc: {  	_ =	strace $0x9000004B  }
0xbd: {  	_ =	sfence  }
0xbe: {  	s30 =	sld [smem:$0x0];
	_ =	sdelay $0x2  }
0xbf: {  	s31 =	sshll.u32 s1, $0xD;
	s1 =	sshrl.u32 s1, $0x2  }
0xc0: {  	s3 =	sand.u32 $0x4000, s31;
	s1 =	sadd.s32 s1, s30  }
0xc1: {  	s0 =	sor.u32 s3, s0;
	s1 =	sshll.u32 s1, $0x11  }
0xc2: {  	s0 =	sor.u32 s1, s0  }
0xc3: {  	s0 =	sadd.s32 $0x8F2B, s0  }
0xc4: {  	[sflag:s0] =	ssyncadd.remote.s32 $0x1  }
0xc5: {  	_ =	sfence.sel $0xFFFF  }
0xc6: {  	[dreg:$0x0] =	wrdreg $0xFFFFFFFF;
	(pc) =	sbr.abs _section_cstart, $3  }
0xc7: {  	[dreg:$0x1] =	wrdreg $0xFFFFFFFF  }
0xc8: {  	_ =	task.clear_ibuf [dreg:s7], $0x2FFFF;
	_ =	strace $0x9FFFFFFF  }
0xc9: {  	(tm) =	ssettm $0x7FFFFFFF  }
tec
execute0_lowered:
.L_overlay_start_1:
0x0: {  	(tag) =	ssettag $0x1  }
0x1: {  	s0 =	rddreg [dreg:$0x0]  }
0x2: {  	s1 =	srdreg.scid;
	s3 =	rddreg [dreg:$0x1]  }
0x3: {  	s9 =	stileid.u32;
	s2 =	rddreg [dreg:$0x2];
	s6 =	simm.s32 $0x0  }
0x4: {  	s28 =	simm.s32 $0x14000;
	s29 =	simm.s32 $0xB;
	s7 =	smul.u32 $0x50000, s9  }
0x5: {  	s31 =	simm.s32 $0x28;
	s30 =	simm.s32 $0x1CA20;
	s10 =	simm.s32 $0x6  }
0x6: {  	s1 =	sand.u32 $0x1, s1;
	s5 =	smul.u32 $0x14000, s9;
	s7 =	sshrl.u32 s7, $0x2  }
0x7: {  	[smem:$0x7FF] =	sst s6;
	s4 =	smul.u32 $0x140000, s1;
	s7 =	sadd.s32 s7, s2  }
0x8: {  	_ =	strace $0x8000004A;
	s12 =	ssub.s32 $0x2, s1;
	s13 =	sadd.s32 $0x1400, s7  }
0x9: {  	s1 =	sshll.u32 s1, $0x4;
	s14 =	sadd.s32 $0x2800, s7;
	[dreg:$0x4] =	wrdreg s13  }
0xa: {  	s8 =	sshrl.u32 s12, $0x1;
	s15 =	sadd.s32 $0x3C00, s7;
	[dreg:$0x5] =	wrdreg s14  }
0xb: {  	s1 =	sor.u32 s9, s1;
	s16 =	sadd.s32 $0x5000, s7;
	[dreg:$0x6] =	wrdreg s15  }
0xc: {  	s9 =	simm.s32 $0x5;
	s17 =	sadd.s32 $0x6400, s7;
	[dreg:$0x7] =	wrdreg s16  }
0xd: {  	s4 =	sadd.s32 s5, s4;
	s18 =	sadd.s32 $0x7800, s7;
	[dreg:$0x8] =	wrdreg s17  }
0xe: {  	s6 =	ssub.s32 s12, s8;
	s19 =	sadd.s32 $0x8C00, s7;
	[dreg:$0x9] =	wrdreg s18  }
0xf: {  	s5 =	sadd.s32 s5, s2;
	s20 =	sadd.s32 $0xA000, s7;
	[dreg:$0xa] =	wrdreg s19  }
0x10: {  	s1 =	smul.u32 $0x2710, s1;
	s21 =	sadd.s32 $0xB400, s7;
	[dreg:$0xb] =	wrdreg s20  }
0x11: {  	s8 =	simm.s32 $0x4;
	s22 =	sadd.s32 $0xC800, s7;
	[dreg:$0xc] =	wrdreg s21  }
0x12: {  	s12 =	simm.s32 $0x8;
	s23 =	sadd.s32 $0xDC00, s7;
	[dreg:$0xd] =	wrdreg s22  }
0x13: {  	s11 =	sshrl.u32 s4, $0x3;
	s24 =	sadd.s32 $0xF000, s7;
	[dreg:$0xe] =	wrdreg s23  }
0x14: {  	s4 =	sadd.s32 $0x3800, s0;
	s25 =	sadd.s32 $0x10400, s7;
	[dreg:$0xf] =	wrdreg s24  }
0x15: {  	s26 =	sadd.s32 $0x11800, s7;
	s0 =	sadd.s32 s11, s0;
	[dreg:$0x10] =	wrdreg s25  }
0x16: {  	s1 =	sshrl.u32 s1, $0x3;
	[dreg:$0x11] =	wrdreg s26;
	s21 =	sadd.s32 $0x12C00, s7  }
0x17: {  	s24 =	smax.u32 s6, $0x1;
	s25 =	simm.s32 $0x18E20;
	s26 =	simm.s32 $0x1  }
0x18: {  	s6 =	simm.s32 $0x2;
	s7 =	simm.s32 $0x3;
	s11 =	simm.s32 $0x7  }
0x19: {  	s13 =	simm.s32 $0x9;
	s14 =	simm.s32 $0xA;
	s15 =	simm.s32 $0x0  }
0x1a: {  	s20 =	sadd.s32 s3, s1;
	s23 =	sadd.s32 $0x51C00, s0;
	s0 =	simm.s32 $0x1A220  }
0x1b: {  	v0 =	vimm.f32 $0.0e+00;
	s1 =	simm.s32 $0x1B620;
	s3 =	simm.s32 $0x1DE20;
	s22 =	sadd.s32 $0x9C40, s20  }
.LBB2_1:
0x1c: {  	s17 =	simm.s32 $0x0  }
0x1d: {  	s16 =	sand.u32 $0x7E00, s17  }
0x1e: {  	s17 =	sand.u32 $0x70, s17;
	s18 =	sshrl.u32 s16, $0x2  }
0x1f: {  	s16 =	simm.s32 $0x40;
	s18 =	sor.u32 s17, s18;
	s17 =	simm.s32 $0x0  }
.LBB2_2:
0x20: {  	p0 =	sne.s32 s16, $0x4FC0  }
0x21: {  	[tilespmem:s18+$0x18E20] =	vst v0;
	s17 =	sadd.s32 $0x10, s17;
	s18 =	smov.u32 s16;
	s16 =	sadd.s32 $0x40, s16  }
.Ltmp0:
0x22: {  	(pc) =	sbr.rel @p0 .LBB2_2-.Ltmp0, $4  }
0x23: {  	_ = 	snop  }
0x24: {  	s18 =	sand.u32 $0x7E00, s18  }
0x25: {  	s19 =	sand.u32 $0x70, s17;
	s18 =	sshrl.u32 s18, $0x2  }
0x26: {  	s18 =	sor.u32 s19, s18  }
0x27: {  	[tilespmem:s18+$0x18E20] =	vst v0  }
0x28: {  	[spmem:s5] =	stream.linear.scatter [tilespmem:s25], [sflag:$0x1], $0x1400, $0x38;
	[tilespmem:$0x1F220] =	vst v63  }
0x29: {  	s16 =	rddreg [dreg:$0x4]  }
0x2a: {  	[spmem:s16] =	stream.linear.scatter [tilespmem:s25], [sflag:$0x1], $0x1400, $0x38;
	[tilespmem:$0x1F220] =	vst v63  }
0x2b: {  	s17 =	rddreg [dreg:$0x5]  }
0x2c: {  	[spmem:s17] =	stream.linear.scatter [tilespmem:s25], [sflag:$0x1], $0x1400, $0x38;
	[tilespmem:$0x1F220] =	vst v63  }
0x2d: {  	s18 =	rddreg [dreg:$0x6]  }
0x2e: {  	[spmem:s18] =	stream.linear.scatter [tilespmem:s25], [sflag:$0x1], $0x1400, $0x38;
	[tilespmem:$0x1F220] =	vst v63  }
0x2f: {  	s19 =	rddreg [dreg:$0x7]  }
0x30: {  	[spmem:s19] =	stream.linear.scatter [tilespmem:s25], [sflag:$0x1], $0x1400, $0x38;
	[tilespmem:$0x1F220] =	vst v63  }
0x31: {  	s17 =	rddreg [dreg:$0x8]  }
0x32: {  	[spmem:s17] =	stream.linear.scatter [tilespmem:s25], [sflag:$0x1], $0x1400, $0x38;
	[tilespmem:$0x1F220] =	vst v63  }
0x33: {  	s18 =	rddreg [dreg:$0x9]  }
0x34: {  	[spmem:s18] =	stream.linear.scatter [tilespmem:s25], [sflag:$0x1], $0x1400, $0x38;
	[tilespmem:$0x1F220] =	vst v63  }
0x35: {  	s19 =	rddreg [dreg:$0xa]  }
0x36: {  	[spmem:s19] =	stream.linear.scatter [tilespmem:s25], [sflag:$0x1], $0x1400, $0x38;
	[tilespmem:$0x1F220] =	vst v63  }
0x37: {  	s17 =	rddreg [dreg:$0xb]  }
0x38: {  	[spmem:s17] =	stream.linear.scatter [tilespmem:s25], [sflag:$0x1], $0x1400, $0x38;
	[tilespmem:$0x1F220] =	vst v63  }
0x39: {  	s18 =	rddreg [dreg:$0xc]  }
0x3a: {  	[spmem:s18] =	stream.linear.scatter [tilespmem:s25], [sflag:$0x1], $0x1400, $0x38;
	[tilespmem:$0x1F220] =	vst v63  }
0x3b: {  	s19 =	rddreg [dreg:$0xd]  }
0x3c: {  	[spmem:s19] =	stream.linear.scatter [tilespmem:s25], [sflag:$0x1], $0x1400, $0x38;
	[tilespmem:$0x1F220] =	vst v63  }
0x3d: {  	s17 =	rddreg [dreg:$0xe]  }
0x3e: {  	[spmem:s17] =	stream.linear.scatter [tilespmem:s25], [sflag:$0x1], $0x1400, $0x38;
	[tilespmem:$0x1F220] =	vst v63  }
0x3f: {  	s18 =	rddreg [dreg:$0xf]  }
0x40: {  	[spmem:s18] =	stream.linear.scatter [tilespmem:s25], [sflag:$0x1], $0x1400, $0x38;
	[tilespmem:$0x1F220] =	vst v63  }
0x41: {  	s19 =	rddreg [dreg:$0x10]  }
0x42: {  	[spmem:s19] =	stream.linear.scatter [tilespmem:s25], [sflag:$0x1], $0x1400, $0x38;
	[tilespmem:$0x1F220] =	vst v63  }
0x43: {  	s17 =	rddreg [dreg:$0x11]  }
0x44: {  	[spmem:s17] =	stream.linear.scatter [tilespmem:s25], [sflag:$0x1], $0x1400, $0x38;
	[tilespmem:$0x1F220] =	vst v63  }
0x45: {  	_ = 	snop  }
0x46: {  	[spmem:s21] =	stream.linear.scatter [tilespmem:s25], [sflag:$0x1], $0x1400, $0x38;
	[tilespmem:$0x1F220] =	vst v63  }
0x47: {  	_ =	swait.ge [sflag:s26], $0x1400  }
0x48: {  	[sflag:s26] =	ssyncset.done $0x0  }
0x49: {  	[sflag:s26] =	ssyncadd.s32 $0xFFFFEC00  }
0x4a: {  	_ =	swait.ge [sflag:s26], $0x1400  }
0x4b: {  	[sflag:s26] =	ssyncset.done $0x0  }
0x4c: {  	[sflag:s26] =	ssyncadd.s32 $0xFFFFEC00  }
0x4d: {  	_ =	swait.ge [sflag:s26], $0x1400  }
0x4e: {  	[sflag:s26] =	ssyncset.done $0x0  }
0x4f: {  	[sflag:s26] =	ssyncadd.s32 $0xFFFFEC00  }
0x50: {  	_ =	swait.ge [sflag:s26], $0x1400  }
0x51: {  	[sflag:s26] =	ssyncset.done $0x0  }
0x52: {  	[sflag:s26] =	ssyncadd.s32 $0xFFFFEC00  }
0x53: {  	_ =	swait.ge [sflag:s26], $0x1400  }
0x54: {  	[sflag:s26] =	ssyncset.done $0x0  }
0x55: {  	[sflag:s26] =	ssyncadd.s32 $0xFFFFEC00  }
0x56: {  	_ =	swait.ge [sflag:s26], $0x1400  }
0x57: {  	[sflag:s26] =	ssyncset.done $0x0  }
0x58: {  	[sflag:s26] =	ssyncadd.s32 $0xFFFFEC00  }
0x59: {  	_ =	swait.ge [sflag:s26], $0x1400  }
0x5a: {  	[sflag:s26] =	ssyncset.done $0x0  }
0x5b: {  	[sflag:s26] =	ssyncadd.s32 $0xFFFFEC00  }
0x5c: {  	_ =	swait.ge [sflag:s26], $0x1400  }
0x5d: {  	[sflag:s26] =	ssyncset.done $0x0  }
0x5e: {  	[sflag:s26] =	ssyncadd.s32 $0xFFFFEC00  }
0x5f: {  	_ =	swait.ge [sflag:s26], $0x1400  }
0x60: {  	[sflag:s26] =	ssyncset.done $0x0  }
0x61: {  	[sflag:s26] =	ssyncadd.s32 $0xFFFFEC00  }
0x62: {  	_ =	swait.ge [sflag:s26], $0x1400  }
0x63: {  	[sflag:s26] =	ssyncset.done $0x0  }
0x64: {  	[sflag:s26] =	ssyncadd.s32 $0xFFFFEC00  }
0x65: {  	_ =	swait.ge [sflag:s26], $0x1400  }
0x66: {  	[sflag:s26] =	ssyncset.done $0x0  }
0x67: {  	[sflag:s26] =	ssyncadd.s32 $0xFFFFEC00  }
0x68: {  	_ =	swait.ge [sflag:s26], $0x1400  }
0x69: {  	[sflag:s26] =	ssyncset.done $0x0  }
0x6a: {  	[sflag:s26] =	ssyncadd.s32 $0xFFFFEC00  }
0x6b: {  	_ =	swait.ge [sflag:s26], $0x1400  }
0x6c: {  	[sflag:s26] =	ssyncset.done $0x0  }
0x6d: {  	[sflag:s26] =	ssyncadd.s32 $0xFFFFEC00  }
0x6e: {  	_ =	swait.ge [sflag:s26], $0x1400  }
0x6f: {  	[sflag:s26] =	ssyncset.done $0x0  }
0x70: {  	[sflag:s26] =	ssyncadd.s32 $0xFFFFEC00  }
0x71: {  	_ =	swait.ge [sflag:s26], $0x1400  }
0x72: {  	[sflag:s26] =	ssyncset.done $0x0  }
0x73: {  	[sflag:s26] =	ssyncadd.s32 $0xFFFFEC00  }
0x74: {  	_ =	swait.ge [sflag:s26], $0x1400  }
0x75: {  	[sflag:s26] =	ssyncset.done $0x0  }
0x76: {  	[sflag:s26] =	ssyncadd.s32 $0xFFFFEC00  }
0x77: {  	s18 =	simm.s32 $0x0;
	[bflag:$0x0] =	sbarrier.arrive $0xFFFF  }
0x78: {  	[tilespmem:s28], [sflag:$0xB] =	stream.linear.gather [hbm4b:s20+s18], $0x2710, $0x38;
	[tilespmem:$0x1F220] =	vst v63  }
0x79: {  	_ =	swait.ge [sflag:s29], $0x2710  }
0x7a: {  	[sflag:s29] =	ssyncset.done $0x0  }
0x7b: {  	s17 =	simm.s32 $0x16710;
	[sflag:s29] =	ssyncadd.s32 $0xFFFFD8F0  }
0x7c: {  	[tilespmem:s17], [sflag:$0xB] =	stream.linear.gather [hbm4b:s22+s18], $0x2710, $0x38;
	[tilespmem:$0x1F220] =	vst v63  }
0x7d: {  	_ =	swait.ge [sflag:s29], $0x2710  }
0x7e: {  	[sflag:s29] =	ssyncset.done $0x0  }
0x7f: {  	[sflag:s29] =	ssyncadd.s32 $0xFFFFD8F0  }
0x80: {  	[tilespmem:s25], [sflag:$0x1] =	stream.indirect.gather [hbm4b:s4+s31], $0x80, s28, s31, $0xb8;
	[tilespmem:$0x1F220] =	vst v63  }
0x81: {  	s19 =	simm.s32 $0x14028  }
0x82: {  	[tilespmem:s0], [sflag:$0x2] =	stream.indirect.gather [hbm4b:s4+s31], $0x80, s19, s31, $0xb8;
	[tilespmem:$0x1F220] =	vst v63  }
0x83: {  	s17 =	simm.s32 $0x14050  }
0x84: {  	[tilespmem:s1], [sflag:$0x3] =	stream.indirect.gather [hbm4b:s4+s31], $0x80, s17, s31, $0xb8;
	[tilespmem:$0x1F220] =	vst v63  }
0x85: {  	s18 =	simm.s32 $0x14078  }
0x86: {  	[tilespmem:s30], [sflag:$0x4] =	stream.indirect.gather [hbm4b:s4+s31], $0x80, s18, s31, $0xb8;
	[tilespmem:$0x1F220] =	vst v63  }
0x87: {  	s19 =	simm.s32 $0x140A0  }
0x88: {  	[tilespmem:s3], [sflag:$0x5] =	stream.indirect.gather [hbm4b:s4+s31], $0x80, s19, s31, $0xb8;
	[tilespmem:$0x1F220] =	vst v63  }
0x89: {  	_ =	swait.ge [sflag:s26], $0x1400  }
0x8a: {  	[sflag:s26] =	ssyncset.done $0x0  }
0x8b: {  	s17 =	simm.s32 $0x16710;
	[sflag:s26] =	ssyncadd.s32 $0xFFFFEC00  }
0x8c: {  	[spmem:s2] =	stream.indirect.scatter.add.f32 [tilespmem:s25], [sflag:$0x6], $0x80, s17, s31, $0xb8;
	[tilespmem:$0x1F220] =	vst v63  }
0x8d: {  	_ =	swait.ge [sflag:s6], $0x1400  }
0x8e: {  	[sflag:s6] =	ssyncset.done $0x0  }
0x8f: {  	s18 =	simm.s32 $0x16738;
	[sflag:s6] =	ssyncadd.s32 $0xFFFFEC00  }
0x90: {  	[spmem:s2] =	stream.indirect.scatter.add.f32 [tilespmem:s0], [sflag:$0x7], $0x80, s18, s31, $0xb8;
	[tilespmem:$0x1F220] =	vst v63  }
0x91: {  	_ =	swait.ge [sflag:s7], $0x1400  }
0x92: {  	[sflag:s7] =	ssyncset.done $0x0  }
0x93: {  	s19 =	simm.s32 $0x16760;
	[sflag:s7] =	ssyncadd.s32 $0xFFFFEC00  }
0x94: {  	[spmem:s2] =	stream.indirect.scatter.add.f32 [tilespmem:s1], [sflag:$0x8], $0x80, s19, s31, $0xb8;
	[tilespmem:$0x1F220] =	vst v63  }
0x95: {  	_ =	swait.ge [sflag:s8], $0x1400  }
0x96: {  	[sflag:s8] =	ssyncset.done $0x0  }
0x97: {  	s17 =	simm.s32 $0x16788;
	[sflag:s8] =	ssyncadd.s32 $0xFFFFEC00  }
0x98: {  	[spmem:s2] =	stream.indirect.scatter.add.f32 [tilespmem:s30], [sflag:$0x9], $0x80, s17, s31, $0xb8;
	[tilespmem:$0x1F220] =	vst v63  }
0x99: {  	_ =	swait.ge [sflag:s9], $0x1400  }
0x9a: {  	[sflag:s9] =	ssyncset.done $0x0  }
0x9b: {  	s18 =	simm.s32 $0x167B0;
	[sflag:s9] =	ssyncadd.s32 $0xFFFFEC00  }
0x9c: {  	[spmem:s2] =	stream.indirect.scatter.add.f32 [tilespmem:s3], [sflag:$0xA], $0x80, s18, s31, $0xb8;
	[tilespmem:$0x1F220] =	vst v63  }
0x9d: {  	_ =	swait.ge [sflag:s10], $0x1400  }
0x9e: {  	[sflag:s10] =	ssyncset.done $0x0  }
0x9f: {  	s19 =	simm.s32 $0x140C8;
	[sflag:s10] =	ssyncadd.s32 $0xFFFFEC00  }
0xa0: {  	[tilespmem:s25], [sflag:$0x1] =	stream.indirect.gather [hbm4b:s4+s31], $0x80, s19, s31, $0xb8;
	[tilespmem:$0x1F220] =	vst v63  }
0xa1: {  	_ =	swait.ge [sflag:s11], $0x1400  }
0xa2: {  	[sflag:s11] =	ssyncset.done $0x0  }
0xa3: {  	s17 =	simm.s32 $0x140F0;
	[sflag:s11] =	ssyncadd.s32 $0xFFFFEC00  }
0xa4: {  	[tilespmem:s0], [sflag:$0x2] =	stream.indirect.gather [hbm4b:s4+s31], $0x80, s17, s31, $0xb8;
	[tilespmem:$0x1F220] =	vst v63  }
0xa5: {  	_ =	swait.ge [sflag:s12], $0x1400  }
0xa6: {  	[sflag:s12] =	ssyncset.done $0x0  }
0xa7: {  	s18 =	simm.s32 $0x14118;
	[sflag:s12] =	ssyncadd.s32 $0xFFFFEC00  }
0xa8: {  	[tilespmem:s1], [sflag:$0x3] =	stream.indirect.gather [hbm4b:s4+s31], $0x80, s18, s31, $0xb8;
	[tilespmem:$0x1F220] =	vst v63  }
0xa9: {  	_ =	swait.ge [sflag:s13], $0x1400  }
0xaa: {  	[sflag:s13] =	ssyncset.done $0x0  }
0xab: {  	s19 =	simm.s32 $0x14140;
	[sflag:s13] =	ssyncadd.s32 $0xFFFFEC00  }
0xac: {  	[tilespmem:s30], [sflag:$0x4] =	stream.indirect.gather [hbm4b:s4+s31], $0x80, s19, s31, $0xb8;
	[tilespmem:$0x1F220] =	vst v63  }
0xad: {  	_ =	swait.ge [sflag:s14], $0x1400  }
0xae: {  	[sflag:s14] =	ssyncset.done $0x0  }
0xaf: {  	s16 =	simm.s32 $0x320;
	s17 =	simm.s32 $0x14168;
	[sflag:s14] =	ssyncadd.s32 $0xFFFFEC00  }
.LBB2_4:
0xb0: {  	[tilespmem:s3], [sflag:$0x5] =	stream.indirect.gather [hbm4b:s4+s31], $0x80, s17, s31, $0xb8;
	[tilespmem:$0x1F220] =	vst v63  }
0xb1: {  	s17 =	smov.u32 s16  }
0xb2: {  	p0 =	sne.s32 s16, $0x9600;
	s16 =	sadd.s32 $0x320, s16;
	_ =	swait.ge [sflag:s26], $0x1400  }
0xb3: {  	s17 =	sshra.s32 s17, $0x2;
	[sflag:s26] =	ssyncset.done $0x0  }
0xb4: {  	s18 =	sadd.s32 $0x16710, s17;
	[sflag:s26] =	ssyncadd.s32 $0xFFFFEC00  }
0xb5: {  	[spmem:s2] =	stream.indirect.scatter.add.f32 [tilespmem:s25], [sflag:$0x6], $0x80, s18, s31, $0xb8;
	[tilespmem:$0x1F220] =	vst v63  }
0xb6: {  	_ =	swait.ge [sflag:s6], $0x1400  }
0xb7: {  	[sflag:s6] =	ssyncset.done $0x0  }
0xb8: {  	s18 =	sadd.s32 $0x16738, s17;
	[sflag:s6] =	ssyncadd.s32 $0xFFFFEC00  }
0xb9: {  	[spmem:s2] =	stream.indirect.scatter.add.f32 [tilespmem:s0], [sflag:$0x7], $0x80, s18, s31, $0xb8;
	[tilespmem:$0x1F220] =	vst v63  }
0xba: {  	_ =	swait.ge [sflag:s7], $0x1400  }
0xbb: {  	[sflag:s7] =	ssyncset.done $0x0  }
0xbc: {  	s18 =	sadd.s32 $0x16760, s17;
	[sflag:s7] =	ssyncadd.s32 $0xFFFFEC00  }
0xbd: {  	[spmem:s2] =	stream.indirect.scatter.add.f32 [tilespmem:s1], [sflag:$0x8], $0x80, s18, s31, $0xb8;
	[tilespmem:$0x1F220] =	vst v63  }
0xbe: {  	_ =	swait.ge [sflag:s8], $0x1400  }
0xbf: {  	[sflag:s8] =	ssyncset.done $0x0  }
0xc0: {  	s18 =	sadd.s32 $0x16788, s17;
	[sflag:s8] =	ssyncadd.s32 $0xFFFFEC00  }
0xc1: {  	[spmem:s2] =	stream.indirect.scatter.add.f32 [tilespmem:s30], [sflag:$0x9], $0x80, s18, s31, $0xb8;
	[tilespmem:$0x1F220] =	vst v63  }
0xc2: {  	_ =	swait.ge [sflag:s9], $0x1400  }
0xc3: {  	[sflag:s9] =	ssyncset.done $0x0  }
0xc4: {  	s18 =	sadd.s32 $0x167B0, s17;
	[sflag:s9] =	ssyncadd.s32 $0xFFFFEC00  }
0xc5: {  	[spmem:s2] =	stream.indirect.scatter.add.f32 [tilespmem:s3], [sflag:$0xA], $0x80, s18, s31, $0xb8;
	[tilespmem:$0x1F220] =	vst v63  }
0xc6: {  	_ =	swait.ge [sflag:s10], $0x1400  }
0xc7: {  	[sflag:s10] =	ssyncset.done $0x0  }
0xc8: {  	s18 =	sadd.s32 $0x140C8, s17;
	[sflag:s10] =	ssyncadd.s32 $0xFFFFEC00  }
0xc9: {  	[tilespmem:s25], [sflag:$0x1] =	stream.indirect.gather [hbm4b:s4+s31], $0x80, s18, s31, $0xb8;
	[tilespmem:$0x1F220] =	vst v63  }
0xca: {  	_ =	swait.ge [sflag:s11], $0x1400  }
0xcb: {  	[sflag:s11] =	ssyncset.done $0x0  }
0xcc: {  	s18 =	sadd.s32 $0x140F0, s17;
	[sflag:s11] =	ssyncadd.s32 $0xFFFFEC00  }
0xcd: {  	[tilespmem:s0], [sflag:$0x2] =	stream.indirect.gather [hbm4b:s4+s31], $0x80, s18, s31, $0xb8;
	[tilespmem:$0x1F220] =	vst v63  }
0xce: {  	_ =	swait.ge [sflag:s12], $0x1400  }
0xcf: {  	[sflag:s12] =	ssyncset.done $0x0  }
0xd0: {  	s18 =	sadd.s32 $0x14118, s17;
	[sflag:s12] =	ssyncadd.s32 $0xFFFFEC00  }
0xd1: {  	[tilespmem:s1], [sflag:$0x3] =	stream.indirect.gather [hbm4b:s4+s31], $0x80, s18, s31, $0xb8;
	[tilespmem:$0x1F220] =	vst v63  }
0xd2: {  	_ =	swait.ge [sflag:s13], $0x1400  }
0xd3: {  	[sflag:s13] =	ssyncset.done $0x0  }
.Ltmp1:
0xd4: {  	s18 =	sadd.s32 $0x14140, s17;
	[sflag:s13] =	ssyncadd.s32 $0xFFFFEC00;
	(pc) =	sbr.rel @p0 .LBB2_4-.Ltmp1, $4  }
0xd5: {  	[tilespmem:s30], [sflag:$0x4] =	stream.indirect.gather [hbm4b:s4+s31], $0x80, s18, s31, $0xb8;
	[tilespmem:$0x1F220] =	vst v63  }
0xd6: {  	_ =	swait.ge [sflag:s14], $0x1400  }
0xd7: {  	[sflag:s14] =	ssyncset.done $0x0  }
0xd8: {  	s17 =	sadd.s32 $0x14168, s17;
	[sflag:s14] =	ssyncadd.s32 $0xFFFFEC00  }
0xd9: {  	[tilespmem:s3], [sflag:$0x5] =	stream.indirect.gather [hbm4b:s4+s31], $0x80, s17, s31, $0xb8;
	[tilespmem:$0x1F220] =	vst v63  }
0xda: {  	_ =	swait.ge [sflag:s26], $0x1400  }
0xdb: {  	[sflag:s26] =	ssyncset.done $0x0  }
0xdc: {  	s16 =	simm.s32 $0x18D58;
	[sflag:s26] =	ssyncadd.s32 $0xFFFFEC00  }
0xdd: {  	[spmem:s2] =	stream.indirect.scatter.add.f32 [tilespmem:s25], [sflag:$0x6], $0x80, s16, s31, $0xb8;
	[tilespmem:$0x1F220] =	vst v63  }
0xde: {  	_ =	swait.ge [sflag:s6], $0x1400  }
0xdf: {  	[sflag:s6] =	ssyncset.done $0x0  }
0xe0: {  	s17 =	simm.s32 $0x18D80;
	[sflag:s6] =	ssyncadd.s32 $0xFFFFEC00  }
0xe1: {  	[spmem:s2] =	stream.indirect.scatter.add.f32 [tilespmem:s0], [sflag:$0x7], $0x80, s17, s31, $0xb8;
	[tilespmem:$0x1F220] =	vst v63  }
0xe2: {  	_ =	swait.ge [sflag:s7], $0x1400  }
0xe3: {  	[sflag:s7] =	ssyncset.done $0x0  }
0xe4: {  	s18 =	simm.s32 $0x18DA8;
	[sflag:s7] =	ssyncadd.s32 $0xFFFFEC00  }
0xe5: {  	[spmem:s2] =	stream.indirect.scatter.add.f32 [tilespmem:s1], [sflag:$0x8], $0x80, s18, s31, $0xb8;
	[tilespmem:$0x1F220] =	vst v63  }
0xe6: {  	_ =	swait.ge [sflag:s8], $0x1400  }
0xe7: {  	[sflag:s8] =	ssyncset.done $0x0  }
0xe8: {  	s19 =	simm.s32 $0x18DD0;
	[sflag:s8] =	ssyncadd.s32 $0xFFFFEC00  }
0xe9: {  	[spmem:s2] =	stream.indirect.scatter.add.f32 [tilespmem:s30], [sflag:$0x9], $0x80, s19, s31, $0xb8;
	[tilespmem:$0x1F220] =	vst v63  }
0xea: {  	_ =	swait.ge [sflag:s9], $0x1400  }
0xeb: {  	[sflag:s9] =	ssyncset.done $0x0  }
0xec: {  	s17 =	simm.s32 $0x18DF8;
	[sflag:s9] =	ssyncadd.s32 $0xFFFFEC00  }
0xed: {  	[spmem:s2] =	stream.indirect.scatter.add.f32 [tilespmem:s3], [sflag:$0xA], $0x80, s17, s31, $0xb8;
	[tilespmem:$0x1F220] =	vst v63  }
0xee: {  	_ =	swait.ge [sflag:s10], $0x1400  }
0xef: {  	[sflag:s10] =	ssyncset.done $0x0  }
0xf0: {  	[sflag:s10] =	ssyncadd.s32 $0xFFFFEC00  }
0xf1: {  	_ =	swait.ge [sflag:s11], $0x1400  }
0xf2: {  	[sflag:s11] =	ssyncset.done $0x0  }
0xf3: {  	[sflag:s11] =	ssyncadd.s32 $0xFFFFEC00  }
0xf4: {  	_ =	swait.ge [sflag:s12], $0x1400  }
0xf5: {  	[sflag:s12] =	ssyncset.done $0x0  }
0xf6: {  	[sflag:s12] =	ssyncadd.s32 $0xFFFFEC00  }
0xf7: {  	_ =	swait.ge [sflag:s13], $0x1400  }
0xf8: {  	[sflag:s13] =	ssyncset.done $0x0  }
0xf9: {  	[sflag:s13] =	ssyncadd.s32 $0xFFFFEC00  }
0xfa: {  	s18 =	stileid.u32;
	_ =	swait.ge [sflag:s14], $0x1400  }
0xfb: {  	s15 =	sadd.s32 $0x1, s15;
	s16 =	sshll.u32 s18, $0x6;
	[sflag:s14] =	ssyncset.done $0x0  }
0xfc: {  	p0 =	sne.s32 s15, s24;
	s16 =	sor.u32 $0x1C0B, s16;
	[sflag:s14] =	ssyncadd.s32 $0xFFFFEC00  }
.Ltmp2:
0xfd: {  	s19 =	sshrl.u32 s5, $0x3;
	[bflag:$0x0] =	sbarrier.arrive $0xFFFF;
	(pc) =	sbr.rel @p0 .LBB2_1-.Ltmp2, $4  }
0xfe: {  	[hbm:s23], [sflag:s16] =	dma.local [spmem:s19], $0x2800  }
0xff: {  	_ =	swait.ge [sflag:s29], $0x2800  }
0x100: {  	[sflag:s29] =	ssyncset.done $0x0  }
0x101: {  	[sflag:s29] =	ssyncadd.s32 $0xFFFFD800  }
0x102: {  	_ =	sfence.sel $0x180000  }
0x103: {  	[bflag:$0x0] =	sbarrier.arrive $0xFFFF  }
0x104: {  	_ =	strace $0x9000004A  }
0x105: {  	s0 =	stileid.u32;
	[bflag:$0x2] =	sbarrier.arrive $0xFFFF  }
0x106: {  	p0 =	sne.s32 s0, $0x0;
	s0 =	rddreg [dreg:$0x3]  }
0x107: {  	s0 =	sadd.s32 @!p0 $0x100000, s0  }
0x108: {  	[sflag:s0] =	ssyncadd.tile.s32 @!p0 $0x1;
	_ =	shalt  }
.Lfunc_end2:
_tile_overlayer_lowered:
.L_overlay_start_2:
0x109: {  	(tag) =	ssettag $0x2  }
0x10a: {  	s0 =	rddreg [dreg:$0x0];
	s2 =	stileid.u32  }
0x10b: {  	s1 =	rddreg [dreg:$0x1];
	p0 =	sne.s32 s2, $0x0  }
0x10c: {  	s3 =	rddreg [dreg:$0x2];
	[bflag:$0x3] =	sbarrier.arrive $0xFFFF;
	s2 =	simm.s32 @!p0 $0x1C0B  }
0x10d: {  	[timem:s3], [sflag:s2] =	dma.local @!p0 [hbm:s0], s1  }
0x10e: {  	s0 =	simm.s32 @!p0 $0xB  }
0x10f: {  	_ =	swait.ge @!p0 [sflag:s0], s1  }
0x110: {  	s1 =	ssub.s32 @!p0 $0x0, s1;
	[sflag:s0] =	ssyncset.done @!p0 $0x0  }
0x111: {  	[sflag:s0] =	ssyncadd.s32 @!p0 s1  }
0x112: {  	[bflag:$0x3] =	sbarrier.arrive $0xFFFF  }
0x113: {  	_ =	shalt  }

// kernel: kernel.15.cloned.1.call-start
scs
__scs_entry_jumppad:
0x0: {  	(pc) =	sbr.rel $0x88, $3  }
0x1: {  	(tag) =	ssettag $0x0;
	lr =	simm.s32 $0x1  }
0x2: {  	[smem:$0x3F93] =	sst lr;
	_ =	strace $0xD0000000  }
0x3: {  	_ = 	snop  }
0x4: {  	_ = 	snop  }
0x5: {  	_ = 	snop  }
0x6: {  	_ = 	snop  }
0x7: {  	_ = 	snop  }
__scs_overlays_trampoline_lowered:
0x8: {  	[smem:$0x3FA2] =	sst s0  }
0x9: {  	[smem:$0x3FA3] =	sst s1  }
0xa: {  	[smem:$0x3FA4] =	sst s2  }
0xb: {  	[smem:$0x3FA5] =	sst s3  }
0xc: {  	[smem:$0x3FA6] =	sst s4  }
0xd: {  	[smem:$0x3FA7] =	sst s5  }
0xe: {  	[smem:$0x3FA8] =	sst s6  }
0xf: {  	[smem:$0x3FA9] =	sst s7  }
0x10: {  	[smem:$0x3FAA] =	sst s8  }
0x11: {  	[smem:$0x3FAB] =	sst s9;
	s0 =	simm.s32 @!p0 $0x0  }
0x12: {  	s1 =	sld [smem:$0x3F91];
	s0 =	simm.s32 @p0 $0x1  }
0x13: {  	[smem:$0x3FAC] =	sst s0;
	s0 =	simm.s32 @!p1 $0x0  }
0x14: {  	s2 =	sld [smem:$0x3F90];
	s0 =	simm.s32 @p1 $0x1  }
0x15: {  	[smem:$0x3FAD] =	sst s0;
	s0 =	simm.s32 @!p2 $0x0  }
0x16: {  	s3 =	sld [smem:$0x3FDB];
	s0 =	simm.s32 @p2 $0x1  }
0x17: {  	s4 =	simm.s32 $0x1BF5;
	[smem:$0x3FAF] =	sst s0  }
0x18: {  	s0 =	sld [smem:$0x3F92];
	_ =	swait.ge [sflag:s4], $0x0  }
0x19: {  	s7 =	sld [smem:$0x3F93]  }
0x1a: {  	s8 =	sadd.s32 $0xFFFFE003, lr  }
0x1b: {  	s9 =	sadd.s32 $0xFFFFFEF7, lr;
	s5 =	simm.s32 $0xFFFFFFFF;
	p2 =	slt.u32 s8, $0xFFFFF086  }
0x1c: {  	p1 =	slt.u32 s9, $0xF7A;
	s5 =	simm.s32 @!p2 $0x0  }
0x1d: {  	s5 =	simm.s32 @p1 $0x1;
	p0 =	seq.s32 s7, s2  }
0x1e: {  	s7 =	smul.u32 @!p0 $0xF7A, s2;
	p2 =	seq.s32 @!p0 s5, $0x0  }
0x1f: {  	s9 =	smul.u32 $0xF7A, s1;
	s8 =	simm.s32 @!p0 $0x1BF5;
	p2 =	por !p2, p0  }
0x20: {  	[sflag:s8] =	ssyncset.s32 @!p0 $0xFFFFF086;
	s6 =	sadd.s32 @!p0 s3, s7;
	s7 =	simm.s32 @!p0 $0x108  }
0x21: {  	s3 =	sadd.s32 s3, s9;
	s6 =	sadd.s32 @!p0 $0x88, s6;
	s7 =	simm.s32 @p2 $0x1082  }
0x22: {  	[simem:s7], [sflag:s8] =	dma.local @!p0 [hbm:s6], $0xF7A  }
0x23: {  	s9 =	sor.u32 $0xD0000000, s2;
	s6 =	simm.s32 $0x108;
	_ =	swait.ge @!p0 [sflag:s8], $0x0  }
0x24: {  	s3 =	sadd.s32 $0x88, s3;
	s6 =	simm.s32 @!p1 $0x1082;
	[sflag:s4] =	ssyncset.s32 $0xFFFFF086  }
0x25: {  	[simem:s6], [sflag:s4] =	dma.local [hbm:s3], $0xF7A  }
0x26: {  	[smem:$0x3F93] =	sst s1;
	(tag) =	ssettag s2;
	_ =	strace s9  }
0x27: {  	s1 =	sld [smem:$0x3FA3]  }
0x28: {  	s2 =	sld [smem:$0x3FA4]  }
0x29: {  	s4 =	sld [smem:$0x3FA6]  }
0x2a: {  	p0 =	seq.s32 s5, $0x0;
	s5 =	sld [smem:$0x3FA7]  }
0x2b: {  	s6 =	sld [smem:$0x3FA8]  }
0x2c: {  	s7 =	sld [smem:$0x3FA9]  }
0x2d: {  	s3 =	simm.s32 $0x108;
	s8 =	sld [smem:$0x3FAA]  }
0x2e: {  	s3 =	simm.s32 @!p0 $0x1082;
	s9 =	sld [smem:$0x3FAB]  }
0x2f: {  	lr =	sadd.s32 s0, s3;
	s0 =	sld [smem:$0x3FA2]  }
0x30: {  	s3 =	sld [smem:$0x3FA5]  }
0x31: {  	[smem:$0x3FAE] =	sst s10  }
0x32: {  	s10 =	sld [smem:$0x3FAC];
	_ =	sdelay $0x3  }
0x33: {  	p0 =	seq.s32 s10, $0x1;
	s10 =	sld [smem:$0x3FAE];
	_ =	sdelay $0x3  }
0x34: {  	[smem:$0x3FAE] =	sst s10  }
0x35: {  	s10 =	sld [smem:$0x3FAD];
	_ =	sdelay $0x3  }
0x36: {  	p1 =	seq.s32 s10, $0x1;
	s10 =	sld [smem:$0x3FAE];
	_ =	sdelay $0x3  }
0x37: {  	[smem:$0x3FAE] =	sst s10  }
0x38: {  	s10 =	sld [smem:$0x3FAF]  }
0x39: {  	_ = 	snop;
	(pc) =	sbr.ind lr, $3  }
0x3a: {  	_ = 	snop  }
0x3b: {  	_ = 	snop  }
0x3c: {  	p2 =	seq.s32 s10, $0x1;
	s10 =	sld [smem:$0x3FAE]  }
0x3d: {  	_ =	shalt  }
0x3e: {  	_ =	shalt  }
0x3f: {  	_ =	shalt  }
0x40: {  	_ =	shalt  }
0x41: {  	_ =	shalt  }
0x42: {  	_ =	shalt  }
0x43: {  	_ =	shalt  }
0x44: {  	_ =	shalt  }
0x45: {  	_ =	shalt  }
0x46: {  	_ =	shalt  }
0x47: {  	_ =	shalt  }
0x48: {  	_ =	shalt  }
0x49: {  	_ =	shalt  }
0x4a: {  	_ =	shalt  }
0x4b: {  	_ =	shalt  }
0x4c: {  	_ =	shalt  }
0x4d: {  	_ =	shalt  }
0x4e: {  	_ =	shalt  }
0x4f: {  	_ =	shalt  }
0x50: {  	_ =	shalt  }
0x51: {  	_ =	shalt  }
0x52: {  	_ =	shalt  }
0x53: {  	_ =	shalt  }
0x54: {  	_ =	shalt  }
0x55: {  	_ =	shalt  }
0x56: {  	_ =	shalt  }
0x57: {  	_ =	shalt  }
0x58: {  	_ =	shalt  }
0x59: {  	_ =	shalt  }
0x5a: {  	_ =	shalt  }
0x5b: {  	_ =	shalt  }
0x5c: {  	_ =	shalt  }
0x5d: {  	_ =	shalt  }
0x5e: {  	_ =	shalt  }
0x5f: {  	_ =	shalt  }
0x60: {  	_ =	shalt  }
0x61: {  	_ =	shalt  }
0x62: {  	_ =	shalt  }
0x63: {  	_ =	shalt  }
0x64: {  	_ =	shalt  }
0x65: {  	_ =	shalt  }
0x66: {  	_ =	shalt  }
0x67: {  	_ =	shalt  }
0x68: {  	_ =	shalt  }
0x69: {  	_ =	shalt  }
0x6a: {  	_ =	shalt  }
0x6b: {  	_ =	shalt  }
0x6c: {  	_ =	shalt  }
0x6d: {  	_ =	shalt  }
0x6e: {  	_ =	shalt  }
0x6f: {  	_ =	shalt  }
0x70: {  	_ =	shalt  }
0x71: {  	_ =	shalt  }
0x72: {  	_ =	shalt  }
0x73: {  	_ =	shalt  }
0x74: {  	_ =	shalt  }
0x75: {  	_ =	shalt  }
0x76: {  	_ =	shalt  }
0x77: {  	_ =	shalt  }
0x78: {  	_ =	shalt  }
0x79: {  	_ =	shalt  }
0x7a: {  	_ =	shalt  }
0x7b: {  	_ =	shalt  }
0x7c: {  	_ =	shalt  }
0x7d: {  	_ =	shalt  }
0x7e: {  	_ =	shalt  }
0x7f: {  	_ =	shalt  }
0x80: {  	_ =	shalt  }
0x81: {  	_ =	shalt  }
0x82: {  	_ =	shalt  }
0x83: {  	_ =	shalt  }
0x84: {  	_ =	shalt  }
0x85: {  	_ =	shalt  }
0x86: {  	_ =	shalt  }
0x87: {  	_ =	shalt  }
.Lfunc_end0:
.L_simem_size_0:
called_computation.2_lowered:
.L_overlay_start_0:
0x88: {  	s2 =	sld [smem:$0x3FD9]  }
0x89: {  	s3 =	sld [smem:$0x3FFE];
	_ =	sdelay $0x1  }
0x8a: {  	s1 =	srdreg.scid  }
0x8b: {  	s0 =	sand.u32 $0x1, s1  }
0x8c: {  	s14 =	sshll.u32 s0, $0xA;
	s2 =	sadd.s32 s3, s2  }
0x8d: {  	s2 =	sadd.s32 s2, s14  }
0x8e: {  	[smem:$0x3FBA] =	sst s2  }
0x8f: {  	_ = 	snop  }
0x90: {  	s2 =	sld [smem:$0x3FD0];
	_ =	sdelay $0x2  }
0x91: {  	s15 =	simm.s32 $0xA;
	s4 =	simm.s32 $0x10  }
0x92: {  	[smem:s4], [sflag:s15] =	dma.local [hbm:s2], $0x1  }
0x93: {  	_ =	swait.eq [sflag:s15], $0x1  }
0x94: {  	[sflag:s15] =	ssyncset.done $0x0  }
0x95: {  	s16 =	sld [smem:$0x12];
	[sflag:s15] =	ssyncadd.s32 $0xFFFFFFFF  }
0x96: {  	s17 =	sld [smem:$0x13];
	(tm) =	ssettm $0x1  }
0x97: {  	s18 =	sld [smem:$0x3FFB];
	_ =	sdelay $0x3  }
0x98: {  	_ =	strace s18  }
0x99: {  	s4 =	sld [smem:$0x3FFC];
	_ =	sdelay $0x3  }
0x9a: {  	_ =	strace s4  }
0x9b: {  	s4 =	sld [smem:$0x3FFD];
	_ =	sdelay $0x3  }
0x9c: {  	_ =	strace s4  }
0x9d: {  	_ =	strace $0x8FFFFFFF  }
0x9e: {  	s19 =	sld [smem:$0x3FDB];
	_ =	sdelay $0x1  }
0x9f: {  	s5 =	simm.s32 $_scs_section_size  }
0xa0: {  	s6 =	simm.s32 $_size__tile_overlayer_lowered;
	s7 =	simm.s32 $_tile_overlayer_lowered  }
0xa1: {  	s22 =	simm.s32 $0x1BFF;
	s21 =	sshll.u32 s7, $0x1;
	s4 =	sadd.s32 s5, s19  }
0xa2: {  	s8 =	simm.s32 $0x0;
	s20 =	sshll.u32 s6, $0x1;
	s6 =	sadd.s32 s21, s4  }
0xa3: {  	[timem:s8], [sflag:s22] =	dma.local [hbm:s6], s20  }
0xa4: {  	_ =	swait.ge [sflag:s22], s20  }
0xa5: {  	s5 =	ssub.s32 $0x0, s20;
	[sflag:s22] =	ssyncset.done $0x0  }
0xa6: {  	[sflag:s22] =	ssyncadd.s32 s5;
	_ =	sdelay $0x1  }
0xa7: {  	s23 =	simm.s32 $0x1B8B  }
0xa8: {  	_ =	swait.ge [sflag:s23], $0x1  }
0xa9: {  	[sflag:s23] =	ssyncset.done $0x0  }
0xaa: {  	s25 =	simm.s32 $0x1B8E;
	s24 =	sld [smem:$0x3FFE];
	[sflag:s23] =	ssyncadd.s32 $0xFFFFFFFF  }
0xab: {  	s26 =	simm.s32 $execute0_lowered;
	[smem:$0x3FD2] =	sst s25  }
0xac: {  	s6 =	sshll.u32 s26, $0x1;
	_ =	strace $0x8000004C;
	[dreg:$0x1] =	wrdreg $0xFFFFFFFF  }
0xad: {  	s28 =	simm.s32 $_size_execute0_lowered;
	s4 =	sadd.s32 s4, s6;
	[dreg:$0x0] =	wrdreg $0x0  }
0xae: {  	s6 =	sshll.u32 s28, $0x1;
	[dreg:$0x2] =	wrdreg s4  }
0xaf: {  	[dreg:$0x3] =	wrdreg s6  }
0xb0: {  	[dreg:$0x4] =	wrdreg $0xC0  }
0xb1: {  	_ =	task [dreg:s8], $0x5FFFF  }
0xb2: {  	[dreg:$0x1] =	wrdreg $0xFFFFFFFF  }
0xb3: {  	[dreg:$0x0] =	wrdreg $0x60  }
0xb4: {  	[dreg:$0x2] =	wrdreg s16  }
0xb5: {  	[dreg:$0x3] =	wrdreg s17  }
0xb6: {  	[dreg:$0x4] =	wrdreg s24  }
0xb7: {  	[dreg:$0x5] =	wrdreg $0x0  }
0xb8: {  	[dreg:$0x6] =	wrdreg $0x9  }
0xb9: {  	_ =	task.clear_ibuf [dreg:s8], $0x7FFFF;
	_ =	strace $0x9000004C  }
0xba: {  	s29 =	simm.s32 $0x9;
	_ =	strace $0x8000004E  }
0xbb: {  	_ =	swait.ge [sflag:s29], $0x1  }
0xbc: {  	[sflag:s29] =	ssyncadd.s32 $0xFFFFFFFF  }
0xbd: {  	_ =	strace $0x9000004E  }
0xbe: {  	_ =	sfence  }
0xbf: {  	s30 =	sld [smem:$0x0];
	_ =	sdelay $0x2  }
0xc0: {  	s31 =	sshll.u32 s1, $0xD;
	s1 =	sshrl.u32 s1, $0x2  }
0xc1: {  	s3 =	sand.u32 $0x4000, s31;
	s1 =	sadd.s32 s1, s30  }
0xc2: {  	s0 =	sor.u32 s3, s0;
	s1 =	sshll.u32 s1, $0x11  }
0xc3: {  	s0 =	sor.u32 s1, s0  }
0xc4: {  	s0 =	sadd.s32 $0x8F2B, s0  }
0xc5: {  	[sflag:s0] =	ssyncadd.remote.s32 $0x1  }
0xc6: {  	_ =	sfence.sel $0xFFFF  }
0xc7: {  	[dreg:$0x0] =	wrdreg $0xFFFFFFFF;
	(pc) =	sbr.abs _section_cstart, $3  }
0xc8: {  	[dreg:$0x1] =	wrdreg $0xFFFFFFFF  }
0xc9: {  	_ =	task.clear_ibuf [dreg:s8], $0x2FFFF;
	_ =	strace $0x9FFFFFFF  }
0xca: {  	(tm) =	ssettm $0x7FFFFFFF  }
0xcb: {  	_ =	shalt  }
tec
execute0_lowered:
.L_overlay_start_1:
0x0: {  	(tag) =	ssettag $0x1  }
0x1: {  	s1 =	rddreg [dreg:$0x0]  }
0x2: {  	s0 =	rddreg [dreg:$0x1];
	s9 =	stileid.u32  }
0x3: {  	s4 =	rddreg [dreg:$0x2];
	s26 =	smul.u32 $0x28000, s9  }
0x4: {  	s2 =	srdreg.scid;
	s3 =	rddreg [dreg:$0x3];
	s7 =	simm.s32 $0x0  }
0x5: {  	s31 =	simm.s32 $0x28;
	[smem:$0x7FF] =	sst s7;
	s7 =	sshrl.u32 s26, $0x2  }
0x6: {  	s30 =	simm.s32 $0x10C20;
	s28 =	simm.s32 $0xF;
	s7 =	sadd.s32 s7, s3  }
0x7: {  	s2 =	sand.u32 $0x1, s2;
	s5 =	smul.u32 $0xA000, s9;
	s10 =	sadd.s32 $0xA00, s7  }
0x8: {  	_ =	strace $0x8000004D;
	s11 =	sadd.s32 $0x1400, s7;
	[dreg:$0x6] =	wrdreg s10  }
0x9: {  	s6 =	smul.u32 $0xA0000, s2;
	s12 =	sadd.s32 $0x1E00, s7;
	[dreg:$0x7] =	wrdreg s11  }
0xa: {  	s8 =	ssub.s32 $0x2, s2;
	s13 =	sadd.s32 $0x2800, s7;
	[dreg:$0x8] =	wrdreg s12  }
0xb: {  	s2 =	sshll.u32 s2, $0x4;
	s14 =	sadd.s32 $0x3200, s7;
	[dreg:$0x9] =	wrdreg s13  }
0xc: {  	s29 =	sshrl.u32 s8, $0x1;
	s15 =	sadd.s32 $0x3C00, s7;
	[dreg:$0xa] =	wrdreg s14  }
0xd: {  	s2 =	sor.u32 s9, s2;
	s16 =	sadd.s32 $0x4600, s7;
	[dreg:$0xb] =	wrdreg s15  }
0xe: {  	s9 =	simm.s32 $0x2;
	s17 =	sadd.s32 $0x5000, s7;
	[dreg:$0xc] =	wrdreg s16  }
0xf: {  	s6 =	sadd.s32 s5, s6;
	s18 =	sadd.s32 $0x5A00, s7;
	[dreg:$0xd] =	wrdreg s17  }
0x10: {  	s2 =	smul.u32 $0x2710, s2;
	s19 =	sadd.s32 $0x6400, s7;
	[dreg:$0xe] =	wrdreg s18  }
0x11: {  	s6 =	sshrl.u32 s6, $0x3;
	s20 =	sadd.s32 $0x6E00, s7;
	[dreg:$0xf] =	wrdreg s19  }
0x12: {  	s21 =	sadd.s32 $0x7800, s7;
	s22 =	sadd.s32 $0x8200, s7;
	[dreg:$0x10] =	wrdreg s20  }
0x13: {  	s23 =	sadd.s32 $0x8C00, s7;
	s24 =	sadd.s32 $0x9600, s7;
	[dreg:$0x11] =	wrdreg s21  }
0x14: {  	s7 =	simm.s32 $0x12A20;
	s4 =	sadd.s32 s6, s4;
	[dreg:$0x12] =	wrdreg s22  }
0x15: {  	s6 =	ssub.s32 s8, s29;
	s29 =	sadd.s32 s5, s3;
	[dreg:$0x14] =	wrdreg s23  }
0x16: {  	s2 =	sshrl.u32 s2, $0x3;
	[dreg:$0x15] =	wrdreg s24;
	s8 =	simm.s32 $0x13420  }
0x17: {  	s10 =	simm.s32 $0x3;
	s11 =	simm.s32 $0x4;
	s12 =	simm.s32 $0x5  }
0x18: {  	s13 =	simm.s32 $0x6;
	s14 =	simm.s32 $0x7;
	s15 =	simm.s32 $0x8  }
0x19: {  	s16 =	simm.s32 $0x9;
	s17 =	simm.s32 $0xA;
	s18 =	simm.s32 $0xB  }
0x1a: {  	s20 =	simm.s32 $0xC;
	s21 =	simm.s32 $0xD;
	s22 =	simm.s32 $0xE  }
0x1b: {  	s23 =	simm.s32 $0x10;
	s24 =	simm.s32 $0x0;
	s0 =	sadd.s32 s0, s2  }
.Ltmp0:
0x1c: {  	s25 =	sadd.s32 $0x51C00, s4;
	[dreg:$0x5] =	wrdreg s29;
	(pc) =	sbr.rel .LBB2_1-.Ltmp0, $4  }
0x1d: {  	s26 =	smax.u32 s6, $0x1;
	s2 =	simm.s32 $0x10220;
	[dreg:$0x13] =	wrdreg s0  }
0x1e: {  	s4 =	simm.s32 $0x11620;
	s6 =	simm.s32 $0x12020;
	[dreg:$0x17] =	wrdreg s25  }
0x1f: {  	s0 =	sadd.s32 $0x9C40, s0;
	[dreg:$0x18] =	wrdreg s26;
	s25 =	simm.s32 $0xEE20  }
0x20: {  	v0 =	vimm.f32 $0.0e+00;
	s26 =	simm.s32 $0x1;
	[dreg:$0x16] =	wrdreg s0;
	s0 =	simm.s32 $0xF820  }
.LBB2_6:
0x21: {  	_ =	swait.ge [sflag:s17], $0xA00  }
0x22: {  	[sflag:s17] =	ssyncset.done $0x0  }
0x23: {  	[sflag:s17] =	ssyncadd.s32 $0xFFFFF600  }
0x24: {  	_ =	swait.ge [sflag:s18], $0xA00  }
0x25: {  	[sflag:s18] =	ssyncset.done $0x0  }
0x26: {  	[sflag:s18] =	ssyncadd.s32 $0xFFFFF600  }
0x27: {  	_ =	swait.ge [sflag:s20], $0xA00  }
0x28: {  	[sflag:s20] =	ssyncset.done $0x0  }
0x29: {  	[sflag:s20] =	ssyncadd.s32 $0xFFFFF600  }
0x2a: {  	_ =	swait.ge [sflag:s21], $0xA00  }
0x2b: {  	[sflag:s21] =	ssyncset.done $0x0  }
0x2c: {  	[sflag:s21] =	ssyncadd.s32 $0xFFFFF600  }
0x2d: {  	_ =	swait.ge [sflag:s22], $0xA00  }
0x2e: {  	[sflag:s22] =	ssyncset.done $0x0  }
0x2f: {  	[sflag:s22] =	ssyncadd.s32 $0xFFFFF600  }
0x30: {  	_ =	swait.ge [sflag:s28], $0xA00  }
0x31: {  	[sflag:s28] =	ssyncset.done $0x0  }
0x32: {  	[sflag:s28] =	ssyncadd.s32 $0xFFFFF600  }
0x33: {  	_ =	swait.ge [sflag:s23], $0xA00  }
0x34: {  	[sflag:s23] =	ssyncset.done $0x0  }
0x35: {  	s5 =	simm.s32 $0xC6C0;
	[sflag:s23] =	ssyncadd.s32 $0xFFFFF600  }
0x36: {  	[tilespmem:s25], [sflag:$0x1] =	stream.indirect.gather [hbm4b:s1+s31], $0x40, s5, s31, $0xb8;
	[tilespmem:$0x13E20] =	vst v63  }
0x37: {  	_ =	swait.ge [sflag:s26], $0xA00  }
0x38: {  	[sflag:s26] =	ssyncset.done $0x0  }
0x39: {  	s29 =	simm.s32 $0xEDD0;
	[sflag:s26] =	ssyncadd.s32 $0xFFFFF600  }
0x3a: {  	[spmem:s3] =	stream.indirect.scatter.add.f32 [tilespmem:s25], [sflag:$0x9], $0x40, s29, s31, $0xb8;
	[tilespmem:$0x13E20] =	vst v63  }
0x3b: {  	_ =	swait.ge [sflag:s16], $0xA00  }
0x3c: {  	[sflag:s16] =	ssyncset.done $0x0  }
0x3d: {  	s19 =	simm.s32 $0xC6E8;
	[sflag:s16] =	ssyncadd.s32 $0xFFFFF600  }
0x3e: {  	[tilespmem:s25], [sflag:$0x1] =	stream.indirect.gather [hbm4b:s1+s31], $0x40, s19, s31, $0xb8;
	[tilespmem:$0x13E20] =	vst v63  }
0x3f: {  	_ =	swait.ge [sflag:s26], $0xA00  }
0x40: {  	[sflag:s26] =	ssyncset.done $0x0  }
0x41: {  	s24 =	simm.s32 $0xEDF8;
	[sflag:s26] =	ssyncadd.s32 $0xFFFFF600  }
0x42: {  	[spmem:s3] =	stream.indirect.scatter.add.f32 [tilespmem:s25], [sflag:$0x9], $0x40, s24, s31, $0xb8;
	[tilespmem:$0x13E20] =	vst v63  }
0x43: {  	_ =	swait.ge [sflag:s16], $0xA00  }
0x44: {  	[sflag:s16] =	ssyncset.done $0x0  }
0x45: {  	[sflag:s16] =	ssyncadd.s32 $0xFFFFF600  }
0x46: {  	s29 =	stileid.u32;
	[bflag:$0x0] =	sbarrier.arrive $0xFFFF  }
0x47: {  	s5 =	sshll.u32 s29, $0x6;
	s29 =	rddreg [dreg:$0x5]  }
0x48: {  	s5 =	sor.u32 $0x1C11, s5;
	s24 =	rddreg [dreg:$0x17];
	s19 =	sshrl.u32 s29, $0x3  }
0x49: {  	[hbm:s24], [sflag:s5] =	dma.local [spmem:s19], $0x1400  }
0x4a: {  	s19 =	simm.s32 $0x11  }
0x4b: {  	_ =	swait.ge [sflag:s19], $0x1400  }
0x4c: {  	s5 =	rddreg [dreg:$0x19]  }
0x4d: {  	s29 =	rddreg [dreg:$0x18];
	s24 =	sadd.s32 $0x1, s5  }
0x4e: {  	p0 =	sne.s32 s24, s29  }
.Ltmp1:
0x4f: {  	_ = 	snop;
	(pc) =	sbr.rel @!p0 .LBB2_7-.Ltmp1, $3  }
0x50: {  	_ =	sdelay $0x1  }
0x51: {  	[sflag:s19] =	ssyncset.done $0x0  }
0x52: {  	[sflag:s19] =	ssyncadd.s32 $0xFFFFEC00  }
.LBB2_1:
0x53: {  	s19 =	simm.s32 $0x0  }
0x54: {  	s5 =	sand.u32 $0x3F00, s19  }
0x55: {  	[dreg:$0x19] =	wrdreg s24;
	s19 =	sand.u32 $0x30, s19;
	s29 =	sshrl.u32 s5, $0x2  }
0x56: {  	s5 =	simm.s32 $0x40;
	s29 =	sor.u32 s19, s29;
	s19 =	simm.s32 $0x0  }
.LBB2_2:
0x57: {  	p0 =	sne.s32 s5, $0x27C0  }
0x58: {  	[tilespmem:s29+$0xEE20] =	vst v0;
	s19 =	sadd.s32 $0x10, s19;
	s29 =	smov.u32 s5;
	s5 =	sadd.s32 $0x40, s5  }
.Ltmp2:
0x59: {  	(pc) =	sbr.rel @p0 .LBB2_2-.Ltmp2, $4  }
0x5a: {  	_ = 	snop  }
0x5b: {  	s29 =	sand.u32 $0x3F00, s29  }
0x5c: {  	s24 =	sand.u32 $0x30, s19;
	s29 =	sshrl.u32 s29, $0x2  }
0x5d: {  	s29 =	sor.u32 s24, s29  }
0x5e: {  	[tilespmem:s29+$0xEE20] =	vst v0;
	s5 =	rddreg [dreg:$0x5]  }
0x5f: {  	[spmem:s5] =	stream.linear.scatter [tilespmem:s25], [sflag:$0x1], $0xA00, $0x38;
	[tilespmem:$0x13E20] =	vst v63  }
0x60: {  	s29 =	rddreg [dreg:$0x6]  }
0x61: {  	[spmem:s29] =	stream.linear.scatter [tilespmem:s25], [sflag:$0x1], $0xA00, $0x38;
	[tilespmem:$0x13E20] =	vst v63  }
0x62: {  	s19 =	rddreg [dreg:$0x7]  }
0x63: {  	[spmem:s19] =	stream.linear.scatter [tilespmem:s25], [sflag:$0x1], $0xA00, $0x38;
	[tilespmem:$0x13E20] =	vst v63  }
0x64: {  	s24 =	rddreg [dreg:$0x8]  }
0x65: {  	[spmem:s24] =	stream.linear.scatter [tilespmem:s25], [sflag:$0x1], $0xA00, $0x38;
	[tilespmem:$0x13E20] =	vst v63  }
0x66: {  	s29 =	rddreg [dreg:$0x9]  }
0x67: {  	[spmem:s29] =	stream.linear.scatter [tilespmem:s25], [sflag:$0x1], $0xA00, $0x38;
	[tilespmem:$0x13E20] =	vst v63  }
0x68: {  	s19 =	rddreg [dreg:$0xa]  }
0x69: {  	[spmem:s19] =	stream.linear.scatter [tilespmem:s25], [sflag:$0x1], $0xA00, $0x38;
	[tilespmem:$0x13E20] =	vst v63  }
0x6a: {  	s24 =	rddreg [dreg:$0xb]  }
0x6b: {  	[spmem:s24] =	stream.linear.scatter [tilespmem:s25], [sflag:$0x1], $0xA00, $0x38;
	[tilespmem:$0x13E20] =	vst v63  }
0x6c: {  	s29 =	rddreg [dreg:$0xc]  }
0x6d: {  	[spmem:s29] =	stream.linear.scatter [tilespmem:s25], [sflag:$0x1], $0xA00, $0x38;
	[tilespmem:$0x13E20] =	vst v63  }
0x6e: {  	s19 =	rddreg [dreg:$0xd]  }
0x6f: {  	[spmem:s19] =	stream.linear.scatter [tilespmem:s25], [sflag:$0x1], $0xA00, $0x38;
	[tilespmem:$0x13E20] =	vst v63  }
0x70: {  	s24 =	rddreg [dreg:$0xe]  }
0x71: {  	[spmem:s24] =	stream.linear.scatter [tilespmem:s25], [sflag:$0x1], $0xA00, $0x38;
	[tilespmem:$0x13E20] =	vst v63  }
0x72: {  	s29 =	rddreg [dreg:$0xf]  }
0x73: {  	[spmem:s29] =	stream.linear.scatter [tilespmem:s25], [sflag:$0x1], $0xA00, $0x38;
	[tilespmem:$0x13E20] =	vst v63  }
0x74: {  	s19 =	rddreg [dreg:$0x10]  }
0x75: {  	[spmem:s19] =	stream.linear.scatter [tilespmem:s25], [sflag:$0x1], $0xA00, $0x38;
	[tilespmem:$0x13E20] =	vst v63  }
0x76: {  	s24 =	rddreg [dreg:$0x11]  }
0x77: {  	[spmem:s24] =	stream.linear.scatter [tilespmem:s25], [sflag:$0x1], $0xA00, $0x38;
	[tilespmem:$0x13E20] =	vst v63  }
0x78: {  	s29 =	rddreg [dreg:$0x12]  }
0x79: {  	[spmem:s29] =	stream.linear.scatter [tilespmem:s25], [sflag:$0x1], $0xA00, $0x38;
	[tilespmem:$0x13E20] =	vst v63  }
0x7a: {  	s19 =	rddreg [dreg:$0x14]  }
0x7b: {  	[spmem:s19] =	stream.linear.scatter [tilespmem:s25], [sflag:$0x1], $0xA00, $0x38;
	[tilespmem:$0x13E20] =	vst v63  }
0x7c: {  	s24 =	rddreg [dreg:$0x15]  }
0x7d: {  	[spmem:s24] =	stream.linear.scatter [tilespmem:s25], [sflag:$0x1], $0xA00, $0x38;
	[tilespmem:$0x13E20] =	vst v63  }
0x7e: {  	_ =	swait.ge [sflag:s26], $0xA00  }
0x7f: {  	[sflag:s26] =	ssyncset.done $0x0  }
0x80: {  	[sflag:s26] =	ssyncadd.s32 $0xFFFFF600  }
0x81: {  	_ =	swait.ge [sflag:s26], $0xA00  }
0x82: {  	[sflag:s26] =	ssyncset.done $0x0  }
0x83: {  	[sflag:s26] =	ssyncadd.s32 $0xFFFFF600  }
0x84: {  	_ =	swait.ge [sflag:s26], $0xA00  }
0x85: {  	[sflag:s26] =	ssyncset.done $0x0  }
0x86: {  	[sflag:s26] =	ssyncadd.s32 $0xFFFFF600  }
0x87: {  	_ =	swait.ge [sflag:s26], $0xA00  }
0x88: {  	[sflag:s26] =	ssyncset.done $0x0  }
0x89: {  	[sflag:s26] =	ssyncadd.s32 $0xFFFFF600  }
0x8a: {  	_ =	swait.ge [sflag:s26], $0xA00  }
0x8b: {  	[sflag:s26] =	ssyncset.done $0x0  }
0x8c: {  	[sflag:s26] =	ssyncadd.s32 $0xFFFFF600  }
0x8d: {  	_ =	swait.ge [sflag:s26], $0xA00  }
0x8e: {  	[sflag:s26] =	ssyncset.done $0x0  }
0x8f: {  	[sflag:s26] =	ssyncadd.s32 $0xFFFFF600  }
0x90: {  	_ =	swait.ge [sflag:s26], $0xA00  }
0x91: {  	[sflag:s26] =	ssyncset.done $0x0  }
0x92: {  	[sflag:s26] =	ssyncadd.s32 $0xFFFFF600  }
0x93: {  	_ =	swait.ge [sflag:s26], $0xA00  }
0x94: {  	[sflag:s26] =	ssyncset.done $0x0  }
0x95: {  	[sflag:s26] =	ssyncadd.s32 $0xFFFFF600  }
0x96: {  	_ =	swait.ge [sflag:s26], $0xA00  }
0x97: {  	[sflag:s26] =	ssyncset.done $0x0  }
0x98: {  	[sflag:s26] =	ssyncadd.s32 $0xFFFFF600  }
0x99: {  	_ =	swait.ge [sflag:s26], $0xA00  }
0x9a: {  	[sflag:s26] =	ssyncset.done $0x0  }
0x9b: {  	[sflag:s26] =	ssyncadd.s32 $0xFFFFF600  }
0x9c: {  	_ =	swait.ge [sflag:s26], $0xA00  }
0x9d: {  	[sflag:s26] =	ssyncset.done $0x0  }
0x9e: {  	[sflag:s26] =	ssyncadd.s32 $0xFFFFF600  }
0x9f: {  	_ =	swait.ge [sflag:s26], $0xA00  }
0xa0: {  	[sflag:s26] =	ssyncset.done $0x0  }
0xa1: {  	[sflag:s26] =	ssyncadd.s32 $0xFFFFF600  }
0xa2: {  	_ =	swait.ge [sflag:s26], $0xA00  }
0xa3: {  	[sflag:s26] =	ssyncset.done $0x0  }
0xa4: {  	[sflag:s26] =	ssyncadd.s32 $0xFFFFF600  }
0xa5: {  	_ =	swait.ge [sflag:s26], $0xA00  }
0xa6: {  	[sflag:s26] =	ssyncset.done $0x0  }
0xa7: {  	[sflag:s26] =	ssyncadd.s32 $0xFFFFF600  }
0xa8: {  	_ =	swait.ge [sflag:s26], $0xA00  }
0xa9: {  	[sflag:s26] =	ssyncset.done $0x0  }
0xaa: {  	[sflag:s26] =	ssyncadd.s32 $0xFFFFF600  }
0xab: {  	_ =	swait.ge [sflag:s26], $0xA00  }
0xac: {  	[sflag:s26] =	ssyncset.done $0x0  }
0xad: {  	[sflag:s26] =	ssyncadd.s32 $0xFFFFF600  }
0xae: {  	[bflag:$0x0] =	sbarrier.arrive $0xFFFF  }
0xaf: {  	s19 =	simm.s32 $0x0;
	s24 =	simm.s32 $0xA000;
	s29 =	rddreg [dreg:$0x13]  }
0xb0: {  	[tilespmem:s24], [sflag:$0x11] =	stream.linear.gather [hbm4b:s29+s19], $0x2710, $0x38;
	[tilespmem:$0x13E20] =	vst v63  }
0xb1: {  	s29 =	simm.s32 $0x11  }
0xb2: {  	_ =	swait.ge [sflag:s29], $0x2710  }
0xb3: {  	[sflag:s29] =	ssyncset.done $0x0  }
0xb4: {  	s24 =	simm.s32 $0xC710;
	s5 =	rddreg [dreg:$0x16];
	[sflag:s29] =	ssyncadd.s32 $0xFFFFD8F0  }
0xb5: {  	[tilespmem:s24], [sflag:$0x11] =	stream.linear.gather [hbm4b:s5+s19], $0x2710, $0x38;
	[tilespmem:$0x13E20] =	vst v63  }
0xb6: {  	_ =	swait.ge [sflag:s29], $0x2710  }
0xb7: {  	[sflag:s29] =	ssyncset.done $0x0  }
0xb8: {  	s24 =	simm.s32 $0xA000;
	[sflag:s29] =	ssyncadd.s32 $0xFFFFD8F0  }
0xb9: {  	[tilespmem:s25], [sflag:$0x1] =	stream.indirect.gather [hbm4b:s1+s31], $0x40, s24, s31, $0xb8;
	[tilespmem:$0x13E20] =	vst v63  }
0xba: {  	s29 =	simm.s32 $0xA028  }
0xbb: {  	[tilespmem:s0], [sflag:$0x2] =	stream.indirect.gather [hbm4b:s1+s31], $0x40, s29, s31, $0xb8;
	[tilespmem:$0x13E20] =	vst v63  }
0xbc: {  	s24 =	simm.s32 $0xA050  }
0xbd: {  	[tilespmem:s2], [sflag:$0x3] =	stream.indirect.gather [hbm4b:s1+s31], $0x40, s24, s31, $0xb8;
	[tilespmem:$0x13E20] =	vst v63  }
0xbe: {  	s29 =	simm.s32 $0xA078  }
0xbf: {  	[tilespmem:s30], [sflag:$0x4] =	stream.indirect.gather [hbm4b:s1+s31], $0x40, s29, s31, $0xb8;
	[tilespmem:$0x13E20] =	vst v63  }
0xc0: {  	s24 =	simm.s32 $0xA0A0  }
0xc1: {  	[tilespmem:s4], [sflag:$0x5] =	stream.indirect.gather [hbm4b:s1+s31], $0x40, s24, s31, $0xb8;
	[tilespmem:$0x13E20] =	vst v63  }
0xc2: {  	s29 =	simm.s32 $0xA0C8  }
0xc3: {  	[tilespmem:s6], [sflag:$0x6] =	stream.indirect.gather [hbm4b:s1+s31], $0x40, s29, s31, $0xb8;
	[tilespmem:$0x13E20] =	vst v63  }
0xc4: {  	s24 =	simm.s32 $0xA0F0  }
0xc5: {  	[tilespmem:s7], [sflag:$0x7] =	stream.indirect.gather [hbm4b:s1+s31], $0x40, s24, s31, $0xb8;
	[tilespmem:$0x13E20] =	vst v63  }
0xc6: {  	s29 =	simm.s32 $0xA118  }
0xc7: {  	[tilespmem:s8], [sflag:$0x8] =	stream.indirect.gather [hbm4b:s1+s31], $0x40, s29, s31, $0xb8;
	[tilespmem:$0x13E20] =	vst v63  }
.LBB2_4:
0xc8: {  	_ =	swait.ge [sflag:s26], $0xA00  }
0xc9: {  	s5 =	sshra.s32 s19, $0x2;
	[sflag:s26] =	ssyncset.done $0x0  }
0xca: {  	s24 =	sadd.s32 $0xC710, s5;
	[sflag:s26] =	ssyncadd.s32 $0xFFFFF600  }
0xcb: {  	[spmem:s3] =	stream.indirect.scatter.add.f32 [tilespmem:s25], [sflag:$0x9], $0x40, s24, s31, $0xb8;
	[tilespmem:$0x13E20] =	vst v63  }
0xcc: {  	_ =	swait.ge [sflag:s9], $0xA00  }
0xcd: {  	[sflag:s9] =	ssyncset.done $0x0  }
0xce: {  	s29 =	sadd.s32 $0xC738, s5;
	[sflag:s9] =	ssyncadd.s32 $0xFFFFF600  }
0xcf: {  	[spmem:s3] =	stream.indirect.scatter.add.f32 [tilespmem:s0], [sflag:$0xA], $0x40, s29, s31, $0xb8;
	[tilespmem:$0x13E20] =	vst v63  }
0xd0: {  	_ =	swait.ge [sflag:s10], $0xA00  }
0xd1: {  	[sflag:s10] =	ssyncset.done $0x0  }
0xd2: {  	s29 =	sadd.s32 $0xC760, s5;
	[sflag:s10] =	ssyncadd.s32 $0xFFFFF600  }
0xd3: {  	[spmem:s3] =	stream.indirect.scatter.add.f32 [tilespmem:s2], [sflag:$0xB], $0x40, s29, s31, $0xb8;
	[tilespmem:$0x13E20] =	vst v63  }
0xd4: {  	_ =	swait.ge [sflag:s11], $0xA00  }
0xd5: {  	[sflag:s11] =	ssyncset.done $0x0  }
0xd6: {  	s29 =	sadd.s32 $0xC788, s5;
	[sflag:s11] =	ssyncadd.s32 $0xFFFFF600  }
0xd7: {  	[spmem:s3] =	stream.indirect.scatter.add.f32 [tilespmem:s30], [sflag:$0xC], $0x40, s29, s31, $0xb8;
	[tilespmem:$0x13E20] =	vst v63  }
0xd8: {  	_ =	swait.ge [sflag:s12], $0xA00  }
0xd9: {  	[sflag:s12] =	ssyncset.done $0x0  }
0xda: {  	s29 =	sadd.s32 $0xC7B0, s5;
	[sflag:s12] =	ssyncadd.s32 $0xFFFFF600  }
0xdb: {  	[spmem:s3] =	stream.indirect.scatter.add.f32 [tilespmem:s4], [sflag:$0xD], $0x40, s29, s31, $0xb8;
	[tilespmem:$0x13E20] =	vst v63  }
0xdc: {  	_ =	swait.ge [sflag:s13], $0xA00  }
0xdd: {  	[sflag:s13] =	ssyncset.done $0x0  }
0xde: {  	s29 =	sadd.s32 $0xC7D8, s5;
	[sflag:s13] =	ssyncadd.s32 $0xFFFFF600  }
0xdf: {  	[spmem:s3] =	stream.indirect.scatter.add.f32 [tilespmem:s6], [sflag:$0xE], $0x40, s29, s31, $0xb8;
	[tilespmem:$0x13E20] =	vst v63  }
0xe0: {  	_ =	swait.ge [sflag:s14], $0xA00  }
0xe1: {  	[sflag:s14] =	ssyncset.done $0x0  }
0xe2: {  	s29 =	sadd.s32 $0xC800, s5;
	[sflag:s14] =	ssyncadd.s32 $0xFFFFF600  }
0xe3: {  	[spmem:s3] =	stream.indirect.scatter.add.f32 [tilespmem:s7], [sflag:$0xF], $0x40, s29, s31, $0xb8;
	[tilespmem:$0x13E20] =	vst v63  }
0xe4: {  	_ =	swait.ge [sflag:s15], $0xA00  }
0xe5: {  	p0 =	seq.s32 s19, $0x9600;
	[sflag:s15] =	ssyncset.done $0x0  }
.Ltmp3:
0xe6: {  	s29 =	sadd.s32 $0xC828, s5;
	[sflag:s15] =	ssyncadd.s32 $0xFFFFF600;
	(pc) =	sbr.rel @p0 .LBB2_6-.Ltmp3, $4  }
0xe7: {  	[spmem:s3] =	stream.indirect.scatter.add.f32 [tilespmem:s8], [sflag:$0x10], $0x40, s29, s31, $0xb8;
	[tilespmem:$0x13E20] =	vst v63  }
0xe8: {  	_ =	swait.ge [sflag:s16], $0xA00  }
0xe9: {  	[sflag:s16] =	ssyncset.done $0x0  }
0xea: {  	[sflag:s16] =	ssyncadd.s32 $0xFFFFF600  }
0xeb: {  	s24 =	sadd.s32 $0xA140, s5  }
0xec: {  	[tilespmem:s25], [sflag:$0x1] =	stream.indirect.gather [hbm4b:s1+s31], $0x40, s24, s31, $0xb8;
	[tilespmem:$0x13E20] =	vst v63  }
0xed: {  	_ =	swait.ge [sflag:s17], $0xA00  }
0xee: {  	[sflag:s17] =	ssyncset.done $0x0  }
0xef: {  	s29 =	sadd.s32 $0xA168, s5;
	[sflag:s17] =	ssyncadd.s32 $0xFFFFF600  }
0xf0: {  	[tilespmem:s0], [sflag:$0x2] =	stream.indirect.gather [hbm4b:s1+s31], $0x40, s29, s31, $0xb8;
	[tilespmem:$0x13E20] =	vst v63  }
0xf1: {  	_ =	swait.ge [sflag:s18], $0xA00  }
0xf2: {  	[sflag:s18] =	ssyncset.done $0x0  }
0xf3: {  	s29 =	sadd.s32 $0xA190, s5;
	[sflag:s18] =	ssyncadd.s32 $0xFFFFF600  }
0xf4: {  	[tilespmem:s2], [sflag:$0x3] =	stream.indirect.gather [hbm4b:s1+s31], $0x40, s29, s31, $0xb8;
	[tilespmem:$0x13E20] =	vst v63  }
0xf5: {  	_ =	swait.ge [sflag:s20], $0xA00  }
0xf6: {  	[sflag:s20] =	ssyncset.done $0x0  }
0xf7: {  	s29 =	sadd.s32 $0xA1B8, s5;
	[sflag:s20] =	ssyncadd.s32 $0xFFFFF600  }
0xf8: {  	[tilespmem:s30], [sflag:$0x4] =	stream.indirect.gather [hbm4b:s1+s31], $0x40, s29, s31, $0xb8;
	[tilespmem:$0x13E20] =	vst v63  }
0xf9: {  	_ =	swait.ge [sflag:s21], $0xA00  }
0xfa: {  	[sflag:s21] =	ssyncset.done $0x0  }
0xfb: {  	s29 =	sadd.s32 $0xA1E0, s5;
	[sflag:s21] =	ssyncadd.s32 $0xFFFFF600  }
0xfc: {  	[tilespmem:s4], [sflag:$0x5] =	stream.indirect.gather [hbm4b:s1+s31], $0x40, s29, s31, $0xb8;
	[tilespmem:$0x13E20] =	vst v63  }
0xfd: {  	_ =	swait.ge [sflag:s22], $0xA00  }
0xfe: {  	[sflag:s22] =	ssyncset.done $0x0  }
0xff: {  	s29 =	sadd.s32 $0xA208, s5;
	[sflag:s22] =	ssyncadd.s32 $0xFFFFF600  }
0x100: {  	[tilespmem:s6], [sflag:$0x6] =	stream.indirect.gather [hbm4b:s1+s31], $0x40, s29, s31, $0xb8;
	[tilespmem:$0x13E20] =	vst v63  }
0x101: {  	_ =	swait.ge [sflag:s28], $0xA00  }
0x102: {  	[sflag:s28] =	ssyncset.done $0x0  }
0x103: {  	s29 =	sadd.s32 $0xA230, s5;
	[sflag:s28] =	ssyncadd.s32 $0xFFFFF600  }
0x104: {  	[tilespmem:s7], [sflag:$0x7] =	stream.indirect.gather [hbm4b:s1+s31], $0x40, s29, s31, $0xb8;
	[tilespmem:$0x13E20] =	vst v63  }
.Ltmp4:
0x105: {  	_ = 	snop;
	(pc) =	sbr.rel .LBB2_4-.Ltmp4, $4  }
0x106: {  	_ =	swait.ge [sflag:s23], $0xA00  }
0x107: {  	[sflag:s23] =	ssyncset.done $0x0  }
0x108: {  	s19 =	sadd.s32 $0x500, s19;
	s29 =	sadd.s32 $0xA258, s5;
	[sflag:s23] =	ssyncadd.s32 $0xFFFFF600  }
0x109: {  	[tilespmem:s8], [sflag:$0x8] =	stream.indirect.gather [hbm4b:s1+s31], $0x40, s29, s31, $0xb8;
	[tilespmem:$0x13E20] =	vst v63  }
.LBB2_7:
0x10a: {  	_ =	sfence.sel $0x180000  }
0x10b: {  	[bflag:$0x0] =	sbarrier.arrive $0xFFFF  }
0x10c: {  	_ =	strace $0x9000004D  }
0x10d: {  	s0 =	stileid.u32;
	[bflag:$0x2] =	sbarrier.arrive $0xFFFF  }
0x10e: {  	p0 =	sne.s32 s0, $0x0;
	s0 =	rddreg [dreg:$0x4]  }
0x10f: {  	s0 =	sadd.s32 @!p0 $0x100000, s0  }
0x110: {  	[sflag:s0] =	ssyncadd.tile.s32 @!p0 $0x1;
	_ =	shalt  }
.Lfunc_end2:
_tile_overlayer_lowered:
.L_overlay_start_2:
0x111: {  	(tag) =	ssettag $0x2  }
0x112: {  	s0 =	rddreg [dreg:$0x0];
	s2 =	stileid.u32  }
0x113: {  	s1 =	rddreg [dreg:$0x1];
	p0 =	sne.s32 s2, $0x0  }
0x114: {  	s3 =	rddreg [dreg:$0x2];
	[bflag:$0x3] =	sbarrier.arrive $0xFFFF;
	s2 =	simm.s32 @!p0 $0x1C11  }
0x115: {  	[timem:s3], [sflag:s2] =	dma.local @!p0 [hbm:s0], s1  }
0x116: {  	s0 =	simm.s32 @!p0 $0x11  }
0x117: {  	_ =	swait.ge @!p0 [sflag:s0], s1  }
0x118: {  	s1 =	ssub.s32 @!p0 $0x0, s1;
	[sflag:s0] =	ssyncset.done @!p0 $0x0  }
0x119: {  	[sflag:s0] =	ssyncadd.s32 @!p0 s1  }
0x11a: {  	[bflag:$0x3] =	sbarrier.arrive $0xFFFF  }
0x11b: {  	_ =	shalt  }

// kernel: kernel.9.cloned.1.call-start
scs
__scs_entry_jumppad:
0x0: {  	(pc) =	sbr.rel $0x88, $3  }
0x1: {  	(tag) =	ssettag $0x0;
	lr =	simm.s32 $0x1  }
0x2: {  	[smem:$0x3F93] =	sst lr;
	_ =	strace $0xD0000000  }
0x3: {  	_ = 	snop  }
0x4: {  	_ = 	snop  }
0x5: {  	_ = 	snop  }
0x6: {  	_ = 	snop  }
0x7: {  	_ = 	snop  }
__scs_overlays_trampoline_lowered:
0x8: {  	[smem:$0x3FA2] =	sst s0  }
0x9: {  	[smem:$0x3FA3] =	sst s1  }
0xa: {  	[smem:$0x3FA4] =	sst s2  }
0xb: {  	[smem:$0x3FA5] =	sst s3  }
0xc: {  	[smem:$0x3FA6] =	sst s4  }
0xd: {  	[smem:$0x3FA7] =	sst s5  }
0xe: {  	[smem:$0x3FA8] =	sst s6  }
0xf: {  	[smem:$0x3FA9] =	sst s7  }
0x10: {  	[smem:$0x3FAA] =	sst s8  }
0x11: {  	[smem:$0x3FAB] =	sst s9;
	s0 =	simm.s32 @!p0 $0x0  }
0x12: {  	s1 =	sld [smem:$0x3F91];
	s0 =	simm.s32 @p0 $0x1  }
0x13: {  	[smem:$0x3FAC] =	sst s0;
	s0 =	simm.s32 @!p1 $0x0  }
0x14: {  	s2 =	sld [smem:$0x3F90];
	s0 =	simm.s32 @p1 $0x1  }
0x15: {  	[smem:$0x3FAD] =	sst s0;
	s0 =	simm.s32 @!p2 $0x0  }
0x16: {  	s3 =	sld [smem:$0x3FDB];
	s0 =	simm.s32 @p2 $0x1  }
0x17: {  	s4 =	simm.s32 $0x1BF5;
	[smem:$0x3FAF] =	sst s0  }
0x18: {  	s0 =	sld [smem:$0x3F92];
	_ =	swait.ge [sflag:s4], $0x0  }
0x19: {  	s7 =	sld [smem:$0x3F93]  }
0x1a: {  	s8 =	sadd.s32 $0xFFFFE003, lr  }
0x1b: {  	s9 =	sadd.s32 $0xFFFFFEF7, lr;
	s5 =	simm.s32 $0xFFFFFFFF;
	p2 =	slt.u32 s8, $0xFFFFF086  }
0x1c: {  	p1 =	slt.u32 s9, $0xF7A;
	s5 =	simm.s32 @!p2 $0x0  }
0x1d: {  	s5 =	simm.s32 @p1 $0x1;
	p0 =	seq.s32 s7, s2  }
0x1e: {  	s7 =	smul.u32 @!p0 $0xF7A, s2;
	p2 =	seq.s32 @!p0 s5, $0x0  }
0x1f: {  	s9 =	smul.u32 $0xF7A, s1;
	s8 =	simm.s32 @!p0 $0x1BF5;
	p2 =	por !p2, p0  }
0x20: {  	[sflag:s8] =	ssyncset.s32 @!p0 $0xFFFFF086;
	s6 =	sadd.s32 @!p0 s3, s7;
	s7 =	simm.s32 @!p0 $0x108  }
0x21: {  	s3 =	sadd.s32 s3, s9;
	s6 =	sadd.s32 @!p0 $0x88, s6;
	s7 =	simm.s32 @p2 $0x1082  }
0x22: {  	[simem:s7], [sflag:s8] =	dma.local @!p0 [hbm:s6], $0xF7A  }
0x23: {  	s9 =	sor.u32 $0xD0000000, s2;
	s6 =	simm.s32 $0x108;
	_ =	swait.ge @!p0 [sflag:s8], $0x0  }
0x24: {  	s3 =	sadd.s32 $0x88, s3;
	s6 =	simm.s32 @!p1 $0x1082;
	[sflag:s4] =	ssyncset.s32 $0xFFFFF086  }
0x25: {  	[simem:s6], [sflag:s4] =	dma.local [hbm:s3], $0xF7A  }
0x26: {  	[smem:$0x3F93] =	sst s1;
	(tag) =	ssettag s2;
	_ =	strace s9  }
0x27: {  	s1 =	sld [smem:$0x3FA3]  }
0x28: {  	s2 =	sld [smem:$0x3FA4]  }
0x29: {  	s4 =	sld [smem:$0x3FA6]  }
0x2a: {  	p0 =	seq.s32 s5, $0x0;
	s5 =	sld [smem:$0x3FA7]  }
0x2b: {  	s6 =	sld [smem:$0x3FA8]  }
0x2c: {  	s7 =	sld [smem:$0x3FA9]  }
0x2d: {  	s3 =	simm.s32 $0x108;
	s8 =	sld [smem:$0x3FAA]  }
0x2e: {  	s3 =	simm.s32 @!p0 $0x1082;
	s9 =	sld [smem:$0x3FAB]  }
0x2f: {  	lr =	sadd.s32 s0, s3;
	s0 =	sld [smem:$0x3FA2]  }
0x30: {  	s3 =	sld [smem:$0x3FA5]  }
0x31: {  	[smem:$0x3FAE] =	sst s10  }
0x32: {  	s10 =	sld [smem:$0x3FAC];
	_ =	sdelay $0x3  }
0x33: {  	p0 =	seq.s32 s10, $0x1;
	s10 =	sld [smem:$0x3FAE];
	_ =	sdelay $0x3  }
0x34: {  	[smem:$0x3FAE] =	sst s10  }
0x35: {  	s10 =	sld [smem:$0x3FAD];
	_ =	sdelay $0x3  }
0x36: {  	p1 =	seq.s32 s10, $0x1;
	s10 =	sld [smem:$0x3FAE];
	_ =	sdelay $0x3  }
0x37: {  	[smem:$0x3FAE] =	sst s10  }
0x38: {  	s10 =	sld [smem:$0x3FAF]  }
0x39: {  	_ = 	snop;
	(pc) =	sbr.ind lr, $3  }
0x3a: {  	_ = 	snop  }
0x3b: {  	_ = 	snop  }
0x3c: {  	p2 =	seq.s32 s10, $0x1;
	s10 =	sld [smem:$0x3FAE]  }
0x3d: {  	_ =	shalt  }
0x3e: {  	_ =	shalt  }
0x3f: {  	_ =	shalt  }
0x40: {  	_ =	shalt  }
0x41: {  	_ =	shalt  }
0x42: {  	_ =	shalt  }
0x43: {  	_ =	shalt  }
0x44: {  	_ =	shalt  }
0x45: {  	_ =	shalt  }
0x46: {  	_ =	shalt  }
0x47: {  	_ =	shalt  }
0x48: {  	_ =	shalt  }
0x49: {  	_ =	shalt  }
0x4a: {  	_ =	shalt  }
0x4b: {  	_ =	shalt  }
0x4c: {  	_ =	shalt  }
0x4d: {  	_ =	shalt  }
0x4e: {  	_ =	shalt  }
0x4f: {  	_ =	shalt  }
0x50: {  	_ =	shalt  }
0x51: {  	_ =	shalt  }
0x52: {  	_ =	shalt  }
0x53: {  	_ =	shalt  }
0x54: {  	_ =	shalt  }
0x55: {  	_ =	shalt  }
0x56: {  	_ =	shalt  }
0x57: {  	_ =	shalt  }
0x58: {  	_ =	shalt  }
0x59: {  	_ =	shalt  }
0x5a: {  	_ =	shalt  }
0x5b: {  	_ =	shalt  }
0x5c: {  	_ =	shalt  }
0x5d: {  	_ =	shalt  }
0x5e: {  	_ =	shalt  }
0x5f: {  	_ =	shalt  }
0x60: {  	_ =	shalt  }
0x61: {  	_ =	shalt  }
0x62: {  	_ =	shalt  }
0x63: {  	_ =	shalt  }
0x64: {  	_ =	shalt  }
0x65: {  	_ =	shalt  }
0x66: {  	_ =	shalt  }
0x67: {  	_ =	shalt  }
0x68: {  	_ =	shalt  }
0x69: {  	_ =	shalt  }
0x6a: {  	_ =	shalt  }
0x6b: {  	_ =	shalt  }
0x6c: {  	_ =	shalt  }
0x6d: {  	_ =	shalt  }
0x6e: {  	_ =	shalt  }
0x6f: {  	_ =	shalt  }
0x70: {  	_ =	shalt  }
0x71: {  	_ =	shalt  }
0x72: {  	_ =	shalt  }
0x73: {  	_ =	shalt  }
0x74: {  	_ =	shalt  }
0x75: {  	_ =	shalt  }
0x76: {  	_ =	shalt  }
0x77: {  	_ =	shalt  }
0x78: {  	_ =	shalt  }
0x79: {  	_ =	shalt  }
0x7a: {  	_ =	shalt  }
0x7b: {  	_ =	shalt  }
0x7c: {  	_ =	shalt  }
0x7d: {  	_ =	shalt  }
0x7e: {  	_ =	shalt  }
0x7f: {  	_ =	shalt  }
0x80: {  	_ =	shalt  }
0x81: {  	_ =	shalt  }
0x82: {  	_ =	shalt  }
0x83: {  	_ =	shalt  }
0x84: {  	_ =	shalt  }
0x85: {  	_ =	shalt  }
0x86: {  	_ =	shalt  }
0x87: {  	_ =	shalt  }
.Lfunc_end0:
.L_simem_size_0:
called_computation_lowered:
.L_overlay_start_0:
0x88: {  	s2 =	sld [smem:$0x3FD9]  }
0x89: {  	s3 =	sld [smem:$0x3FFE];
	_ =	sdelay $0x1  }
0x8a: {  	s1 =	srdreg.scid  }
0x8b: {  	s0 =	sand.u32 $0x1, s1  }
0x8c: {  	s15 =	sshll.u32 s0, $0xA;
	s2 =	sadd.s32 s3, s2  }
0x8d: {  	s2 =	sadd.s32 s2, s15  }
0x8e: {  	[smem:$0x3FBA] =	sst s2  }
0x8f: {  	_ = 	snop  }
0x90: {  	s2 =	sld [smem:$0x3FD0];
	_ =	sdelay $0x2  }
0x91: {  	s16 =	simm.s32 $0xA;
	s4 =	simm.s32 $0x10  }
0x92: {  	[smem:s4], [sflag:s16] =	dma.local [hbm:s2], $0x1  }
0x93: {  	_ =	swait.eq [sflag:s16], $0x1  }
0x94: {  	[sflag:s16] =	ssyncset.done $0x0  }
0x95: {  	s17 =	sld [smem:$0x12];
	[sflag:s16] =	ssyncadd.s32 $0xFFFFFFFF  }
0x96: {  	s18 =	sld [smem:$0x13];
	(tm) =	ssettm $0x1  }
0x97: {  	s19 =	sld [smem:$0x3FFB];
	_ =	sdelay $0x3  }
0x98: {  	_ =	strace s19  }
0x99: {  	s4 =	sld [smem:$0x3FFC];
	_ =	sdelay $0x3  }
0x9a: {  	_ =	strace s4  }
0x9b: {  	s4 =	sld [smem:$0x3FFD];
	_ =	sdelay $0x3  }
0x9c: {  	_ =	strace s4  }
0x9d: {  	_ =	strace $0x8FFFFFFF  }
0x9e: {  	s20 =	sld [smem:$0x3FDB];
	_ =	sdelay $0x1  }
0x9f: {  	s5 =	simm.s32 $_scs_section_size  }
0xa0: {  	s6 =	simm.s32 $_size__tile_overlayer_lowered;
	s7 =	simm.s32 $_tile_overlayer_lowered  }
0xa1: {  	s23 =	simm.s32 $0x1BFF;
	s22 =	sshll.u32 s7, $0x1;
	s4 =	sadd.s32 s5, s20  }
0xa2: {  	s8 =	simm.s32 $0x0;
	s21 =	sshll.u32 s6, $0x1;
	s6 =	sadd.s32 s22, s4  }
0xa3: {  	[timem:s8], [sflag:s23] =	dma.local [hbm:s6], s21  }
0xa4: {  	_ =	swait.ge [sflag:s23], s21  }
0xa5: {  	s5 =	ssub.s32 $0x0, s21;
	[sflag:s23] =	ssyncset.done $0x0  }
0xa6: {  	[sflag:s23] =	ssyncadd.s32 s5;
	_ =	sdelay $0x1  }
0xa7: {  	s24 =	simm.s32 $0x1B8B  }
0xa8: {  	_ =	swait.ge [sflag:s24], $0x1  }
0xa9: {  	[sflag:s24] =	ssyncset.done $0x0  }
0xaa: {  	s25 =	simm.s32 $0x1B8E;
	[sflag:s24] =	ssyncadd.s32 $0xFFFFFFFF  }
0xab: {  	s26 =	simm.s32 $execute0_lowered;
	[smem:$0x3FD2] =	sst s25  }
0xac: {  	s5 =	sshll.u32 s26, $0x1;
	_ =	strace $0x80000046;
	[dreg:$0x1] =	wrdreg $0xFFFFFFFF  }
0xad: {  	s28 =	simm.s32 $_size_execute0_lowered;
	s4 =	sadd.s32 s4, s5;
	[dreg:$0x0] =	wrdreg $0x0  }
0xae: {  	s5 =	sshll.u32 s28, $0x1;
	[dreg:$0x2] =	wrdreg s4  }
0xaf: {  	[dreg:$0x3] =	wrdreg s5  }
0xb0: {  	[dreg:$0x4] =	wrdreg $0xC0  }
0xb1: {  	_ =	task [dreg:s8], $0x5FFFF  }
0xb2: {  	[dreg:$0x1] =	wrdreg $0xFFFFFFFF  }
0xb3: {  	[dreg:$0x0] =	wrdreg $0x60  }
0xb4: {  	[dreg:$0x2] =	wrdreg s18  }
0xb5: {  	[dreg:$0x3] =	wrdreg s17  }
0xb6: {  	[dreg:$0x4] =	wrdreg $0x0  }
0xb7: {  	[dreg:$0x5] =	wrdreg $0x9  }
0xb8: {  	_ =	task.clear_ibuf [dreg:s8], $0x6FFFF;
	_ =	strace $0x90000046  }
0xb9: {  	s29 =	simm.s32 $0x9;
	_ =	strace $0x80000048  }
0xba: {  	_ =	swait.ge [sflag:s29], $0x1  }
0xbb: {  	[sflag:s29] =	ssyncadd.s32 $0xFFFFFFFF  }
0xbc: {  	_ =	strace $0x90000048  }
0xbd: {  	_ =	sfence  }
0xbe: {  	s30 =	sld [smem:$0x0];
	_ =	sdelay $0x2  }
0xbf: {  	s31 =	sshll.u32 s1, $0xD;
	s1 =	sshrl.u32 s1, $0x2  }
0xc0: {  	s3 =	sand.u32 $0x4000, s31;
	s1 =	sadd.s32 s1, s30  }
0xc1: {  	s0 =	sor.u32 s3, s0;
	s1 =	sshll.u32 s1, $0x11  }
0xc2: {  	s0 =	sor.u32 s1, s0  }
0xc3: {  	s0 =	sadd.s32 $0x8F2B, s0  }
0xc4: {  	[sflag:s0] =	ssyncadd.remote.s32 $0x1  }
0xc5: {  	_ =	sfence.sel $0xFFFF  }
0xc6: {  	[dreg:$0x0] =	wrdreg $0xFFFFFFFF;
	(pc) =	sbr.abs _section_cstart, $3  }
0xc7: {  	[dreg:$0x1] =	wrdreg $0xFFFFFFFF  }
0xc8: {  	_ =	task.clear_ibuf [dreg:s8], $0x2FFFF;
	_ =	strace $0x9FFFFFFF  }
0xc9: {  	(tm) =	ssettm $0x7FFFFFFF  }
tec
execute0_lowered:
.L_overlay_start_1:
0x0: {  	(tag) =	ssettag $0x1  }
0x1: {  	s5 =	rddreg [dreg:$0x0]  }
0x2: {  	s6 =	rddreg [dreg:$0x1]  }
0x3: {  	s0 =	srdreg.scid;
	s2 =	rddreg [dreg:$0x2];
	s3 =	simm.s32 $0x0  }
0x4: {  	s11 =	simm.s32 $0x50;
	s12 =	simm.s32 $0x4F10;
	s13 =	simm.s32 $0x1  }
0x5: {  	s4 =	sand.u32 $0x1, s0;
	s0 =	stileid.u32;
	[smem:$0x7FF] =	sst s3  }
0x6: {  	s1 =	sshll.u32 s4, $0x4;
	s8 =	smul.u32 $0x2800, s0;
	s9 =	ssub.s32 $0x2, s4  }
0x7: {  	s4 =	smul.u32 $0x28000, s4;
	s14 =	sshll.u32 s0, $0x6;
	s7 =	sor.u32 s0, s1  }
0x8: {  	s1 =	rddreg [dreg:$0x3];
	_ =	strace $0x80000047;
	s10 =	sshrl.u32 s9, $0x1  }
0x9: {  	s14 =	sor.u32 $0x1C02, s14;
	s7 =	smul.u32 $0x2710, s7;
	s9 =	ssub.s32 s9, s10  }
0xa: {  	s30 =	sadd.s32 s8, s4;
	s4 =	sadd.s32 s8, s2;
	s8 =	simm.s32 $0x5410  }
0xb: {  	s10 =	simm.s32 $0x2800;
	s31 =	sshrl.u32 s30, $0x3;
	s7 =	sshrl.u32 s7, $0x3  }
0xc: {  	s15 =	sshrl.u32 s4, $0x3;
	s6 =	sadd.s32 s6, s31;
	s5 =	sadd.s32 s5, s7  }
0xd: {  	v0 =	vimm.f32 $1.000000000e+00;
	v1 =	vimm.f32 $0.0e+00;
	s7 =	smax.u32 s9, $0x1;
	s9 =	simm.s32 $0x2;
	s5 =	sadd.s32 $0x9C40, s5  }
.LBB2_1:
0xe: {  	s16 =	simm.s32 $0x0  }
.LBB2_2:
0xf: {  	p0 =	sne.s32 s16, $0x13C0  }
.Ltmp0:
0x10: {  	_ = 	snop;
	(pc) =	sbr.rel @p0 .LBB2_2-.Ltmp0, $3  }
0x11: {  	_ =	sdelay $0x1  }
0x12: {  	s17 =	sshra.s32 s16, $0x2  }
0x13: {  	s16 =	sadd.s32 $0x40, s16;
	[tilespmem:s17+$0x4F10] =	vst v0  }
0x14: {  	s16 =	simm.s32 $0x40;
	s17 =	simm.s32 $0x0  }
.LBB2_4:
0x15: {  	p0 =	sne.s32 s16, $0x9FC0;
	[tilespmem:s17+$0x5410] =	vst v1;
	s17 =	smov.u32 s16;
	s16 =	sadd.s32 $0x40, s16  }
.Ltmp1:
0x16: {  	(pc) =	sbr.rel @p0 .LBB2_4-.Ltmp1, $2  }
0x17: {  	_ =	sdelay $0x2  }
0x18: {  	s17 =	sshra.s32 s17, $0x2  }
0x19: {  	[tilespmem:s17+$0x5410] =	vst v1  }
0x1a: {  	[spmem:s4] =	stream.linear.scatter [tilespmem:s8], [sflag:$0x2], $0x2800, $0x38;
	[tilespmem:$0x7C10] =	vst v63  }
0x1b: {  	_ =	swait.ge [sflag:s9], $0x2800  }
0x1c: {  	[sflag:s9] =	ssyncset.done $0x0  }
0x1d: {  	[sflag:s9] =	ssyncadd.s32 $0xFFFFD800  }
0x1e: {  	s16 =	simm.s32 $0x0;
	[bflag:$0x0] =	sbarrier.arrive $0xFFFF  }
0x1f: {  	[tilespmem:s10], [sflag:$0x2] =	stream.linear.gather [hbm4b:s5+s16], $0x2710, $0x38;
	[tilespmem:$0x7C10] =	vst v63  }
0x20: {  	_ =	swait.ge [sflag:s9], $0x2710  }
0x21: {  	[sflag:s9] =	ssyncset.done $0x0  }
0x22: {  	s20 =	simm.s32 $0x2800;
	[sflag:s9] =	ssyncadd.s32 $0xFFFFD8F0  }
0x23: {  	[spmem:s2] =	stream.indirect.scatter.add.f32 [tilespmem:s12], [sflag:$0x1], $0x10, s20, s11, $0xb8;
	[tilespmem:$0x7C10] =	vst v63  }
0x24: {  	s21 =	simm.s32 $0x2850  }
0x25: {  	[spmem:s2] =	stream.indirect.scatter.add.f32 [tilespmem:s12], [sflag:$0x1], $0x10, s21, s11, $0xb8;
	[tilespmem:$0x7C10] =	vst v63  }
0x26: {  	s22 =	simm.s32 $0x28A0  }
0x27: {  	[spmem:s2] =	stream.indirect.scatter.add.f32 [tilespmem:s12], [sflag:$0x1], $0x10, s22, s11, $0xb8;
	[tilespmem:$0x7C10] =	vst v63  }
0x28: {  	s23 =	simm.s32 $0x28F0  }
0x29: {  	[spmem:s2] =	stream.indirect.scatter.add.f32 [tilespmem:s12], [sflag:$0x1], $0x10, s23, s11, $0xb8;
	[tilespmem:$0x7C10] =	vst v63  }
0x2a: {  	s24 =	simm.s32 $0x2940  }
0x2b: {  	[spmem:s2] =	stream.indirect.scatter.add.f32 [tilespmem:s12], [sflag:$0x1], $0x10, s24, s11, $0xb8;
	[tilespmem:$0x7C10] =	vst v63  }
0x2c: {  	s25 =	simm.s32 $0x2990  }
0x2d: {  	[spmem:s2] =	stream.indirect.scatter.add.f32 [tilespmem:s12], [sflag:$0x1], $0x10, s25, s11, $0xb8;
	[tilespmem:$0x7C10] =	vst v63  }
0x2e: {  	s26 =	simm.s32 $0x29E0  }
0x2f: {  	[spmem:s2] =	stream.indirect.scatter.add.f32 [tilespmem:s12], [sflag:$0x1], $0x10, s26, s11, $0xb8;
	[tilespmem:$0x7C10] =	vst v63  }
0x30: {  	s28 =	simm.s32 $0x2A30  }
0x31: {  	[spmem:s2] =	stream.indirect.scatter.add.f32 [tilespmem:s12], [sflag:$0x1], $0x10, s28, s11, $0xb8;
	[tilespmem:$0x7C10] =	vst v63  }
0x32: {  	s29 =	simm.s32 $0x2A80  }
0x33: {  	[spmem:s2] =	stream.indirect.scatter.add.f32 [tilespmem:s12], [sflag:$0x1], $0x10, s29, s11, $0xb8;
	[tilespmem:$0x7C10] =	vst v63  }
0x34: {  	s30 =	simm.s32 $0x2AD0  }
0x35: {  	[spmem:s2] =	stream.indirect.scatter.add.f32 [tilespmem:s12], [sflag:$0x1], $0x10, s30, s11, $0xb8;
	[tilespmem:$0x7C10] =	vst v63  }
0x36: {  	s31 =	simm.s32 $0x2B20  }
0x37: {  	[spmem:s2] =	stream.indirect.scatter.add.f32 [tilespmem:s12], [sflag:$0x1], $0x10, s31, s11, $0xb8;
	[tilespmem:$0x7C10] =	vst v63  }
0x38: {  	s17 =	simm.s32 $0x2B70  }
0x39: {  	[spmem:s2] =	stream.indirect.scatter.add.f32 [tilespmem:s12], [sflag:$0x1], $0x10, s17, s11, $0xb8;
	[tilespmem:$0x7C10] =	vst v63  }
0x3a: {  	s18 =	simm.s32 $0x2BC0  }
0x3b: {  	[spmem:s2] =	stream.indirect.scatter.add.f32 [tilespmem:s12], [sflag:$0x1], $0x10, s18, s11, $0xb8;
	[tilespmem:$0x7C10] =	vst v63  }
0x3c: {  	s19 =	simm.s32 $0x2C10  }
0x3d: {  	[spmem:s2] =	stream.indirect.scatter.add.f32 [tilespmem:s12], [sflag:$0x1], $0x10, s19, s11, $0xb8;
	[tilespmem:$0x7C10] =	vst v63  }
0x3e: {  	s20 =	simm.s32 $0x2C60  }
0x3f: {  	[spmem:s2] =	stream.indirect.scatter.add.f32 [tilespmem:s12], [sflag:$0x1], $0x10, s20, s11, $0xb8;
	[tilespmem:$0x7C10] =	vst v63  }
0x40: {  	s21 =	simm.s32 $0x2CB0  }
0x41: {  	[spmem:s2] =	stream.indirect.scatter.add.f32 [tilespmem:s12], [sflag:$0x1], $0x10, s21, s11, $0xb8;
	[tilespmem:$0x7C10] =	vst v63  }
0x42: {  	s22 =	simm.s32 $0x2D00  }
0x43: {  	[spmem:s2] =	stream.indirect.scatter.add.f32 [tilespmem:s12], [sflag:$0x1], $0x10, s22, s11, $0xb8;
	[tilespmem:$0x7C10] =	vst v63  }
0x44: {  	s23 =	simm.s32 $0x2D50  }
0x45: {  	[spmem:s2] =	stream.indirect.scatter.add.f32 [tilespmem:s12], [sflag:$0x1], $0x10, s23, s11, $0xb8;
	[tilespmem:$0x7C10] =	vst v63  }
0x46: {  	s24 =	simm.s32 $0x2DA0  }
0x47: {  	[spmem:s2] =	stream.indirect.scatter.add.f32 [tilespmem:s12], [sflag:$0x1], $0x10, s24, s11, $0xb8;
	[tilespmem:$0x7C10] =	vst v63  }
0x48: {  	s25 =	simm.s32 $0x2DF0  }
0x49: {  	[spmem:s2] =	stream.indirect.scatter.add.f32 [tilespmem:s12], [sflag:$0x1], $0x10, s25, s11, $0xb8;
	[tilespmem:$0x7C10] =	vst v63  }
0x4a: {  	s26 =	simm.s32 $0x2E40  }
0x4b: {  	[spmem:s2] =	stream.indirect.scatter.add.f32 [tilespmem:s12], [sflag:$0x1], $0x10, s26, s11, $0xb8;
	[tilespmem:$0x7C10] =	vst v63  }
0x4c: {  	s28 =	simm.s32 $0x2E90  }
0x4d: {  	[spmem:s2] =	stream.indirect.scatter.add.f32 [tilespmem:s12], [sflag:$0x1], $0x10, s28, s11, $0xb8;
	[tilespmem:$0x7C10] =	vst v63  }
0x4e: {  	s29 =	simm.s32 $0x2EE0  }
0x4f: {  	[spmem:s2] =	stream.indirect.scatter.add.f32 [tilespmem:s12], [sflag:$0x1], $0x10, s29, s11, $0xb8;
	[tilespmem:$0x7C10] =	vst v63  }
0x50: {  	s30 =	simm.s32 $0x2F30  }
0x51: {  	[spmem:s2] =	stream.indirect.scatter.add.f32 [tilespmem:s12], [sflag:$0x1], $0x10, s30, s11, $0xb8;
	[tilespmem:$0x7C10] =	vst v63  }
0x52: {  	s31 =	simm.s32 $0x2F80  }
0x53: {  	[spmem:s2] =	stream.indirect.scatter.add.f32 [tilespmem:s12], [sflag:$0x1], $0x10, s31, s11, $0xb8;
	[tilespmem:$0x7C10] =	vst v63  }
0x54: {  	_ =	swait.ge [sflag:s13], $0x500  }
0x55: {  	[sflag:s13] =	ssyncset.done $0x0  }
0x56: {  	[sflag:s13] =	ssyncadd.s32 $0xFFFFFB00  }
0x57: {  	_ =	swait.ge [sflag:s13], $0x500  }
0x58: {  	[sflag:s13] =	ssyncset.done $0x0  }
0x59: {  	[sflag:s13] =	ssyncadd.s32 $0xFFFFFB00  }
0x5a: {  	_ =	swait.ge [sflag:s13], $0x500  }
0x5b: {  	[sflag:s13] =	ssyncset.done $0x0  }
0x5c: {  	[sflag:s13] =	ssyncadd.s32 $0xFFFFFB00  }
0x5d: {  	_ =	swait.ge [sflag:s13], $0x500  }
0x5e: {  	[sflag:s13] =	ssyncset.done $0x0  }
0x5f: {  	[sflag:s13] =	ssyncadd.s32 $0xFFFFFB00  }
0x60: {  	_ =	swait.ge [sflag:s13], $0x500  }
0x61: {  	[sflag:s13] =	ssyncset.done $0x0  }
0x62: {  	[sflag:s13] =	ssyncadd.s32 $0xFFFFFB00  }
0x63: {  	_ =	swait.ge [sflag:s13], $0x500  }
0x64: {  	[sflag:s13] =	ssyncset.done $0x0  }
0x65: {  	[sflag:s13] =	ssyncadd.s32 $0xFFFFFB00  }
0x66: {  	_ =	swait.ge [sflag:s13], $0x500  }
0x67: {  	[sflag:s13] =	ssyncset.done $0x0  }
0x68: {  	[sflag:s13] =	ssyncadd.s32 $0xFFFFFB00  }
0x69: {  	_ =	swait.ge [sflag:s13], $0x500  }
0x6a: {  	[sflag:s13] =	ssyncset.done $0x0  }
0x6b: {  	[sflag:s13] =	ssyncadd.s32 $0xFFFFFB00  }
0x6c: {  	_ =	swait.ge [sflag:s13], $0x500  }
0x6d: {  	[sflag:s13] =	ssyncset.done $0x0  }
0x6e: {  	[sflag:s13] =	ssyncadd.s32 $0xFFFFFB00  }
0x6f: {  	_ =	swait.ge [sflag:s13], $0x500  }
0x70: {  	[sflag:s13] =	ssyncset.done $0x0  }
0x71: {  	[sflag:s13] =	ssyncadd.s32 $0xFFFFFB00  }
0x72: {  	_ =	swait.ge [sflag:s13], $0x500  }
0x73: {  	[sflag:s13] =	ssyncset.done $0x0  }
0x74: {  	[sflag:s13] =	ssyncadd.s32 $0xFFFFFB00  }
0x75: {  	_ =	swait.ge [sflag:s13], $0x500  }
0x76: {  	[sflag:s13] =	ssyncset.done $0x0  }
0x77: {  	[sflag:s13] =	ssyncadd.s32 $0xFFFFFB00  }
0x78: {  	_ =	swait.ge [sflag:s13], $0x500  }
0x79: {  	[sflag:s13] =	ssyncset.done $0x0  }
0x7a: {  	[sflag:s13] =	ssyncadd.s32 $0xFFFFFB00  }
0x7b: {  	_ =	swait.ge [sflag:s13], $0x500  }
0x7c: {  	[sflag:s13] =	ssyncset.done $0x0  }
0x7d: {  	[sflag:s13] =	ssyncadd.s32 $0xFFFFFB00  }
0x7e: {  	_ =	swait.ge [sflag:s13], $0x500  }
0x7f: {  	[sflag:s13] =	ssyncset.done $0x0  }
0x80: {  	[sflag:s13] =	ssyncadd.s32 $0xFFFFFB00  }
0x81: {  	_ =	swait.ge [sflag:s13], $0x500  }
0x82: {  	[sflag:s13] =	ssyncset.done $0x0  }
0x83: {  	[sflag:s13] =	ssyncadd.s32 $0xFFFFFB00  }
0x84: {  	_ =	swait.ge [sflag:s13], $0x500  }
0x85: {  	[sflag:s13] =	ssyncset.done $0x0  }
0x86: {  	[sflag:s13] =	ssyncadd.s32 $0xFFFFFB00  }
0x87: {  	_ =	swait.ge [sflag:s13], $0x500  }
0x88: {  	[sflag:s13] =	ssyncset.done $0x0  }
0x89: {  	[sflag:s13] =	ssyncadd.s32 $0xFFFFFB00  }
0x8a: {  	_ =	swait.ge [sflag:s13], $0x500  }
0x8b: {  	[sflag:s13] =	ssyncset.done $0x0  }
0x8c: {  	[sflag:s13] =	ssyncadd.s32 $0xFFFFFB00  }
0x8d: {  	_ =	swait.ge [sflag:s13], $0x500  }
0x8e: {  	[sflag:s13] =	ssyncset.done $0x0  }
0x8f: {  	[sflag:s13] =	ssyncadd.s32 $0xFFFFFB00  }
0x90: {  	_ =	swait.ge [sflag:s13], $0x500  }
0x91: {  	[sflag:s13] =	ssyncset.done $0x0  }
0x92: {  	[sflag:s13] =	ssyncadd.s32 $0xFFFFFB00  }
0x93: {  	_ =	swait.ge [sflag:s13], $0x500  }
0x94: {  	[sflag:s13] =	ssyncset.done $0x0  }
0x95: {  	[sflag:s13] =	ssyncadd.s32 $0xFFFFFB00  }
0x96: {  	_ =	swait.ge [sflag:s13], $0x500  }
0x97: {  	[sflag:s13] =	ssyncset.done $0x0  }
0x98: {  	[sflag:s13] =	ssyncadd.s32 $0xFFFFFB00  }
0x99: {  	_ =	swait.ge [sflag:s13], $0x500  }
0x9a: {  	[sflag:s13] =	ssyncset.done $0x0  }
0x9b: {  	[sflag:s13] =	ssyncadd.s32 $0xFFFFFB00  }
0x9c: {  	_ =	swait.ge [sflag:s13], $0x500  }
0x9d: {  	s18 =	simm.s32 $0x7D0;
	s19 =	simm.s32 $0x3E80;
	[sflag:s13] =	ssyncset.done $0x0  }
.LBB2_6:
0x9e: {  	s20 =	sadd.s32 $0x2800, s18  }
0x9f: {  	[sflag:s13] =	ssyncadd.s32 $0xFFFFFB00;
	s17 =	smov.u32 s19;
	s16 =	sadd.s32 $0x1F40, s19  }
0xa0: {  	[spmem:s2] =	stream.indirect.scatter.add.f32 [tilespmem:s12], [sflag:$0x1], $0x10, s20, s11, $0xb8;
	[tilespmem:$0x7C10] =	vst v63  }
0xa1: {  	p0 =	sne.s32 s19, $0x7D00;
	s19 =	sadd.s32 $0x2850, s18  }
0xa2: {  	[spmem:s2] =	stream.indirect.scatter.add.f32 [tilespmem:s12], [sflag:$0x1], $0x10, s19, s11, $0xb8;
	[tilespmem:$0x7C10] =	vst v63  }
0xa3: {  	s19 =	sadd.s32 $0x28A0, s18  }
0xa4: {  	[spmem:s2] =	stream.indirect.scatter.add.f32 [tilespmem:s12], [sflag:$0x1], $0x10, s19, s11, $0xb8;
	[tilespmem:$0x7C10] =	vst v63  }
0xa5: {  	s19 =	sadd.s32 $0x28F0, s18  }
0xa6: {  	[spmem:s2] =	stream.indirect.scatter.add.f32 [tilespmem:s12], [sflag:$0x1], $0x10, s19, s11, $0xb8;
	[tilespmem:$0x7C10] =	vst v63  }
0xa7: {  	s19 =	sadd.s32 $0x2940, s18  }
0xa8: {  	[spmem:s2] =	stream.indirect.scatter.add.f32 [tilespmem:s12], [sflag:$0x1], $0x10, s19, s11, $0xb8;
	[tilespmem:$0x7C10] =	vst v63  }
0xa9: {  	s19 =	sadd.s32 $0x2990, s18  }
0xaa: {  	[spmem:s2] =	stream.indirect.scatter.add.f32 [tilespmem:s12], [sflag:$0x1], $0x10, s19, s11, $0xb8;
	[tilespmem:$0x7C10] =	vst v63  }
0xab: {  	s19 =	sadd.s32 $0x29E0, s18  }
0xac: {  	[spmem:s2] =	stream.indirect.scatter.add.f32 [tilespmem:s12], [sflag:$0x1], $0x10, s19, s11, $0xb8;
	[tilespmem:$0x7C10] =	vst v63  }
0xad: {  	s19 =	sadd.s32 $0x2A30, s18  }
0xae: {  	[spmem:s2] =	stream.indirect.scatter.add.f32 [tilespmem:s12], [sflag:$0x1], $0x10, s19, s11, $0xb8;
	[tilespmem:$0x7C10] =	vst v63  }
0xaf: {  	s19 =	sadd.s32 $0x2A80, s18  }
0xb0: {  	[spmem:s2] =	stream.indirect.scatter.add.f32 [tilespmem:s12], [sflag:$0x1], $0x10, s19, s11, $0xb8;
	[tilespmem:$0x7C10] =	vst v63  }
0xb1: {  	s19 =	sadd.s32 $0x2AD0, s18  }
0xb2: {  	[spmem:s2] =	stream.indirect.scatter.add.f32 [tilespmem:s12], [sflag:$0x1], $0x10, s19, s11, $0xb8;
	[tilespmem:$0x7C10] =	vst v63  }
0xb3: {  	s19 =	sadd.s32 $0x2B20, s18  }
0xb4: {  	[spmem:s2] =	stream.indirect.scatter.add.f32 [tilespmem:s12], [sflag:$0x1], $0x10, s19, s11, $0xb8;
	[tilespmem:$0x7C10] =	vst v63  }
0xb5: {  	s19 =	sadd.s32 $0x2B70, s18  }
0xb6: {  	[spmem:s2] =	stream.indirect.scatter.add.f32 [tilespmem:s12], [sflag:$0x1], $0x10, s19, s11, $0xb8;
	[tilespmem:$0x7C10] =	vst v63  }
0xb7: {  	s19 =	sadd.s32 $0x2BC0, s18  }
0xb8: {  	[spmem:s2] =	stream.indirect.scatter.add.f32 [tilespmem:s12], [sflag:$0x1], $0x10, s19, s11, $0xb8;
	[tilespmem:$0x7C10] =	vst v63  }
0xb9: {  	s19 =	sadd.s32 $0x2C10, s18  }
0xba: {  	[spmem:s2] =	stream.indirect.scatter.add.f32 [tilespmem:s12], [sflag:$0x1], $0x10, s19, s11, $0xb8;
	[tilespmem:$0x7C10] =	vst v63  }
0xbb: {  	s19 =	sadd.s32 $0x2C60, s18  }
0xbc: {  	[spmem:s2] =	stream.indirect.scatter.add.f32 [tilespmem:s12], [sflag:$0x1], $0x10, s19, s11, $0xb8;
	[tilespmem:$0x7C10] =	vst v63  }
0xbd: {  	s19 =	sadd.s32 $0x2CB0, s18  }
0xbe: {  	[spmem:s2] =	stream.indirect.scatter.add.f32 [tilespmem:s12], [sflag:$0x1], $0x10, s19, s11, $0xb8;
	[tilespmem:$0x7C10] =	vst v63  }
0xbf: {  	s19 =	sadd.s32 $0x2D00, s18  }
0xc0: {  	[spmem:s2] =	stream.indirect.scatter.add.f32 [tilespmem:s12], [sflag:$0x1], $0x10, s19, s11, $0xb8;
	[tilespmem:$0x7C10] =	vst v63  }
0xc1: {  	s19 =	sadd.s32 $0x2D50, s18  }
0xc2: {  	[spmem:s2] =	stream.indirect.scatter.add.f32 [tilespmem:s12], [sflag:$0x1], $0x10, s19, s11, $0xb8;
	[tilespmem:$0x7C10] =	vst v63  }
0xc3: {  	s19 =	sadd.s32 $0x2DA0, s18  }
0xc4: {  	[spmem:s2] =	stream.indirect.scatter.add.f32 [tilespmem:s12], [sflag:$0x1], $0x10, s19, s11, $0xb8;
	[tilespmem:$0x7C10] =	vst v63  }
0xc5: {  	s19 =	sadd.s32 $0x2DF0, s18  }
0xc6: {  	[spmem:s2] =	stream.indirect.scatter.add.f32 [tilespmem:s12], [sflag:$0x1], $0x10, s19, s11, $0xb8;
	[tilespmem:$0x7C10] =	vst v63  }
0xc7: {  	s19 =	sadd.s32 $0x2E40, s18  }
0xc8: {  	[spmem:s2] =	stream.indirect.scatter.add.f32 [tilespmem:s12], [sflag:$0x1], $0x10, s19, s11, $0xb8;
	[tilespmem:$0x7C10] =	vst v63  }
0xc9: {  	s19 =	sadd.s32 $0x2E90, s18  }
0xca: {  	[spmem:s2] =	stream.indirect.scatter.add.f32 [tilespmem:s12], [sflag:$0x1], $0x10, s19, s11, $0xb8;
	[tilespmem:$0x7C10] =	vst v63  }
0xcb: {  	s19 =	sadd.s32 $0x2EE0, s18  }
0xcc: {  	[spmem:s2] =	stream.indirect.scatter.add.f32 [tilespmem:s12], [sflag:$0x1], $0x10, s19, s11, $0xb8;
	[tilespmem:$0x7C10] =	vst v63  }
0xcd: {  	s19 =	sadd.s32 $0x2F30, s18  }
0xce: {  	[spmem:s2] =	stream.indirect.scatter.add.f32 [tilespmem:s12], [sflag:$0x1], $0x10, s19, s11, $0xb8;
	[tilespmem:$0x7C10] =	vst v63  }
0xcf: {  	s18 =	sadd.s32 $0x2F80, s18  }
0xd0: {  	[spmem:s2] =	stream.indirect.scatter.add.f32 [tilespmem:s12], [sflag:$0x1], $0x10, s18, s11, $0xb8;
	[tilespmem:$0x7C10] =	vst v63  }
0xd1: {  	_ =	swait.ge [sflag:s13], $0x500  }
0xd2: {  	[sflag:s13] =	ssyncset.done $0x0  }
0xd3: {  	[sflag:s13] =	ssyncadd.s32 $0xFFFFFB00  }
0xd4: {  	_ =	swait.ge [sflag:s13], $0x500  }
0xd5: {  	[sflag:s13] =	ssyncset.done $0x0  }
0xd6: {  	[sflag:s13] =	ssyncadd.s32 $0xFFFFFB00  }
0xd7: {  	_ =	swait.ge [sflag:s13], $0x500  }
0xd8: {  	[sflag:s13] =	ssyncset.done $0x0  }
0xd9: {  	[sflag:s13] =	ssyncadd.s32 $0xFFFFFB00  }
0xda: {  	_ =	swait.ge [sflag:s13], $0x500  }
0xdb: {  	[sflag:s13] =	ssyncset.done $0x0  }
0xdc: {  	[sflag:s13] =	ssyncadd.s32 $0xFFFFFB00  }
0xdd: {  	_ =	swait.ge [sflag:s13], $0x500  }
0xde: {  	[sflag:s13] =	ssyncset.done $0x0  }
0xdf: {  	[sflag:s13] =	ssyncadd.s32 $0xFFFFFB00  }
0xe0: {  	_ =	swait.ge [sflag:s13], $0x500  }
0xe1: {  	[sflag:s13] =	ssyncset.done $0x0  }
0xe2: {  	[sflag:s13] =	ssyncadd.s32 $0xFFFFFB00  }
0xe3: {  	_ =	swait.ge [sflag:s13], $0x500  }
0xe4: {  	[sflag:s13] =	ssyncset.done $0x0  }
0xe5: {  	[sflag:s13] =	ssyncadd.s32 $0xFFFFFB00  }
0xe6: {  	_ =	swait.ge [sflag:s13], $0x500  }
0xe7: {  	[sflag:s13] =	ssyncset.done $0x0  }
0xe8: {  	[sflag:s13] =	ssyncadd.s32 $0xFFFFFB00  }
0xe9: {  	_ =	swait.ge [sflag:s13], $0x500  }
0xea: {  	[sflag:s13] =	ssyncset.done $0x0  }
0xeb: {  	[sflag:s13] =	ssyncadd.s32 $0xFFFFFB00  }
0xec: {  	_ =	swait.ge [sflag:s13], $0x500  }
0xed: {  	[sflag:s13] =	ssyncset.done $0x0  }
0xee: {  	[sflag:s13] =	ssyncadd.s32 $0xFFFFFB00  }
0xef: {  	_ =	swait.ge [sflag:s13], $0x500  }
0xf0: {  	[sflag:s13] =	ssyncset.done $0x0  }
0xf1: {  	[sflag:s13] =	ssyncadd.s32 $0xFFFFFB00  }
0xf2: {  	_ =	swait.ge [sflag:s13], $0x500  }
0xf3: {  	[sflag:s13] =	ssyncset.done $0x0  }
0xf4: {  	[sflag:s13] =	ssyncadd.s32 $0xFFFFFB00  }
0xf5: {  	_ =	swait.ge [sflag:s13], $0x500  }
0xf6: {  	[sflag:s13] =	ssyncset.done $0x0  }
0xf7: {  	[sflag:s13] =	ssyncadd.s32 $0xFFFFFB00  }
0xf8: {  	_ =	swait.ge [sflag:s13], $0x500  }
0xf9: {  	[sflag:s13] =	ssyncset.done $0x0  }
0xfa: {  	[sflag:s13] =	ssyncadd.s32 $0xFFFFFB00  }
0xfb: {  	_ =	swait.ge [sflag:s13], $0x500  }
0xfc: {  	[sflag:s13] =	ssyncset.done $0x0  }
0xfd: {  	[sflag:s13] =	ssyncadd.s32 $0xFFFFFB00  }
0xfe: {  	_ =	swait.ge [sflag:s13], $0x500  }
0xff: {  	[sflag:s13] =	ssyncset.done $0x0  }
0x100: {  	[sflag:s13] =	ssyncadd.s32 $0xFFFFFB00  }
0x101: {  	_ =	swait.ge [sflag:s13], $0x500  }
0x102: {  	[sflag:s13] =	ssyncset.done $0x0  }
0x103: {  	[sflag:s13] =	ssyncadd.s32 $0xFFFFFB00  }
0x104: {  	_ =	swait.ge [sflag:s13], $0x500  }
0x105: {  	[sflag:s13] =	ssyncset.done $0x0  }
0x106: {  	[sflag:s13] =	ssyncadd.s32 $0xFFFFFB00  }
0x107: {  	_ =	swait.ge [sflag:s13], $0x500  }
0x108: {  	[sflag:s13] =	ssyncset.done $0x0  }
0x109: {  	[sflag:s13] =	ssyncadd.s32 $0xFFFFFB00  }
0x10a: {  	_ =	swait.ge [sflag:s13], $0x500  }
0x10b: {  	[sflag:s13] =	ssyncset.done $0x0  }
0x10c: {  	[sflag:s13] =	ssyncadd.s32 $0xFFFFFB00  }
0x10d: {  	_ =	swait.ge [sflag:s13], $0x500  }
0x10e: {  	[sflag:s13] =	ssyncset.done $0x0  }
0x10f: {  	[sflag:s13] =	ssyncadd.s32 $0xFFFFFB00  }
0x110: {  	_ =	swait.ge [sflag:s13], $0x500  }
0x111: {  	[sflag:s13] =	ssyncset.done $0x0  }
0x112: {  	[sflag:s13] =	ssyncadd.s32 $0xFFFFFB00  }
0x113: {  	_ =	swait.ge [sflag:s13], $0x500  }
0x114: {  	[sflag:s13] =	ssyncset.done $0x0  }
0x115: {  	[sflag:s13] =	ssyncadd.s32 $0xFFFFFB00  }
.Ltmp2:
0x116: {  	_ =	swait.ge [sflag:s13], $0x500;
	(pc) =	sbr.rel @p0 .LBB2_6-.Ltmp2, $4  }
0x117: {  	[sflag:s13] =	ssyncset.done $0x0  }
0x118: {  	[sflag:s13] =	ssyncadd.s32 $0xFFFFFB00  }
0x119: {  	_ =	swait.ge [sflag:s13], $0x500  }
0x11a: {  	s19 =	smov.u32 s16;
	s18 =	sshra.s32 s17, $0x2;
	[sflag:s13] =	ssyncset.done $0x0  }
0x11b: {  	s16 =	sadd.s32 $0x2800, s18;
	[sflag:s13] =	ssyncadd.s32 $0xFFFFFB00  }
0x11c: {  	[spmem:s2] =	stream.indirect.scatter.add.f32 [tilespmem:s12], [sflag:$0x1], $0x10, s16, s11, $0xb8;
	[tilespmem:$0x7C10] =	vst v63  }
0x11d: {  	s20 =	sadd.s32 $0x2850, s18  }
0x11e: {  	[spmem:s2] =	stream.indirect.scatter.add.f32 [tilespmem:s12], [sflag:$0x1], $0x10, s20, s11, $0xb8;
	[tilespmem:$0x7C10] =	vst v63  }
0x11f: {  	s21 =	sadd.s32 $0x28A0, s18  }
0x120: {  	[spmem:s2] =	stream.indirect.scatter.add.f32 [tilespmem:s12], [sflag:$0x1], $0x10, s21, s11, $0xb8;
	[tilespmem:$0x7C10] =	vst v63  }
0x121: {  	s22 =	sadd.s32 $0x28F0, s18  }
0x122: {  	[spmem:s2] =	stream.indirect.scatter.add.f32 [tilespmem:s12], [sflag:$0x1], $0x10, s22, s11, $0xb8;
	[tilespmem:$0x7C10] =	vst v63  }
0x123: {  	s23 =	sadd.s32 $0x2940, s18  }
0x124: {  	[spmem:s2] =	stream.indirect.scatter.add.f32 [tilespmem:s12], [sflag:$0x1], $0x10, s23, s11, $0xb8;
	[tilespmem:$0x7C10] =	vst v63  }
0x125: {  	s24 =	sadd.s32 $0x2990, s18  }
0x126: {  	[spmem:s2] =	stream.indirect.scatter.add.f32 [tilespmem:s12], [sflag:$0x1], $0x10, s24, s11, $0xb8;
	[tilespmem:$0x7C10] =	vst v63  }
0x127: {  	s25 =	sadd.s32 $0x29E0, s18  }
0x128: {  	[spmem:s2] =	stream.indirect.scatter.add.f32 [tilespmem:s12], [sflag:$0x1], $0x10, s25, s11, $0xb8;
	[tilespmem:$0x7C10] =	vst v63  }
0x129: {  	s26 =	sadd.s32 $0x2A30, s18  }
0x12a: {  	[spmem:s2] =	stream.indirect.scatter.add.f32 [tilespmem:s12], [sflag:$0x1], $0x10, s26, s11, $0xb8;
	[tilespmem:$0x7C10] =	vst v63  }
0x12b: {  	s28 =	sadd.s32 $0x2A80, s18  }
0x12c: {  	[spmem:s2] =	stream.indirect.scatter.add.f32 [tilespmem:s12], [sflag:$0x1], $0x10, s28, s11, $0xb8;
	[tilespmem:$0x7C10] =	vst v63  }
0x12d: {  	s29 =	sadd.s32 $0x2AD0, s18  }
0x12e: {  	[spmem:s2] =	stream.indirect.scatter.add.f32 [tilespmem:s12], [sflag:$0x1], $0x10, s29, s11, $0xb8;
	[tilespmem:$0x7C10] =	vst v63  }
0x12f: {  	s30 =	sadd.s32 $0x2B20, s18  }
0x130: {  	[spmem:s2] =	stream.indirect.scatter.add.f32 [tilespmem:s12], [sflag:$0x1], $0x10, s30, s11, $0xb8;
	[tilespmem:$0x7C10] =	vst v63  }
0x131: {  	s31 =	sadd.s32 $0x2B70, s18  }
0x132: {  	[spmem:s2] =	stream.indirect.scatter.add.f32 [tilespmem:s12], [sflag:$0x1], $0x10, s31, s11, $0xb8;
	[tilespmem:$0x7C10] =	vst v63  }
0x133: {  	s17 =	sadd.s32 $0x2BC0, s18  }
0x134: {  	[spmem:s2] =	stream.indirect.scatter.add.f32 [tilespmem:s12], [sflag:$0x1], $0x10, s17, s11, $0xb8;
	[tilespmem:$0x7C10] =	vst v63  }
0x135: {  	s19 =	sadd.s32 $0x2C10, s18  }
0x136: {  	[spmem:s2] =	stream.indirect.scatter.add.f32 [tilespmem:s12], [sflag:$0x1], $0x10, s19, s11, $0xb8;
	[tilespmem:$0x7C10] =	vst v63  }
0x137: {  	s20 =	sadd.s32 $0x2C60, s18  }
0x138: {  	[spmem:s2] =	stream.indirect.scatter.add.f32 [tilespmem:s12], [sflag:$0x1], $0x10, s20, s11, $0xb8;
	[tilespmem:$0x7C10] =	vst v63  }
0x139: {  	s21 =	sadd.s32 $0x2CB0, s18  }
0x13a: {  	[spmem:s2] =	stream.indirect.scatter.add.f32 [tilespmem:s12], [sflag:$0x1], $0x10, s21, s11, $0xb8;
	[tilespmem:$0x7C10] =	vst v63  }
0x13b: {  	s22 =	sadd.s32 $0x2D00, s18  }
0x13c: {  	[spmem:s2] =	stream.indirect.scatter.add.f32 [tilespmem:s12], [sflag:$0x1], $0x10, s22, s11, $0xb8;
	[tilespmem:$0x7C10] =	vst v63  }
0x13d: {  	s23 =	sadd.s32 $0x2D50, s18  }
0x13e: {  	[spmem:s2] =	stream.indirect.scatter.add.f32 [tilespmem:s12], [sflag:$0x1], $0x10, s23, s11, $0xb8;
	[tilespmem:$0x7C10] =	vst v63  }
0x13f: {  	s24 =	sadd.s32 $0x2DA0, s18  }
0x140: {  	[spmem:s2] =	stream.indirect.scatter.add.f32 [tilespmem:s12], [sflag:$0x1], $0x10, s24, s11, $0xb8;
	[tilespmem:$0x7C10] =	vst v63  }
0x141: {  	s25 =	sadd.s32 $0x2DF0, s18  }
0x142: {  	[spmem:s2] =	stream.indirect.scatter.add.f32 [tilespmem:s12], [sflag:$0x1], $0x10, s25, s11, $0xb8;
	[tilespmem:$0x7C10] =	vst v63  }
0x143: {  	s26 =	sadd.s32 $0x2E40, s18  }
0x144: {  	[spmem:s2] =	stream.indirect.scatter.add.f32 [tilespmem:s12], [sflag:$0x1], $0x10, s26, s11, $0xb8;
	[tilespmem:$0x7C10] =	vst v63  }
0x145: {  	s28 =	sadd.s32 $0x2E90, s18  }
0x146: {  	[spmem:s2] =	stream.indirect.scatter.add.f32 [tilespmem:s12], [sflag:$0x1], $0x10, s28, s11, $0xb8;
	[tilespmem:$0x7C10] =	vst v63  }
0x147: {  	s29 =	sadd.s32 $0x2EE0, s18  }
0x148: {  	[spmem:s2] =	stream.indirect.scatter.add.f32 [tilespmem:s12], [sflag:$0x1], $0x10, s29, s11, $0xb8;
	[tilespmem:$0x7C10] =	vst v63  }
0x149: {  	s30 =	sadd.s32 $0x2F30, s18  }
0x14a: {  	[spmem:s2] =	stream.indirect.scatter.add.f32 [tilespmem:s12], [sflag:$0x1], $0x10, s30, s11, $0xb8;
	[tilespmem:$0x7C10] =	vst v63  }
0x14b: {  	s31 =	sadd.s32 $0x2F80, s18  }
0x14c: {  	[spmem:s2] =	stream.indirect.scatter.add.f32 [tilespmem:s12], [sflag:$0x1], $0x10, s31, s11, $0xb8;
	[tilespmem:$0x7C10] =	vst v63  }
0x14d: {  	_ =	swait.ge [sflag:s13], $0x500  }
0x14e: {  	[sflag:s13] =	ssyncset.done $0x0  }
0x14f: {  	[sflag:s13] =	ssyncadd.s32 $0xFFFFFB00  }
0x150: {  	_ =	swait.ge [sflag:s13], $0x500  }
0x151: {  	[sflag:s13] =	ssyncset.done $0x0  }
0x152: {  	[sflag:s13] =	ssyncadd.s32 $0xFFFFFB00  }
0x153: {  	_ =	swait.ge [sflag:s13], $0x500  }
0x154: {  	[sflag:s13] =	ssyncset.done $0x0  }
0x155: {  	[sflag:s13] =	ssyncadd.s32 $0xFFFFFB00  }
0x156: {  	_ =	swait.ge [sflag:s13], $0x500  }
0x157: {  	[sflag:s13] =	ssyncset.done $0x0  }
0x158: {  	[sflag:s13] =	ssyncadd.s32 $0xFFFFFB00  }
0x159: {  	_ =	swait.ge [sflag:s13], $0x500  }
0x15a: {  	[sflag:s13] =	ssyncset.done $0x0  }
0x15b: {  	[sflag:s13] =	ssyncadd.s32 $0xFFFFFB00  }
0x15c: {  	_ =	swait.ge [sflag:s13], $0x500  }
0x15d: {  	[sflag:s13] =	ssyncset.done $0x0  }
0x15e: {  	[sflag:s13] =	ssyncadd.s32 $0xFFFFFB00  }
0x15f: {  	_ =	swait.ge [sflag:s13], $0x500  }
0x160: {  	[sflag:s13] =	ssyncset.done $0x0  }
0x161: {  	[sflag:s13] =	ssyncadd.s32 $0xFFFFFB00  }
0x162: {  	_ =	swait.ge [sflag:s13], $0x500  }
0x163: {  	[sflag:s13] =	ssyncset.done $0x0  }
0x164: {  	[sflag:s13] =	ssyncadd.s32 $0xFFFFFB00  }
0x165: {  	_ =	swait.ge [sflag:s13], $0x500  }
0x166: {  	[sflag:s13] =	ssyncset.done $0x0  }
0x167: {  	[sflag:s13] =	ssyncadd.s32 $0xFFFFFB00  }
0x168: {  	_ =	swait.ge [sflag:s13], $0x500  }
0x169: {  	[sflag:s13] =	ssyncset.done $0x0  }
0x16a: {  	[sflag:s13] =	ssyncadd.s32 $0xFFFFFB00  }
0x16b: {  	_ =	swait.ge [sflag:s13], $0x500  }
0x16c: {  	[sflag:s13] =	ssyncset.done $0x0  }
0x16d: {  	[sflag:s13] =	ssyncadd.s32 $0xFFFFFB00  }
0x16e: {  	_ =	swait.ge [sflag:s13], $0x500  }
0x16f: {  	[sflag:s13] =	ssyncset.done $0x0  }
0x170: {  	[sflag:s13] =	ssyncadd.s32 $0xFFFFFB00  }
0x171: {  	_ =	swait.ge [sflag:s13], $0x500  }
0x172: {  	[sflag:s13] =	ssyncset.done $0x0  }
0x173: {  	[sflag:s13] =	ssyncadd.s32 $0xFFFFFB00  }
0x174: {  	_ =	swait.ge [sflag:s13], $0x500  }
0x175: {  	[sflag:s13] =	ssyncset.done $0x0  }
0x176: {  	[sflag:s13] =	ssyncadd.s32 $0xFFFFFB00  }
0x177: {  	_ =	swait.ge [sflag:s13], $0x500  }
0x178: {  	[sflag:s13] =	ssyncset.done $0x0  }
0x179: {  	[sflag:s13] =	ssyncadd.s32 $0xFFFFFB00  }
0x17a: {  	_ =	swait.ge [sflag:s13], $0x500  }
0x17b: {  	[sflag:s13] =	ssyncset.done $0x0  }
0x17c: {  	[sflag:s13] =	ssyncadd.s32 $0xFFFFFB00  }
0x17d: {  	_ =	swait.ge [sflag:s13], $0x500  }
0x17e: {  	[sflag:s13] =	ssyncset.done $0x0  }
0x17f: {  	[sflag:s13] =	ssyncadd.s32 $0xFFFFFB00  }
0x180: {  	_ =	swait.ge [sflag:s13], $0x500  }
0x181: {  	[sflag:s13] =	ssyncset.done $0x0  }
0x182: {  	[sflag:s13] =	ssyncadd.s32 $0xFFFFFB00  }
0x183: {  	_ =	swait.ge [sflag:s13], $0x500  }
0x184: {  	[sflag:s13] =	ssyncset.done $0x0  }
0x185: {  	[sflag:s13] =	ssyncadd.s32 $0xFFFFFB00  }
0x186: {  	_ =	swait.ge [sflag:s13], $0x500  }
0x187: {  	[sflag:s13] =	ssyncset.done $0x0  }
0x188: {  	[sflag:s13] =	ssyncadd.s32 $0xFFFFFB00  }
0x189: {  	_ =	swait.ge [sflag:s13], $0x500  }
0x18a: {  	[sflag:s13] =	ssyncset.done $0x0  }
0x18b: {  	[sflag:s13] =	ssyncadd.s32 $0xFFFFFB00  }
0x18c: {  	_ =	swait.ge [sflag:s13], $0x500  }
0x18d: {  	[sflag:s13] =	ssyncset.done $0x0  }
0x18e: {  	[sflag:s13] =	ssyncadd.s32 $0xFFFFFB00  }
0x18f: {  	_ =	swait.ge [sflag:s13], $0x500  }
0x190: {  	[sflag:s13] =	ssyncset.done $0x0  }
0x191: {  	[sflag:s13] =	ssyncadd.s32 $0xFFFFFB00  }
0x192: {  	_ =	swait.ge [sflag:s13], $0x500  }
0x193: {  	[sflag:s13] =	ssyncset.done $0x0  }
0x194: {  	[sflag:s13] =	ssyncadd.s32 $0xFFFFFB00  }
0x195: {  	_ =	swait.ge [sflag:s13], $0x500  }
0x196: {  	s3 =	sadd.s32 $0x1, s3;
	[sflag:s13] =	ssyncset.done $0x0  }
0x197: {  	p0 =	sne.s32 s3, s7;
	[sflag:s13] =	ssyncadd.s32 $0xFFFFFB00  }
.Ltmp3:
0x198: {  	[bflag:$0x0] =	sbarrier.arrive $0xFFFF;
	(pc) =	sbr.rel @p0 .LBB2_1-.Ltmp3, $4  }
0x199: {  	[hbm:s6], [sflag:s14] =	dma.local [spmem:s15], $0x500  }
0x19a: {  	_ =	swait.ge [sflag:s9], $0x500  }
0x19b: {  	[sflag:s9] =	ssyncset.done $0x0  }
0x19c: {  	[sflag:s9] =	ssyncadd.s32 $0xFFFFFB00  }
0x19d: {  	_ =	sfence.sel $0x180000  }
0x19e: {  	[bflag:$0x0] =	sbarrier.arrive $0xFFFF  }
0x19f: {  	p0 =	sne.s32 s0, $0x0;
	_ =	strace $0x90000047  }
0x1a0: {  	s0 =	sadd.s32 @!p0 $0x100000, s1;
	[bflag:$0x2] =	sbarrier.arrive $0xFFFF  }
0x1a1: {  	[sflag:s0] =	ssyncadd.tile.s32 @!p0 $0x1;
	_ =	shalt  }
.Lfunc_end2:
_tile_overlayer_lowered:
.L_overlay_start_2:
0x1a2: {  	(tag) =	ssettag $0x2  }
0x1a3: {  	s0 =	rddreg [dreg:$0x0];
	s2 =	stileid.u32  }
0x1a4: {  	s1 =	rddreg [dreg:$0x1];
	p0 =	sne.s32 s2, $0x0  }
0x1a5: {  	s3 =	rddreg [dreg:$0x2];
	[bflag:$0x3] =	sbarrier.arrive $0xFFFF;
	s2 =	simm.s32 @!p0 $0x1C02  }
0x1a6: {  	[timem:s3], [sflag:s2] =	dma.local @!p0 [hbm:s0], s1  }
0x1a7: {  	s0 =	simm.s32 @!p0 $0x2  }
0x1a8: {  	_ =	swait.ge @!p0 [sflag:s0], s1  }
0x1a9: {  	s1 =	ssub.s32 @!p0 $0x0, s1;
	[sflag:s0] =	ssyncset.done @!p0 $0x0  }
0x1aa: {  	[sflag:s0] =	ssyncadd.s32 @!p0 s1  }
0x1ab: {  	[bflag:$0x3] =	sbarrier.arrive $0xFFFF  }
0x1ac: {  	_ =	shalt  }

</sc_bundles>
